<compile_context>
chip_gen: v7x
topology: tpu7x:2x2x1
jax: 0.10.2.dev20260603
libtpu: 0.0.44.dev20260713+nightly
codegen_flags: <defaults>
</compile_context>

<pallas_src>
import functools

import jax
import jax.numpy as jnp
from jax import lax
from jax.experimental import pallas as pl
from jax.experimental.pallas import tpu as pltpu
from jax.experimental.pallas import tpu_sc as plsc

N = 10000
D = 128
H = 128
MAXROWS = 320000

NC = 2
NS = 16
NW = NC * NS
NPW = 320
NPAD = NW * NPW
NACT = NPAD + 16
G = 8
NG = NPW // G
CH = 16
RCAP = 272
NB = 3
NCH = RCAP // CH
NF = D // 16


def _lane_sum(v):
    idx = lax.iota(jnp.int32, 16)
    for sh in (1, 2, 4, 8):
        v = v + jnp.take(v, (idx + sh) % 16)
    return v[0]


def _sc_segment_mean(action_pad, neighbors):
    mesh = plsc.VectorSubcoreMesh(core_axis_name="c", subcore_axis_name="s")

    @functools.partial(
        pl.kernel,
        out_type=jax.ShapeDtypeStruct((NPAD, D), jnp.float32),
        mesh=mesh,
        scratch_types=[
            pltpu.VMEM((NACT,), jnp.int32),
            [pltpu.VMEM((RCAP, D), jnp.float32)] * NB,
            [pltpu.VMEM((G, D), jnp.float32)] * NB,
            [pltpu.SemaphoreType.DMA] * NB,
            [pltpu.SemaphoreType.DMA] * NB,
        ],
    )
    def k(act_hbm, nbr_hbm, out_hbm, act_v, bufs, grps, sems, semos):
        c = lax.axis_index("c")
        s = lax.axis_index("s")
        w = s * NC + c
        n0 = w * NPW

        pltpu.sync_copy(act_hbm, act_v.at[pl.ds(0, N)])
        neg1 = jnp.full((16,), -1, jnp.int32)
        for t in range((NACT - N) // 16):
            act_v[pl.ds(N + t * 16, 16)] = neg1

        def sum_body(i, acc):
            return acc + act_v[pl.ds(i * 16, 16)]

        acc0 = lax.fori_loop(0, n0 // 16, sum_body, jnp.zeros((16,), jnp.int32))
        start = _lane_sum(acc0) + n0

        lane = lax.iota(jnp.int32, 16)

        def group_rows(g):
            v = act_v[pl.ds(n0 + g * G, 16)] + 1
            r = _lane_sum(jnp.where(lane < G, v, 0))
            return jnp.where(g < NG, r, 0)

        def window(start_g):
            st = jnp.minimum((start_g // 8) * 8, MAXROWS - RCAP)
            st = pl.multiple_of(st, 8)
            return st, start_g - st

        def fire(g, start_g, rows_g, buf, sem):
            st, d = window(start_g)
            nch = jnp.where((g < NG) & (rows_g > 0),
                            (d + rows_g + CH - 1) // CH, 0)

            def issue(ci, _):
                pltpu.async_copy(
                    nbr_hbm.at[pl.ds(st + ci * CH, CH)],
                    buf.at[pl.ds(ci * CH, CH)],
                    sem,
                )
                return 0

            lax.fori_loop(0, nch, issue, 0)
            return nch

        def drain(nch, buf, sem):
            def one(ci, _):
                pltpu.make_async_copy(
                    nbr_hbm.at[pl.ds(0, CH)], buf.at[pl.ds(0, CH)], sem
                ).wait()
                return 0

            lax.fori_loop(0, nch, one, 0)

        def process(g, start_g, buf, grp, semo, first):
            _, d = window(start_g)

            def node(j, p):
                n = n0 + g * G + j
                cnt = act_v[pl.ds(n, 16)][0] + 1

                def row2(kk, accs):
                    r = d + p + 2 * kk
                    accs = tuple(
                        accs[f] + buf[r, pl.ds(f * 16, 16)]
                        for f in range(NF)
                    )
                    return tuple(
                        accs[f] + buf[r + 1, pl.ds(f * 16, 16)]
                        for f in range(NF)
                    )

                zero = jnp.zeros((16,), jnp.float32)
                accs = lax.fori_loop(0, cnt // 2, row2, (zero,) * NF)
                rodd = jnp.maximum(d + p + cnt - 1, 0)
                oddf = jnp.full((16,), (cnt % 2).astype(jnp.float32))
                accs = tuple(
                    accs[f] + oddf * buf[rodd, pl.ds(f * 16, 16)]
                    for f in range(NF)
                )
                rcp = 1.0 / jnp.full((16,), cnt.astype(jnp.float32))
                for f in range(NF):
                    grp[j, pl.ds(f * 16, 16)] = accs[f] * rcp
                return p + cnt

            @pl.when(jnp.logical_not(first))
            def _():
                pltpu.make_async_copy(
                    nbr_hbm.at[pl.ds(0, G)], grp, semo
                ).wait()

            lax.fori_loop(0, G, node, jnp.int32(0))
            pltpu.async_copy(grp, out_hbm.at[pl.ds(n0 + g * G, G)], semo)

        s0 = start
        k0 = fire(0, s0, group_rows(0), bufs[0], sems[0])
        s1 = s0 + group_rows(0)
        k1 = fire(1, s1, group_rows(1), bufs[1], sems[1])

        def body(i, carry):
            sa, ka, sb, kb = carry
            g0 = NB * i
            for j in range(NB):
                g = g0 + j
                rb = group_rows(g + 1)
                sc_ = sb + rb
                kc = fire(g + 2, sc_, group_rows(g + 2),
                          bufs[(j + 2) % NB], sems[(j + 2) % NB])
                drain(ka, bufs[j % NB], sems[j % NB])
                process(g, sa, bufs[j % NB], grps[j % NB], semos[j % NB],
                        i == 0)
                sa, ka, sb, kb = sb, kb, sc_, kc
            return sa, ka, sb, kb

        sa, ka, _, _ = lax.fori_loop(0, NG // NB, body, (s0, k0, s1, k1))
        drain(ka, bufs[(NG - 1) % NB], sems[(NG - 1) % NB])
        process(NG - 1, sa, bufs[(NG - 1) % NB], grps[(NG - 1) % NB],
                semos[(NG - 1) % NB], False)
        for j in range(NB):
            pltpu.make_async_copy(nbr_hbm.at[pl.ds(0, G)], grps[j],
                                  semos[j]).wait()

    return k(action_pad, neighbors)


def _combine(aggr, src, W, b):
    BM = 5000

    def body(a_ref, s_ref, w_ref, b_ref, o_ref):
        o_ref[...] = jnp.maximum(
            jnp.dot(a_ref[...], w_ref[...], preferred_element_type=jnp.float32)
            + jnp.dot(s_ref[...], b_ref[...], preferred_element_type=jnp.float32),
            0.0,
        )

    return pl.pallas_call(
        body,
        grid=(N // BM,),
        in_specs=[
            pl.BlockSpec((BM, D), lambda i: (i, 0)),
            pl.BlockSpec((BM, D), lambda i: (i, 0)),
            pl.BlockSpec((D, H), lambda i: (0, 0)),
            pl.BlockSpec((D, H), lambda i: (0, 0)),
        ],
        out_specs=pl.BlockSpec((BM, H), lambda i: (i, 0)),
        out_shape=jax.ShapeDtypeStruct((N, H), jnp.float32),
    )(aggr, src, W, b)


def kernel(action, src_node_features, neighbor_node_features, W, b):
    act = action.astype(jnp.int32)
    sums = _sc_segment_mean(act, neighbor_node_features)
    return _combine(sums, src_node_features, W, b)

# --- scband reference (transcript-rebuilt; emitter-appended) ---
"""Pipeline reference for scband-sage-gcn-1735166787609 (READ-ONLY COPY).

The authoritative reference and input builder live on the scoring server;
editing this copy changes nothing except your own understanding.
"""

import jax, jax.numpy as jnp
import numpy as np

N = 10000
D = 128
H = 128
MAXROWS = 320000


def setup_inputs(seed: int = 0) -> dict:
    key = jax.random.key(seed)
    k1, k2, k3, k4, k5 = jax.random.split(key, 5)
    action = jax.random.randint(k1, (N,), 0, 32).astype(jnp.int64)
    src_node_features = jax.random.normal(k2, (N, D), dtype=jnp.float32)
    neighbor_node_features = jax.random.normal(k3, (MAXROWS, D), dtype=jnp.float32)
    # kaiming_uniform_ (a=0, fan_in from dim 1): bound = sqrt(6 / fan_in)
    bound_w = float(np.sqrt(6.0 / H))
    W = jax.random.uniform(k4, (D, H), minval=-bound_w, maxval=bound_w, dtype=jnp.float32)
    bound_b = float(np.sqrt(6.0 / H))
    b = jax.random.uniform(k5, (D, H), minval=-bound_b, maxval=bound_b, dtype=jnp.float32)
    return {
        "action": action,
        "src_node_features": src_node_features,
        "neighbor_node_features": neighbor_node_features,
        "W": W,
        "b": b,
    }


def reference(action, src_node_features, neighbor_node_features, W, b):
    counts = (action + 1).astype(jnp.int32)
    # node i consumes rows [t, t+counts[i]) sequentially from neighbor_node_features
    cum = jnp.cumsum(counts)
    row_idx = jnp.arange(MAXROWS, dtype=jnp.int32)
    seg_ids = jnp.searchsorted(cum, row_idx, side="right").astype(jnp.int32)
    sums = jax.ops.segment_sum(neighbor_node_features, seg_ids, num_segments=N)
    aggr_neighbor = sums / counts[:, None].astype(neighbor_node_features.dtype)
    neighbor_hidden = jnp.matmul(aggr_neighbor, W)
    self_hidden = jnp.matmul(src_node_features, b)
    hidden = self_hidden + neighbor_hidden
    return jax.nn.relu(hidden)

if __name__ == "__main__":
    import jax
    _d = setup_inputs()
    print(jax.jit(kernel)(*tuple(_d.values())))

</pallas_src>

<mosaic_0001>
#map = affine_map<(d0, d1) -> (0)>
#map1 = affine_map<(d0, d1) -> (0, 0)>
module attributes {stable_mosaic.version = 14 : i64} {
  func.func @k(%arg0: i32, %arg1: i32, %arg2: memref<10000xi32, #tpu.memory_space<hbm>>, %arg3: memref<320000x128xf32, #tpu.memory_space<hbm>>, %arg4: memref<10240x128xf32, #tpu.memory_space<hbm>>, %arg5: memref<10256xi32, #tpu.memory_space<vmem>>, %arg6: memref<272x128xf32, #tpu.memory_space<vmem>>, %arg7: memref<272x128xf32, #tpu.memory_space<vmem>>, %arg8: memref<272x128xf32, #tpu.memory_space<vmem>>, %arg9: memref<8x128xf32, #tpu.memory_space<vmem>>, %arg10: memref<8x128xf32, #tpu.memory_space<vmem>>, %arg11: memref<8x128xf32, #tpu.memory_space<vmem>>, %arg12: memref<!tpu.dma_semaphore, #tpu.memory_space<semaphore_mem>>, %arg13: memref<!tpu.dma_semaphore, #tpu.memory_space<semaphore_mem>>, %arg14: memref<!tpu.dma_semaphore, #tpu.memory_space<semaphore_mem>>, %arg15: memref<!tpu.dma_semaphore, #tpu.memory_space<semaphore_mem>>, %arg16: memref<!tpu.dma_semaphore, #tpu.memory_space<semaphore_mem>>, %arg17: memref<!tpu.dma_semaphore, #tpu.memory_space<semaphore_mem>>) attributes {dimension_semantics = [#tpu.dimension_semantics<core_parallel>, #tpu.dimension_semantics<subcore_parallel>], iteration_bounds = array<i64: 2, 16>, scalar_prefetch = 0 : i64, scratch_operands = 13 : i64, tpu.core_type = #tpu.core_type<sc_vector_subcore>, window_params = [{transform_indices = #map}, {transform_indices = #map1}, {transform_indices = #map1}]} {
    %mul3A = arith.constant 2 : i32
    %mul3A_0 = arith.muli %arg1, %mul3A : i32
    %add3A = arith.addi %mul3A_0, %arg0 : i32
    %mul3A_1 = arith.constant 320 : i32
    %mul3A_2 = arith.muli %add3A, %mul3A_1 : i32
    "tpu.region"() ({
      %run_scoped3A = tpu.sem_alloc : memref<!tpu.dma_semaphore, #tpu.memory_space<semaphore_mem>>
      %dma_start3A_960 = arith.constant 0 : i32
      %dma_start3A_961 = tpu.memref_slice %arg5[%dma_start3A_960] : memref<10256xi32, #tpu.memory_space<vmem>> -> memref<10000xi32, #tpu.memory_space<vmem>>
      %dma_start3A_962 = arith.constant 0 : i32
      %dma_start3A_963 = tpu.memref_slice %arg5[%dma_start3A_962] : memref<10256xi32, #tpu.memory_space<vmem>> -> memref<10000xi32, #tpu.memory_space<vmem>>
      tpu.enqueue_dma source(%arg2 : memref<10000xi32, #tpu.memory_space<hbm>>) target(%dma_start3A_963 : memref<10000xi32, #tpu.memory_space<vmem>>) target_semaphore(%run_scoped3A : memref<!tpu.dma_semaphore, #tpu.memory_space<semaphore_mem>>)
      %dma_wait3A_964 = arith.constant 0 : i32
      %dma_wait3A_965 = tpu.memref_slice %arg5[%dma_wait3A_964] : memref<10256xi32, #tpu.memory_space<vmem>> -> memref<10000xi32, #tpu.memory_space<vmem>>
      %dma_wait3A_966 = arith.constant 0 : i32
      %dma_wait3A_967 = tpu.memref_slice %arg5[%dma_wait3A_966] : memref<10256xi32, #tpu.memory_space<vmem>> -> memref<10000xi32, #tpu.memory_space<vmem>>
      tpu.wait_dma2 semaphore(%run_scoped3A : memref<!tpu.dma_semaphore, #tpu.memory_space<semaphore_mem>>) src(%arg2 : memref<10000xi32, #tpu.memory_space<hbm>>) dst(%dma_wait3A_967 : memref<10000xi32, #tpu.memory_space<vmem>>)
      tpu.yield
    }) : () -> ()
    %broadcast_in_dim3A = arith.constant -1 : i32
    %broadcast_in_dim3A_3 = vector.broadcast %broadcast_in_dim3A : i32 to vector<16xi32>
    %swap3A = arith.constant 10000 : index
    %swap3A_4 = tpu.vector_load %arg5[%swap3A] {strides = array<i32>} : memref<10256xi32, #tpu.memory_space<vmem>>, vector<16xi32>,
    %swap3A_5 = vector.shape_cast %swap3A_4 : vector<16xi32> to vector<16xi32>
    %swap3A_6 = vector.shape_cast %broadcast_in_dim3A_3 : vector<16xi32> to vector<16xi32>
    tpu.vector_store %arg5[%swap3A], %swap3A_6 {strides = array<i32>} : memref<10256xi32, #tpu.memory_space<vmem>>, vector<16xi32>,
    %swap3A_7 = arith.constant 10016 : index
    %swap3A_8 = tpu.vector_load %arg5[%swap3A_7] {strides = array<i32>} : memref<10256xi32, #tpu.memory_space<vmem>>, vector<16xi32>,
    %swap3A_9 = vector.shape_cast %swap3A_8 : vector<16xi32> to vector<16xi32>
    %swap3A_10 = vector.shape_cast %broadcast_in_dim3A_3 : vector<16xi32> to vector<16xi32>
    tpu.vector_store %arg5[%swap3A_7], %swap3A_10 {strides = array<i32>} : memref<10256xi32, #tpu.memory_space<vmem>>, vector<16xi32>,
    %swap3A_11 = arith.constant 10032 : index
    %swap3A_12 = tpu.vector_load %arg5[%swap3A_11] {strides = array<i32>} : memref<10256xi32, #tpu.memory_space<vmem>>, vector<16xi32>,
    %swap3A_13 = vector.shape_cast %swap3A_12 : vector<16xi32> to vector<16xi32>
    %swap3A_14 = vector.shape_cast %broadcast_in_dim3A_3 : vector<16xi32> to vector<16xi32>
    tpu.vector_store %arg5[%swap3A_11], %swap3A_14 {strides = array<i32>} : memref<10256xi32, #tpu.memory_space<vmem>>, vector<16xi32>,
    %swap3A_15 = arith.constant 10048 : index
    %swap3A_16 = tpu.vector_load %arg5[%swap3A_15] {strides = array<i32>} : memref<10256xi32, #tpu.memory_space<vmem>>, vector<16xi32>,
    %swap3A_17 = vector.shape_cast %swap3A_16 : vector<16xi32> to vector<16xi32>
    %swap3A_18 = vector.shape_cast %broadcast_in_dim3A_3 : vector<16xi32> to vector<16xi32>
    tpu.vector_store %arg5[%swap3A_15], %swap3A_18 {strides = array<i32>} : memref<10256xi32, #tpu.memory_space<vmem>>, vector<16xi32>,
    %swap3A_19 = arith.constant 10064 : index
    %swap3A_20 = tpu.vector_load %arg5[%swap3A_19] {strides = array<i32>} : memref<10256xi32, #tpu.memory_space<vmem>>, vector<16xi32>,
    %swap3A_21 = vector.shape_cast %swap3A_20 : vector<16xi32> to vector<16xi32>
    %swap3A_22 = vector.shape_cast %broadcast_in_dim3A_3 : vector<16xi32> to vector<16xi32>
    tpu.vector_store %arg5[%swap3A_19], %swap3A_22 {strides = array<i32>} : memref<10256xi32, #tpu.memory_space<vmem>>, vector<16xi32>,
    %swap3A_23 = arith.constant 10080 : index
    %swap3A_24 = tpu.vector_load %arg5[%swap3A_23] {strides = array<i32>} : memref<10256xi32, #tpu.memory_space<vmem>>, vector<16xi32>,
    %swap3A_25 = vector.shape_cast %swap3A_24 : vector<16xi32> to vector<16xi32>
    %swap3A_26 = vector.shape_cast %broadcast_in_dim3A_3 : vector<16xi32> to vector<16xi32>
    tpu.vector_store %arg5[%swap3A_23], %swap3A_26 {strides = array<i32>} : memref<10256xi32, #tpu.memory_space<vmem>>, vector<16xi32>,
    %swap3A_27 = arith.constant 10096 : index
    %swap3A_28 = tpu.vector_load %arg5[%swap3A_27] {strides = array<i32>} : memref<10256xi32, #tpu.memory_space<vmem>>, vector<16xi32>,
    %swap3A_29 = vector.shape_cast %swap3A_28 : vector<16xi32> to vector<16xi32>
    %swap3A_30 = vector.shape_cast %broadcast_in_dim3A_3 : vector<16xi32> to vector<16xi32>
    tpu.vector_store %arg5[%swap3A_27], %swap3A_30 {strides = array<i32>} : memref<10256xi32, #tpu.memory_space<vmem>>, vector<16xi32>,
    %swap3A_31 = arith.constant 10112 : index
    %swap3A_32 = tpu.vector_load %arg5[%swap3A_31] {strides = array<i32>} : memref<10256xi32, #tpu.memory_space<vmem>>, vector<16xi32>,
    %swap3A_33 = vector.shape_cast %swap3A_32 : vector<16xi32> to vector<16xi32>
    %swap3A_34 = vector.shape_cast %broadcast_in_dim3A_3 : vector<16xi32> to vector<16xi32>
    tpu.vector_store %arg5[%swap3A_31], %swap3A_34 {strides = array<i32>} : memref<10256xi32, #tpu.memory_space<vmem>>, vector<16xi32>,
    %swap3A_35 = arith.constant 10128 : index
    %swap3A_36 = tpu.vector_load %arg5[%swap3A_35] {strides = array<i32>} : memref<10256xi32, #tpu.memory_space<vmem>>, vector<16xi32>,
    %swap3A_37 = vector.shape_cast %swap3A_36 : vector<16xi32> to vector<16xi32>
    %swap3A_38 = vector.shape_cast %broadcast_in_dim3A_3 : vector<16xi32> to vector<16xi32>
    tpu.vector_store %arg5[%swap3A_35], %swap3A_38 {strides = array<i32>} : memref<10256xi32, #tpu.memory_space<vmem>>, vector<16xi32>,
    %swap3A_39 = arith.constant 10144 : index
    %swap3A_40 = tpu.vector_load %arg5[%swap3A_39] {strides = array<i32>} : memref<10256xi32, #tpu.memory_space<vmem>>, vector<16xi32>,
    %swap3A_41 = vector.shape_cast %swap3A_40 : vector<16xi32> to vector<16xi32>
    %swap3A_42 = vector.shape_cast %broadcast_in_dim3A_3 : vector<16xi32> to vector<16xi32>
    tpu.vector_store %arg5[%swap3A_39], %swap3A_42 {strides = array<i32>} : memref<10256xi32, #tpu.memory_space<vmem>>, vector<16xi32>,
    %swap3A_43 = arith.constant 10160 : index
    %swap3A_44 = tpu.vector_load %arg5[%swap3A_43] {strides = array<i32>} : memref<10256xi32, #tpu.memory_space<vmem>>, vector<16xi32>,
    %swap3A_45 = vector.shape_cast %swap3A_44 : vector<16xi32> to vector<16xi32>
    %swap3A_46 = vector.shape_cast %broadcast_in_dim3A_3 : vector<16xi32> to vector<16xi32>
    tpu.vector_store %arg5[%swap3A_43], %swap3A_46 {strides = array<i32>} : memref<10256xi32, #tpu.memory_space<vmem>>, vector<16xi32>,
    %swap3A_47 = arith.constant 10176 : index
    %swap3A_48 = tpu.vector_load %arg5[%swap3A_47] {strides = array<i32>} : memref<10256xi32, #tpu.memory_space<vmem>>, vector<16xi32>,
    %swap3A_49 = vector.shape_cast %swap3A_48 : vector<16xi32> to vector<16xi32>
    %swap3A_50 = vector.shape_cast %broadcast_in_dim3A_3 : vector<16xi32> to vector<16xi32>
    tpu.vector_store %arg5[%swap3A_47], %swap3A_50 {strides = array<i32>} : memref<10256xi32, #tpu.memory_space<vmem>>, vector<16xi32>,
    %swap3A_51 = arith.constant 10192 : index
    %swap3A_52 = tpu.vector_load %arg5[%swap3A_51] {strides = array<i32>} : memref<10256xi32, #tpu.memory_space<vmem>>, vector<16xi32>,
    %swap3A_53 = vector.shape_cast %swap3A_52 : vector<16xi32> to vector<16xi32>
    %swap3A_54 = vector.shape_cast %broadcast_in_dim3A_3 : vector<16xi32> to vector<16xi32>
    tpu.vector_store %arg5[%swap3A_51], %swap3A_54 {strides = array<i32>} : memref<10256xi32, #tpu.memory_space<vmem>>, vector<16xi32>,
    %swap3A_55 = arith.constant 10208 : index
    %swap3A_56 = tpu.vector_load %arg5[%swap3A_55] {strides = array<i32>} : memref<10256xi32, #tpu.memory_space<vmem>>, vector<16xi32>,
    %swap3A_57 = vector.shape_cast %swap3A_56 : vector<16xi32> to vector<16xi32>
    %swap3A_58 = vector.shape_cast %broadcast_in_dim3A_3 : vector<16xi32> to vector<16xi32>
    tpu.vector_store %arg5[%swap3A_55], %swap3A_58 {strides = array<i32>} : memref<10256xi32, #tpu.memory_space<vmem>>, vector<16xi32>,
    %swap3A_59 = arith.constant 10224 : index
    %swap3A_60 = tpu.vector_load %arg5[%swap3A_59] {strides = array<i32>} : memref<10256xi32, #tpu.memory_space<vmem>>, vector<16xi32>,
    %swap3A_61 = vector.shape_cast %swap3A_60 : vector<16xi32> to vector<16xi32>
    %swap3A_62 = vector.shape_cast %broadcast_in_dim3A_3 : vector<16xi32> to vector<16xi32>
    tpu.vector_store %arg5[%swap3A_59], %swap3A_62 {strides = array<i32>} : memref<10256xi32, #tpu.memory_space<vmem>>, vector<16xi32>,
    %swap3A_63 = arith.constant 10240 : index
    %swap3A_64 = tpu.vector_load %arg5[%swap3A_63] {strides = array<i32>} : memref<10256xi32, #tpu.memory_space<vmem>>, vector<16xi32>,
    %swap3A_65 = vector.shape_cast %swap3A_64 : vector<16xi32> to vector<16xi32>
    %swap3A_66 = vector.shape_cast %broadcast_in_dim3A_3 : vector<16xi32> to vector<16xi32>
    tpu.vector_store %arg5[%swap3A_63], %swap3A_66 {strides = array<i32>} : memref<10256xi32, #tpu.memory_space<vmem>>, vector<16xi32>,
    %jit3A = arith.constant 16 : i32
    %div3A = arith.divsi %mul3A_2, %jit3A : i32
    %sign3A = arith.constant 0 : i32
    %sign3A_67 = arith.cmpi sgt, %mul3A_2, %sign3A : i32
    %sign3A_68 = arith.extui %sign3A_67 : i1 to i32
    %sign3A_69 = arith.constant 0 : i32
    %sign3A_70 = arith.cmpi slt, %mul3A_2, %sign3A_69 : i32
    %sign3A_71 = arith.extui %sign3A_70 : i1 to i32
    %sign3A_72 = arith.subi %sign3A_68, %sign3A_71 : i32
    %sign3A_73 = arith.constant 0 : i32
    %sign3A_74 = arith.cmpi sgt, %jit3A, %sign3A_73 : i32
    %sign3A_75 = arith.extui %sign3A_74 : i1 to i32
    %sign3A_76 = arith.constant 0 : i32
    %sign3A_77 = arith.cmpi slt, %jit3A, %sign3A_76 : i32
    %sign3A_78 = arith.extui %sign3A_77 : i1 to i32
    %sign3A_79 = arith.subi %sign3A_75, %sign3A_78 : i32
    %ne3A = arith.cmpi ne, %sign3A_72, %sign3A_79 : i32
    %rem3A = arith.remsi %mul3A_2, %jit3A : i32
    %ne3A_80 = arith.constant 0 : i32
    %ne3A_81 = arith.cmpi ne, %rem3A, %ne3A_80 : i32
    %and3A = arith.andi %ne3A, %ne3A_81 : i1
    %sub3A = arith.constant 1 : i32
    %sub3A_82 = arith.subi %div3A, %sub3A : i32
    %select_n3A = arith.select %and3A, %sub3A_82, %div3A : i32
    %broadcast_in_dim3A_83 = arith.constant 0 : i32
    %broadcast_in_dim3A_84 = vector.broadcast %broadcast_in_dim3A_83 : i32 to vector<16xi32>
    %while3A = arith.constant 0 : i32
    %while3A_85 = arith.subi %select_n3A, %while3A : i32
    %while3A_86 = arith.addi %while3A, %while3A_85 : i32
    %while3A_87 = arith.constant 1 : i32
    %while3A_88 = arith.divsi %while3A_85, %while3A_87 : i32
    %while3A_89 = arith.muli %while3A_88, %while3A_87 : i32
    %while3A_90 = arith.addi %while3A, %while3A_89 : i32
    %while3A_91 = arith.constant 1 : i32
    %while3A_92 = scf.for %while3A_960 = %while3A to %while3A_90 step %while3A_91 iter_args(%while3A_961 = %broadcast_in_dim3A_84) -> (vector<16xi32>)  : i32 {
      %mul3A_962 = arith.constant 16 : i32
      %mul3A_963 = arith.muli %while3A_960, %mul3A_962 : i32
      %get3A_964 = arith.index_cast %mul3A_963 : i32 to index
      %get3A_965 = tpu.vector_load %arg5[%get3A_964] {strides = array<i32>} : memref<10256xi32, #tpu.memory_space<vmem>>, vector<16xi32>,
      %get3A_966 = vector.shape_cast %get3A_965 : vector<16xi32> to vector<16xi32>
      %add3A_967 = arith.addi %while3A_961, %get3A_966 : vector<16xi32>
      scf.yield %add3A_967 : vector<16xi32>
    }
    %while3A_93 = arith.constant 1 : i32
    %while3A_94 = scf.for %while3A_960 = %while3A_90 to %while3A_86 step %while3A_93 iter_args(%while3A_961 = %while3A_92) -> (vector<16xi32>)  : i32 {
      %mul3A_962 = arith.constant 16 : i32
      %mul3A_963 = arith.muli %while3A_960, %mul3A_962 : i32
      %get3A_964 = arith.index_cast %mul3A_963 : i32 to index
      %get3A_965 = tpu.vector_load %arg5[%get3A_964] {strides = array<i32>} : memref<10256xi32, #tpu.memory_space<vmem>>, vector<16xi32>,
      %get3A_966 = vector.shape_cast %get3A_965 : vector<16xi32> to vector<16xi32>
      %add3A_967 = arith.addi %while3A_961, %get3A_966 : vector<16xi32>
      scf.yield %add3A_967 : vector<16xi32>
    }
    %iota3A = tpu.iota {dimensions = array<i32: 0>} : vector<16xi32>
    %add3A_95 = arith.constant 1 : i32
    %add3A_96 = vector.broadcast %add3A_95 : i32 to vector<16xi32>
    %add3A_97 = arith.addi %iota3A, %add3A_96 : vector<16xi32>
    %jit3A_98 = arith.constant 16 : i32
    %eq3A = arith.constant 0 : i32
    %eq3A_99 = arith.cmpi eq, %jit3A_98, %eq3A : i32
    %jit3A_100 = arith.constant 1 : i32
    %select_n3A_101 = arith.select %eq3A_99, %jit3A_100, %jit3A_98 : i32
    %rem3A_102 = vector.broadcast %select_n3A_101 : i32 to vector<16xi32>
    %rem3A_103 = arith.remsi %add3A_97, %rem3A_102 : vector<16xi32>
    %ne3A_104 = arith.constant 0 : i32
    %ne3A_105 = vector.broadcast %ne3A_104 : i32 to vector<16xi32>
    %ne3A_106 = arith.cmpi ne, %rem3A_103, %ne3A_105 : vector<16xi32>
    %lt3A = arith.constant 0 : i32
    %lt3A_107 = vector.broadcast %lt3A : i32 to vector<16xi32>
    %lt3A_108 = arith.cmpi slt, %rem3A_103, %lt3A_107 : vector<16xi32>
    %lt3A_109 = arith.constant 0 : i32
    %lt3A_110 = arith.cmpi slt, %select_n3A_101, %lt3A_109 : i32
    %ne3A_111 = vector.broadcast %lt3A_110 : i1 to vector<16xi1>
    %ne3A_112 = vector.broadcast %ne3A_111 : vector<16xi1> to vector<16xi1>
    %ne3A_113 = arith.xori %lt3A_108, %ne3A_112 : vector<16xi1>
    %and3A_114 = arith.andi %ne3A_113, %ne3A_106 : vector<16xi1>
    %add3A_115 = vector.broadcast %select_n3A_101 : i32 to vector<16xi32>
    %add3A_116 = arith.addi %rem3A_103, %add3A_115 : vector<16xi32>
    %select_n3A_117 = arith.select %and3A_114, %add3A_116, %rem3A_103 : vector<16xi1>, vector<16xi32>
    %lt3A_118 = arith.constant 0 : i32
    %lt3A_119 = vector.broadcast %lt3A_118 : i32 to vector<16xi32>
    %lt3A_120 = arith.cmpi slt, %select_n3A_117, %lt3A_119 : vector<16xi32>
    %add3A_121 = arith.constant 16 : i32
    %add3A_122 = vector.broadcast %add3A_121 : i32 to vector<16xi32>
    %add3A_123 = arith.addi %select_n3A_117, %add3A_122 : vector<16xi32>
    %select_n3A_124 = arith.select %lt3A_120, %add3A_123, %select_n3A_117 : vector<16xi1>, vector<16xi32>
    %broadcast_in_dim3A_125 = vector.shape_cast %select_n3A_124 : vector<16xi32> to vector<16x1xi32>
    %gather3A = vector.shape_cast %broadcast_in_dim3A_125 : vector<16x1xi32> to vector<16xi32>
    %gather3A_126 = tpu.dynamic_gather %while3A_94[%gather3A] in [0] : vector<16xi32>, vector<16xi32> -> vector<16xi32>
    %add3A_127 = arith.addi %while3A_94, %gather3A_126 : vector<16xi32>
    %add3A_128 = arith.constant 2 : i32
    %add3A_129 = vector.broadcast %add3A_128 : i32 to vector<16xi32>
    %add3A_130 = arith.addi %iota3A, %add3A_129 : vector<16xi32>
    %jit3A_131 = arith.constant 16 : i32
    %eq3A_132 = arith.constant 0 : i32
    %eq3A_133 = arith.cmpi eq, %jit3A_131, %eq3A_132 : i32
    %jit3A_134 = arith.constant 1 : i32
    %select_n3A_135 = arith.select %eq3A_133, %jit3A_134, %jit3A_131 : i32
    %rem3A_136 = vector.broadcast %select_n3A_135 : i32 to vector<16xi32>
    %rem3A_137 = arith.remsi %add3A_130, %rem3A_136 : vector<16xi32>
    %ne3A_138 = arith.constant 0 : i32
    %ne3A_139 = vector.broadcast %ne3A_138 : i32 to vector<16xi32>
    %ne3A_140 = arith.cmpi ne, %rem3A_137, %ne3A_139 : vector<16xi32>
    %lt3A_141 = arith.constant 0 : i32
    %lt3A_142 = vector.broadcast %lt3A_141 : i32 to vector<16xi32>
    %lt3A_143 = arith.cmpi slt, %rem3A_137, %lt3A_142 : vector<16xi32>
    %lt3A_144 = arith.constant 0 : i32
    %lt3A_145 = arith.cmpi slt, %select_n3A_135, %lt3A_144 : i32
    %ne3A_146 = vector.broadcast %lt3A_145 : i1 to vector<16xi1>
    %ne3A_147 = vector.broadcast %ne3A_146 : vector<16xi1> to vector<16xi1>
    %ne3A_148 = arith.xori %lt3A_143, %ne3A_147 : vector<16xi1>
    %and3A_149 = arith.andi %ne3A_148, %ne3A_140 : vector<16xi1>
    %add3A_150 = vector.broadcast %select_n3A_135 : i32 to vector<16xi32>
    %add3A_151 = arith.addi %rem3A_137, %add3A_150 : vector<16xi32>
    %select_n3A_152 = arith.select %and3A_149, %add3A_151, %rem3A_137 : vector<16xi1>, vector<16xi32>
    %lt3A_153 = arith.constant 0 : i32
    %lt3A_154 = vector.broadcast %lt3A_153 : i32 to vector<16xi32>
    %lt3A_155 = arith.cmpi slt, %select_n3A_152, %lt3A_154 : vector<16xi32>
    %add3A_156 = arith.constant 16 : i32
    %add3A_157 = vector.broadcast %add3A_156 : i32 to vector<16xi32>
    %add3A_158 = arith.addi %select_n3A_152, %add3A_157 : vector<16xi32>
    %select_n3A_159 = arith.select %lt3A_155, %add3A_158, %select_n3A_152 : vector<16xi1>, vector<16xi32>
    %broadcast_in_dim3A_160 = vector.shape_cast %select_n3A_159 : vector<16xi32> to vector<16x1xi32>
    %gather3A_161 = vector.shape_cast %broadcast_in_dim3A_160 : vector<16x1xi32> to vector<16xi32>
    %gather3A_162 = tpu.dynamic_gather %add3A_127[%gather3A_161] in [0] : vector<16xi32>, vector<16xi32> -> vector<16xi32>
    %add3A_163 = arith.addi %add3A_127, %gather3A_162 : vector<16xi32>
    %add3A_164 = arith.constant 4 : i32
    %add3A_165 = vector.broadcast %add3A_164 : i32 to vector<16xi32>
    %add3A_166 = arith.addi %iota3A, %add3A_165 : vector<16xi32>
    %jit3A_167 = arith.constant 16 : i32
    %eq3A_168 = arith.constant 0 : i32
    %eq3A_169 = arith.cmpi eq, %jit3A_167, %eq3A_168 : i32
    %jit3A_170 = arith.constant 1 : i32
    %select_n3A_171 = arith.select %eq3A_169, %jit3A_170, %jit3A_167 : i32
    %rem3A_172 = vector.broadcast %select_n3A_171 : i32 to vector<16xi32>
    %rem3A_173 = arith.remsi %add3A_166, %rem3A_172 : vector<16xi32>
    %ne3A_174 = arith.constant 0 : i32
    %ne3A_175 = vector.broadcast %ne3A_174 : i32 to vector<16xi32>
    %ne3A_176 = arith.cmpi ne, %rem3A_173, %ne3A_175 : vector<16xi32>
    %lt3A_177 = arith.constant 0 : i32
    %lt3A_178 = vector.broadcast %lt3A_177 : i32 to vector<16xi32>
    %lt3A_179 = arith.cmpi slt, %rem3A_173, %lt3A_178 : vector<16xi32>
    %lt3A_180 = arith.constant 0 : i32
    %lt3A_181 = arith.cmpi slt, %select_n3A_171, %lt3A_180 : i32
    %ne3A_182 = vector.broadcast %lt3A_181 : i1 to vector<16xi1>
    %ne3A_183 = vector.broadcast %ne3A_182 : vector<16xi1> to vector<16xi1>
    %ne3A_184 = arith.xori %lt3A_179, %ne3A_183 : vector<16xi1>
    %and3A_185 = arith.andi %ne3A_184, %ne3A_176 : vector<16xi1>
    %add3A_186 = vector.broadcast %select_n3A_171 : i32 to vector<16xi32>
    %add3A_187 = arith.addi %rem3A_173, %add3A_186 : vector<16xi32>
    %select_n3A_188 = arith.select %and3A_185, %add3A_187, %rem3A_173 : vector<16xi1>, vector<16xi32>
    %lt3A_189 = arith.constant 0 : i32
    %lt3A_190 = vector.broadcast %lt3A_189 : i32 to vector<16xi32>
    %lt3A_191 = arith.cmpi slt, %select_n3A_188, %lt3A_190 : vector<16xi32>
    %add3A_192 = arith.constant 16 : i32
    %add3A_193 = vector.broadcast %add3A_192 : i32 to vector<16xi32>
    %add3A_194 = arith.addi %select_n3A_188, %add3A_193 : vector<16xi32>
    %select_n3A_195 = arith.select %lt3A_191, %add3A_194, %select_n3A_188 : vector<16xi1>, vector<16xi32>
    %broadcast_in_dim3A_196 = vector.shape_cast %select_n3A_195 : vector<16xi32> to vector<16x1xi32>
    %gather3A_197 = vector.shape_cast %broadcast_in_dim3A_196 : vector<16x1xi32> to vector<16xi32>
    %gather3A_198 = tpu.dynamic_gather %add3A_163[%gather3A_197] in [0] : vector<16xi32>, vector<16xi32> -> vector<16xi32>
    %add3A_199 = arith.addi %add3A_163, %gather3A_198 : vector<16xi32>
    %add3A_200 = arith.constant 8 : i32
    %add3A_201 = vector.broadcast %add3A_200 : i32 to vector<16xi32>
    %add3A_202 = arith.addi %iota3A, %add3A_201 : vector<16xi32>
    %jit3A_203 = arith.constant 16 : i32
    %eq3A_204 = arith.constant 0 : i32
    %eq3A_205 = arith.cmpi eq, %jit3A_203, %eq3A_204 : i32
    %jit3A_206 = arith.constant 1 : i32
    %select_n3A_207 = arith.select %eq3A_205, %jit3A_206, %jit3A_203 : i32
    %rem3A_208 = vector.broadcast %select_n3A_207 : i32 to vector<16xi32>
    %rem3A_209 = arith.remsi %add3A_202, %rem3A_208 : vector<16xi32>
    %ne3A_210 = arith.constant 0 : i32
    %ne3A_211 = vector.broadcast %ne3A_210 : i32 to vector<16xi32>
    %ne3A_212 = arith.cmpi ne, %rem3A_209, %ne3A_211 : vector<16xi32>
    %lt3A_213 = arith.constant 0 : i32
    %lt3A_214 = vector.broadcast %lt3A_213 : i32 to vector<16xi32>
    %lt3A_215 = arith.cmpi slt, %rem3A_209, %lt3A_214 : vector<16xi32>
    %lt3A_216 = arith.constant 0 : i32
    %lt3A_217 = arith.cmpi slt, %select_n3A_207, %lt3A_216 : i32
    %ne3A_218 = vector.broadcast %lt3A_217 : i1 to vector<16xi1>
    %ne3A_219 = vector.broadcast %ne3A_218 : vector<16xi1> to vector<16xi1>
    %ne3A_220 = arith.xori %lt3A_215, %ne3A_219 : vector<16xi1>
    %and3A_221 = arith.andi %ne3A_220, %ne3A_212 : vector<16xi1>
    %add3A_222 = vector.broadcast %select_n3A_207 : i32 to vector<16xi32>
    %add3A_223 = arith.addi %rem3A_209, %add3A_222 : vector<16xi32>
    %select_n3A_224 = arith.select %and3A_221, %add3A_223, %rem3A_209 : vector<16xi1>, vector<16xi32>
    %lt3A_225 = arith.constant 0 : i32
    %lt3A_226 = vector.broadcast %lt3A_225 : i32 to vector<16xi32>
    %lt3A_227 = arith.cmpi slt, %select_n3A_224, %lt3A_226 : vector<16xi32>
    %add3A_228 = arith.constant 16 : i32
    %add3A_229 = vector.broadcast %add3A_228 : i32 to vector<16xi32>
    %add3A_230 = arith.addi %select_n3A_224, %add3A_229 : vector<16xi32>
    %select_n3A_231 = arith.select %lt3A_227, %add3A_230, %select_n3A_224 : vector<16xi1>, vector<16xi32>
    %broadcast_in_dim3A_232 = vector.shape_cast %select_n3A_231 : vector<16xi32> to vector<16x1xi32>
    %gather3A_233 = vector.shape_cast %broadcast_in_dim3A_232 : vector<16x1xi32> to vector<16xi32>
    %gather3A_234 = tpu.dynamic_gather %add3A_199[%gather3A_233] in [0] : vector<16xi32>, vector<16xi32> -> vector<16xi32>
    %add3A_235 = arith.addi %add3A_199, %gather3A_234 : vector<16xi32>
    %slice3A = vector.extract_strided_slice %add3A_235 {offsets = [0], sizes = [1], strides = [1]} : vector<16xi32> to vector<1xi32>
    %squeeze3A = vector.extract %slice3A[0] : i32 from vector<1xi32>
    %add3A_236 = arith.addi %squeeze3A, %mul3A_2 : i32
    %iota3A_237 = tpu.iota {dimensions = array<i32: 0>} : vector<16xi32>
    %add3A_238 = arith.constant 0 : i32
    %add3A_239 = arith.addi %mul3A_2, %add3A_238 : i32
    %get3A = arith.index_cast %add3A_239 : i32 to index
    %get3A_240 = tpu.vector_load %arg5[%get3A] {strides = array<i32>} : memref<10256xi32, #tpu.memory_space<vmem>>, vector<16xi32>,
    %get3A_241 = vector.shape_cast %get3A_240 : vector<16xi32> to vector<16xi32>
    %add3A_242 = arith.constant 1 : i32
    %add3A_243 = vector.broadcast %add3A_242 : i32 to vector<16xi32>
    %add3A_244 = arith.addi %get3A_241, %add3A_243 : vector<16xi32>
    %lt3A_245 = arith.constant 8 : i32
    %lt3A_246 = vector.broadcast %lt3A_245 : i32 to vector<16xi32>
    %lt3A_247 = arith.cmpi slt, %iota3A_237, %lt3A_246 : vector<16xi32>
    %jit3A_248 = arith.constant 0 : i32
    %broadcast_in_dim3A_249 = vector.broadcast %jit3A_248 : i32 to vector<16xi32>
    %select_n3A_250 = arith.select %lt3A_247, %add3A_244, %broadcast_in_dim3A_249 : vector<16xi1>, vector<16xi32>
    %iota3A_251 = tpu.iota {dimensions = array<i32: 0>} : vector<16xi32>
    %add3A_252 = arith.constant 1 : i32
    %add3A_253 = vector.broadcast %add3A_252 : i32 to vector<16xi32>
    %add3A_254 = arith.addi %iota3A_251, %add3A_253 : vector<16xi32>
    %jit3A_255 = arith.constant 16 : i32
    %eq3A_256 = arith.constant 0 : i32
    %eq3A_257 = arith.cmpi eq, %jit3A_255, %eq3A_256 : i32
    %jit3A_258 = arith.constant 1 : i32
    %select_n3A_259 = arith.select %eq3A_257, %jit3A_258, %jit3A_255 : i32
    %rem3A_260 = vector.broadcast %select_n3A_259 : i32 to vector<16xi32>
    %rem3A_261 = arith.remsi %add3A_254, %rem3A_260 : vector<16xi32>
    %ne3A_262 = arith.constant 0 : i32
    %ne3A_263 = vector.broadcast %ne3A_262 : i32 to vector<16xi32>
    %ne3A_264 = arith.cmpi ne, %rem3A_261, %ne3A_263 : vector<16xi32>
    %lt3A_265 = arith.constant 0 : i32
    %lt3A_266 = vector.broadcast %lt3A_265 : i32 to vector<16xi32>
    %lt3A_267 = arith.cmpi slt, %rem3A_261, %lt3A_266 : vector<16xi32>
    %lt3A_268 = arith.constant 0 : i32
    %lt3A_269 = arith.cmpi slt, %select_n3A_259, %lt3A_268 : i32
    %ne3A_270 = vector.broadcast %lt3A_269 : i1 to vector<16xi1>
    %ne3A_271 = vector.broadcast %ne3A_270 : vector<16xi1> to vector<16xi1>
    %ne3A_272 = arith.xori %lt3A_267, %ne3A_271 : vector<16xi1>
    %and3A_273 = arith.andi %ne3A_272, %ne3A_264 : vector<16xi1>
    %add3A_274 = vector.broadcast %select_n3A_259 : i32 to vector<16xi32>
    %add3A_275 = arith.addi %rem3A_261, %add3A_274 : vector<16xi32>
    %select_n3A_276 = arith.select %and3A_273, %add3A_275, %rem3A_261 : vector<16xi1>, vector<16xi32>
    %lt3A_277 = arith.constant 0 : i32
    %lt3A_278 = vector.broadcast %lt3A_277 : i32 to vector<16xi32>
    %lt3A_279 = arith.cmpi slt, %select_n3A_276, %lt3A_278 : vector<16xi32>
    %add3A_280 = arith.constant 16 : i32
    %add3A_281 = vector.broadcast %add3A_280 : i32 to vector<16xi32>
    %add3A_282 = arith.addi %select_n3A_276, %add3A_281 : vector<16xi32>
    %select_n3A_283 = arith.select %lt3A_279, %add3A_282, %select_n3A_276 : vector<16xi1>, vector<16xi32>
    %broadcast_in_dim3A_284 = vector.shape_cast %select_n3A_283 : vector<16xi32> to vector<16x1xi32>
    %gather3A_285 = vector.shape_cast %broadcast_in_dim3A_284 : vector<16x1xi32> to vector<16xi32>
    %gather3A_286 = tpu.dynamic_gather %select_n3A_250[%gather3A_285] in [0] : vector<16xi32>, vector<16xi32> -> vector<16xi32>
    %add3A_287 = arith.addi %select_n3A_250, %gather3A_286 : vector<16xi32>
    %add3A_288 = arith.constant 2 : i32
    %add3A_289 = vector.broadcast %add3A_288 : i32 to vector<16xi32>
    %add3A_290 = arith.addi %iota3A_251, %add3A_289 : vector<16xi32>
    %jit3A_291 = arith.constant 16 : i32
    %eq3A_292 = arith.constant 0 : i32
    %eq3A_293 = arith.cmpi eq, %jit3A_291, %eq3A_292 : i32
    %jit3A_294 = arith.constant 1 : i32
    %select_n3A_295 = arith.select %eq3A_293, %jit3A_294, %jit3A_291 : i32
    %rem3A_296 = vector.broadcast %select_n3A_295 : i32 to vector<16xi32>
    %rem3A_297 = arith.remsi %add3A_290, %rem3A_296 : vector<16xi32>
    %ne3A_298 = arith.constant 0 : i32
    %ne3A_299 = vector.broadcast %ne3A_298 : i32 to vector<16xi32>
    %ne3A_300 = arith.cmpi ne, %rem3A_297, %ne3A_299 : vector<16xi32>
    %lt3A_301 = arith.constant 0 : i32
    %lt3A_302 = vector.broadcast %lt3A_301 : i32 to vector<16xi32>
    %lt3A_303 = arith.cmpi slt, %rem3A_297, %lt3A_302 : vector<16xi32>
    %lt3A_304 = arith.constant 0 : i32
    %lt3A_305 = arith.cmpi slt, %select_n3A_295, %lt3A_304 : i32
    %ne3A_306 = vector.broadcast %lt3A_305 : i1 to vector<16xi1>
    %ne3A_307 = vector.broadcast %ne3A_306 : vector<16xi1> to vector<16xi1>
    %ne3A_308 = arith.xori %lt3A_303, %ne3A_307 : vector<16xi1>
    %and3A_309 = arith.andi %ne3A_308, %ne3A_300 : vector<16xi1>
    %add3A_310 = vector.broadcast %select_n3A_295 : i32 to vector<16xi32>
    %add3A_311 = arith.addi %rem3A_297, %add3A_310 : vector<16xi32>
    %select_n3A_312 = arith.select %and3A_309, %add3A_311, %rem3A_297 : vector<16xi1>, vector<16xi32>
    %lt3A_313 = arith.constant 0 : i32
    %lt3A_314 = vector.broadcast %lt3A_313 : i32 to vector<16xi32>
    %lt3A_315 = arith.cmpi slt, %select_n3A_312, %lt3A_314 : vector<16xi32>
    %add3A_316 = arith.constant 16 : i32
    %add3A_317 = vector.broadcast %add3A_316 : i32 to vector<16xi32>
    %add3A_318 = arith.addi %select_n3A_312, %add3A_317 : vector<16xi32>
    %select_n3A_319 = arith.select %lt3A_315, %add3A_318, %select_n3A_312 : vector<16xi1>, vector<16xi32>
    %broadcast_in_dim3A_320 = vector.shape_cast %select_n3A_319 : vector<16xi32> to vector<16x1xi32>
    %gather3A_321 = vector.shape_cast %broadcast_in_dim3A_320 : vector<16x1xi32> to vector<16xi32>
    %gather3A_322 = tpu.dynamic_gather %add3A_287[%gather3A_321] in [0] : vector<16xi32>, vector<16xi32> -> vector<16xi32>
    %add3A_323 = arith.addi %add3A_287, %gather3A_322 : vector<16xi32>
    %add3A_324 = arith.constant 4 : i32
    %add3A_325 = vector.broadcast %add3A_324 : i32 to vector<16xi32>
    %add3A_326 = arith.addi %iota3A_251, %add3A_325 : vector<16xi32>
    %jit3A_327 = arith.constant 16 : i32
    %eq3A_328 = arith.constant 0 : i32
    %eq3A_329 = arith.cmpi eq, %jit3A_327, %eq3A_328 : i32
    %jit3A_330 = arith.constant 1 : i32
    %select_n3A_331 = arith.select %eq3A_329, %jit3A_330, %jit3A_327 : i32
    %rem3A_332 = vector.broadcast %select_n3A_331 : i32 to vector<16xi32>
    %rem3A_333 = arith.remsi %add3A_326, %rem3A_332 : vector<16xi32>
    %ne3A_334 = arith.constant 0 : i32
    %ne3A_335 = vector.broadcast %ne3A_334 : i32 to vector<16xi32>
    %ne3A_336 = arith.cmpi ne, %rem3A_333, %ne3A_335 : vector<16xi32>
    %lt3A_337 = arith.constant 0 : i32
    %lt3A_338 = vector.broadcast %lt3A_337 : i32 to vector<16xi32>
    %lt3A_339 = arith.cmpi slt, %rem3A_333, %lt3A_338 : vector<16xi32>
    %lt3A_340 = arith.constant 0 : i32
    %lt3A_341 = arith.cmpi slt, %select_n3A_331, %lt3A_340 : i32
    %ne3A_342 = vector.broadcast %lt3A_341 : i1 to vector<16xi1>
    %ne3A_343 = vector.broadcast %ne3A_342 : vector<16xi1> to vector<16xi1>
    %ne3A_344 = arith.xori %lt3A_339, %ne3A_343 : vector<16xi1>
    %and3A_345 = arith.andi %ne3A_344, %ne3A_336 : vector<16xi1>
    %add3A_346 = vector.broadcast %select_n3A_331 : i32 to vector<16xi32>
    %add3A_347 = arith.addi %rem3A_333, %add3A_346 : vector<16xi32>
    %select_n3A_348 = arith.select %and3A_345, %add3A_347, %rem3A_333 : vector<16xi1>, vector<16xi32>
    %lt3A_349 = arith.constant 0 : i32
    %lt3A_350 = vector.broadcast %lt3A_349 : i32 to vector<16xi32>
    %lt3A_351 = arith.cmpi slt, %select_n3A_348, %lt3A_350 : vector<16xi32>
    %add3A_352 = arith.constant 16 : i32
    %add3A_353 = vector.broadcast %add3A_352 : i32 to vector<16xi32>
    %add3A_354 = arith.addi %select_n3A_348, %add3A_353 : vector<16xi32>
    %select_n3A_355 = arith.select %lt3A_351, %add3A_354, %select_n3A_348 : vector<16xi1>, vector<16xi32>
    %broadcast_in_dim3A_356 = vector.shape_cast %select_n3A_355 : vector<16xi32> to vector<16x1xi32>
    %gather3A_357 = vector.shape_cast %broadcast_in_dim3A_356 : vector<16x1xi32> to vector<16xi32>
    %gather3A_358 = tpu.dynamic_gather %add3A_323[%gather3A_357] in [0] : vector<16xi32>, vector<16xi32> -> vector<16xi32>
    %add3A_359 = arith.addi %add3A_323, %gather3A_358 : vector<16xi32>
    %add3A_360 = arith.constant 8 : i32
    %add3A_361 = vector.broadcast %add3A_360 : i32 to vector<16xi32>
    %add3A_362 = arith.addi %iota3A_251, %add3A_361 : vector<16xi32>
    %jit3A_363 = arith.constant 16 : i32
    %eq3A_364 = arith.constant 0 : i32
    %eq3A_365 = arith.cmpi eq, %jit3A_363, %eq3A_364 : i32
    %jit3A_366 = arith.constant 1 : i32
    %select_n3A_367 = arith.select %eq3A_365, %jit3A_366, %jit3A_363 : i32
    %rem3A_368 = vector.broadcast %select_n3A_367 : i32 to vector<16xi32>
    %rem3A_369 = arith.remsi %add3A_362, %rem3A_368 : vector<16xi32>
    %ne3A_370 = arith.constant 0 : i32
    %ne3A_371 = vector.broadcast %ne3A_370 : i32 to vector<16xi32>
    %ne3A_372 = arith.cmpi ne, %rem3A_369, %ne3A_371 : vector<16xi32>
    %lt3A_373 = arith.constant 0 : i32
    %lt3A_374 = vector.broadcast %lt3A_373 : i32 to vector<16xi32>
    %lt3A_375 = arith.cmpi slt, %rem3A_369, %lt3A_374 : vector<16xi32>
    %lt3A_376 = arith.constant 0 : i32
    %lt3A_377 = arith.cmpi slt, %select_n3A_367, %lt3A_376 : i32
    %ne3A_378 = vector.broadcast %lt3A_377 : i1 to vector<16xi1>
    %ne3A_379 = vector.broadcast %ne3A_378 : vector<16xi1> to vector<16xi1>
    %ne3A_380 = arith.xori %lt3A_375, %ne3A_379 : vector<16xi1>
    %and3A_381 = arith.andi %ne3A_380, %ne3A_372 : vector<16xi1>
    %add3A_382 = vector.broadcast %select_n3A_367 : i32 to vector<16xi32>
    %add3A_383 = arith.addi %rem3A_369, %add3A_382 : vector<16xi32>
    %select_n3A_384 = arith.select %and3A_381, %add3A_383, %rem3A_369 : vector<16xi1>, vector<16xi32>
    %lt3A_385 = arith.constant 0 : i32
    %lt3A_386 = vector.broadcast %lt3A_385 : i32 to vector<16xi32>
    %lt3A_387 = arith.cmpi slt, %select_n3A_384, %lt3A_386 : vector<16xi32>
    %add3A_388 = arith.constant 16 : i32
    %add3A_389 = vector.broadcast %add3A_388 : i32 to vector<16xi32>
    %add3A_390 = arith.addi %select_n3A_384, %add3A_389 : vector<16xi32>
    %select_n3A_391 = arith.select %lt3A_387, %add3A_390, %select_n3A_384 : vector<16xi1>, vector<16xi32>
    %broadcast_in_dim3A_392 = vector.shape_cast %select_n3A_391 : vector<16xi32> to vector<16x1xi32>
    %gather3A_393 = vector.shape_cast %broadcast_in_dim3A_392 : vector<16x1xi32> to vector<16xi32>
    %gather3A_394 = tpu.dynamic_gather %add3A_359[%gather3A_393] in [0] : vector<16xi32>, vector<16xi32> -> vector<16xi32>
    %add3A_395 = arith.addi %add3A_359, %gather3A_394 : vector<16xi32>
    %slice3A_396 = vector.extract_strided_slice %add3A_395 {offsets = [0], sizes = [1], strides = [1]} : vector<16xi32> to vector<1xi32>
    %squeeze3A_397 = vector.extract %slice3A_396[0] : i32 from vector<1xi32>
    %jit3A_398 = arith.constant true
    %jit3A_399 = arith.constant 0 : i32
    %select_n3A_400 = arith.select %jit3A_398, %squeeze3A_397, %jit3A_399 : i32
    %jit3A_401 = arith.constant 8 : i32
    %div3A_402 = arith.divsi %add3A_236, %jit3A_401 : i32
    %sign3A_403 = arith.constant 0 : i32
    %sign3A_404 = arith.cmpi sgt, %add3A_236, %sign3A_403 : i32
    %sign3A_405 = arith.extui %sign3A_404 : i1 to i32
    %sign3A_406 = arith.constant 0 : i32
    %sign3A_407 = arith.cmpi slt, %add3A_236, %sign3A_406 : i32
    %sign3A_408 = arith.extui %sign3A_407 : i1 to i32
    %sign3A_409 = arith.subi %sign3A_405, %sign3A_408 : i32
    %sign3A_410 = arith.constant 0 : i32
    %sign3A_411 = arith.cmpi sgt, %jit3A_401, %sign3A_410 : i32
    %sign3A_412 = arith.extui %sign3A_411 : i1 to i32
    %sign3A_413 = arith.constant 0 : i32
    %sign3A_414 = arith.cmpi slt, %jit3A_401, %sign3A_413 : i32
    %sign3A_415 = arith.extui %sign3A_414 : i1 to i32
    %sign3A_416 = arith.subi %sign3A_412, %sign3A_415 : i32
    %ne3A_417 = arith.cmpi ne, %sign3A_409, %sign3A_416 : i32
    %rem3A_418 = arith.remsi %add3A_236, %jit3A_401 : i32
    %ne3A_419 = arith.constant 0 : i32
    %ne3A_420 = arith.cmpi ne, %rem3A_418, %ne3A_419 : i32
    %and3A_421 = arith.andi %ne3A_417, %ne3A_420 : i1
    %sub3A_422 = arith.constant 1 : i32
    %sub3A_423 = arith.subi %div3A_402, %sub3A_422 : i32
    %select_n3A_424 = arith.select %and3A_421, %sub3A_423, %div3A_402 : i32
    %mul3A_425 = arith.constant 8 : i32
    %mul3A_426 = arith.muli %select_n3A_424, %mul3A_425 : i32
    %min3A = arith.constant 319728 : i32
    %min3A_427 = arith.minsi %mul3A_426, %min3A : i32
    %multiple_of3A = tpu.assume_multiple %min3A_427, 8 : i32
    %sub3A_428 = arith.subi %add3A_236, %multiple_of3A : i32
    %gt3A = arith.constant 0 : i32
    %gt3A_429 = arith.cmpi sgt, %select_n3A_400, %gt3A : i32
    %and3A_430 = arith.constant true
    %and3A_431 = arith.andi %and3A_430, %gt3A_429 : i1
    %add3A_432 = arith.addi %sub3A_428, %select_n3A_400 : i32
    %add3A_433 = arith.constant 16 : i32
    %add3A_434 = arith.addi %add3A_432, %add3A_433 : i32
    %sub3A_435 = arith.constant 1 : i32
    %sub3A_436 = arith.subi %add3A_434, %sub3A_435 : i32
    %jit3A_437 = arith.constant 16 : i32
    %div3A_438 = arith.divsi %sub3A_436, %jit3A_437 : i32
    %sign3A_439 = arith.constant 0 : i32
    %sign3A_440 = arith.cmpi sgt, %sub3A_436, %sign3A_439 : i32
    %sign3A_441 = arith.extui %sign3A_440 : i1 to i32
    %sign3A_442 = arith.constant 0 : i32
    %sign3A_443 = arith.cmpi slt, %sub3A_436, %sign3A_442 : i32
    %sign3A_444 = arith.extui %sign3A_443 : i1 to i32
    %sign3A_445 = arith.subi %sign3A_441, %sign3A_444 : i32
    %sign3A_446 = arith.constant 0 : i32
    %sign3A_447 = arith.cmpi sgt, %jit3A_437, %sign3A_446 : i32
    %sign3A_448 = arith.extui %sign3A_447 : i1 to i32
    %sign3A_449 = arith.constant 0 : i32
    %sign3A_450 = arith.cmpi slt, %jit3A_437, %sign3A_449 : i32
    %sign3A_451 = arith.extui %sign3A_450 : i1 to i32
    %sign3A_452 = arith.subi %sign3A_448, %sign3A_451 : i32
    %ne3A_453 = arith.cmpi ne, %sign3A_445, %sign3A_452 : i32
    %rem3A_454 = arith.remsi %sub3A_436, %jit3A_437 : i32
    %ne3A_455 = arith.constant 0 : i32
    %ne3A_456 = arith.cmpi ne, %rem3A_454, %ne3A_455 : i32
    %and3A_457 = arith.andi %ne3A_453, %ne3A_456 : i1
    %sub3A_458 = arith.constant 1 : i32
    %sub3A_459 = arith.subi %div3A_438, %sub3A_458 : i32
    %select_n3A_460 = arith.select %and3A_457, %sub3A_459, %div3A_438 : i32
    %jit3A_461 = arith.constant 0 : i32
    %select_n3A_462 = arith.select %and3A_431, %select_n3A_460, %jit3A_461 : i32
    %while3A_463 = arith.constant 0 : i32
    %while3A_464 = arith.constant 0 : i32
    %while3A_465 = arith.subi %select_n3A_462, %while3A_463 : i32
    %while3A_466 = arith.addi %while3A_463, %while3A_465 : i32
    %while3A_467 = arith.constant 1 : i32
    %while3A_468 = arith.divsi %while3A_465, %while3A_467 : i32
    %while3A_469 = arith.muli %while3A_468, %while3A_467 : i32
    %while3A_470 = arith.addi %while3A_463, %while3A_469 : i32
    %while3A_471 = arith.constant 1 : i32
    %while3A_472 = scf.for %while3A_960 = %while3A_463 to %while3A_470 step %while3A_471 iter_args(%while3A_961 = %while3A_464) -> (i32)  : i32 {
      %mul3A_962 = arith.constant 16 : i32
      %mul3A_963 = arith.muli %while3A_960, %mul3A_962 : i32
      %add3A_964 = arith.addi %multiple_of3A, %mul3A_963 : i32
      %mul3A_965 = arith.constant 16 : i32
      %mul3A_966 = arith.muli %while3A_960, %mul3A_965 : i32
      %dma_start3A_967 = arith.constant 0 : i32
      %dma_start3A_968 = tpu.memref_slice %arg6[%mul3A_966, %dma_start3A_967] : memref<272x128xf32, #tpu.memory_space<vmem>> -> memref<16x128xf32, #tpu.memory_space<vmem>>
      %dma_start3A_969 = arith.constant 0 : i32
      %dma_start3A_970 = tpu.memref_slice %arg3[%add3A_964, %dma_start3A_969] : memref<320000x128xf32, #tpu.memory_space<hbm>> -> memref<16x128xf32, #tpu.memory_space<hbm>>
      %dma_start3A_971 = arith.constant 0 : i32
      %dma_start3A_972 = tpu.memref_slice %arg6[%mul3A_966, %dma_start3A_971] : memref<272x128xf32, #tpu.memory_space<vmem>> -> memref<16x128xf32, #tpu.memory_space<vmem>>
      %dma_start3A_973 = arith.constant 0 : i32
      %dma_start3A_974 = tpu.memref_slice %arg3[%add3A_964, %dma_start3A_973] : memref<320000x128xf32, #tpu.memory_space<hbm>> -> memref<16x128xf32, #tpu.memory_space<hbm>>
      tpu.enqueue_dma source(%dma_start3A_974 : memref<16x128xf32, #tpu.memory_space<hbm>>) target(%dma_start3A_972 : memref<16x128xf32, #tpu.memory_space<vmem>>) target_semaphore(%arg12 : memref<!tpu.dma_semaphore, #tpu.memory_space<semaphore_mem>>)
      %while3A_975 = arith.constant 0 : i32
      scf.yield %while3A_975 : i32
    }
    %while3A_473 = arith.constant 1 : i32
    %while3A_474 = scf.for %while3A_960 = %while3A_470 to %while3A_466 step %while3A_473 iter_args(%while3A_961 = %while3A_472) -> (i32)  : i32 {
      %mul3A_962 = arith.constant 16 : i32
      %mul3A_963 = arith.muli %while3A_960, %mul3A_962 : i32
      %add3A_964 = arith.addi %multiple_of3A, %mul3A_963 : i32
      %mul3A_965 = arith.constant 16 : i32
      %mul3A_966 = arith.muli %while3A_960, %mul3A_965 : i32
      %dma_start3A_967 = arith.constant 0 : i32
      %dma_start3A_968 = tpu.memref_slice %arg6[%mul3A_966, %dma_start3A_967] : memref<272x128xf32, #tpu.memory_space<vmem>> -> memref<16x128xf32, #tpu.memory_space<vmem>>
      %dma_start3A_969 = arith.constant 0 : i32
      %dma_start3A_970 = tpu.memref_slice %arg3[%add3A_964, %dma_start3A_969] : memref<320000x128xf32, #tpu.memory_space<hbm>> -> memref<16x128xf32, #tpu.memory_space<hbm>>
      %dma_start3A_971 = arith.constant 0 : i32
      %dma_start3A_972 = tpu.memref_slice %arg6[%mul3A_966, %dma_start3A_971] : memref<272x128xf32, #tpu.memory_space<vmem>> -> memref<16x128xf32, #tpu.memory_space<vmem>>
      %dma_start3A_973 = arith.constant 0 : i32
      %dma_start3A_974 = tpu.memref_slice %arg3[%add3A_964, %dma_start3A_973] : memref<320000x128xf32, #tpu.memory_space<hbm>> -> memref<16x128xf32, #tpu.memory_space<hbm>>
      tpu.enqueue_dma source(%dma_start3A_974 : memref<16x128xf32, #tpu.memory_space<hbm>>) target(%dma_start3A_972 : memref<16x128xf32, #tpu.memory_space<vmem>>) target_semaphore(%arg12 : memref<!tpu.dma_semaphore, #tpu.memory_space<semaphore_mem>>)
      %while3A_975 = arith.constant 0 : i32
      scf.yield %while3A_975 : i32
    }
    %add3A_475 = arith.constant 0 : i32
    %add3A_476 = arith.addi %mul3A_2, %add3A_475 : i32
    %get3A_477 = arith.index_cast %add3A_476 : i32 to index
    %get3A_478 = tpu.vector_load %arg5[%get3A_477] {strides = array<i32>} : memref<10256xi32, #tpu.memory_space<vmem>>, vector<16xi32>,
    %get3A_479 = vector.shape_cast %get3A_478 : vector<16xi32> to vector<16xi32>
    %add3A_480 = arith.constant 1 : i32
    %add3A_481 = vector.broadcast %add3A_480 : i32 to vector<16xi32>
    %add3A_482 = arith.addi %get3A_479, %add3A_481 : vector<16xi32>
    %lt3A_483 = arith.constant 8 : i32
    %lt3A_484 = vector.broadcast %lt3A_483 : i32 to vector<16xi32>
    %lt3A_485 = arith.cmpi slt, %iota3A_237, %lt3A_484 : vector<16xi32>
    %jit3A_486 = arith.constant 0 : i32
    %broadcast_in_dim3A_487 = vector.broadcast %jit3A_486 : i32 to vector<16xi32>
    %select_n3A_488 = arith.select %lt3A_485, %add3A_482, %broadcast_in_dim3A_487 : vector<16xi1>, vector<16xi32>
    %iota3A_489 = tpu.iota {dimensions = array<i32: 0>} : vector<16xi32>
    %add3A_490 = arith.constant 1 : i32
    %add3A_491 = vector.broadcast %add3A_490 : i32 to vector<16xi32>
    %add3A_492 = arith.addi %iota3A_489, %add3A_491 : vector<16xi32>
    %jit3A_493 = arith.constant 16 : i32
    %eq3A_494 = arith.constant 0 : i32
    %eq3A_495 = arith.cmpi eq, %jit3A_493, %eq3A_494 : i32
    %jit3A_496 = arith.constant 1 : i32
    %select_n3A_497 = arith.select %eq3A_495, %jit3A_496, %jit3A_493 : i32
    %rem3A_498 = vector.broadcast %select_n3A_497 : i32 to vector<16xi32>
    %rem3A_499 = arith.remsi %add3A_492, %rem3A_498 : vector<16xi32>
    %ne3A_500 = arith.constant 0 : i32
    %ne3A_501 = vector.broadcast %ne3A_500 : i32 to vector<16xi32>
    %ne3A_502 = arith.cmpi ne, %rem3A_499, %ne3A_501 : vector<16xi32>
    %lt3A_503 = arith.constant 0 : i32
    %lt3A_504 = vector.broadcast %lt3A_503 : i32 to vector<16xi32>
    %lt3A_505 = arith.cmpi slt, %rem3A_499, %lt3A_504 : vector<16xi32>
    %lt3A_506 = arith.constant 0 : i32
    %lt3A_507 = arith.cmpi slt, %select_n3A_497, %lt3A_506 : i32
    %ne3A_508 = vector.broadcast %lt3A_507 : i1 to vector<16xi1>
    %ne3A_509 = vector.broadcast %ne3A_508 : vector<16xi1> to vector<16xi1>
    %ne3A_510 = arith.xori %lt3A_505, %ne3A_509 : vector<16xi1>
    %and3A_511 = arith.andi %ne3A_510, %ne3A_502 : vector<16xi1>
    %add3A_512 = vector.broadcast %select_n3A_497 : i32 to vector<16xi32>
    %add3A_513 = arith.addi %rem3A_499, %add3A_512 : vector<16xi32>
    %select_n3A_514 = arith.select %and3A_511, %add3A_513, %rem3A_499 : vector<16xi1>, vector<16xi32>
    %lt3A_515 = arith.constant 0 : i32
    %lt3A_516 = vector.broadcast %lt3A_515 : i32 to vector<16xi32>
    %lt3A_517 = arith.cmpi slt, %select_n3A_514, %lt3A_516 : vector<16xi32>
    %add3A_518 = arith.constant 16 : i32
    %add3A_519 = vector.broadcast %add3A_518 : i32 to vector<16xi32>
    %add3A_520 = arith.addi %select_n3A_514, %add3A_519 : vector<16xi32>
    %select_n3A_521 = arith.select %lt3A_517, %add3A_520, %select_n3A_514 : vector<16xi1>, vector<16xi32>
    %broadcast_in_dim3A_522 = vector.shape_cast %select_n3A_521 : vector<16xi32> to vector<16x1xi32>
    %gather3A_523 = vector.shape_cast %broadcast_in_dim3A_522 : vector<16x1xi32> to vector<16xi32>
    %gather3A_524 = tpu.dynamic_gather %select_n3A_488[%gather3A_523] in [0] : vector<16xi32>, vector<16xi32> -> vector<16xi32>
    %add3A_525 = arith.addi %select_n3A_488, %gather3A_524 : vector<16xi32>
    %add3A_526 = arith.constant 2 : i32
    %add3A_527 = vector.broadcast %add3A_526 : i32 to vector<16xi32>
    %add3A_528 = arith.addi %iota3A_489, %add3A_527 : vector<16xi32>
    %jit3A_529 = arith.constant 16 : i32
    %eq3A_530 = arith.constant 0 : i32
    %eq3A_531 = arith.cmpi eq, %jit3A_529, %eq3A_530 : i32
    %jit3A_532 = arith.constant 1 : i32
    %select_n3A_533 = arith.select %eq3A_531, %jit3A_532, %jit3A_529 : i32
    %rem3A_534 = vector.broadcast %select_n3A_533 : i32 to vector<16xi32>
    %rem3A_535 = arith.remsi %add3A_528, %rem3A_534 : vector<16xi32>
    %ne3A_536 = arith.constant 0 : i32
    %ne3A_537 = vector.broadcast %ne3A_536 : i32 to vector<16xi32>
    %ne3A_538 = arith.cmpi ne, %rem3A_535, %ne3A_537 : vector<16xi32>
    %lt3A_539 = arith.constant 0 : i32
    %lt3A_540 = vector.broadcast %lt3A_539 : i32 to vector<16xi32>
    %lt3A_541 = arith.cmpi slt, %rem3A_535, %lt3A_540 : vector<16xi32>
    %lt3A_542 = arith.constant 0 : i32
    %lt3A_543 = arith.cmpi slt, %select_n3A_533, %lt3A_542 : i32
    %ne3A_544 = vector.broadcast %lt3A_543 : i1 to vector<16xi1>
    %ne3A_545 = vector.broadcast %ne3A_544 : vector<16xi1> to vector<16xi1>
    %ne3A_546 = arith.xori %lt3A_541, %ne3A_545 : vector<16xi1>
    %and3A_547 = arith.andi %ne3A_546, %ne3A_538 : vector<16xi1>
    %add3A_548 = vector.broadcast %select_n3A_533 : i32 to vector<16xi32>
    %add3A_549 = arith.addi %rem3A_535, %add3A_548 : vector<16xi32>
    %select_n3A_550 = arith.select %and3A_547, %add3A_549, %rem3A_535 : vector<16xi1>, vector<16xi32>
    %lt3A_551 = arith.constant 0 : i32
    %lt3A_552 = vector.broadcast %lt3A_551 : i32 to vector<16xi32>
    %lt3A_553 = arith.cmpi slt, %select_n3A_550, %lt3A_552 : vector<16xi32>
    %add3A_554 = arith.constant 16 : i32
    %add3A_555 = vector.broadcast %add3A_554 : i32 to vector<16xi32>
    %add3A_556 = arith.addi %select_n3A_550, %add3A_555 : vector<16xi32>
    %select_n3A_557 = arith.select %lt3A_553, %add3A_556, %select_n3A_550 : vector<16xi1>, vector<16xi32>
    %broadcast_in_dim3A_558 = vector.shape_cast %select_n3A_557 : vector<16xi32> to vector<16x1xi32>
    %gather3A_559 = vector.shape_cast %broadcast_in_dim3A_558 : vector<16x1xi32> to vector<16xi32>
    %gather3A_560 = tpu.dynamic_gather %add3A_525[%gather3A_559] in [0] : vector<16xi32>, vector<16xi32> -> vector<16xi32>
    %add3A_561 = arith.addi %add3A_525, %gather3A_560 : vector<16xi32>
    %add3A_562 = arith.constant 4 : i32
    %add3A_563 = vector.broadcast %add3A_562 : i32 to vector<16xi32>
    %add3A_564 = arith.addi %iota3A_489, %add3A_563 : vector<16xi32>
    %jit3A_565 = arith.constant 16 : i32
    %eq3A_566 = arith.constant 0 : i32
    %eq3A_567 = arith.cmpi eq, %jit3A_565, %eq3A_566 : i32
    %jit3A_568 = arith.constant 1 : i32
    %select_n3A_569 = arith.select %eq3A_567, %jit3A_568, %jit3A_565 : i32
    %rem3A_570 = vector.broadcast %select_n3A_569 : i32 to vector<16xi32>
    %rem3A_571 = arith.remsi %add3A_564, %rem3A_570 : vector<16xi32>
    %ne3A_572 = arith.constant 0 : i32
    %ne3A_573 = vector.broadcast %ne3A_572 : i32 to vector<16xi32>
    %ne3A_574 = arith.cmpi ne, %rem3A_571, %ne3A_573 : vector<16xi32>
    %lt3A_575 = arith.constant 0 : i32
    %lt3A_576 = vector.broadcast %lt3A_575 : i32 to vector<16xi32>
    %lt3A_577 = arith.cmpi slt, %rem3A_571, %lt3A_576 : vector<16xi32>
    %lt3A_578 = arith.constant 0 : i32
    %lt3A_579 = arith.cmpi slt, %select_n3A_569, %lt3A_578 : i32
    %ne3A_580 = vector.broadcast %lt3A_579 : i1 to vector<16xi1>
    %ne3A_581 = vector.broadcast %ne3A_580 : vector<16xi1> to vector<16xi1>
    %ne3A_582 = arith.xori %lt3A_577, %ne3A_581 : vector<16xi1>
    %and3A_583 = arith.andi %ne3A_582, %ne3A_574 : vector<16xi1>
    %add3A_584 = vector.broadcast %select_n3A_569 : i32 to vector<16xi32>
    %add3A_585 = arith.addi %rem3A_571, %add3A_584 : vector<16xi32>
    %select_n3A_586 = arith.select %and3A_583, %add3A_585, %rem3A_571 : vector<16xi1>, vector<16xi32>
    %lt3A_587 = arith.constant 0 : i32
    %lt3A_588 = vector.broadcast %lt3A_587 : i32 to vector<16xi32>
    %lt3A_589 = arith.cmpi slt, %select_n3A_586, %lt3A_588 : vector<16xi32>
    %add3A_590 = arith.constant 16 : i32
    %add3A_591 = vector.broadcast %add3A_590 : i32 to vector<16xi32>
    %add3A_592 = arith.addi %select_n3A_586, %add3A_591 : vector<16xi32>
    %select_n3A_593 = arith.select %lt3A_589, %add3A_592, %select_n3A_586 : vector<16xi1>, vector<16xi32>
    %broadcast_in_dim3A_594 = vector.shape_cast %select_n3A_593 : vector<16xi32> to vector<16x1xi32>
    %gather3A_595 = vector.shape_cast %broadcast_in_dim3A_594 : vector<16x1xi32> to vector<16xi32>
    %gather3A_596 = tpu.dynamic_gather %add3A_561[%gather3A_595] in [0] : vector<16xi32>, vector<16xi32> -> vector<16xi32>
    %add3A_597 = arith.addi %add3A_561, %gather3A_596 : vector<16xi32>
    %add3A_598 = arith.constant 8 : i32
    %add3A_599 = vector.broadcast %add3A_598 : i32 to vector<16xi32>
    %add3A_600 = arith.addi %iota3A_489, %add3A_599 : vector<16xi32>
    %jit3A_601 = arith.constant 16 : i32
    %eq3A_602 = arith.constant 0 : i32
    %eq3A_603 = arith.cmpi eq, %jit3A_601, %eq3A_602 : i32
    %jit3A_604 = arith.constant 1 : i32
    %select_n3A_605 = arith.select %eq3A_603, %jit3A_604, %jit3A_601 : i32
    %rem3A_606 = vector.broadcast %select_n3A_605 : i32 to vector<16xi32>
    %rem3A_607 = arith.remsi %add3A_600, %rem3A_606 : vector<16xi32>
    %ne3A_608 = arith.constant 0 : i32
    %ne3A_609 = vector.broadcast %ne3A_608 : i32 to vector<16xi32>
    %ne3A_610 = arith.cmpi ne, %rem3A_607, %ne3A_609 : vector<16xi32>
    %lt3A_611 = arith.constant 0 : i32
    %lt3A_612 = vector.broadcast %lt3A_611 : i32 to vector<16xi32>
    %lt3A_613 = arith.cmpi slt, %rem3A_607, %lt3A_612 : vector<16xi32>
    %lt3A_614 = arith.constant 0 : i32
    %lt3A_615 = arith.cmpi slt, %select_n3A_605, %lt3A_614 : i32
    %ne3A_616 = vector.broadcast %lt3A_615 : i1 to vector<16xi1>
    %ne3A_617 = vector.broadcast %ne3A_616 : vector<16xi1> to vector<16xi1>
    %ne3A_618 = arith.xori %lt3A_613, %ne3A_617 : vector<16xi1>
    %and3A_619 = arith.andi %ne3A_618, %ne3A_610 : vector<16xi1>
    %add3A_620 = vector.broadcast %select_n3A_605 : i32 to vector<16xi32>
    %add3A_621 = arith.addi %rem3A_607, %add3A_620 : vector<16xi32>
    %select_n3A_622 = arith.select %and3A_619, %add3A_621, %rem3A_607 : vector<16xi1>, vector<16xi32>
    %lt3A_623 = arith.constant 0 : i32
    %lt3A_624 = vector.broadcast %lt3A_623 : i32 to vector<16xi32>
    %lt3A_625 = arith.cmpi slt, %select_n3A_622, %lt3A_624 : vector<16xi32>
    %add3A_626 = arith.constant 16 : i32
    %add3A_627 = vector.broadcast %add3A_626 : i32 to vector<16xi32>
    %add3A_628 = arith.addi %select_n3A_622, %add3A_627 : vector<16xi32>
    %select_n3A_629 = arith.select %lt3A_625, %add3A_628, %select_n3A_622 : vector<16xi1>, vector<16xi32>
    %broadcast_in_dim3A_630 = vector.shape_cast %select_n3A_629 : vector<16xi32> to vector<16x1xi32>
    %gather3A_631 = vector.shape_cast %broadcast_in_dim3A_630 : vector<16x1xi32> to vector<16xi32>
    %gather3A_632 = tpu.dynamic_gather %add3A_597[%gather3A_631] in [0] : vector<16xi32>, vector<16xi32> -> vector<16xi32>
    %add3A_633 = arith.addi %add3A_597, %gather3A_632 : vector<16xi32>
    %slice3A_634 = vector.extract_strided_slice %add3A_633 {offsets = [0], sizes = [1], strides = [1]} : vector<16xi32> to vector<1xi32>
    %squeeze3A_635 = vector.extract %slice3A_634[0] : i32 from vector<1xi32>
    %jit3A_636 = arith.constant true
    %jit3A_637 = arith.constant 0 : i32
    %select_n3A_638 = arith.select %jit3A_636, %squeeze3A_635, %jit3A_637 : i32
    %add3A_639 = arith.addi %add3A_236, %select_n3A_638 : i32
    %add3A_640 = arith.constant 8 : i32
    %add3A_641 = arith.addi %mul3A_2, %add3A_640 : i32
    %get3A_642 = arith.index_cast %add3A_641 : i32 to index
    %get3A_643 = tpu.vector_load %arg5[%get3A_642] {strides = array<i32>} : memref<10256xi32, #tpu.memory_space<vmem>>, vector<16xi32>,
    %get3A_644 = vector.shape_cast %get3A_643 : vector<16xi32> to vector<16xi32>
    %add3A_645 = arith.constant 1 : i32
    %add3A_646 = vector.broadcast %add3A_645 : i32 to vector<16xi32>
    %add3A_647 = arith.addi %get3A_644, %add3A_646 : vector<16xi32>
    %lt3A_648 = arith.constant 8 : i32
    %lt3A_649 = vector.broadcast %lt3A_648 : i32 to vector<16xi32>
    %lt3A_650 = arith.cmpi slt, %iota3A_237, %lt3A_649 : vector<16xi32>
    %jit3A_651 = arith.constant 0 : i32
    %broadcast_in_dim3A_652 = vector.broadcast %jit3A_651 : i32 to vector<16xi32>
    %select_n3A_653 = arith.select %lt3A_650, %add3A_647, %broadcast_in_dim3A_652 : vector<16xi1>, vector<16xi32>
    %iota3A_654 = tpu.iota {dimensions = array<i32: 0>} : vector<16xi32>
    %add3A_655 = arith.constant 1 : i32
    %add3A_656 = vector.broadcast %add3A_655 : i32 to vector<16xi32>
    %add3A_657 = arith.addi %iota3A_654, %add3A_656 : vector<16xi32>
    %jit3A_658 = arith.constant 16 : i32
    %eq3A_659 = arith.constant 0 : i32
    %eq3A_660 = arith.cmpi eq, %jit3A_658, %eq3A_659 : i32
    %jit3A_661 = arith.constant 1 : i32
    %select_n3A_662 = arith.select %eq3A_660, %jit3A_661, %jit3A_658 : i32
    %rem3A_663 = vector.broadcast %select_n3A_662 : i32 to vector<16xi32>
    %rem3A_664 = arith.remsi %add3A_657, %rem3A_663 : vector<16xi32>
    %ne3A_665 = arith.constant 0 : i32
    %ne3A_666 = vector.broadcast %ne3A_665 : i32 to vector<16xi32>
    %ne3A_667 = arith.cmpi ne, %rem3A_664, %ne3A_666 : vector<16xi32>
    %lt3A_668 = arith.constant 0 : i32
    %lt3A_669 = vector.broadcast %lt3A_668 : i32 to vector<16xi32>
    %lt3A_670 = arith.cmpi slt, %rem3A_664, %lt3A_669 : vector<16xi32>
    %lt3A_671 = arith.constant 0 : i32
    %lt3A_672 = arith.cmpi slt, %select_n3A_662, %lt3A_671 : i32
    %ne3A_673 = vector.broadcast %lt3A_672 : i1 to vector<16xi1>
    %ne3A_674 = vector.broadcast %ne3A_673 : vector<16xi1> to vector<16xi1>
    %ne3A_675 = arith.xori %lt3A_670, %ne3A_674 : vector<16xi1>
    %and3A_676 = arith.andi %ne3A_675, %ne3A_667 : vector<16xi1>
    %add3A_677 = vector.broadcast %select_n3A_662 : i32 to vector<16xi32>
    %add3A_678 = arith.addi %rem3A_664, %add3A_677 : vector<16xi32>
    %select_n3A_679 = arith.select %and3A_676, %add3A_678, %rem3A_664 : vector<16xi1>, vector<16xi32>
    %lt3A_680 = arith.constant 0 : i32
    %lt3A_681 = vector.broadcast %lt3A_680 : i32 to vector<16xi32>
    %lt3A_682 = arith.cmpi slt, %select_n3A_679, %lt3A_681 : vector<16xi32>
    %add3A_683 = arith.constant 16 : i32
    %add3A_684 = vector.broadcast %add3A_683 : i32 to vector<16xi32>
    %add3A_685 = arith.addi %select_n3A_679, %add3A_684 : vector<16xi32>
    %select_n3A_686 = arith.select %lt3A_682, %add3A_685, %select_n3A_679 : vector<16xi1>, vector<16xi32>
    %broadcast_in_dim3A_687 = vector.shape_cast %select_n3A_686 : vector<16xi32> to vector<16x1xi32>
    %gather3A_688 = vector.shape_cast %broadcast_in_dim3A_687 : vector<16x1xi32> to vector<16xi32>
    %gather3A_689 = tpu.dynamic_gather %select_n3A_653[%gather3A_688] in [0] : vector<16xi32>, vector<16xi32> -> vector<16xi32>
    %add3A_690 = arith.addi %select_n3A_653, %gather3A_689 : vector<16xi32>
    %add3A_691 = arith.constant 2 : i32
    %add3A_692 = vector.broadcast %add3A_691 : i32 to vector<16xi32>
    %add3A_693 = arith.addi %iota3A_654, %add3A_692 : vector<16xi32>
    %jit3A_694 = arith.constant 16 : i32
    %eq3A_695 = arith.constant 0 : i32
    %eq3A_696 = arith.cmpi eq, %jit3A_694, %eq3A_695 : i32
    %jit3A_697 = arith.constant 1 : i32
    %select_n3A_698 = arith.select %eq3A_696, %jit3A_697, %jit3A_694 : i32
    %rem3A_699 = vector.broadcast %select_n3A_698 : i32 to vector<16xi32>
    %rem3A_700 = arith.remsi %add3A_693, %rem3A_699 : vector<16xi32>
    %ne3A_701 = arith.constant 0 : i32
    %ne3A_702 = vector.broadcast %ne3A_701 : i32 to vector<16xi32>
    %ne3A_703 = arith.cmpi ne, %rem3A_700, %ne3A_702 : vector<16xi32>
    %lt3A_704 = arith.constant 0 : i32
    %lt3A_705 = vector.broadcast %lt3A_704 : i32 to vector<16xi32>
    %lt3A_706 = arith.cmpi slt, %rem3A_700, %lt3A_705 : vector<16xi32>
    %lt3A_707 = arith.constant 0 : i32
    %lt3A_708 = arith.cmpi slt, %select_n3A_698, %lt3A_707 : i32
    %ne3A_709 = vector.broadcast %lt3A_708 : i1 to vector<16xi1>
    %ne3A_710 = vector.broadcast %ne3A_709 : vector<16xi1> to vector<16xi1>
    %ne3A_711 = arith.xori %lt3A_706, %ne3A_710 : vector<16xi1>
    %and3A_712 = arith.andi %ne3A_711, %ne3A_703 : vector<16xi1>
    %add3A_713 = vector.broadcast %select_n3A_698 : i32 to vector<16xi32>
    %add3A_714 = arith.addi %rem3A_700, %add3A_713 : vector<16xi32>
    %select_n3A_715 = arith.select %and3A_712, %add3A_714, %rem3A_700 : vector<16xi1>, vector<16xi32>
    %lt3A_716 = arith.constant 0 : i32
    %lt3A_717 = vector.broadcast %lt3A_716 : i32 to vector<16xi32>
    %lt3A_718 = arith.cmpi slt, %select_n3A_715, %lt3A_717 : vector<16xi32>
    %add3A_719 = arith.constant 16 : i32
    %add3A_720 = vector.broadcast %add3A_719 : i32 to vector<16xi32>
    %add3A_721 = arith.addi %select_n3A_715, %add3A_720 : vector<16xi32>
    %select_n3A_722 = arith.select %lt3A_718, %add3A_721, %select_n3A_715 : vector<16xi1>, vector<16xi32>
    %broadcast_in_dim3A_723 = vector.shape_cast %select_n3A_722 : vector<16xi32> to vector<16x1xi32>
    %gather3A_724 = vector.shape_cast %broadcast_in_dim3A_723 : vector<16x1xi32> to vector<16xi32>
    %gather3A_725 = tpu.dynamic_gather %add3A_690[%gather3A_724] in [0] : vector<16xi32>, vector<16xi32> -> vector<16xi32>
    %add3A_726 = arith.addi %add3A_690, %gather3A_725 : vector<16xi32>
    %add3A_727 = arith.constant 4 : i32
    %add3A_728 = vector.broadcast %add3A_727 : i32 to vector<16xi32>
    %add3A_729 = arith.addi %iota3A_654, %add3A_728 : vector<16xi32>
    %jit3A_730 = arith.constant 16 : i32
    %eq3A_731 = arith.constant 0 : i32
    %eq3A_732 = arith.cmpi eq, %jit3A_730, %eq3A_731 : i32
    %jit3A_733 = arith.constant 1 : i32
    %select_n3A_734 = arith.select %eq3A_732, %jit3A_733, %jit3A_730 : i32
    %rem3A_735 = vector.broadcast %select_n3A_734 : i32 to vector<16xi32>
    %rem3A_736 = arith.remsi %add3A_729, %rem3A_735 : vector<16xi32>
    %ne3A_737 = arith.constant 0 : i32
    %ne3A_738 = vector.broadcast %ne3A_737 : i32 to vector<16xi32>
    %ne3A_739 = arith.cmpi ne, %rem3A_736, %ne3A_738 : vector<16xi32>
    %lt3A_740 = arith.constant 0 : i32
    %lt3A_741 = vector.broadcast %lt3A_740 : i32 to vector<16xi32>
    %lt3A_742 = arith.cmpi slt, %rem3A_736, %lt3A_741 : vector<16xi32>
    %lt3A_743 = arith.constant 0 : i32
    %lt3A_744 = arith.cmpi slt, %select_n3A_734, %lt3A_743 : i32
    %ne3A_745 = vector.broadcast %lt3A_744 : i1 to vector<16xi1>
    %ne3A_746 = vector.broadcast %ne3A_745 : vector<16xi1> to vector<16xi1>
    %ne3A_747 = arith.xori %lt3A_742, %ne3A_746 : vector<16xi1>
    %and3A_748 = arith.andi %ne3A_747, %ne3A_739 : vector<16xi1>
    %add3A_749 = vector.broadcast %select_n3A_734 : i32 to vector<16xi32>
    %add3A_750 = arith.addi %rem3A_736, %add3A_749 : vector<16xi32>
    %select_n3A_751 = arith.select %and3A_748, %add3A_750, %rem3A_736 : vector<16xi1>, vector<16xi32>
    %lt3A_752 = arith.constant 0 : i32
    %lt3A_753 = vector.broadcast %lt3A_752 : i32 to vector<16xi32>
    %lt3A_754 = arith.cmpi slt, %select_n3A_751, %lt3A_753 : vector<16xi32>
    %add3A_755 = arith.constant 16 : i32
    %add3A_756 = vector.broadcast %add3A_755 : i32 to vector<16xi32>
    %add3A_757 = arith.addi %select_n3A_751, %add3A_756 : vector<16xi32>
    %select_n3A_758 = arith.select %lt3A_754, %add3A_757, %select_n3A_751 : vector<16xi1>, vector<16xi32>
    %broadcast_in_dim3A_759 = vector.shape_cast %select_n3A_758 : vector<16xi32> to vector<16x1xi32>
    %gather3A_760 = vector.shape_cast %broadcast_in_dim3A_759 : vector<16x1xi32> to vector<16xi32>
    %gather3A_761 = tpu.dynamic_gather %add3A_726[%gather3A_760] in [0] : vector<16xi32>, vector<16xi32> -> vector<16xi32>
    %add3A_762 = arith.addi %add3A_726, %gather3A_761 : vector<16xi32>
    %add3A_763 = arith.constant 8 : i32
    %add3A_764 = vector.broadcast %add3A_763 : i32 to vector<16xi32>
    %add3A_765 = arith.addi %iota3A_654, %add3A_764 : vector<16xi32>
    %jit3A_766 = arith.constant 16 : i32
    %eq3A_767 = arith.constant 0 : i32
    %eq3A_768 = arith.cmpi eq, %jit3A_766, %eq3A_767 : i32
    %jit3A_769 = arith.constant 1 : i32
    %select_n3A_770 = arith.select %eq3A_768, %jit3A_769, %jit3A_766 : i32
    %rem3A_771 = vector.broadcast %select_n3A_770 : i32 to vector<16xi32>
    %rem3A_772 = arith.remsi %add3A_765, %rem3A_771 : vector<16xi32>
    %ne3A_773 = arith.constant 0 : i32
    %ne3A_774 = vector.broadcast %ne3A_773 : i32 to vector<16xi32>
    %ne3A_775 = arith.cmpi ne, %rem3A_772, %ne3A_774 : vector<16xi32>
    %lt3A_776 = arith.constant 0 : i32
    %lt3A_777 = vector.broadcast %lt3A_776 : i32 to vector<16xi32>
    %lt3A_778 = arith.cmpi slt, %rem3A_772, %lt3A_777 : vector<16xi32>
    %lt3A_779 = arith.constant 0 : i32
    %lt3A_780 = arith.cmpi slt, %select_n3A_770, %lt3A_779 : i32
    %ne3A_781 = vector.broadcast %lt3A_780 : i1 to vector<16xi1>
    %ne3A_782 = vector.broadcast %ne3A_781 : vector<16xi1> to vector<16xi1>
    %ne3A_783 = arith.xori %lt3A_778, %ne3A_782 : vector<16xi1>
    %and3A_784 = arith.andi %ne3A_783, %ne3A_775 : vector<16xi1>
    %add3A_785 = vector.broadcast %select_n3A_770 : i32 to vector<16xi32>
    %add3A_786 = arith.addi %rem3A_772, %add3A_785 : vector<16xi32>
    %select_n3A_787 = arith.select %and3A_784, %add3A_786, %rem3A_772 : vector<16xi1>, vector<16xi32>
    %lt3A_788 = arith.constant 0 : i32
    %lt3A_789 = vector.broadcast %lt3A_788 : i32 to vector<16xi32>
    %lt3A_790 = arith.cmpi slt, %select_n3A_787, %lt3A_789 : vector<16xi32>
    %add3A_791 = arith.constant 16 : i32
    %add3A_792 = vector.broadcast %add3A_791 : i32 to vector<16xi32>
    %add3A_793 = arith.addi %select_n3A_787, %add3A_792 : vector<16xi32>
    %select_n3A_794 = arith.select %lt3A_790, %add3A_793, %select_n3A_787 : vector<16xi1>, vector<16xi32>
    %broadcast_in_dim3A_795 = vector.shape_cast %select_n3A_794 : vector<16xi32> to vector<16x1xi32>
    %gather3A_796 = vector.shape_cast %broadcast_in_dim3A_795 : vector<16x1xi32> to vector<16xi32>
    %gather3A_797 = tpu.dynamic_gather %add3A_762[%gather3A_796] in [0] : vector<16xi32>, vector<16xi32> -> vector<16xi32>
    %add3A_798 = arith.addi %add3A_762, %gather3A_797 : vector<16xi32>
    %slice3A_799 = vector.extract_strided_slice %add3A_798 {offsets = [0], sizes = [1], strides = [1]} : vector<16xi32> to vector<1xi32>
    %squeeze3A_800 = vector.extract %slice3A_799[0] : i32 from vector<1xi32>
    %jit3A_801 = arith.constant true
    %jit3A_802 = arith.constant 0 : i32
    %select_n3A_803 = arith.select %jit3A_801, %squeeze3A_800, %jit3A_802 : i32
    %jit3A_804 = arith.constant 8 : i32
    %div3A_805 = arith.divsi %add3A_639, %jit3A_804 : i32
    %sign3A_806 = arith.constant 0 : i32
    %sign3A_807 = arith.cmpi sgt, %add3A_639, %sign3A_806 : i32
    %sign3A_808 = arith.extui %sign3A_807 : i1 to i32
    %sign3A_809 = arith.constant 0 : i32
    %sign3A_810 = arith.cmpi slt, %add3A_639, %sign3A_809 : i32
    %sign3A_811 = arith.extui %sign3A_810 : i1 to i32
    %sign3A_812 = arith.subi %sign3A_808, %sign3A_811 : i32
    %sign3A_813 = arith.constant 0 : i32
    %sign3A_814 = arith.cmpi sgt, %jit3A_804, %sign3A_813 : i32
    %sign3A_815 = arith.extui %sign3A_814 : i1 to i32
    %sign3A_816 = arith.constant 0 : i32
    %sign3A_817 = arith.cmpi slt, %jit3A_804, %sign3A_816 : i32
    %sign3A_818 = arith.extui %sign3A_817 : i1 to i32
    %sign3A_819 = arith.subi %sign3A_815, %sign3A_818 : i32
    %ne3A_820 = arith.cmpi ne, %sign3A_812, %sign3A_819 : i32
    %rem3A_821 = arith.remsi %add3A_639, %jit3A_804 : i32
    %ne3A_822 = arith.constant 0 : i32
    %ne3A_823 = arith.cmpi ne, %rem3A_821, %ne3A_822 : i32
    %and3A_824 = arith.andi %ne3A_820, %ne3A_823 : i1
    %sub3A_825 = arith.constant 1 : i32
    %sub3A_826 = arith.subi %div3A_805, %sub3A_825 : i32
    %select_n3A_827 = arith.select %and3A_824, %sub3A_826, %div3A_805 : i32
    %mul3A_828 = arith.constant 8 : i32
    %mul3A_829 = arith.muli %select_n3A_827, %mul3A_828 : i32
    %min3A_830 = arith.constant 319728 : i32
    %min3A_831 = arith.minsi %mul3A_829, %min3A_830 : i32
    %multiple_of3A_832 = tpu.assume_multiple %min3A_831, 8 : i32
    %sub3A_833 = arith.subi %add3A_639, %multiple_of3A_832 : i32
    %gt3A_834 = arith.constant 0 : i32
    %gt3A_835 = arith.cmpi sgt, %select_n3A_803, %gt3A_834 : i32
    %and3A_836 = arith.constant true
    %and3A_837 = arith.andi %and3A_836, %gt3A_835 : i1
    %add3A_838 = arith.addi %sub3A_833, %select_n3A_803 : i32
    %add3A_839 = arith.constant 16 : i32
    %add3A_840 = arith.addi %add3A_838, %add3A_839 : i32
    %sub3A_841 = arith.constant 1 : i32
    %sub3A_842 = arith.subi %add3A_840, %sub3A_841 : i32
    %jit3A_843 = arith.constant 16 : i32
    %div3A_844 = arith.divsi %sub3A_842, %jit3A_843 : i32
    %sign3A_845 = arith.constant 0 : i32
    %sign3A_846 = arith.cmpi sgt, %sub3A_842, %sign3A_845 : i32
    %sign3A_847 = arith.extui %sign3A_846 : i1 to i32
    %sign3A_848 = arith.constant 0 : i32
    %sign3A_849 = arith.cmpi slt, %sub3A_842, %sign3A_848 : i32
    %sign3A_850 = arith.extui %sign3A_849 : i1 to i32
    %sign3A_851 = arith.subi %sign3A_847, %sign3A_850 : i32
    %sign3A_852 = arith.constant 0 : i32
    %sign3A_853 = arith.cmpi sgt, %jit3A_843, %sign3A_852 : i32
    %sign3A_854 = arith.extui %sign3A_853 : i1 to i32
    %sign3A_855 = arith.constant 0 : i32
    %sign3A_856 = arith.cmpi slt, %jit3A_843, %sign3A_855 : i32
    %sign3A_857 = arith.extui %sign3A_856 : i1 to i32
    %sign3A_858 = arith.subi %sign3A_854, %sign3A_857 : i32
    %ne3A_859 = arith.cmpi ne, %sign3A_851, %sign3A_858 : i32
    %rem3A_860 = arith.remsi %sub3A_842, %jit3A_843 : i32
    %ne3A_861 = arith.constant 0 : i32
    %ne3A_862 = arith.cmpi ne, %rem3A_860, %ne3A_861 : i32
    %and3A_863 = arith.andi %ne3A_859, %ne3A_862 : i1
    %sub3A_864 = arith.constant 1 : i32
    %sub3A_865 = arith.subi %div3A_844, %sub3A_864 : i32
    %select_n3A_866 = arith.select %and3A_863, %sub3A_865, %div3A_844 : i32
    %jit3A_867 = arith.constant 0 : i32
    %select_n3A_868 = arith.select %and3A_837, %select_n3A_866, %jit3A_867 : i32
    %while3A_869 = arith.constant 0 : i32
    %while3A_870 = arith.constant 0 : i32
    %while3A_871 = arith.subi %select_n3A_868, %while3A_869 : i32
    %while3A_872 = arith.addi %while3A_869, %while3A_871 : i32
    %while3A_873 = arith.constant 1 : i32
    %while3A_874 = arith.divsi %while3A_871, %while3A_873 : i32
    %while3A_875 = arith.muli %while3A_874, %while3A_873 : i32
    %while3A_876 = arith.addi %while3A_869, %while3A_875 : i32
    %while3A_877 = arith.constant 1 : i32
    %while3A_878 = scf.for %while3A_960 = %while3A_869 to %while3A_876 step %while3A_877 iter_args(%while3A_961 = %while3A_870) -> (i32)  : i32 {
      %mul3A_962 = arith.constant 16 : i32
      %mul3A_963 = arith.muli %while3A_960, %mul3A_962 : i32
      %add3A_964 = arith.addi %multiple_of3A_832, %mul3A_963 : i32
      %mul3A_965 = arith.constant 16 : i32
      %mul3A_966 = arith.muli %while3A_960, %mul3A_965 : i32
      %dma_start3A_967 = arith.constant 0 : i32
      %dma_start3A_968 = tpu.memref_slice %arg7[%mul3A_966, %dma_start3A_967] : memref<272x128xf32, #tpu.memory_space<vmem>> -> memref<16x128xf32, #tpu.memory_space<vmem>>
      %dma_start3A_969 = arith.constant 0 : i32
      %dma_start3A_970 = tpu.memref_slice %arg3[%add3A_964, %dma_start3A_969] : memref<320000x128xf32, #tpu.memory_space<hbm>> -> memref<16x128xf32, #tpu.memory_space<hbm>>
      %dma_start3A_971 = arith.constant 0 : i32
      %dma_start3A_972 = tpu.memref_slice %arg7[%mul3A_966, %dma_start3A_971] : memref<272x128xf32, #tpu.memory_space<vmem>> -> memref<16x128xf32, #tpu.memory_space<vmem>>
      %dma_start3A_973 = arith.constant 0 : i32
      %dma_start3A_974 = tpu.memref_slice %arg3[%add3A_964, %dma_start3A_973] : memref<320000x128xf32, #tpu.memory_space<hbm>> -> memref<16x128xf32, #tpu.memory_space<hbm>>
      tpu.enqueue_dma source(%dma_start3A_974 : memref<16x128xf32, #tpu.memory_space<hbm>>) target(%dma_start3A_972 : memref<16x128xf32, #tpu.memory_space<vmem>>) target_semaphore(%arg13 : memref<!tpu.dma_semaphore, #tpu.memory_space<semaphore_mem>>)
      %while3A_975 = arith.constant 0 : i32
      scf.yield %while3A_975 : i32
    }
    %while3A_879 = arith.constant 1 : i32
    %while3A_880 = scf.for %while3A_960 = %while3A_876 to %while3A_872 step %while3A_879 iter_args(%while3A_961 = %while3A_878) -> (i32)  : i32 {
      %mul3A_962 = arith.constant 16 : i32
      %mul3A_963 = arith.muli %while3A_960, %mul3A_962 : i32
      %add3A_964 = arith.addi %multiple_of3A_832, %mul3A_963 : i32
      %mul3A_965 = arith.constant 16 : i32
      %mul3A_966 = arith.muli %while3A_960, %mul3A_965 : i32
      %dma_start3A_967 = arith.constant 0 : i32
      %dma_start3A_968 = tpu.memref_slice %arg7[%mul3A_966, %dma_start3A_967] : memref<272x128xf32, #tpu.memory_space<vmem>> -> memref<16x128xf32, #tpu.memory_space<vmem>>
      %dma_start3A_969 = arith.constant 0 : i32
      %dma_start3A_970 = tpu.memref_slice %arg3[%add3A_964, %dma_start3A_969] : memref<320000x128xf32, #tpu.memory_space<hbm>> -> memref<16x128xf32, #tpu.memory_space<hbm>>
      %dma_start3A_971 = arith.constant 0 : i32
      %dma_start3A_972 = tpu.memref_slice %arg7[%mul3A_966, %dma_start3A_971] : memref<272x128xf32, #tpu.memory_space<vmem>> -> memref<16x128xf32, #tpu.memory_space<vmem>>
      %dma_start3A_973 = arith.constant 0 : i32
      %dma_start3A_974 = tpu.memref_slice %arg3[%add3A_964, %dma_start3A_973] : memref<320000x128xf32, #tpu.memory_space<hbm>> -> memref<16x128xf32, #tpu.memory_space<hbm>>
      tpu.enqueue_dma source(%dma_start3A_974 : memref<16x128xf32, #tpu.memory_space<hbm>>) target(%dma_start3A_972 : memref<16x128xf32, #tpu.memory_space<vmem>>) target_semaphore(%arg13 : memref<!tpu.dma_semaphore, #tpu.memory_space<semaphore_mem>>)
      %while3A_975 = arith.constant 0 : i32
      scf.yield %while3A_975 : i32
    }
    %scan3A = arith.constant 0 : i32
    %scan3A_881 = arith.constant 13 : i32
    %scan3A_882 = arith.addi %scan3A, %scan3A_881 : i32
    %scan3A_883 = arith.constant 1 : i32
    %scan3A_884:4 = scf.for %scan3A_960 = %scan3A to %scan3A_882 step %scan3A_883 iter_args(%scan3A_961 = %add3A_236, %scan3A_962 = %select_n3A_462, %scan3A_963 = %add3A_639, %scan3A_964 = %select_n3A_868) -> (i32, i32, i32, i32)  : i32 {
      %mul3A_965 = arith.constant 3 : i32
      %mul3A_966 = arith.muli %mul3A_965, %scan3A_960 : i32
      %add3A_967 = arith.constant 0 : i32
      %add3A_968 = arith.addi %mul3A_966, %add3A_967 : i32
      %add3A_969 = arith.constant 1 : i32
      %add3A_970 = arith.addi %add3A_968, %add3A_969 : i32
      %mul3A_971 = arith.constant 8 : i32
      %mul3A_972 = arith.muli %add3A_970, %mul3A_971 : i32
      %add3A_973 = arith.addi %mul3A_2, %mul3A_972 : i32
      %get3A_974 = arith.index_cast %add3A_973 : i32 to index
      %get3A_975 = tpu.vector_load %arg5[%get3A_974] {strides = array<i32>} : memref<10256xi32, #tpu.memory_space<vmem>>, vector<16xi32>,
      %get3A_976 = vector.shape_cast %get3A_975 : vector<16xi32> to vector<16xi32>
      %add3A_977 = arith.constant 1 : i32
      %add3A_978 = vector.broadcast %add3A_977 : i32 to vector<16xi32>
      %add3A_979 = arith.addi %get3A_976, %add3A_978 : vector<16xi32>
      %lt3A_980 = arith.constant 8 : i32
      %lt3A_981 = vector.broadcast %lt3A_980 : i32 to vector<16xi32>
      %lt3A_982 = arith.cmpi slt, %iota3A_237, %lt3A_981 : vector<16xi32>
      %jit3A_983 = arith.constant 0 : i32
      %broadcast_in_dim3A_984 = vector.broadcast %jit3A_983 : i32 to vector<16xi32>
      %select_n3A_985 = arith.select %lt3A_982, %add3A_979, %broadcast_in_dim3A_984 : vector<16xi1>, vector<16xi32>
      %iota3A_986 = tpu.iota {dimensions = array<i32: 0>} : vector<16xi32>
      %add3A_987 = arith.constant 1 : i32
      %add3A_988 = vector.broadcast %add3A_987 : i32 to vector<16xi32>
      %add3A_989 = arith.addi %iota3A_986, %add3A_988 : vector<16xi32>
      %jit3A_990 = arith.constant 16 : i32
      %eq3A_991 = arith.constant 0 : i32
      %eq3A_992 = arith.cmpi eq, %jit3A_990, %eq3A_991 : i32
      %jit3A_993 = arith.constant 1 : i32
      %select_n3A_994 = arith.select %eq3A_992, %jit3A_993, %jit3A_990 : i32
      %rem3A_995 = vector.broadcast %select_n3A_994 : i32 to vector<16xi32>
      %rem3A_996 = arith.remsi %add3A_989, %rem3A_995 : vector<16xi32>
      %ne3A_997 = arith.constant 0 : i32
      %ne3A_998 = vector.broadcast %ne3A_997 : i32 to vector<16xi32>
      %ne3A_999 = arith.cmpi ne, %rem3A_996, %ne3A_998 : vector<16xi32>
      %lt3A_1000 = arith.constant 0 : i32
      %lt3A_1001 = vector.broadcast %lt3A_1000 : i32 to vector<16xi32>
      %lt3A_1002 = arith.cmpi slt, %rem3A_996, %lt3A_1001 : vector<16xi32>
      %lt3A_1003 = arith.constant 0 : i32
      %lt3A_1004 = arith.cmpi slt, %select_n3A_994, %lt3A_1003 : i32
      %ne3A_1005 = vector.broadcast %lt3A_1004 : i1 to vector<16xi1>
      %ne3A_1006 = vector.broadcast %ne3A_1005 : vector<16xi1> to vector<16xi1>
      %ne3A_1007 = arith.xori %lt3A_1002, %ne3A_1006 : vector<16xi1>
      %and3A_1008 = arith.andi %ne3A_1007, %ne3A_999 : vector<16xi1>
      %add3A_1009 = vector.broadcast %select_n3A_994 : i32 to vector<16xi32>
      %add3A_1010 = arith.addi %rem3A_996, %add3A_1009 : vector<16xi32>
      %select_n3A_1011 = arith.select %and3A_1008, %add3A_1010, %rem3A_996 : vector<16xi1>, vector<16xi32>
      %lt3A_1012 = arith.constant 0 : i32
      %lt3A_1013 = vector.broadcast %lt3A_1012 : i32 to vector<16xi32>
      %lt3A_1014 = arith.cmpi slt, %select_n3A_1011, %lt3A_1013 : vector<16xi32>
      %add3A_1015 = arith.constant 16 : i32
      %add3A_1016 = vector.broadcast %add3A_1015 : i32 to vector<16xi32>
      %add3A_1017 = arith.addi %select_n3A_1011, %add3A_1016 : vector<16xi32>
      %select_n3A_1018 = arith.select %lt3A_1014, %add3A_1017, %select_n3A_1011 : vector<16xi1>, vector<16xi32>
      %broadcast_in_dim3A_1019 = vector.shape_cast %select_n3A_1018 : vector<16xi32> to vector<16x1xi32>
      %gather3A_1020 = vector.shape_cast %broadcast_in_dim3A_1019 : vector<16x1xi32> to vector<16xi32>
      %gather3A_1021 = tpu.dynamic_gather %select_n3A_985[%gather3A_1020] in [0] : vector<16xi32>, vector<16xi32> -> vector<16xi32>
      %add3A_1022 = arith.addi %select_n3A_985, %gather3A_1021 : vector<16xi32>
      %add3A_1023 = arith.constant 2 : i32
      %add3A_1024 = vector.broadcast %add3A_1023 : i32 to vector<16xi32>
      %add3A_1025 = arith.addi %iota3A_986, %add3A_1024 : vector<16xi32>
      %jit3A_1026 = arith.constant 16 : i32
      %eq3A_1027 = arith.constant 0 : i32
      %eq3A_1028 = arith.cmpi eq, %jit3A_1026, %eq3A_1027 : i32
      %jit3A_1029 = arith.constant 1 : i32
      %select_n3A_1030 = arith.select %eq3A_1028, %jit3A_1029, %jit3A_1026 : i32
      %rem3A_1031 = vector.broadcast %select_n3A_1030 : i32 to vector<16xi32>
      %rem3A_1032 = arith.remsi %add3A_1025, %rem3A_1031 : vector<16xi32>
      %ne3A_1033 = arith.constant 0 : i32
      %ne3A_1034 = vector.broadcast %ne3A_1033 : i32 to vector<16xi32>
      %ne3A_1035 = arith.cmpi ne, %rem3A_1032, %ne3A_1034 : vector<16xi32>
      %lt3A_1036 = arith.constant 0 : i32
      %lt3A_1037 = vector.broadcast %lt3A_1036 : i32 to vector<16xi32>
      %lt3A_1038 = arith.cmpi slt, %rem3A_1032, %lt3A_1037 : vector<16xi32>
      %lt3A_1039 = arith.constant 0 : i32
      %lt3A_1040 = arith.cmpi slt, %select_n3A_1030, %lt3A_1039 : i32
      %ne3A_1041 = vector.broadcast %lt3A_1040 : i1 to vector<16xi1>
      %ne3A_1042 = vector.broadcast %ne3A_1041 : vector<16xi1> to vector<16xi1>
      %ne3A_1043 = arith.xori %lt3A_1038, %ne3A_1042 : vector<16xi1>
      %and3A_1044 = arith.andi %ne3A_1043, %ne3A_1035 : vector<16xi1>
      %add3A_1045 = vector.broadcast %select_n3A_1030 : i32 to vector<16xi32>
      %add3A_1046 = arith.addi %rem3A_1032, %add3A_1045 : vector<16xi32>
      %select_n3A_1047 = arith.select %and3A_1044, %add3A_1046, %rem3A_1032 : vector<16xi1>, vector<16xi32>
      %lt3A_1048 = arith.constant 0 : i32
      %lt3A_1049 = vector.broadcast %lt3A_1048 : i32 to vector<16xi32>
      %lt3A_1050 = arith.cmpi slt, %select_n3A_1047, %lt3A_1049 : vector<16xi32>
      %add3A_1051 = arith.constant 16 : i32
      %add3A_1052 = vector.broadcast %add3A_1051 : i32 to vector<16xi32>
      %add3A_1053 = arith.addi %select_n3A_1047, %add3A_1052 : vector<16xi32>
      %select_n3A_1054 = arith.select %lt3A_1050, %add3A_1053, %select_n3A_1047 : vector<16xi1>, vector<16xi32>
      %broadcast_in_dim3A_1055 = vector.shape_cast %select_n3A_1054 : vector<16xi32> to vector<16x1xi32>
      %gather3A_1056 = vector.shape_cast %broadcast_in_dim3A_1055 : vector<16x1xi32> to vector<16xi32>
      %gather3A_1057 = tpu.dynamic_gather %add3A_1022[%gather3A_1056] in [0] : vector<16xi32>, vector<16xi32> -> vector<16xi32>
      %add3A_1058 = arith.addi %add3A_1022, %gather3A_1057 : vector<16xi32>
      %add3A_1059 = arith.constant 4 : i32
      %add3A_1060 = vector.broadcast %add3A_1059 : i32 to vector<16xi32>
      %add3A_1061 = arith.addi %iota3A_986, %add3A_1060 : vector<16xi32>
      %jit3A_1062 = arith.constant 16 : i32
      %eq3A_1063 = arith.constant 0 : i32
      %eq3A_1064 = arith.cmpi eq, %jit3A_1062, %eq3A_1063 : i32
      %jit3A_1065 = arith.constant 1 : i32
      %select_n3A_1066 = arith.select %eq3A_1064, %jit3A_1065, %jit3A_1062 : i32
      %rem3A_1067 = vector.broadcast %select_n3A_1066 : i32 to vector<16xi32>
      %rem3A_1068 = arith.remsi %add3A_1061, %rem3A_1067 : vector<16xi32>
      %ne3A_1069 = arith.constant 0 : i32
      %ne3A_1070 = vector.broadcast %ne3A_1069 : i32 to vector<16xi32>
      %ne3A_1071 = arith.cmpi ne, %rem3A_1068, %ne3A_1070 : vector<16xi32>
      %lt3A_1072 = arith.constant 0 : i32
      %lt3A_1073 = vector.broadcast %lt3A_1072 : i32 to vector<16xi32>
      %lt3A_1074 = arith.cmpi slt, %rem3A_1068, %lt3A_1073 : vector<16xi32>
      %lt3A_1075 = arith.constant 0 : i32
      %lt3A_1076 = arith.cmpi slt, %select_n3A_1066, %lt3A_1075 : i32
      %ne3A_1077 = vector.broadcast %lt3A_1076 : i1 to vector<16xi1>
      %ne3A_1078 = vector.broadcast %ne3A_1077 : vector<16xi1> to vector<16xi1>
      %ne3A_1079 = arith.xori %lt3A_1074, %ne3A_1078 : vector<16xi1>
      %and3A_1080 = arith.andi %ne3A_1079, %ne3A_1071 : vector<16xi1>
      %add3A_1081 = vector.broadcast %select_n3A_1066 : i32 to vector<16xi32>
      %add3A_1082 = arith.addi %rem3A_1068, %add3A_1081 : vector<16xi32>
      %select_n3A_1083 = arith.select %and3A_1080, %add3A_1082, %rem3A_1068 : vector<16xi1>, vector<16xi32>
      %lt3A_1084 = arith.constant 0 : i32
      %lt3A_1085 = vector.broadcast %lt3A_1084 : i32 to vector<16xi32>
      %lt3A_1086 = arith.cmpi slt, %select_n3A_1083, %lt3A_1085 : vector<16xi32>
      %add3A_1087 = arith.constant 16 : i32
      %add3A_1088 = vector.broadcast %add3A_1087 : i32 to vector<16xi32>
      %add3A_1089 = arith.addi %select_n3A_1083, %add3A_1088 : vector<16xi32>
      %select_n3A_1090 = arith.select %lt3A_1086, %add3A_1089, %select_n3A_1083 : vector<16xi1>, vector<16xi32>
      %broadcast_in_dim3A_1091 = vector.shape_cast %select_n3A_1090 : vector<16xi32> to vector<16x1xi32>
      %gather3A_1092 = vector.shape_cast %broadcast_in_dim3A_1091 : vector<16x1xi32> to vector<16xi32>
      %gather3A_1093 = tpu.dynamic_gather %add3A_1058[%gather3A_1092] in [0] : vector<16xi32>, vector<16xi32> -> vector<16xi32>
      %add3A_1094 = arith.addi %add3A_1058, %gather3A_1093 : vector<16xi32>
      %add3A_1095 = arith.constant 8 : i32
      %add3A_1096 = vector.broadcast %add3A_1095 : i32 to vector<16xi32>
      %add3A_1097 = arith.addi %iota3A_986, %add3A_1096 : vector<16xi32>
      %jit3A_1098 = arith.constant 16 : i32
      %eq3A_1099 = arith.constant 0 : i32
      %eq3A_1100 = arith.cmpi eq, %jit3A_1098, %eq3A_1099 : i32
      %jit3A_1101 = arith.constant 1 : i32
      %select_n3A_1102 = arith.select %eq3A_1100, %jit3A_1101, %jit3A_1098 : i32
      %rem3A_1103 = vector.broadcast %select_n3A_1102 : i32 to vector<16xi32>
      %rem3A_1104 = arith.remsi %add3A_1097, %rem3A_1103 : vector<16xi32>
      %ne3A_1105 = arith.constant 0 : i32
      %ne3A_1106 = vector.broadcast %ne3A_1105 : i32 to vector<16xi32>
      %ne3A_1107 = arith.cmpi ne, %rem3A_1104, %ne3A_1106 : vector<16xi32>
      %lt3A_1108 = arith.constant 0 : i32
      %lt3A_1109 = vector.broadcast %lt3A_1108 : i32 to vector<16xi32>
      %lt3A_1110 = arith.cmpi slt, %rem3A_1104, %lt3A_1109 : vector<16xi32>
      %lt3A_1111 = arith.constant 0 : i32
      %lt3A_1112 = arith.cmpi slt, %select_n3A_1102, %lt3A_1111 : i32
      %ne3A_1113 = vector.broadcast %lt3A_1112 : i1 to vector<16xi1>
      %ne3A_1114 = vector.broadcast %ne3A_1113 : vector<16xi1> to vector<16xi1>
      %ne3A_1115 = arith.xori %lt3A_1110, %ne3A_1114 : vector<16xi1>
      %and3A_1116 = arith.andi %ne3A_1115, %ne3A_1107 : vector<16xi1>
      %add3A_1117 = vector.broadcast %select_n3A_1102 : i32 to vector<16xi32>
      %add3A_1118 = arith.addi %rem3A_1104, %add3A_1117 : vector<16xi32>
      %select_n3A_1119 = arith.select %and3A_1116, %add3A_1118, %rem3A_1104 : vector<16xi1>, vector<16xi32>
      %lt3A_1120 = arith.constant 0 : i32
      %lt3A_1121 = vector.broadcast %lt3A_1120 : i32 to vector<16xi32>
      %lt3A_1122 = arith.cmpi slt, %select_n3A_1119, %lt3A_1121 : vector<16xi32>
      %add3A_1123 = arith.constant 16 : i32
      %add3A_1124 = vector.broadcast %add3A_1123 : i32 to vector<16xi32>
      %add3A_1125 = arith.addi %select_n3A_1119, %add3A_1124 : vector<16xi32>
      %select_n3A_1126 = arith.select %lt3A_1122, %add3A_1125, %select_n3A_1119 : vector<16xi1>, vector<16xi32>
      %broadcast_in_dim3A_1127 = vector.shape_cast %select_n3A_1126 : vector<16xi32> to vector<16x1xi32>
      %gather3A_1128 = vector.shape_cast %broadcast_in_dim3A_1127 : vector<16x1xi32> to vector<16xi32>
      %gather3A_1129 = tpu.dynamic_gather %add3A_1094[%gather3A_1128] in [0] : vector<16xi32>, vector<16xi32> -> vector<16xi32>
      %add3A_1130 = arith.addi %add3A_1094, %gather3A_1129 : vector<16xi32>
      %slice3A_1131 = vector.extract_strided_slice %add3A_1130 {offsets = [0], sizes = [1], strides = [1]} : vector<16xi32> to vector<1xi32>
      %squeeze3A_1132 = vector.extract %slice3A_1131[0] : i32 from vector<1xi32>
      %lt3A_1133 = arith.constant 40 : i32
      %lt3A_1134 = arith.cmpi slt, %add3A_970, %lt3A_1133 : i32
      %jit3A_1135 = arith.constant 0 : i32
      %select_n3A_1136 = arith.select %lt3A_1134, %squeeze3A_1132, %jit3A_1135 : i32
      %add3A_1137 = arith.addi %scan3A_963, %select_n3A_1136 : i32
      %add3A_1138 = arith.constant 2 : i32
      %add3A_1139 = arith.addi %add3A_968, %add3A_1138 : i32
      %add3A_1140 = arith.constant 2 : i32
      %add3A_1141 = arith.addi %add3A_968, %add3A_1140 : i32
      %mul3A_1142 = arith.constant 8 : i32
      %mul3A_1143 = arith.muli %add3A_1141, %mul3A_1142 : i32
      %add3A_1144 = arith.addi %mul3A_2, %mul3A_1143 : i32
      %get3A_1145 = arith.index_cast %add3A_1144 : i32 to index
      %get3A_1146 = tpu.vector_load %arg5[%get3A_1145] {strides = array<i32>} : memref<10256xi32, #tpu.memory_space<vmem>>, vector<16xi32>,
      %get3A_1147 = vector.shape_cast %get3A_1146 : vector<16xi32> to vector<16xi32>
      %add3A_1148 = arith.constant 1 : i32
      %add3A_1149 = vector.broadcast %add3A_1148 : i32 to vector<16xi32>
      %add3A_1150 = arith.addi %get3A_1147, %add3A_1149 : vector<16xi32>
      %lt3A_1151 = arith.constant 8 : i32
      %lt3A_1152 = vector.broadcast %lt3A_1151 : i32 to vector<16xi32>
      %lt3A_1153 = arith.cmpi slt, %iota3A_237, %lt3A_1152 : vector<16xi32>
      %jit3A_1154 = arith.constant 0 : i32
      %broadcast_in_dim3A_1155 = vector.broadcast %jit3A_1154 : i32 to vector<16xi32>
      %select_n3A_1156 = arith.select %lt3A_1153, %add3A_1150, %broadcast_in_dim3A_1155 : vector<16xi1>, vector<16xi32>
      %iota3A_1157 = tpu.iota {dimensions = array<i32: 0>} : vector<16xi32>
      %add3A_1158 = arith.constant 1 : i32
      %add3A_1159 = vector.broadcast %add3A_1158 : i32 to vector<16xi32>
      %add3A_1160 = arith.addi %iota3A_1157, %add3A_1159 : vector<16xi32>
      %jit3A_1161 = arith.constant 16 : i32
      %eq3A_1162 = arith.constant 0 : i32
      %eq3A_1163 = arith.cmpi eq, %jit3A_1161, %eq3A_1162 : i32
      %jit3A_1164 = arith.constant 1 : i32
      %select_n3A_1165 = arith.select %eq3A_1163, %jit3A_1164, %jit3A_1161 : i32
      %rem3A_1166 = vector.broadcast %select_n3A_1165 : i32 to vector<16xi32>
      %rem3A_1167 = arith.remsi %add3A_1160, %rem3A_1166 : vector<16xi32>
      %ne3A_1168 = arith.constant 0 : i32
      %ne3A_1169 = vector.broadcast %ne3A_1168 : i32 to vector<16xi32>
      %ne3A_1170 = arith.cmpi ne, %rem3A_1167, %ne3A_1169 : vector<16xi32>
      %lt3A_1171 = arith.constant 0 : i32
      %lt3A_1172 = vector.broadcast %lt3A_1171 : i32 to vector<16xi32>
      %lt3A_1173 = arith.cmpi slt, %rem3A_1167, %lt3A_1172 : vector<16xi32>
      %lt3A_1174 = arith.constant 0 : i32
      %lt3A_1175 = arith.cmpi slt, %select_n3A_1165, %lt3A_1174 : i32
      %ne3A_1176 = vector.broadcast %lt3A_1175 : i1 to vector<16xi1>
      %ne3A_1177 = vector.broadcast %ne3A_1176 : vector<16xi1> to vector<16xi1>
      %ne3A_1178 = arith.xori %lt3A_1173, %ne3A_1177 : vector<16xi1>
      %and3A_1179 = arith.andi %ne3A_1178, %ne3A_1170 : vector<16xi1>
      %add3A_1180 = vector.broadcast %select_n3A_1165 : i32 to vector<16xi32>
      %add3A_1181 = arith.addi %rem3A_1167, %add3A_1180 : vector<16xi32>
      %select_n3A_1182 = arith.select %and3A_1179, %add3A_1181, %rem3A_1167 : vector<16xi1>, vector<16xi32>
      %lt3A_1183 = arith.constant 0 : i32
      %lt3A_1184 = vector.broadcast %lt3A_1183 : i32 to vector<16xi32>
      %lt3A_1185 = arith.cmpi slt, %select_n3A_1182, %lt3A_1184 : vector<16xi32>
      %add3A_1186 = arith.constant 16 : i32
      %add3A_1187 = vector.broadcast %add3A_1186 : i32 to vector<16xi32>
      %add3A_1188 = arith.addi %select_n3A_1182, %add3A_1187 : vector<16xi32>
      %select_n3A_1189 = arith.select %lt3A_1185, %add3A_1188, %select_n3A_1182 : vector<16xi1>, vector<16xi32>
      %broadcast_in_dim3A_1190 = vector.shape_cast %select_n3A_1189 : vector<16xi32> to vector<16x1xi32>
      %gather3A_1191 = vector.shape_cast %broadcast_in_dim3A_1190 : vector<16x1xi32> to vector<16xi32>
      %gather3A_1192 = tpu.dynamic_gather %select_n3A_1156[%gather3A_1191] in [0] : vector<16xi32>, vector<16xi32> -> vector<16xi32>
      %add3A_1193 = arith.addi %select_n3A_1156, %gather3A_1192 : vector<16xi32>
      %add3A_1194 = arith.constant 2 : i32
      %add3A_1195 = vector.broadcast %add3A_1194 : i32 to vector<16xi32>
      %add3A_1196 = arith.addi %iota3A_1157, %add3A_1195 : vector<16xi32>
      %jit3A_1197 = arith.constant 16 : i32
      %eq3A_1198 = arith.constant 0 : i32
      %eq3A_1199 = arith.cmpi eq, %jit3A_1197, %eq3A_1198 : i32
      %jit3A_1200 = arith.constant 1 : i32
      %select_n3A_1201 = arith.select %eq3A_1199, %jit3A_1200, %jit3A_1197 : i32
      %rem3A_1202 = vector.broadcast %select_n3A_1201 : i32 to vector<16xi32>
      %rem3A_1203 = arith.remsi %add3A_1196, %rem3A_1202 : vector<16xi32>
      %ne3A_1204 = arith.constant 0 : i32
      %ne3A_1205 = vector.broadcast %ne3A_1204 : i32 to vector<16xi32>
      %ne3A_1206 = arith.cmpi ne, %rem3A_1203, %ne3A_1205 : vector<16xi32>
      %lt3A_1207 = arith.constant 0 : i32
      %lt3A_1208 = vector.broadcast %lt3A_1207 : i32 to vector<16xi32>
      %lt3A_1209 = arith.cmpi slt, %rem3A_1203, %lt3A_1208 : vector<16xi32>
      %lt3A_1210 = arith.constant 0 : i32
      %lt3A_1211 = arith.cmpi slt, %select_n3A_1201, %lt3A_1210 : i32
      %ne3A_1212 = vector.broadcast %lt3A_1211 : i1 to vector<16xi1>
      %ne3A_1213 = vector.broadcast %ne3A_1212 : vector<16xi1> to vector<16xi1>
      %ne3A_1214 = arith.xori %lt3A_1209, %ne3A_1213 : vector<16xi1>
      %and3A_1215 = arith.andi %ne3A_1214, %ne3A_1206 : vector<16xi1>
      %add3A_1216 = vector.broadcast %select_n3A_1201 : i32 to vector<16xi32>
      %add3A_1217 = arith.addi %rem3A_1203, %add3A_1216 : vector<16xi32>
      %select_n3A_1218 = arith.select %and3A_1215, %add3A_1217, %rem3A_1203 : vector<16xi1>, vector<16xi32>
      %lt3A_1219 = arith.constant 0 : i32
      %lt3A_1220 = vector.broadcast %lt3A_1219 : i32 to vector<16xi32>
      %lt3A_1221 = arith.cmpi slt, %select_n3A_1218, %lt3A_1220 : vector<16xi32>
      %add3A_1222 = arith.constant 16 : i32
      %add3A_1223 = vector.broadcast %add3A_1222 : i32 to vector<16xi32>
      %add3A_1224 = arith.addi %select_n3A_1218, %add3A_1223 : vector<16xi32>
      %select_n3A_1225 = arith.select %lt3A_1221, %add3A_1224, %select_n3A_1218 : vector<16xi1>, vector<16xi32>
      %broadcast_in_dim3A_1226 = vector.shape_cast %select_n3A_1225 : vector<16xi32> to vector<16x1xi32>
      %gather3A_1227 = vector.shape_cast %broadcast_in_dim3A_1226 : vector<16x1xi32> to vector<16xi32>
      %gather3A_1228 = tpu.dynamic_gather %add3A_1193[%gather3A_1227] in [0] : vector<16xi32>, vector<16xi32> -> vector<16xi32>
      %add3A_1229 = arith.addi %add3A_1193, %gather3A_1228 : vector<16xi32>
      %add3A_1230 = arith.constant 4 : i32
      %add3A_1231 = vector.broadcast %add3A_1230 : i32 to vector<16xi32>
      %add3A_1232 = arith.addi %iota3A_1157, %add3A_1231 : vector<16xi32>
      %jit3A_1233 = arith.constant 16 : i32
      %eq3A_1234 = arith.constant 0 : i32
      %eq3A_1235 = arith.cmpi eq, %jit3A_1233, %eq3A_1234 : i32
      %jit3A_1236 = arith.constant 1 : i32
      %select_n3A_1237 = arith.select %eq3A_1235, %jit3A_1236, %jit3A_1233 : i32
      %rem3A_1238 = vector.broadcast %select_n3A_1237 : i32 to vector<16xi32>
      %rem3A_1239 = arith.remsi %add3A_1232, %rem3A_1238 : vector<16xi32>
      %ne3A_1240 = arith.constant 0 : i32
      %ne3A_1241 = vector.broadcast %ne3A_1240 : i32 to vector<16xi32>
      %ne3A_1242 = arith.cmpi ne, %rem3A_1239, %ne3A_1241 : vector<16xi32>
      %lt3A_1243 = arith.constant 0 : i32
      %lt3A_1244 = vector.broadcast %lt3A_1243 : i32 to vector<16xi32>
      %lt3A_1245 = arith.cmpi slt, %rem3A_1239, %lt3A_1244 : vector<16xi32>
      %lt3A_1246 = arith.constant 0 : i32
      %lt3A_1247 = arith.cmpi slt, %select_n3A_1237, %lt3A_1246 : i32
      %ne3A_1248 = vector.broadcast %lt3A_1247 : i1 to vector<16xi1>
      %ne3A_1249 = vector.broadcast %ne3A_1248 : vector<16xi1> to vector<16xi1>
      %ne3A_1250 = arith.xori %lt3A_1245, %ne3A_1249 : vector<16xi1>
      %and3A_1251 = arith.andi %ne3A_1250, %ne3A_1242 : vector<16xi1>
      %add3A_1252 = vector.broadcast %select_n3A_1237 : i32 to vector<16xi32>
      %add3A_1253 = arith.addi %rem3A_1239, %add3A_1252 : vector<16xi32>
      %select_n3A_1254 = arith.select %and3A_1251, %add3A_1253, %rem3A_1239 : vector<16xi1>, vector<16xi32>
      %lt3A_1255 = arith.constant 0 : i32
      %lt3A_1256 = vector.broadcast %lt3A_1255 : i32 to vector<16xi32>
      %lt3A_1257 = arith.cmpi slt, %select_n3A_1254, %lt3A_1256 : vector<16xi32>
      %add3A_1258 = arith.constant 16 : i32
      %add3A_1259 = vector.broadcast %add3A_1258 : i32 to vector<16xi32>
      %add3A_1260 = arith.addi %select_n3A_1254, %add3A_1259 : vector<16xi32>
      %select_n3A_1261 = arith.select %lt3A_1257, %add3A_1260, %select_n3A_1254 : vector<16xi1>, vector<16xi32>
      %broadcast_in_dim3A_1262 = vector.shape_cast %select_n3A_1261 : vector<16xi32> to vector<16x1xi32>
      %gather3A_1263 = vector.shape_cast %broadcast_in_dim3A_1262 : vector<16x1xi32> to vector<16xi32>
      %gather3A_1264 = tpu.dynamic_gather %add3A_1229[%gather3A_1263] in [0] : vector<16xi32>, vector<16xi32> -> vector<16xi32>
      %add3A_1265 = arith.addi %add3A_1229, %gather3A_1264 : vector<16xi32>
      %add3A_1266 = arith.constant 8 : i32
      %add3A_1267 = vector.broadcast %add3A_1266 : i32 to vector<16xi32>
      %add3A_1268 = arith.addi %iota3A_1157, %add3A_1267 : vector<16xi32>
      %jit3A_1269 = arith.constant 16 : i32
      %eq3A_1270 = arith.constant 0 : i32
      %eq3A_1271 = arith.cmpi eq, %jit3A_1269, %eq3A_1270 : i32
      %jit3A_1272 = arith.constant 1 : i32
      %select_n3A_1273 = arith.select %eq3A_1271, %jit3A_1272, %jit3A_1269 : i32
      %rem3A_1274 = vector.broadcast %select_n3A_1273 : i32 to vector<16xi32>
      %rem3A_1275 = arith.remsi %add3A_1268, %rem3A_1274 : vector<16xi32>
      %ne3A_1276 = arith.constant 0 : i32
      %ne3A_1277 = vector.broadcast %ne3A_1276 : i32 to vector<16xi32>
      %ne3A_1278 = arith.cmpi ne, %rem3A_1275, %ne3A_1277 : vector<16xi32>
      %lt3A_1279 = arith.constant 0 : i32
      %lt3A_1280 = vector.broadcast %lt3A_1279 : i32 to vector<16xi32>
      %lt3A_1281 = arith.cmpi slt, %rem3A_1275, %lt3A_1280 : vector<16xi32>
      %lt3A_1282 = arith.constant 0 : i32
      %lt3A_1283 = arith.cmpi slt, %select_n3A_1273, %lt3A_1282 : i32
      %ne3A_1284 = vector.broadcast %lt3A_1283 : i1 to vector<16xi1>
      %ne3A_1285 = vector.broadcast %ne3A_1284 : vector<16xi1> to vector<16xi1>
      %ne3A_1286 = arith.xori %lt3A_1281, %ne3A_1285 : vector<16xi1>
      %and3A_1287 = arith.andi %ne3A_1286, %ne3A_1278 : vector<16xi1>
      %add3A_1288 = vector.broadcast %select_n3A_1273 : i32 to vector<16xi32>
      %add3A_1289 = arith.addi %rem3A_1275, %add3A_1288 : vector<16xi32>
      %select_n3A_1290 = arith.select %and3A_1287, %add3A_1289, %rem3A_1275 : vector<16xi1>, vector<16xi32>
      %lt3A_1291 = arith.constant 0 : i32
      %lt3A_1292 = vector.broadcast %lt3A_1291 : i32 to vector<16xi32>
      %lt3A_1293 = arith.cmpi slt, %select_n3A_1290, %lt3A_1292 : vector<16xi32>
      %add3A_1294 = arith.constant 16 : i32
      %add3A_1295 = vector.broadcast %add3A_1294 : i32 to vector<16xi32>
      %add3A_1296 = arith.addi %select_n3A_1290, %add3A_1295 : vector<16xi32>
      %select_n3A_1297 = arith.select %lt3A_1293, %add3A_1296, %select_n3A_1290 : vector<16xi1>, vector<16xi32>
      %broadcast_in_dim3A_1298 = vector.shape_cast %select_n3A_1297 : vector<16xi32> to vector<16x1xi32>
      %gather3A_1299 = vector.shape_cast %broadcast_in_dim3A_1298 : vector<16x1xi32> to vector<16xi32>
      %gather3A_1300 = tpu.dynamic_gather %add3A_1265[%gather3A_1299] in [0] : vector<16xi32>, vector<16xi32> -> vector<16xi32>
      %add3A_1301 = arith.addi %add3A_1265, %gather3A_1300 : vector<16xi32>
      %slice3A_1302 = vector.extract_strided_slice %add3A_1301 {offsets = [0], sizes = [1], strides = [1]} : vector<16xi32> to vector<1xi32>
      %squeeze3A_1303 = vector.extract %slice3A_1302[0] : i32 from vector<1xi32>
      %lt3A_1304 = arith.constant 40 : i32
      %lt3A_1305 = arith.cmpi slt, %add3A_1141, %lt3A_1304 : i32
      %jit3A_1306 = arith.constant 0 : i32
      %select_n3A_1307 = arith.select %lt3A_1305, %squeeze3A_1303, %jit3A_1306 : i32
      %jit3A_1308 = arith.constant 8 : i32
      %div3A_1309 = arith.divsi %add3A_1137, %jit3A_1308 : i32
      %sign3A_1310 = arith.constant 0 : i32
      %sign3A_1311 = arith.cmpi sgt, %add3A_1137, %sign3A_1310 : i32
      %sign3A_1312 = arith.extui %sign3A_1311 : i1 to i32
      %sign3A_1313 = arith.constant 0 : i32
      %sign3A_1314 = arith.cmpi slt, %add3A_1137, %sign3A_1313 : i32
      %sign3A_1315 = arith.extui %sign3A_1314 : i1 to i32
      %sign3A_1316 = arith.subi %sign3A_1312, %sign3A_1315 : i32
      %sign3A_1317 = arith.constant 0 : i32
      %sign3A_1318 = arith.cmpi sgt, %jit3A_1308, %sign3A_1317 : i32
      %sign3A_1319 = arith.extui %sign3A_1318 : i1 to i32
      %sign3A_1320 = arith.constant 0 : i32
      %sign3A_1321 = arith.cmpi slt, %jit3A_1308, %sign3A_1320 : i32
      %sign3A_1322 = arith.extui %sign3A_1321 : i1 to i32
      %sign3A_1323 = arith.subi %sign3A_1319, %sign3A_1322 : i32
      %ne3A_1324 = arith.cmpi ne, %sign3A_1316, %sign3A_1323 : i32
      %rem3A_1325 = arith.remsi %add3A_1137, %jit3A_1308 : i32
      %ne3A_1326 = arith.constant 0 : i32
      %ne3A_1327 = arith.cmpi ne, %rem3A_1325, %ne3A_1326 : i32
      %and3A_1328 = arith.andi %ne3A_1324, %ne3A_1327 : i1
      %sub3A_1329 = arith.constant 1 : i32
      %sub3A_1330 = arith.subi %div3A_1309, %sub3A_1329 : i32
      %select_n3A_1331 = arith.select %and3A_1328, %sub3A_1330, %div3A_1309 : i32
      %mul3A_1332 = arith.constant 8 : i32
      %mul3A_1333 = arith.muli %select_n3A_1331, %mul3A_1332 : i32
      %min3A_1334 = arith.constant 319728 : i32
      %min3A_1335 = arith.minsi %mul3A_1333, %min3A_1334 : i32
      %multiple_of3A_1336 = tpu.assume_multiple %min3A_1335, 8 : i32
      %sub3A_1337 = arith.subi %add3A_1137, %multiple_of3A_1336 : i32
      %lt3A_1338 = arith.constant 40 : i32
      %lt3A_1339 = arith.cmpi slt, %add3A_1139, %lt3A_1338 : i32
      %gt3A_1340 = arith.constant 0 : i32
      %gt3A_1341 = arith.cmpi sgt, %select_n3A_1307, %gt3A_1340 : i32
      %and3A_1342 = arith.andi %lt3A_1339, %gt3A_1341 : i1
      %add3A_1343 = arith.addi %sub3A_1337, %select_n3A_1307 : i32
      %add3A_1344 = arith.constant 16 : i32
      %add3A_1345 = arith.addi %add3A_1343, %add3A_1344 : i32
      %sub3A_1346 = arith.constant 1 : i32
      %sub3A_1347 = arith.subi %add3A_1345, %sub3A_1346 : i32
      %jit3A_1348 = arith.constant 16 : i32
      %div3A_1349 = arith.divsi %sub3A_1347, %jit3A_1348 : i32
      %sign3A_1350 = arith.constant 0 : i32
      %sign3A_1351 = arith.cmpi sgt, %sub3A_1347, %sign3A_1350 : i32
      %sign3A_1352 = arith.extui %sign3A_1351 : i1 to i32
      %sign3A_1353 = arith.constant 0 : i32
      %sign3A_1354 = arith.cmpi slt, %sub3A_1347, %sign3A_1353 : i32
      %sign3A_1355 = arith.extui %sign3A_1354 : i1 to i32
      %sign3A_1356 = arith.subi %sign3A_1352, %sign3A_1355 : i32
      %sign3A_1357 = arith.constant 0 : i32
      %sign3A_1358 = arith.cmpi sgt, %jit3A_1348, %sign3A_1357 : i32
      %sign3A_1359 = arith.extui %sign3A_1358 : i1 to i32
      %sign3A_1360 = arith.constant 0 : i32
      %sign3A_1361 = arith.cmpi slt, %jit3A_1348, %sign3A_1360 : i32
      %sign3A_1362 = arith.extui %sign3A_1361 : i1 to i32
      %sign3A_1363 = arith.subi %sign3A_1359, %sign3A_1362 : i32
      %ne3A_1364 = arith.cmpi ne, %sign3A_1356, %sign3A_1363 : i32
      %rem3A_1365 = arith.remsi %sub3A_1347, %jit3A_1348 : i32
      %ne3A_1366 = arith.constant 0 : i32
      %ne3A_1367 = arith.cmpi ne, %rem3A_1365, %ne3A_1366 : i32
      %and3A_1368 = arith.andi %ne3A_1364, %ne3A_1367 : i1
      %sub3A_1369 = arith.constant 1 : i32
      %sub3A_1370 = arith.subi %div3A_1349, %sub3A_1369 : i32
      %select_n3A_1371 = arith.select %and3A_1368, %sub3A_1370, %div3A_1349 : i32
      %jit3A_1372 = arith.constant 0 : i32
      %select_n3A_1373 = arith.select %and3A_1342, %select_n3A_1371, %jit3A_1372 : i32
      %while3A_1374 = arith.constant 0 : i32
      %while3A_1375 = arith.constant 0 : i32
      %while3A_1376 = arith.subi %select_n3A_1373, %while3A_1374 : i32
      %while3A_1377 = arith.addi %while3A_1374, %while3A_1376 : i32
      %while3A_1378 = arith.constant 1 : i32
      %while3A_1379 = arith.divsi %while3A_1376, %while3A_1378 : i32
      %while3A_1380 = arith.muli %while3A_1379, %while3A_1378 : i32
      %while3A_1381 = arith.addi %while3A_1374, %while3A_1380 : i32
      %while3A_1382 = arith.constant 1 : i32
      %while3A_1383 = scf.for %while3A_2413 = %while3A_1374 to %while3A_1381 step %while3A_1382 iter_args(%while3A_2414 = %while3A_1375) -> (i32)  : i32 {
        %mul3A_2415 = arith.constant 16 : i32
        %mul3A_2416 = arith.muli %while3A_2413, %mul3A_2415 : i32
        %add3A_2417 = arith.addi %multiple_of3A_1336, %mul3A_2416 : i32
        %mul3A_2418 = arith.constant 16 : i32
        %mul3A_2419 = arith.muli %while3A_2413, %mul3A_2418 : i32
        %dma_start3A_2420 = arith.constant 0 : i32
        %dma_start3A_2421 = tpu.memref_slice %arg8[%mul3A_2419, %dma_start3A_2420] : memref<272x128xf32, #tpu.memory_space<vmem>> -> memref<16x128xf32, #tpu.memory_space<vmem>>
        %dma_start3A_2422 = arith.constant 0 : i32
        %dma_start3A_2423 = tpu.memref_slice %arg3[%add3A_2417, %dma_start3A_2422] : memref<320000x128xf32, #tpu.memory_space<hbm>> -> memref<16x128xf32, #tpu.memory_space<hbm>>
        %dma_start3A_2424 = arith.constant 0 : i32
        %dma_start3A_2425 = tpu.memref_slice %arg8[%mul3A_2419, %dma_start3A_2424] : memref<272x128xf32, #tpu.memory_space<vmem>> -> memref<16x128xf32, #tpu.memory_space<vmem>>
        %dma_start3A_2426 = arith.constant 0 : i32
        %dma_start3A_2427 = tpu.memref_slice %arg3[%add3A_2417, %dma_start3A_2426] : memref<320000x128xf32, #tpu.memory_space<hbm>> -> memref<16x128xf32, #tpu.memory_space<hbm>>
        tpu.enqueue_dma source(%dma_start3A_2427 : memref<16x128xf32, #tpu.memory_space<hbm>>) target(%dma_start3A_2425 : memref<16x128xf32, #tpu.memory_space<vmem>>) target_semaphore(%arg14 : memref<!tpu.dma_semaphore, #tpu.memory_space<semaphore_mem>>)
        %while3A_2428 = arith.constant 0 : i32
        scf.yield %while3A_2428 : i32
      }
      %while3A_1384 = arith.constant 1 : i32
      %while3A_1385 = scf.for %while3A_2413 = %while3A_1381 to %while3A_1377 step %while3A_1384 iter_args(%while3A_2414 = %while3A_1383) -> (i32)  : i32 {
        %mul3A_2415 = arith.constant 16 : i32
        %mul3A_2416 = arith.muli %while3A_2413, %mul3A_2415 : i32
        %add3A_2417 = arith.addi %multiple_of3A_1336, %mul3A_2416 : i32
        %mul3A_2418 = arith.constant 16 : i32
        %mul3A_2419 = arith.muli %while3A_2413, %mul3A_2418 : i32
        %dma_start3A_2420 = arith.constant 0 : i32
        %dma_start3A_2421 = tpu.memref_slice %arg8[%mul3A_2419, %dma_start3A_2420] : memref<272x128xf32, #tpu.memory_space<vmem>> -> memref<16x128xf32, #tpu.memory_space<vmem>>
        %dma_start3A_2422 = arith.constant 0 : i32
        %dma_start3A_2423 = tpu.memref_slice %arg3[%add3A_2417, %dma_start3A_2422] : memref<320000x128xf32, #tpu.memory_space<hbm>> -> memref<16x128xf32, #tpu.memory_space<hbm>>
        %dma_start3A_2424 = arith.constant 0 : i32
        %dma_start3A_2425 = tpu.memref_slice %arg8[%mul3A_2419, %dma_start3A_2424] : memref<272x128xf32, #tpu.memory_space<vmem>> -> memref<16x128xf32, #tpu.memory_space<vmem>>
        %dma_start3A_2426 = arith.constant 0 : i32
        %dma_start3A_2427 = tpu.memref_slice %arg3[%add3A_2417, %dma_start3A_2426] : memref<320000x128xf32, #tpu.memory_space<hbm>> -> memref<16x128xf32, #tpu.memory_space<hbm>>
        tpu.enqueue_dma source(%dma_start3A_2427 : memref<16x128xf32, #tpu.memory_space<hbm>>) target(%dma_start3A_2425 : memref<16x128xf32, #tpu.memory_space<vmem>>) target_semaphore(%arg14 : memref<!tpu.dma_semaphore, #tpu.memory_space<semaphore_mem>>)
        %while3A_2428 = arith.constant 0 : i32
        scf.yield %while3A_2428 : i32
      }
      %while3A_1386 = arith.constant 0 : i32
      %while3A_1387 = arith.constant 0 : i32
      %while3A_1388 = arith.subi %scan3A_962, %while3A_1386 : i32
      %while3A_1389 = arith.addi %while3A_1386, %while3A_1388 : i32
      %while3A_1390 = arith.constant 1 : i32
      %while3A_1391 = arith.divsi %while3A_1388, %while3A_1390 : i32
      %while3A_1392 = arith.muli %while3A_1391, %while3A_1390 : i32
      %while3A_1393 = arith.addi %while3A_1386, %while3A_1392 : i32
      %while3A_1394 = arith.constant 1 : i32
      %while3A_1395 = scf.for %while3A_2413 = %while3A_1386 to %while3A_1393 step %while3A_1394 iter_args(%while3A_2414 = %while3A_1387) -> (i32)  : i32 {
        %dma_wait3A_2415 = arith.constant 0 : i32
        %dma_wait3A_2416 = arith.constant 0 : i32
        %dma_wait3A_2417 = tpu.memref_slice %arg6[%dma_wait3A_2415, %dma_wait3A_2416] : memref<272x128xf32, #tpu.memory_space<vmem>> -> memref<16x128xf32, #tpu.memory_space<vmem>>
        %dma_wait3A_2418 = arith.constant 0 : i32
        %dma_wait3A_2419 = arith.constant 0 : i32
        %dma_wait3A_2420 = tpu.memref_slice %arg3[%dma_wait3A_2418, %dma_wait3A_2419] : memref<320000x128xf32, #tpu.memory_space<hbm>> -> memref<16x128xf32, #tpu.memory_space<hbm>>
        %dma_wait3A_2421 = arith.constant 0 : i32
        %dma_wait3A_2422 = arith.constant 0 : i32
        %dma_wait3A_2423 = tpu.memref_slice %arg6[%dma_wait3A_2421, %dma_wait3A_2422] : memref<272x128xf32, #tpu.memory_space<vmem>> -> memref<16x128xf32, #tpu.memory_space<vmem>>
        %dma_wait3A_2424 = arith.constant 0 : i32
        %dma_wait3A_2425 = arith.constant 0 : i32
        %dma_wait3A_2426 = tpu.memref_slice %arg3[%dma_wait3A_2424, %dma_wait3A_2425] : memref<320000x128xf32, #tpu.memory_space<hbm>> -> memref<16x128xf32, #tpu.memory_space<hbm>>
        tpu.wait_dma2 semaphore(%arg12 : memref<!tpu.dma_semaphore, #tpu.memory_space<semaphore_mem>>) src(%dma_wait3A_2426 : memref<16x128xf32, #tpu.memory_space<hbm>>) dst(%dma_wait3A_2423 : memref<16x128xf32, #tpu.memory_space<vmem>>)
        %while3A_2427 = arith.constant 0 : i32
        scf.yield %while3A_2427 : i32
      }
      %while3A_1396 = arith.constant 1 : i32
      %while3A_1397 = scf.for %while3A_2413 = %while3A_1393 to %while3A_1389 step %while3A_1396 iter_args(%while3A_2414 = %while3A_1395) -> (i32)  : i32 {
        %dma_wait3A_2415 = arith.constant 0 : i32
        %dma_wait3A_2416 = arith.constant 0 : i32
        %dma_wait3A_2417 = tpu.memref_slice %arg6[%dma_wait3A_2415, %dma_wait3A_2416] : memref<272x128xf32, #tpu.memory_space<vmem>> -> memref<16x128xf32, #tpu.memory_space<vmem>>
        %dma_wait3A_2418 = arith.constant 0 : i32
        %dma_wait3A_2419 = arith.constant 0 : i32
        %dma_wait3A_2420 = tpu.memref_slice %arg3[%dma_wait3A_2418, %dma_wait3A_2419] : memref<320000x128xf32, #tpu.memory_space<hbm>> -> memref<16x128xf32, #tpu.memory_space<hbm>>
        %dma_wait3A_2421 = arith.constant 0 : i32
        %dma_wait3A_2422 = arith.constant 0 : i32
        %dma_wait3A_2423 = tpu.memref_slice %arg6[%dma_wait3A_2421, %dma_wait3A_2422] : memref<272x128xf32, #tpu.memory_space<vmem>> -> memref<16x128xf32, #tpu.memory_space<vmem>>
        %dma_wait3A_2424 = arith.constant 0 : i32
        %dma_wait3A_2425 = arith.constant 0 : i32
        %dma_wait3A_2426 = tpu.memref_slice %arg3[%dma_wait3A_2424, %dma_wait3A_2425] : memref<320000x128xf32, #tpu.memory_space<hbm>> -> memref<16x128xf32, #tpu.memory_space<hbm>>
        tpu.wait_dma2 semaphore(%arg12 : memref<!tpu.dma_semaphore, #tpu.memory_space<semaphore_mem>>) src(%dma_wait3A_2426 : memref<16x128xf32, #tpu.memory_space<hbm>>) dst(%dma_wait3A_2423 : memref<16x128xf32, #tpu.memory_space<vmem>>)
        %while3A_2427 = arith.constant 0 : i32
        scf.yield %while3A_2427 : i32
      }
      %eq3A_1398 = arith.constant 0 : i32
      %eq3A_1399 = arith.cmpi eq, %scan3A_960, %eq3A_1398 : i32
      %jit3A_1400 = arith.constant 8 : i32
      %div3A_1401 = arith.divsi %scan3A_961, %jit3A_1400 : i32
      %sign3A_1402 = arith.constant 0 : i32
      %sign3A_1403 = arith.cmpi sgt, %scan3A_961, %sign3A_1402 : i32
      %sign3A_1404 = arith.extui %sign3A_1403 : i1 to i32
      %sign3A_1405 = arith.constant 0 : i32
      %sign3A_1406 = arith.cmpi slt, %scan3A_961, %sign3A_1405 : i32
      %sign3A_1407 = arith.extui %sign3A_1406 : i1 to i32
      %sign3A_1408 = arith.subi %sign3A_1404, %sign3A_1407 : i32
      %sign3A_1409 = arith.constant 0 : i32
      %sign3A_1410 = arith.cmpi sgt, %jit3A_1400, %sign3A_1409 : i32
      %sign3A_1411 = arith.extui %sign3A_1410 : i1 to i32
      %sign3A_1412 = arith.constant 0 : i32
      %sign3A_1413 = arith.cmpi slt, %jit3A_1400, %sign3A_1412 : i32
      %sign3A_1414 = arith.extui %sign3A_1413 : i1 to i32
      %sign3A_1415 = arith.subi %sign3A_1411, %sign3A_1414 : i32
      %ne3A_1416 = arith.cmpi ne, %sign3A_1408, %sign3A_1415 : i32
      %rem3A_1417 = arith.remsi %scan3A_961, %jit3A_1400 : i32
      %ne3A_1418 = arith.constant 0 : i32
      %ne3A_1419 = arith.cmpi ne, %rem3A_1417, %ne3A_1418 : i32
      %and3A_1420 = arith.andi %ne3A_1416, %ne3A_1419 : i1
      %sub3A_1421 = arith.constant 1 : i32
      %sub3A_1422 = arith.subi %div3A_1401, %sub3A_1421 : i32
      %select_n3A_1423 = arith.select %and3A_1420, %sub3A_1422, %div3A_1401 : i32
      %mul3A_1424 = arith.constant 8 : i32
      %mul3A_1425 = arith.muli %select_n3A_1423, %mul3A_1424 : i32
      %min3A_1426 = arith.constant 319728 : i32
      %min3A_1427 = arith.minsi %mul3A_1425, %min3A_1426 : i32
      %multiple_of3A_1428 = tpu.assume_multiple %min3A_1427, 8 : i32
      %sub3A_1429 = arith.subi %scan3A_961, %multiple_of3A_1428 : i32
      %not3A_1430 = arith.constant true
      %not3A_1431 = arith.xori %eq3A_1399, %not3A_1430 : i1
      %convert_element_type3A_1432 = arith.extui %not3A_1431 : i1 to i32
      %cond3A_1433 = arith.constant 0 : i32
      %cond3A_1434 = arith.cmpi ne, %convert_element_type3A_1432, %cond3A_1433 : i32
      scf.if %cond3A_1434 {
        %dma_wait3A_2413 = arith.constant 0 : i32
        %dma_wait3A_2414 = arith.constant 0 : i32
        %dma_wait3A_2415 = tpu.memref_slice %arg3[%dma_wait3A_2413, %dma_wait3A_2414] : memref<320000x128xf32, #tpu.memory_space<hbm>> -> memref<8x128xf32, #tpu.memory_space<hbm>>
        %dma_wait3A_2416 = arith.constant 0 : i32
        %dma_wait3A_2417 = arith.constant 0 : i32
        %dma_wait3A_2418 = tpu.memref_slice %arg3[%dma_wait3A_2416, %dma_wait3A_2417] : memref<320000x128xf32, #tpu.memory_space<hbm>> -> memref<8x128xf32, #tpu.memory_space<hbm>>
        tpu.wait_dma2 semaphore(%arg15 : memref<!tpu.dma_semaphore, #tpu.memory_space<semaphore_mem>>) src(%dma_wait3A_2418 : memref<8x128xf32, #tpu.memory_space<hbm>>) dst(%arg9 : memref<8x128xf32, #tpu.memory_space<vmem>>)
      } else {
      }
      %scan3A_1435 = arith.constant 0 : i32
      %scan3A_1436 = arith.constant 0 : i32
      %scan3A_1437 = arith.constant 8 : i32
      %scan3A_1438 = arith.addi %scan3A_1436, %scan3A_1437 : i32
      %scan3A_1439 = arith.constant 1 : i32
      %scan3A_1440 = scf.for %scan3A_2413 = %scan3A_1436 to %scan3A_1438 step %scan3A_1439 iter_args(%scan3A_2414 = %scan3A_1435) -> (i32)  : i32 {
        %mul3A_2415 = arith.constant 8 : i32
        %mul3A_2416 = arith.muli %add3A_968, %mul3A_2415 : i32
        %add3A_2417 = arith.addi %mul3A_2, %mul3A_2416 : i32
        %add3A_2418 = arith.addi %add3A_2417, %scan3A_2413 : i32
        %get3A_2419 = arith.index_cast %add3A_2418 : i32 to index
        %get3A_2420 = tpu.vector_load %arg5[%get3A_2419] {strides = array<i32>} : memref<10256xi32, #tpu.memory_space<vmem>>, vector<16xi32>,
        %get3A_2421 = vector.shape_cast %get3A_2420 : vector<16xi32> to vector<16xi32>
        %slice3A_2422 = vector.extract_strided_slice %get3A_2421 {offsets = [0], sizes = [1], strides = [1]} : vector<16xi32> to vector<1xi32>
        %squeeze3A_2423 = vector.extract %slice3A_2422[0] : i32 from vector<1xi32>
        %add3A_2424 = arith.constant 1 : i32
        %add3A_2425 = arith.addi %squeeze3A_2423, %add3A_2424 : i32
        %broadcast_in_dim3A_2426 = arith.constant 0.000000e+00 : f32
        %broadcast_in_dim3A_2427 = vector.broadcast %broadcast_in_dim3A_2426 : f32 to vector<16xf32>
        %jit3A_2428 = arith.constant 2 : i32
        %div3A_2429 = arith.divsi %add3A_2425, %jit3A_2428 : i32
        %sign3A_2430 = arith.constant 0 : i32
        %sign3A_2431 = arith.cmpi sgt, %add3A_2425, %sign3A_2430 : i32
        %sign3A_2432 = arith.extui %sign3A_2431 : i1 to i32
        %sign3A_2433 = arith.constant 0 : i32
        %sign3A_2434 = arith.cmpi slt, %add3A_2425, %sign3A_2433 : i32
        %sign3A_2435 = arith.extui %sign3A_2434 : i1 to i32
        %sign3A_2436 = arith.subi %sign3A_2432, %sign3A_2435 : i32
        %sign3A_2437 = arith.constant 0 : i32
        %sign3A_2438 = arith.cmpi sgt, %jit3A_2428, %sign3A_2437 : i32
        %sign3A_2439 = arith.extui %sign3A_2438 : i1 to i32
        %sign3A_2440 = arith.constant 0 : i32
        %sign3A_2441 = arith.cmpi slt, %jit3A_2428, %sign3A_2440 : i32
        %sign3A_2442 = arith.extui %sign3A_2441 : i1 to i32
        %sign3A_2443 = arith.subi %sign3A_2439, %sign3A_2442 : i32
        %ne3A_2444 = arith.cmpi ne, %sign3A_2436, %sign3A_2443 : i32
        %rem3A_2445 = arith.remsi %add3A_2425, %jit3A_2428 : i32
        %ne3A_2446 = arith.constant 0 : i32
        %ne3A_2447 = arith.cmpi ne, %rem3A_2445, %ne3A_2446 : i32
        %and3A_2448 = arith.andi %ne3A_2444, %ne3A_2447 : i1
        %sub3A_2449 = arith.constant 1 : i32
        %sub3A_2450 = arith.subi %div3A_2429, %sub3A_2449 : i32
        %select_n3A_2451 = arith.select %and3A_2448, %sub3A_2450, %div3A_2429 : i32
        %while3A_2452 = arith.constant 0 : i32
        %while3A_2453 = arith.subi %select_n3A_2451, %while3A_2452 : i32
        %while3A_2454 = arith.addi %while3A_2452, %while3A_2453 : i32
        %while3A_2455 = arith.constant 1 : i32
        %while3A_2456 = arith.divsi %while3A_2453, %while3A_2455 : i32
        %while3A_2457 = arith.muli %while3A_2456, %while3A_2455 : i32
        %while3A_2458 = arith.addi %while3A_2452, %while3A_2457 : i32
        %while3A_2459 = arith.constant 1 : i32
        %while3A_2460:8 = scf.for %while3A_2588 = %while3A_2452 to %while3A_2458 step %while3A_2459 iter_args(%while3A_2589 = %broadcast_in_dim3A_2427, %while3A_2590 = %broadcast_in_dim3A_2427, %while3A_2591 = %broadcast_in_dim3A_2427, %while3A_2592 = %broadcast_in_dim3A_2427, %while3A_2593 = %broadcast_in_dim3A_2427, %while3A_2594 = %broadcast_in_dim3A_2427, %while3A_2595 = %broadcast_in_dim3A_2427, %while3A_2596 = %broadcast_in_dim3A_2427) -> (vector<16xf32>, vector<16xf32>, vector<16xf32>, vector<16xf32>, vector<16xf32>, vector<16xf32>, vector<16xf32>, vector<16xf32>)  : i32 {
          %add3A_2597 = arith.addi %sub3A_1429, %scan3A_2414 : i32
          %mul3A_2598 = arith.constant 2 : i32
          %mul3A_2599 = arith.muli %mul3A_2598, %while3A_2588 : i32
          %add3A_2600 = arith.addi %add3A_2597, %mul3A_2599 : i32
          %get3A_2601 = arith.index_cast %add3A_2600 : i32 to index
          %get3A_2602 = arith.constant 0 : index
          %get3A_2603 = tpu.vector_load %arg6[%get3A_2601, %get3A_2602] {strides = array<i32>} : memref<272x128xf32, #tpu.memory_space<vmem>>, vector<1x16xf32>,
          %get3A_2604 = vector.shape_cast %get3A_2603 : vector<1x16xf32> to vector<16xf32>
          %add3A_2605 = arith.addf %while3A_2589, %get3A_2604 : vector<16xf32>
          %get3A_2606 = arith.index_cast %add3A_2600 : i32 to index
          %get3A_2607 = arith.constant 16 : index
          %get3A_2608 = tpu.vector_load %arg6[%get3A_2606, %get3A_2607] {strides = array<i32>} : memref<272x128xf32, #tpu.memory_space<vmem>>, vector<1x16xf32>,
          %get3A_2609 = vector.shape_cast %get3A_2608 : vector<1x16xf32> to vector<16xf32>
          %add3A_2610 = arith.addf %while3A_2590, %get3A_2609 : vector<16xf32>
          %get3A_2611 = arith.index_cast %add3A_2600 : i32 to index
          %get3A_2612 = arith.constant 32 : index
          %get3A_2613 = tpu.vector_load %arg6[%get3A_2611, %get3A_2612] {strides = array<i32>} : memref<272x128xf32, #tpu.memory_space<vmem>>, vector<1x16xf32>,
          %get3A_2614 = vector.shape_cast %get3A_2613 : vector<1x16xf32> to vector<16xf32>
          %add3A_2615 = arith.addf %while3A_2591, %get3A_2614 : vector<16xf32>
          %get3A_2616 = arith.index_cast %add3A_2600 : i32 to index
          %get3A_2617 = arith.constant 48 : index
          %get3A_2618 = tpu.vector_load %arg6[%get3A_2616, %get3A_2617] {strides = array<i32>} : memref<272x128xf32, #tpu.memory_space<vmem>>, vector<1x16xf32>,
          %get3A_2619 = vector.shape_cast %get3A_2618 : vector<1x16xf32> to vector<16xf32>
          %add3A_2620 = arith.addf %while3A_2592, %get3A_2619 : vector<16xf32>
          %get3A_2621 = arith.index_cast %add3A_2600 : i32 to index
          %get3A_2622 = arith.constant 64 : index
          %get3A_2623 = tpu.vector_load %arg6[%get3A_2621, %get3A_2622] {strides = array<i32>} : memref<272x128xf32, #tpu.memory_space<vmem>>, vector<1x16xf32>,
          %get3A_2624 = vector.shape_cast %get3A_2623 : vector<1x16xf32> to vector<16xf32>
          %add3A_2625 = arith.addf %while3A_2593, %get3A_2624 : vector<16xf32>
          %get3A_2626 = arith.index_cast %add3A_2600 : i32 to index
          %get3A_2627 = arith.constant 80 : index
          %get3A_2628 = tpu.vector_load %arg6[%get3A_2626, %get3A_2627] {strides = array<i32>} : memref<272x128xf32, #tpu.memory_space<vmem>>, vector<1x16xf32>,
          %get3A_2629 = vector.shape_cast %get3A_2628 : vector<1x16xf32> to vector<16xf32>
          %add3A_2630 = arith.addf %while3A_2594, %get3A_2629 : vector<16xf32>
          %get3A_2631 = arith.index_cast %add3A_2600 : i32 to index
          %get3A_2632 = arith.constant 96 : index
          %get3A_2633 = tpu.vector_load %arg6[%get3A_2631, %get3A_2632] {strides = array<i32>} : memref<272x128xf32, #tpu.memory_space<vmem>>, vector<1x16xf32>,
          %get3A_2634 = vector.shape_cast %get3A_2633 : vector<1x16xf32> to vector<16xf32>
          %add3A_2635 = arith.addf %while3A_2595, %get3A_2634 : vector<16xf32>
          %get3A_2636 = arith.index_cast %add3A_2600 : i32 to index
          %get3A_2637 = arith.constant 112 : index
          %get3A_2638 = tpu.vector_load %arg6[%get3A_2636, %get3A_2637] {strides = array<i32>} : memref<272x128xf32, #tpu.memory_space<vmem>>, vector<1x16xf32>,
          %get3A_2639 = vector.shape_cast %get3A_2638 : vector<1x16xf32> to vector<16xf32>
          %add3A_2640 = arith.addf %while3A_2596, %get3A_2639 : vector<16xf32>
          %add3A_2641 = arith.constant 1 : i32
          %add3A_2642 = arith.addi %add3A_2600, %add3A_2641 : i32
          %get3A_2643 = arith.index_cast %add3A_2642 : i32 to index
          %get3A_2644 = arith.constant 0 : index
          %get3A_2645 = tpu.vector_load %arg6[%get3A_2643, %get3A_2644] {strides = array<i32>} : memref<272x128xf32, #tpu.memory_space<vmem>>, vector<1x16xf32>,
          %get3A_2646 = vector.shape_cast %get3A_2645 : vector<1x16xf32> to vector<16xf32>
          %add3A_2647 = arith.addf %add3A_2605, %get3A_2646 : vector<16xf32>
          %add3A_2648 = arith.constant 1 : i32
          %add3A_2649 = arith.addi %add3A_2600, %add3A_2648 : i32
          %get3A_2650 = arith.index_cast %add3A_2649 : i32 to index
          %get3A_2651 = arith.constant 16 : index
          %get3A_2652 = tpu.vector_load %arg6[%get3A_2650, %get3A_2651] {strides = array<i32>} : memref<272x128xf32, #tpu.memory_space<vmem>>, vector<1x16xf32>,
          %get3A_2653 = vector.shape_cast %get3A_2652 : vector<1x16xf32> to vector<16xf32>
          %add3A_2654 = arith.addf %add3A_2610, %get3A_2653 : vector<16xf32>
          %add3A_2655 = arith.constant 1 : i32
          %add3A_2656 = arith.addi %add3A_2600, %add3A_2655 : i32
          %get3A_2657 = arith.index_cast %add3A_2656 : i32 to index
          %get3A_2658 = arith.constant 32 : index
          %get3A_2659 = tpu.vector_load %arg6[%get3A_2657, %get3A_2658] {strides = array<i32>} : memref<272x128xf32, #tpu.memory_space<vmem>>, vector<1x16xf32>,
          %get3A_2660 = vector.shape_cast %get3A_2659 : vector<1x16xf32> to vector<16xf32>
          %add3A_2661 = arith.addf %add3A_2615, %get3A_2660 : vector<16xf32>
          %add3A_2662 = arith.constant 1 : i32
          %add3A_2663 = arith.addi %add3A_2600, %add3A_2662 : i32
          %get3A_2664 = arith.index_cast %add3A_2663 : i32 to index
          %get3A_2665 = arith.constant 48 : index
          %get3A_2666 = tpu.vector_load %arg6[%get3A_2664, %get3A_2665] {strides = array<i32>} : memref<272x128xf32, #tpu.memory_space<vmem>>, vector<1x16xf32>,
          %get3A_2667 = vector.shape_cast %get3A_2666 : vector<1x16xf32> to vector<16xf32>
          %add3A_2668 = arith.addf %add3A_2620, %get3A_2667 : vector<16xf32>
          %add3A_2669 = arith.constant 1 : i32
          %add3A_2670 = arith.addi %add3A_2600, %add3A_2669 : i32
          %get3A_2671 = arith.index_cast %add3A_2670 : i32 to index
          %get3A_2672 = arith.constant 64 : index
          %get3A_2673 = tpu.vector_load %arg6[%get3A_2671, %get3A_2672] {strides = array<i32>} : memref<272x128xf32, #tpu.memory_space<vmem>>, vector<1x16xf32>,
          %get3A_2674 = vector.shape_cast %get3A_2673 : vector<1x16xf32> to vector<16xf32>
          %add3A_2675 = arith.addf %add3A_2625, %get3A_2674 : vector<16xf32>
          %add3A_2676 = arith.constant 1 : i32
          %add3A_2677 = arith.addi %add3A_2600, %add3A_2676 : i32
          %get3A_2678 = arith.index_cast %add3A_2677 : i32 to index
          %get3A_2679 = arith.constant 80 : index
          %get3A_2680 = tpu.vector_load %arg6[%get3A_2678, %get3A_2679] {strides = array<i32>} : memref<272x128xf32, #tpu.memory_space<vmem>>, vector<1x16xf32>,
          %get3A_2681 = vector.shape_cast %get3A_2680 : vector<1x16xf32> to vector<16xf32>
          %add3A_2682 = arith.addf %add3A_2630, %get3A_2681 : vector<16xf32>
          %add3A_2683 = arith.constant 1 : i32
          %add3A_2684 = arith.addi %add3A_2600, %add3A_2683 : i32
          %get3A_2685 = arith.index_cast %add3A_2684 : i32 to index
          %get3A_2686 = arith.constant 96 : index
          %get3A_2687 = tpu.vector_load %arg6[%get3A_2685, %get3A_2686] {strides = array<i32>} : memref<272x128xf32, #tpu.memory_space<vmem>>, vector<1x16xf32>,
          %get3A_2688 = vector.shape_cast %get3A_2687 : vector<1x16xf32> to vector<16xf32>
          %add3A_2689 = arith.addf %add3A_2635, %get3A_2688 : vector<16xf32>
          %add3A_2690 = arith.constant 1 : i32
          %add3A_2691 = arith.addi %add3A_2600, %add3A_2690 : i32
          %get3A_2692 = arith.index_cast %add3A_2691 : i32 to index
          %get3A_2693 = arith.constant 112 : index
          %get3A_2694 = tpu.vector_load %arg6[%get3A_2692, %get3A_2693] {strides = array<i32>} : memref<272x128xf32, #tpu.memory_space<vmem>>, vector<1x16xf32>,
          %get3A_2695 = vector.shape_cast %get3A_2694 : vector<1x16xf32> to vector<16xf32>
          %add3A_2696 = arith.addf %add3A_2640, %get3A_2695 : vector<16xf32>
          scf.yield %add3A_2647, %add3A_2654, %add3A_2661, %add3A_2668, %add3A_2675, %add3A_2682, %add3A_2689, %add3A_2696 : vector<16xf32>, vector<16xf32>, vector<16xf32>, vector<16xf32>, vector<16xf32>, vector<16xf32>, vector<16xf32>, vector<16xf32>
        }
        %while3A_2461 = arith.constant 1 : i32
        %while3A_2462:8 = scf.for %while3A_2588 = %while3A_2458 to %while3A_2454 step %while3A_2461 iter_args(%while3A_2589 = %while3A_2460#0, %while3A_2590 = %while3A_2460#1, %while3A_2591 = %while3A_2460#2, %while3A_2592 = %while3A_2460#3, %while3A_2593 = %while3A_2460#4, %while3A_2594 = %while3A_2460#5, %while3A_2595 = %while3A_2460#6, %while3A_2596 = %while3A_2460#7) -> (vector<16xf32>, vector<16xf32>, vector<16xf32>, vector<16xf32>, vector<16xf32>, vector<16xf32>, vector<16xf32>, vector<16xf32>)  : i32 {
          %add3A_2597 = arith.addi %sub3A_1429, %scan3A_2414 : i32
          %mul3A_2598 = arith.constant 2 : i32
          %mul3A_2599 = arith.muli %mul3A_2598, %while3A_2588 : i32
          %add3A_2600 = arith.addi %add3A_2597, %mul3A_2599 : i32
          %get3A_2601 = arith.index_cast %add3A_2600 : i32 to index
          %get3A_2602 = arith.constant 0 : index
          %get3A_2603 = tpu.vector_load %arg6[%get3A_2601, %get3A_2602] {strides = array<i32>} : memref<272x128xf32, #tpu.memory_space<vmem>>, vector<1x16xf32>,
          %get3A_2604 = vector.shape_cast %get3A_2603 : vector<1x16xf32> to vector<16xf32>
          %add3A_2605 = arith.addf %while3A_2589, %get3A_2604 : vector<16xf32>
          %get3A_2606 = arith.index_cast %add3A_2600 : i32 to index
          %get3A_2607 = arith.constant 16 : index
          %get3A_2608 = tpu.vector_load %arg6[%get3A_2606, %get3A_2607] {strides = array<i32>} : memref<272x128xf32, #tpu.memory_space<vmem>>, vector<1x16xf32>,
          %get3A_2609 = vector.shape_cast %get3A_2608 : vector<1x16xf32> to vector<16xf32>
          %add3A_2610 = arith.addf %while3A_2590, %get3A_2609 : vector<16xf32>
          %get3A_2611 = arith.index_cast %add3A_2600 : i32 to index
          %get3A_2612 = arith.constant 32 : index
          %get3A_2613 = tpu.vector_load %arg6[%get3A_2611, %get3A_2612] {strides = array<i32>} : memref<272x128xf32, #tpu.memory_space<vmem>>, vector<1x16xf32>,
          %get3A_2614 = vector.shape_cast %get3A_2613 : vector<1x16xf32> to vector<16xf32>
          %add3A_2615 = arith.addf %while3A_2591, %get3A_2614 : vector<16xf32>
          %get3A_2616 = arith.index_cast %add3A_2600 : i32 to index
          %get3A_2617 = arith.constant 48 : index
          %get3A_2618 = tpu.vector_load %arg6[%get3A_2616, %get3A_2617] {strides = array<i32>} : memref<272x128xf32, #tpu.memory_space<vmem>>, vector<1x16xf32>,
          %get3A_2619 = vector.shape_cast %get3A_2618 : vector<1x16xf32> to vector<16xf32>
          %add3A_2620 = arith.addf %while3A_2592, %get3A_2619 : vector<16xf32>
          %get3A_2621 = arith.index_cast %add3A_2600 : i32 to index
          %get3A_2622 = arith.constant 64 : index
          %get3A_2623 = tpu.vector_load %arg6[%get3A_2621, %get3A_2622] {strides = array<i32>} : memref<272x128xf32, #tpu.memory_space<vmem>>, vector<1x16xf32>,
          %get3A_2624 = vector.shape_cast %get3A_2623 : vector<1x16xf32> to vector<16xf32>
          %add3A_2625 = arith.addf %while3A_2593, %get3A_2624 : vector<16xf32>
          %get3A_2626 = arith.index_cast %add3A_2600 : i32 to index
          %get3A_2627 = arith.constant 80 : index
          %get3A_2628 = tpu.vector_load %arg6[%get3A_2626, %get3A_2627] {strides = array<i32>} : memref<272x128xf32, #tpu.memory_space<vmem>>, vector<1x16xf32>,
          %get3A_2629 = vector.shape_cast %get3A_2628 : vector<1x16xf32> to vector<16xf32>
          %add3A_2630 = arith.addf %while3A_2594, %get3A_2629 : vector<16xf32>
          %get3A_2631 = arith.index_cast %add3A_2600 : i32 to index
          %get3A_2632 = arith.constant 96 : index
          %get3A_2633 = tpu.vector_load %arg6[%get3A_2631, %get3A_2632] {strides = array<i32>} : memref<272x128xf32, #tpu.memory_space<vmem>>, vector<1x16xf32>,
          %get3A_2634 = vector.shape_cast %get3A_2633 : vector<1x16xf32> to vector<16xf32>
          %add3A_2635 = arith.addf %while3A_2595, %get3A_2634 : vector<16xf32>
          %get3A_2636 = arith.index_cast %add3A_2600 : i32 to index
          %get3A_2637 = arith.constant 112 : index
          %get3A_2638 = tpu.vector_load %arg6[%get3A_2636, %get3A_2637] {strides = array<i32>} : memref<272x128xf32, #tpu.memory_space<vmem>>, vector<1x16xf32>,
          %get3A_2639 = vector.shape_cast %get3A_2638 : vector<1x16xf32> to vector<16xf32>
          %add3A_2640 = arith.addf %while3A_2596, %get3A_2639 : vector<16xf32>
          %add3A_2641 = arith.constant 1 : i32
          %add3A_2642 = arith.addi %add3A_2600, %add3A_2641 : i32
          %get3A_2643 = arith.index_cast %add3A_2642 : i32 to index
          %get3A_2644 = arith.constant 0 : index
          %get3A_2645 = tpu.vector_load %arg6[%get3A_2643, %get3A_2644] {strides = array<i32>} : memref<272x128xf32, #tpu.memory_space<vmem>>, vector<1x16xf32>,
          %get3A_2646 = vector.shape_cast %get3A_2645 : vector<1x16xf32> to vector<16xf32>
          %add3A_2647 = arith.addf %add3A_2605, %get3A_2646 : vector<16xf32>
          %add3A_2648 = arith.constant 1 : i32
          %add3A_2649 = arith.addi %add3A_2600, %add3A_2648 : i32
          %get3A_2650 = arith.index_cast %add3A_2649 : i32 to index
          %get3A_2651 = arith.constant 16 : index
          %get3A_2652 = tpu.vector_load %arg6[%get3A_2650, %get3A_2651] {strides = array<i32>} : memref<272x128xf32, #tpu.memory_space<vmem>>, vector<1x16xf32>,
          %get3A_2653 = vector.shape_cast %get3A_2652 : vector<1x16xf32> to vector<16xf32>
          %add3A_2654 = arith.addf %add3A_2610, %get3A_2653 : vector<16xf32>
          %add3A_2655 = arith.constant 1 : i32
          %add3A_2656 = arith.addi %add3A_2600, %add3A_2655 : i32
          %get3A_2657 = arith.index_cast %add3A_2656 : i32 to index
          %get3A_2658 = arith.constant 32 : index
          %get3A_2659 = tpu.vector_load %arg6[%get3A_2657, %get3A_2658] {strides = array<i32>} : memref<272x128xf32, #tpu.memory_space<vmem>>, vector<1x16xf32>,
          %get3A_2660 = vector.shape_cast %get3A_2659 : vector<1x16xf32> to vector<16xf32>
          %add3A_2661 = arith.addf %add3A_2615, %get3A_2660 : vector<16xf32>
          %add3A_2662 = arith.constant 1 : i32
          %add3A_2663 = arith.addi %add3A_2600, %add3A_2662 : i32
          %get3A_2664 = arith.index_cast %add3A_2663 : i32 to index
          %get3A_2665 = arith.constant 48 : index
          %get3A_2666 = tpu.vector_load %arg6[%get3A_2664, %get3A_2665] {strides = array<i32>} : memref<272x128xf32, #tpu.memory_space<vmem>>, vector<1x16xf32>,
          %get3A_2667 = vector.shape_cast %get3A_2666 : vector<1x16xf32> to vector<16xf32>
          %add3A_2668 = arith.addf %add3A_2620, %get3A_2667 : vector<16xf32>
          %add3A_2669 = arith.constant 1 : i32
          %add3A_2670 = arith.addi %add3A_2600, %add3A_2669 : i32
          %get3A_2671 = arith.index_cast %add3A_2670 : i32 to index
          %get3A_2672 = arith.constant 64 : index
          %get3A_2673 = tpu.vector_load %arg6[%get3A_2671, %get3A_2672] {strides = array<i32>} : memref<272x128xf32, #tpu.memory_space<vmem>>, vector<1x16xf32>,
          %get3A_2674 = vector.shape_cast %get3A_2673 : vector<1x16xf32> to vector<16xf32>
          %add3A_2675 = arith.addf %add3A_2625, %get3A_2674 : vector<16xf32>
          %add3A_2676 = arith.constant 1 : i32
          %add3A_2677 = arith.addi %add3A_2600, %add3A_2676 : i32
          %get3A_2678 = arith.index_cast %add3A_2677 : i32 to index
          %get3A_2679 = arith.constant 80 : index
          %get3A_2680 = tpu.vector_load %arg6[%get3A_2678, %get3A_2679] {strides = array<i32>} : memref<272x128xf32, #tpu.memory_space<vmem>>, vector<1x16xf32>,
          %get3A_2681 = vector.shape_cast %get3A_2680 : vector<1x16xf32> to vector<16xf32>
          %add3A_2682 = arith.addf %add3A_2630, %get3A_2681 : vector<16xf32>
          %add3A_2683 = arith.constant 1 : i32
          %add3A_2684 = arith.addi %add3A_2600, %add3A_2683 : i32
          %get3A_2685 = arith.index_cast %add3A_2684 : i32 to index
          %get3A_2686 = arith.constant 96 : index
          %get3A_2687 = tpu.vector_load %arg6[%get3A_2685, %get3A_2686] {strides = array<i32>} : memref<272x128xf32, #tpu.memory_space<vmem>>, vector<1x16xf32>,
          %get3A_2688 = vector.shape_cast %get3A_2687 : vector<1x16xf32> to vector<16xf32>
          %add3A_2689 = arith.addf %add3A_2635, %get3A_2688 : vector<16xf32>
          %add3A_2690 = arith.constant 1 : i32
          %add3A_2691 = arith.addi %add3A_2600, %add3A_2690 : i32
          %get3A_2692 = arith.index_cast %add3A_2691 : i32 to index
          %get3A_2693 = arith.constant 112 : index
          %get3A_2694 = tpu.vector_load %arg6[%get3A_2692, %get3A_2693] {strides = array<i32>} : memref<272x128xf32, #tpu.memory_space<vmem>>, vector<1x16xf32>,
          %get3A_2695 = vector.shape_cast %get3A_2694 : vector<1x16xf32> to vector<16xf32>
          %add3A_2696 = arith.addf %add3A_2640, %get3A_2695 : vector<16xf32>
          scf.yield %add3A_2647, %add3A_2654, %add3A_2661, %add3A_2668, %add3A_2675, %add3A_2682, %add3A_2689, %add3A_2696 : vector<16xf32>, vector<16xf32>, vector<16xf32>, vector<16xf32>, vector<16xf32>, vector<16xf32>, vector<16xf32>, vector<16xf32>
        }
        %add3A_2463 = arith.addi %sub3A_1429, %scan3A_2414 : i32
        %add3A_2464 = arith.addi %add3A_2463, %add3A_2425 : i32
        %sub3A_2465 = arith.constant 1 : i32
        %sub3A_2466 = arith.subi %add3A_2464, %sub3A_2465 : i32
        %max3A = arith.constant 0 : i32
        %max3A_2467 = arith.maxsi %sub3A_2466, %max3A : i32
        %jit3A_2468 = arith.constant 2 : i32
        %eq3A_2469 = arith.constant 0 : i32
        %eq3A_2470 = arith.cmpi eq, %jit3A_2468, %eq3A_2469 : i32
        %jit3A_2471 = arith.constant 1 : i32
        %select_n3A_2472 = arith.select %eq3A_2470, %jit3A_2471, %jit3A_2468 : i32
        %rem3A_2473 = arith.remsi %add3A_2425, %select_n3A_2472 : i32
        %ne3A_2474 = arith.constant 0 : i32
        %ne3A_2475 = arith.cmpi ne, %rem3A_2473, %ne3A_2474 : i32
        %lt3A_2476 = arith.constant 0 : i32
        %lt3A_2477 = arith.cmpi slt, %rem3A_2473, %lt3A_2476 : i32
        %lt3A_2478 = arith.constant 0 : i32
        %lt3A_2479 = arith.cmpi slt, %select_n3A_2472, %lt3A_2478 : i32
        %ne3A_2480 = arith.xori %lt3A_2477, %lt3A_2479 : i1
        %and3A_2481 = arith.andi %ne3A_2480, %ne3A_2475 : i1
        %add3A_2482 = arith.addi %rem3A_2473, %select_n3A_2472 : i32
        %select_n3A_2483 = arith.select %and3A_2481, %add3A_2482, %rem3A_2473 : i32
        %convert_element_type3A_2484 = arith.sitofp %select_n3A_2483 : i32 to f32
        %broadcast_in_dim3A_2485 = vector.broadcast %convert_element_type3A_2484 : f32 to vector<16xf32>
        %get3A_2486 = arith.index_cast %max3A_2467 : i32 to index
        %get3A_2487 = arith.constant 0 : index
        %get3A_2488 = tpu.vector_load %arg6[%get3A_2486, %get3A_2487] {strides = array<i32>} : memref<272x128xf32, #tpu.memory_space<vmem>>, vector<1x16xf32>,
        %get3A_2489 = vector.shape_cast %get3A_2488 : vector<1x16xf32> to vector<16xf32>
        %mul3A_2490 = arith.mulf %broadcast_in_dim3A_2485, %get3A_2489 : vector<16xf32>
        %add3A_2491 = arith.addf %while3A_2462#0, %mul3A_2490 : vector<16xf32>
        %get3A_2492 = arith.index_cast %max3A_2467 : i32 to index
        %get3A_2493 = arith.constant 16 : index
        %get3A_2494 = tpu.vector_load %arg6[%get3A_2492, %get3A_2493] {strides = array<i32>} : memref<272x128xf32, #tpu.memory_space<vmem>>, vector<1x16xf32>,
        %get3A_2495 = vector.shape_cast %get3A_2494 : vector<1x16xf32> to vector<16xf32>
        %mul3A_2496 = arith.mulf %broadcast_in_dim3A_2485, %get3A_2495 : vector<16xf32>
        %add3A_2497 = arith.addf %while3A_2462#1, %mul3A_2496 : vector<16xf32>
        %get3A_2498 = arith.index_cast %max3A_2467 : i32 to index
        %get3A_2499 = arith.constant 32 : index
        %get3A_2500 = tpu.vector_load %arg6[%get3A_2498, %get3A_2499] {strides = array<i32>} : memref<272x128xf32, #tpu.memory_space<vmem>>, vector<1x16xf32>,
        %get3A_2501 = vector.shape_cast %get3A_2500 : vector<1x16xf32> to vector<16xf32>
        %mul3A_2502 = arith.mulf %broadcast_in_dim3A_2485, %get3A_2501 : vector<16xf32>
        %add3A_2503 = arith.addf %while3A_2462#2, %mul3A_2502 : vector<16xf32>
        %get3A_2504 = arith.index_cast %max3A_2467 : i32 to index
        %get3A_2505 = arith.constant 48 : index
        %get3A_2506 = tpu.vector_load %arg6[%get3A_2504, %get3A_2505] {strides = array<i32>} : memref<272x128xf32, #tpu.memory_space<vmem>>, vector<1x16xf32>,
        %get3A_2507 = vector.shape_cast %get3A_2506 : vector<1x16xf32> to vector<16xf32>
        %mul3A_2508 = arith.mulf %broadcast_in_dim3A_2485, %get3A_2507 : vector<16xf32>
        %add3A_2509 = arith.addf %while3A_2462#3, %mul3A_2508 : vector<16xf32>
        %get3A_2510 = arith.index_cast %max3A_2467 : i32 to index
        %get3A_2511 = arith.constant 64 : index
        %get3A_2512 = tpu.vector_load %arg6[%get3A_2510, %get3A_2511] {strides = array<i32>} : memref<272x128xf32, #tpu.memory_space<vmem>>, vector<1x16xf32>,
        %get3A_2513 = vector.shape_cast %get3A_2512 : vector<1x16xf32> to vector<16xf32>
        %mul3A_2514 = arith.mulf %broadcast_in_dim3A_2485, %get3A_2513 : vector<16xf32>
        %add3A_2515 = arith.addf %while3A_2462#4, %mul3A_2514 : vector<16xf32>
        %get3A_2516 = arith.index_cast %max3A_2467 : i32 to index
        %get3A_2517 = arith.constant 80 : index
        %get3A_2518 = tpu.vector_load %arg6[%get3A_2516, %get3A_2517] {strides = array<i32>} : memref<272x128xf32, #tpu.memory_space<vmem>>, vector<1x16xf32>,
        %get3A_2519 = vector.shape_cast %get3A_2518 : vector<1x16xf32> to vector<16xf32>
        %mul3A_2520 = arith.mulf %broadcast_in_dim3A_2485, %get3A_2519 : vector<16xf32>
        %add3A_2521 = arith.addf %while3A_2462#5, %mul3A_2520 : vector<16xf32>
        %get3A_2522 = arith.index_cast %max3A_2467 : i32 to index
        %get3A_2523 = arith.constant 96 : index
        %get3A_2524 = tpu.vector_load %arg6[%get3A_2522, %get3A_2523] {strides = array<i32>} : memref<272x128xf32, #tpu.memory_space<vmem>>, vector<1x16xf32>,
        %get3A_2525 = vector.shape_cast %get3A_2524 : vector<1x16xf32> to vector<16xf32>
        %mul3A_2526 = arith.mulf %broadcast_in_dim3A_2485, %get3A_2525 : vector<16xf32>
        %add3A_2527 = arith.addf %while3A_2462#6, %mul3A_2526 : vector<16xf32>
        %get3A_2528 = arith.index_cast %max3A_2467 : i32 to index
        %get3A_2529 = arith.constant 112 : index
        %get3A_2530 = tpu.vector_load %arg6[%get3A_2528, %get3A_2529] {strides = array<i32>} : memref<272x128xf32, #tpu.memory_space<vmem>>, vector<1x16xf32>,
        %get3A_2531 = vector.shape_cast %get3A_2530 : vector<1x16xf32> to vector<16xf32>
        %mul3A_2532 = arith.mulf %broadcast_in_dim3A_2485, %get3A_2531 : vector<16xf32>
        %add3A_2533 = arith.addf %while3A_2462#7, %mul3A_2532 : vector<16xf32>
        %convert_element_type3A_2534 = arith.sitofp %add3A_2425 : i32 to f32
        %broadcast_in_dim3A_2535 = vector.broadcast %convert_element_type3A_2534 : f32 to vector<16xf32>
        %div3A_2536 = arith.constant 1.000000e+00 : f32
        %div3A_2537 = vector.broadcast %div3A_2536 : f32 to vector<16xf32>
        %div3A_2538 = arith.divf %div3A_2537, %broadcast_in_dim3A_2535 : vector<16xf32>
        %mul3A_2539 = arith.mulf %add3A_2491, %div3A_2538 : vector<16xf32>
        %swap3A_2540 = arith.index_cast %scan3A_2413 : i32 to index
        %swap3A_2541 = arith.constant 0 : index
        %swap3A_2542 = tpu.vector_load %arg9[%swap3A_2540, %swap3A_2541] {strides = array<i32>} : memref<8x128xf32, #tpu.memory_space<vmem>>, vector<1x16xf32>,
        %swap3A_2543 = vector.shape_cast %swap3A_2542 : vector<1x16xf32> to vector<16xf32>
        %swap3A_2544 = vector.shape_cast %mul3A_2539 : vector<16xf32> to vector<1x16xf32>
        tpu.vector_store %arg9[%swap3A_2540, %swap3A_2541], %swap3A_2544 {strides = array<i32>} : memref<8x128xf32, #tpu.memory_space<vmem>>, vector<1x16xf32>,
        %mul3A_2545 = arith.mulf %add3A_2497, %div3A_2538 : vector<16xf32>
        %swap3A_2546 = arith.index_cast %scan3A_2413 : i32 to index
        %swap3A_2547 = arith.constant 16 : index
        %swap3A_2548 = tpu.vector_load %arg9[%swap3A_2546, %swap3A_2547] {strides = array<i32>} : memref<8x128xf32, #tpu.memory_space<vmem>>, vector<1x16xf32>,
        %swap3A_2549 = vector.shape_cast %swap3A_2548 : vector<1x16xf32> to vector<16xf32>
        %swap3A_2550 = vector.shape_cast %mul3A_2545 : vector<16xf32> to vector<1x16xf32>
        tpu.vector_store %arg9[%swap3A_2546, %swap3A_2547], %swap3A_2550 {strides = array<i32>} : memref<8x128xf32, #tpu.memory_space<vmem>>, vector<1x16xf32>,
        %mul3A_2551 = arith.mulf %add3A_2503, %div3A_2538 : vector<16xf32>
        %swap3A_2552 = arith.index_cast %scan3A_2413 : i32 to index
        %swap3A_2553 = arith.constant 32 : index
        %swap3A_2554 = tpu.vector_load %arg9[%swap3A_2552, %swap3A_2553] {strides = array<i32>} : memref<8x128xf32, #tpu.memory_space<vmem>>, vector<1x16xf32>,
        %swap3A_2555 = vector.shape_cast %swap3A_2554 : vector<1x16xf32> to vector<16xf32>
        %swap3A_2556 = vector.shape_cast %mul3A_2551 : vector<16xf32> to vector<1x16xf32>
        tpu.vector_store %arg9[%swap3A_2552, %swap3A_2553], %swap3A_2556 {strides = array<i32>} : memref<8x128xf32, #tpu.memory_space<vmem>>, vector<1x16xf32>,
        %mul3A_2557 = arith.mulf %add3A_2509, %div3A_2538 : vector<16xf32>
        %swap3A_2558 = arith.index_cast %scan3A_2413 : i32 to index
        %swap3A_2559 = arith.constant 48 : index
        %swap3A_2560 = tpu.vector_load %arg9[%swap3A_2558, %swap3A_2559] {strides = array<i32>} : memref<8x128xf32, #tpu.memory_space<vmem>>, vector<1x16xf32>,
        %swap3A_2561 = vector.shape_cast %swap3A_2560 : vector<1x16xf32> to vector<16xf32>
        %swap3A_2562 = vector.shape_cast %mul3A_2557 : vector<16xf32> to vector<1x16xf32>
        tpu.vector_store %arg9[%swap3A_2558, %swap3A_2559], %swap3A_2562 {strides = array<i32>} : memref<8x128xf32, #tpu.memory_space<vmem>>, vector<1x16xf32>,
        %mul3A_2563 = arith.mulf %add3A_2515, %div3A_2538 : vector<16xf32>
        %swap3A_2564 = arith.index_cast %scan3A_2413 : i32 to index
        %swap3A_2565 = arith.constant 64 : index
        %swap3A_2566 = tpu.vector_load %arg9[%swap3A_2564, %swap3A_2565] {strides = array<i32>} : memref<8x128xf32, #tpu.memory_space<vmem>>, vector<1x16xf32>,
        %swap3A_2567 = vector.shape_cast %swap3A_2566 : vector<1x16xf32> to vector<16xf32>
        %swap3A_2568 = vector.shape_cast %mul3A_2563 : vector<16xf32> to vector<1x16xf32>
        tpu.vector_store %arg9[%swap3A_2564, %swap3A_2565], %swap3A_2568 {strides = array<i32>} : memref<8x128xf32, #tpu.memory_space<vmem>>, vector<1x16xf32>,
        %mul3A_2569 = arith.mulf %add3A_2521, %div3A_2538 : vector<16xf32>
        %swap3A_2570 = arith.index_cast %scan3A_2413 : i32 to index
        %swap3A_2571 = arith.constant 80 : index
        %swap3A_2572 = tpu.vector_load %arg9[%swap3A_2570, %swap3A_2571] {strides = array<i32>} : memref<8x128xf32, #tpu.memory_space<vmem>>, vector<1x16xf32>,
        %swap3A_2573 = vector.shape_cast %swap3A_2572 : vector<1x16xf32> to vector<16xf32>
        %swap3A_2574 = vector.shape_cast %mul3A_2569 : vector<16xf32> to vector<1x16xf32>
        tpu.vector_store %arg9[%swap3A_2570, %swap3A_2571], %swap3A_2574 {strides = array<i32>} : memref<8x128xf32, #tpu.memory_space<vmem>>, vector<1x16xf32>,
        %mul3A_2575 = arith.mulf %add3A_2527, %div3A_2538 : vector<16xf32>
        %swap3A_2576 = arith.index_cast %scan3A_2413 : i32 to index
        %swap3A_2577 = arith.constant 96 : index
        %swap3A_2578 = tpu.vector_load %arg9[%swap3A_2576, %swap3A_2577] {strides = array<i32>} : memref<8x128xf32, #tpu.memory_space<vmem>>, vector<1x16xf32>,
        %swap3A_2579 = vector.shape_cast %swap3A_2578 : vector<1x16xf32> to vector<16xf32>
        %swap3A_2580 = vector.shape_cast %mul3A_2575 : vector<16xf32> to vector<1x16xf32>
        tpu.vector_store %arg9[%swap3A_2576, %swap3A_2577], %swap3A_2580 {strides = array<i32>} : memref<8x128xf32, #tpu.memory_space<vmem>>, vector<1x16xf32>,
        %mul3A_2581 = arith.mulf %add3A_2533, %div3A_2538 : vector<16xf32>
        %swap3A_2582 = arith.index_cast %scan3A_2413 : i32 to index
        %swap3A_2583 = arith.constant 112 : index
        %swap3A_2584 = tpu.vector_load %arg9[%swap3A_2582, %swap3A_2583] {strides = array<i32>} : memref<8x128xf32, #tpu.memory_space<vmem>>, vector<1x16xf32>,
        %swap3A_2585 = vector.shape_cast %swap3A_2584 : vector<1x16xf32> to vector<16xf32>
        %swap3A_2586 = vector.shape_cast %mul3A_2581 : vector<16xf32> to vector<1x16xf32>
        tpu.vector_store %arg9[%swap3A_2582, %swap3A_2583], %swap3A_2586 {strides = array<i32>} : memref<8x128xf32, #tpu.memory_space<vmem>>, vector<1x16xf32>,
        %add3A_2587 = arith.addi %scan3A_2414, %add3A_2425 : i32
        scf.yield %add3A_2587 : i32
      }
      %scan3A_1441 = arith.constant 8 : i32
      %mul3A_1442 = arith.constant 8 : i32
      %mul3A_1443 = arith.muli %add3A_968, %mul3A_1442 : i32
      %add3A_1444 = arith.addi %mul3A_2, %mul3A_1443 : i32
      %dma_start3A_1445 = arith.constant 0 : i32
      %dma_start3A_1446 = tpu.memref_slice %arg4[%add3A_1444, %dma_start3A_1445] : memref<10240x128xf32, #tpu.memory_space<hbm>> -> memref<8x128xf32, #tpu.memory_space<hbm>>
      %dma_start3A_1447 = arith.constant 0 : i32
      %dma_start3A_1448 = tpu.memref_slice %arg4[%add3A_1444, %dma_start3A_1447] : memref<10240x128xf32, #tpu.memory_space<hbm>> -> memref<8x128xf32, #tpu.memory_space<hbm>>
      tpu.enqueue_dma source(%arg9 : memref<8x128xf32, #tpu.memory_space<vmem>>) target(%dma_start3A_1448 : memref<8x128xf32, #tpu.memory_space<hbm>>) target_semaphore(%arg15 : memref<!tpu.dma_semaphore, #tpu.memory_space<semaphore_mem>>)
      %add3A_1449 = arith.constant 1 : i32
      %add3A_1450 = arith.addi %mul3A_966, %add3A_1449 : i32
      %add3A_1451 = arith.constant 1 : i32
      %add3A_1452 = arith.addi %add3A_1450, %add3A_1451 : i32
      %mul3A_1453 = arith.constant 8 : i32
      %mul3A_1454 = arith.muli %add3A_1452, %mul3A_1453 : i32
      %add3A_1455 = arith.addi %mul3A_2, %mul3A_1454 : i32
      %get3A_1456 = arith.index_cast %add3A_1455 : i32 to index
      %get3A_1457 = tpu.vector_load %arg5[%get3A_1456] {strides = array<i32>} : memref<10256xi32, #tpu.memory_space<vmem>>, vector<16xi32>,
      %get3A_1458 = vector.shape_cast %get3A_1457 : vector<16xi32> to vector<16xi32>
      %add3A_1459 = arith.constant 1 : i32
      %add3A_1460 = vector.broadcast %add3A_1459 : i32 to vector<16xi32>
      %add3A_1461 = arith.addi %get3A_1458, %add3A_1460 : vector<16xi32>
      %lt3A_1462 = arith.constant 8 : i32
      %lt3A_1463 = vector.broadcast %lt3A_1462 : i32 to vector<16xi32>
      %lt3A_1464 = arith.cmpi slt, %iota3A_237, %lt3A_1463 : vector<16xi32>
      %jit3A_1465 = arith.constant 0 : i32
      %broadcast_in_dim3A_1466 = vector.broadcast %jit3A_1465 : i32 to vector<16xi32>
      %select_n3A_1467 = arith.select %lt3A_1464, %add3A_1461, %broadcast_in_dim3A_1466 : vector<16xi1>, vector<16xi32>
      %iota3A_1468 = tpu.iota {dimensions = array<i32: 0>} : vector<16xi32>
      %add3A_1469 = arith.constant 1 : i32
      %add3A_1470 = vector.broadcast %add3A_1469 : i32 to vector<16xi32>
      %add3A_1471 = arith.addi %iota3A_1468, %add3A_1470 : vector<16xi32>
      %jit3A_1472 = arith.constant 16 : i32
      %eq3A_1473 = arith.constant 0 : i32
      %eq3A_1474 = arith.cmpi eq, %jit3A_1472, %eq3A_1473 : i32
      %jit3A_1475 = arith.constant 1 : i32
      %select_n3A_1476 = arith.select %eq3A_1474, %jit3A_1475, %jit3A_1472 : i32
      %rem3A_1477 = vector.broadcast %select_n3A_1476 : i32 to vector<16xi32>
      %rem3A_1478 = arith.remsi %add3A_1471, %rem3A_1477 : vector<16xi32>
      %ne3A_1479 = arith.constant 0 : i32
      %ne3A_1480 = vector.broadcast %ne3A_1479 : i32 to vector<16xi32>
      %ne3A_1481 = arith.cmpi ne, %rem3A_1478, %ne3A_1480 : vector<16xi32>
      %lt3A_1482 = arith.constant 0 : i32
      %lt3A_1483 = vector.broadcast %lt3A_1482 : i32 to vector<16xi32>
      %lt3A_1484 = arith.cmpi slt, %rem3A_1478, %lt3A_1483 : vector<16xi32>
      %lt3A_1485 = arith.constant 0 : i32
      %lt3A_1486 = arith.cmpi slt, %select_n3A_1476, %lt3A_1485 : i32
      %ne3A_1487 = vector.broadcast %lt3A_1486 : i1 to vector<16xi1>
      %ne3A_1488 = vector.broadcast %ne3A_1487 : vector<16xi1> to vector<16xi1>
      %ne3A_1489 = arith.xori %lt3A_1484, %ne3A_1488 : vector<16xi1>
      %and3A_1490 = arith.andi %ne3A_1489, %ne3A_1481 : vector<16xi1>
      %add3A_1491 = vector.broadcast %select_n3A_1476 : i32 to vector<16xi32>
      %add3A_1492 = arith.addi %rem3A_1478, %add3A_1491 : vector<16xi32>
      %select_n3A_1493 = arith.select %and3A_1490, %add3A_1492, %rem3A_1478 : vector<16xi1>, vector<16xi32>
      %lt3A_1494 = arith.constant 0 : i32
      %lt3A_1495 = vector.broadcast %lt3A_1494 : i32 to vector<16xi32>
      %lt3A_1496 = arith.cmpi slt, %select_n3A_1493, %lt3A_1495 : vector<16xi32>
      %add3A_1497 = arith.constant 16 : i32
      %add3A_1498 = vector.broadcast %add3A_1497 : i32 to vector<16xi32>
      %add3A_1499 = arith.addi %select_n3A_1493, %add3A_1498 : vector<16xi32>
      %select_n3A_1500 = arith.select %lt3A_1496, %add3A_1499, %select_n3A_1493 : vector<16xi1>, vector<16xi32>
      %broadcast_in_dim3A_1501 = vector.shape_cast %select_n3A_1500 : vector<16xi32> to vector<16x1xi32>
      %gather3A_1502 = vector.shape_cast %broadcast_in_dim3A_1501 : vector<16x1xi32> to vector<16xi32>
      %gather3A_1503 = tpu.dynamic_gather %select_n3A_1467[%gather3A_1502] in [0] : vector<16xi32>, vector<16xi32> -> vector<16xi32>
      %add3A_1504 = arith.addi %select_n3A_1467, %gather3A_1503 : vector<16xi32>
      %add3A_1505 = arith.constant 2 : i32
      %add3A_1506 = vector.broadcast %add3A_1505 : i32 to vector<16xi32>
      %add3A_1507 = arith.addi %iota3A_1468, %add3A_1506 : vector<16xi32>
      %jit3A_1508 = arith.constant 16 : i32
      %eq3A_1509 = arith.constant 0 : i32
      %eq3A_1510 = arith.cmpi eq, %jit3A_1508, %eq3A_1509 : i32
      %jit3A_1511 = arith.constant 1 : i32
      %select_n3A_1512 = arith.select %eq3A_1510, %jit3A_1511, %jit3A_1508 : i32
      %rem3A_1513 = vector.broadcast %select_n3A_1512 : i32 to vector<16xi32>
      %rem3A_1514 = arith.remsi %add3A_1507, %rem3A_1513 : vector<16xi32>
      %ne3A_1515 = arith.constant 0 : i32
      %ne3A_1516 = vector.broadcast %ne3A_1515 : i32 to vector<16xi32>
      %ne3A_1517 = arith.cmpi ne, %rem3A_1514, %ne3A_1516 : vector<16xi32>
      %lt3A_1518 = arith.constant 0 : i32
      %lt3A_1519 = vector.broadcast %lt3A_1518 : i32 to vector<16xi32>
      %lt3A_1520 = arith.cmpi slt, %rem3A_1514, %lt3A_1519 : vector<16xi32>
      %lt3A_1521 = arith.constant 0 : i32
      %lt3A_1522 = arith.cmpi slt, %select_n3A_1512, %lt3A_1521 : i32
      %ne3A_1523 = vector.broadcast %lt3A_1522 : i1 to vector<16xi1>
      %ne3A_1524 = vector.broadcast %ne3A_1523 : vector<16xi1> to vector<16xi1>
      %ne3A_1525 = arith.xori %lt3A_1520, %ne3A_1524 : vector<16xi1>
      %and3A_1526 = arith.andi %ne3A_1525, %ne3A_1517 : vector<16xi1>
      %add3A_1527 = vector.broadcast %select_n3A_1512 : i32 to vector<16xi32>
      %add3A_1528 = arith.addi %rem3A_1514, %add3A_1527 : vector<16xi32>
      %select_n3A_1529 = arith.select %and3A_1526, %add3A_1528, %rem3A_1514 : vector<16xi1>, vector<16xi32>
      %lt3A_1530 = arith.constant 0 : i32
      %lt3A_1531 = vector.broadcast %lt3A_1530 : i32 to vector<16xi32>
      %lt3A_1532 = arith.cmpi slt, %select_n3A_1529, %lt3A_1531 : vector<16xi32>
      %add3A_1533 = arith.constant 16 : i32
      %add3A_1534 = vector.broadcast %add3A_1533 : i32 to vector<16xi32>
      %add3A_1535 = arith.addi %select_n3A_1529, %add3A_1534 : vector<16xi32>
      %select_n3A_1536 = arith.select %lt3A_1532, %add3A_1535, %select_n3A_1529 : vector<16xi1>, vector<16xi32>
      %broadcast_in_dim3A_1537 = vector.shape_cast %select_n3A_1536 : vector<16xi32> to vector<16x1xi32>
      %gather3A_1538 = vector.shape_cast %broadcast_in_dim3A_1537 : vector<16x1xi32> to vector<16xi32>
      %gather3A_1539 = tpu.dynamic_gather %add3A_1504[%gather3A_1538] in [0] : vector<16xi32>, vector<16xi32> -> vector<16xi32>
      %add3A_1540 = arith.addi %add3A_1504, %gather3A_1539 : vector<16xi32>
      %add3A_1541 = arith.constant 4 : i32
      %add3A_1542 = vector.broadcast %add3A_1541 : i32 to vector<16xi32>
      %add3A_1543 = arith.addi %iota3A_1468, %add3A_1542 : vector<16xi32>
      %jit3A_1544 = arith.constant 16 : i32
      %eq3A_1545 = arith.constant 0 : i32
      %eq3A_1546 = arith.cmpi eq, %jit3A_1544, %eq3A_1545 : i32
      %jit3A_1547 = arith.constant 1 : i32
      %select_n3A_1548 = arith.select %eq3A_1546, %jit3A_1547, %jit3A_1544 : i32
      %rem3A_1549 = vector.broadcast %select_n3A_1548 : i32 to vector<16xi32>
      %rem3A_1550 = arith.remsi %add3A_1543, %rem3A_1549 : vector<16xi32>
      %ne3A_1551 = arith.constant 0 : i32
      %ne3A_1552 = vector.broadcast %ne3A_1551 : i32 to vector<16xi32>
      %ne3A_1553 = arith.cmpi ne, %rem3A_1550, %ne3A_1552 : vector<16xi32>
      %lt3A_1554 = arith.constant 0 : i32
      %lt3A_1555 = vector.broadcast %lt3A_1554 : i32 to vector<16xi32>
      %lt3A_1556 = arith.cmpi slt, %rem3A_1550, %lt3A_1555 : vector<16xi32>
      %lt3A_1557 = arith.constant 0 : i32
      %lt3A_1558 = arith.cmpi slt, %select_n3A_1548, %lt3A_1557 : i32
      %ne3A_1559 = vector.broadcast %lt3A_1558 : i1 to vector<16xi1>
      %ne3A_1560 = vector.broadcast %ne3A_1559 : vector<16xi1> to vector<16xi1>
      %ne3A_1561 = arith.xori %lt3A_1556, %ne3A_1560 : vector<16xi1>
      %and3A_1562 = arith.andi %ne3A_1561, %ne3A_1553 : vector<16xi1>
      %add3A_1563 = vector.broadcast %select_n3A_1548 : i32 to vector<16xi32>
      %add3A_1564 = arith.addi %rem3A_1550, %add3A_1563 : vector<16xi32>
      %select_n3A_1565 = arith.select %and3A_1562, %add3A_1564, %rem3A_1550 : vector<16xi1>, vector<16xi32>
      %lt3A_1566 = arith.constant 0 : i32
      %lt3A_1567 = vector.broadcast %lt3A_1566 : i32 to vector<16xi32>
      %lt3A_1568 = arith.cmpi slt, %select_n3A_1565, %lt3A_1567 : vector<16xi32>
      %add3A_1569 = arith.constant 16 : i32
      %add3A_1570 = vector.broadcast %add3A_1569 : i32 to vector<16xi32>
      %add3A_1571 = arith.addi %select_n3A_1565, %add3A_1570 : vector<16xi32>
      %select_n3A_1572 = arith.select %lt3A_1568, %add3A_1571, %select_n3A_1565 : vector<16xi1>, vector<16xi32>
      %broadcast_in_dim3A_1573 = vector.shape_cast %select_n3A_1572 : vector<16xi32> to vector<16x1xi32>
      %gather3A_1574 = vector.shape_cast %broadcast_in_dim3A_1573 : vector<16x1xi32> to vector<16xi32>
      %gather3A_1575 = tpu.dynamic_gather %add3A_1540[%gather3A_1574] in [0] : vector<16xi32>, vector<16xi32> -> vector<16xi32>
      %add3A_1576 = arith.addi %add3A_1540, %gather3A_1575 : vector<16xi32>
      %add3A_1577 = arith.constant 8 : i32
      %add3A_1578 = vector.broadcast %add3A_1577 : i32 to vector<16xi32>
      %add3A_1579 = arith.addi %iota3A_1468, %add3A_1578 : vector<16xi32>
      %jit3A_1580 = arith.constant 16 : i32
      %eq3A_1581 = arith.constant 0 : i32
      %eq3A_1582 = arith.cmpi eq, %jit3A_1580, %eq3A_1581 : i32
      %jit3A_1583 = arith.constant 1 : i32
      %select_n3A_1584 = arith.select %eq3A_1582, %jit3A_1583, %jit3A_1580 : i32
      %rem3A_1585 = vector.broadcast %select_n3A_1584 : i32 to vector<16xi32>
      %rem3A_1586 = arith.remsi %add3A_1579, %rem3A_1585 : vector<16xi32>
      %ne3A_1587 = arith.constant 0 : i32
      %ne3A_1588 = vector.broadcast %ne3A_1587 : i32 to vector<16xi32>
      %ne3A_1589 = arith.cmpi ne, %rem3A_1586, %ne3A_1588 : vector<16xi32>
      %lt3A_1590 = arith.constant 0 : i32
      %lt3A_1591 = vector.broadcast %lt3A_1590 : i32 to vector<16xi32>
      %lt3A_1592 = arith.cmpi slt, %rem3A_1586, %lt3A_1591 : vector<16xi32>
      %lt3A_1593 = arith.constant 0 : i32
      %lt3A_1594 = arith.cmpi slt, %select_n3A_1584, %lt3A_1593 : i32
      %ne3A_1595 = vector.broadcast %lt3A_1594 : i1 to vector<16xi1>
      %ne3A_1596 = vector.broadcast %ne3A_1595 : vector<16xi1> to vector<16xi1>
      %ne3A_1597 = arith.xori %lt3A_1592, %ne3A_1596 : vector<16xi1>
      %and3A_1598 = arith.andi %ne3A_1597, %ne3A_1589 : vector<16xi1>
      %add3A_1599 = vector.broadcast %select_n3A_1584 : i32 to vector<16xi32>
      %add3A_1600 = arith.addi %rem3A_1586, %add3A_1599 : vector<16xi32>
      %select_n3A_1601 = arith.select %and3A_1598, %add3A_1600, %rem3A_1586 : vector<16xi1>, vector<16xi32>
      %lt3A_1602 = arith.constant 0 : i32
      %lt3A_1603 = vector.broadcast %lt3A_1602 : i32 to vector<16xi32>
      %lt3A_1604 = arith.cmpi slt, %select_n3A_1601, %lt3A_1603 : vector<16xi32>
      %add3A_1605 = arith.constant 16 : i32
      %add3A_1606 = vector.broadcast %add3A_1605 : i32 to vector<16xi32>
      %add3A_1607 = arith.addi %select_n3A_1601, %add3A_1606 : vector<16xi32>
      %select_n3A_1608 = arith.select %lt3A_1604, %add3A_1607, %select_n3A_1601 : vector<16xi1>, vector<16xi32>
      %broadcast_in_dim3A_1609 = vector.shape_cast %select_n3A_1608 : vector<16xi32> to vector<16x1xi32>
      %gather3A_1610 = vector.shape_cast %broadcast_in_dim3A_1609 : vector<16x1xi32> to vector<16xi32>
      %gather3A_1611 = tpu.dynamic_gather %add3A_1576[%gather3A_1610] in [0] : vector<16xi32>, vector<16xi32> -> vector<16xi32>
      %add3A_1612 = arith.addi %add3A_1576, %gather3A_1611 : vector<16xi32>
      %slice3A_1613 = vector.extract_strided_slice %add3A_1612 {offsets = [0], sizes = [1], strides = [1]} : vector<16xi32> to vector<1xi32>
      %squeeze3A_1614 = vector.extract %slice3A_1613[0] : i32 from vector<1xi32>
      %lt3A_1615 = arith.constant 40 : i32
      %lt3A_1616 = arith.cmpi slt, %add3A_1452, %lt3A_1615 : i32
      %jit3A_1617 = arith.constant 0 : i32
      %select_n3A_1618 = arith.select %lt3A_1616, %squeeze3A_1614, %jit3A_1617 : i32
      %add3A_1619 = arith.addi %add3A_1137, %select_n3A_1618 : i32
      %add3A_1620 = arith.constant 2 : i32
      %add3A_1621 = arith.addi %add3A_1450, %add3A_1620 : i32
      %add3A_1622 = arith.constant 2 : i32
      %add3A_1623 = arith.addi %add3A_1450, %add3A_1622 : i32
      %mul3A_1624 = arith.constant 8 : i32
      %mul3A_1625 = arith.muli %add3A_1623, %mul3A_1624 : i32
      %add3A_1626 = arith.addi %mul3A_2, %mul3A_1625 : i32
      %get3A_1627 = arith.index_cast %add3A_1626 : i32 to index
      %get3A_1628 = tpu.vector_load %arg5[%get3A_1627] {strides = array<i32>} : memref<10256xi32, #tpu.memory_space<vmem>>, vector<16xi32>,
      %get3A_1629 = vector.shape_cast %get3A_1628 : vector<16xi32> to vector<16xi32>
      %add3A_1630 = arith.constant 1 : i32
      %add3A_1631 = vector.broadcast %add3A_1630 : i32 to vector<16xi32>
      %add3A_1632 = arith.addi %get3A_1629, %add3A_1631 : vector<16xi32>
      %lt3A_1633 = arith.constant 8 : i32
      %lt3A_1634 = vector.broadcast %lt3A_1633 : i32 to vector<16xi32>
      %lt3A_1635 = arith.cmpi slt, %iota3A_237, %lt3A_1634 : vector<16xi32>
      %jit3A_1636 = arith.constant 0 : i32
      %broadcast_in_dim3A_1637 = vector.broadcast %jit3A_1636 : i32 to vector<16xi32>
      %select_n3A_1638 = arith.select %lt3A_1635, %add3A_1632, %broadcast_in_dim3A_1637 : vector<16xi1>, vector<16xi32>
      %iota3A_1639 = tpu.iota {dimensions = array<i32: 0>} : vector<16xi32>
      %add3A_1640 = arith.constant 1 : i32
      %add3A_1641 = vector.broadcast %add3A_1640 : i32 to vector<16xi32>
      %add3A_1642 = arith.addi %iota3A_1639, %add3A_1641 : vector<16xi32>
      %jit3A_1643 = arith.constant 16 : i32
      %eq3A_1644 = arith.constant 0 : i32
      %eq3A_1645 = arith.cmpi eq, %jit3A_1643, %eq3A_1644 : i32
      %jit3A_1646 = arith.constant 1 : i32
      %select_n3A_1647 = arith.select %eq3A_1645, %jit3A_1646, %jit3A_1643 : i32
      %rem3A_1648 = vector.broadcast %select_n3A_1647 : i32 to vector<16xi32>
      %rem3A_1649 = arith.remsi %add3A_1642, %rem3A_1648 : vector<16xi32>
      %ne3A_1650 = arith.constant 0 : i32
      %ne3A_1651 = vector.broadcast %ne3A_1650 : i32 to vector<16xi32>
      %ne3A_1652 = arith.cmpi ne, %rem3A_1649, %ne3A_1651 : vector<16xi32>
      %lt3A_1653 = arith.constant 0 : i32
      %lt3A_1654 = vector.broadcast %lt3A_1653 : i32 to vector<16xi32>
      %lt3A_1655 = arith.cmpi slt, %rem3A_1649, %lt3A_1654 : vector<16xi32>
      %lt3A_1656 = arith.constant 0 : i32
      %lt3A_1657 = arith.cmpi slt, %select_n3A_1647, %lt3A_1656 : i32
      %ne3A_1658 = vector.broadcast %lt3A_1657 : i1 to vector<16xi1>
      %ne3A_1659 = vector.broadcast %ne3A_1658 : vector<16xi1> to vector<16xi1>
      %ne3A_1660 = arith.xori %lt3A_1655, %ne3A_1659 : vector<16xi1>
      %and3A_1661 = arith.andi %ne3A_1660, %ne3A_1652 : vector<16xi1>
      %add3A_1662 = vector.broadcast %select_n3A_1647 : i32 to vector<16xi32>
      %add3A_1663 = arith.addi %rem3A_1649, %add3A_1662 : vector<16xi32>
      %select_n3A_1664 = arith.select %and3A_1661, %add3A_1663, %rem3A_1649 : vector<16xi1>, vector<16xi32>
      %lt3A_1665 = arith.constant 0 : i32
      %lt3A_1666 = vector.broadcast %lt3A_1665 : i32 to vector<16xi32>
      %lt3A_1667 = arith.cmpi slt, %select_n3A_1664, %lt3A_1666 : vector<16xi32>
      %add3A_1668 = arith.constant 16 : i32
      %add3A_1669 = vector.broadcast %add3A_1668 : i32 to vector<16xi32>
      %add3A_1670 = arith.addi %select_n3A_1664, %add3A_1669 : vector<16xi32>
      %select_n3A_1671 = arith.select %lt3A_1667, %add3A_1670, %select_n3A_1664 : vector<16xi1>, vector<16xi32>
      %broadcast_in_dim3A_1672 = vector.shape_cast %select_n3A_1671 : vector<16xi32> to vector<16x1xi32>
      %gather3A_1673 = vector.shape_cast %broadcast_in_dim3A_1672 : vector<16x1xi32> to vector<16xi32>
      %gather3A_1674 = tpu.dynamic_gather %select_n3A_1638[%gather3A_1673] in [0] : vector<16xi32>, vector<16xi32> -> vector<16xi32>
      %add3A_1675 = arith.addi %select_n3A_1638, %gather3A_1674 : vector<16xi32>
      %add3A_1676 = arith.constant 2 : i32
      %add3A_1677 = vector.broadcast %add3A_1676 : i32 to vector<16xi32>
      %add3A_1678 = arith.addi %iota3A_1639, %add3A_1677 : vector<16xi32>
      %jit3A_1679 = arith.constant 16 : i32
      %eq3A_1680 = arith.constant 0 : i32
      %eq3A_1681 = arith.cmpi eq, %jit3A_1679, %eq3A_1680 : i32
      %jit3A_1682 = arith.constant 1 : i32
      %select_n3A_1683 = arith.select %eq3A_1681, %jit3A_1682, %jit3A_1679 : i32
      %rem3A_1684 = vector.broadcast %select_n3A_1683 : i32 to vector<16xi32>
      %rem3A_1685 = arith.remsi %add3A_1678, %rem3A_1684 : vector<16xi32>
      %ne3A_1686 = arith.constant 0 : i32
      %ne3A_1687 = vector.broadcast %ne3A_1686 : i32 to vector<16xi32>
      %ne3A_1688 = arith.cmpi ne, %rem3A_1685, %ne3A_1687 : vector<16xi32>
      %lt3A_1689 = arith.constant 0 : i32
      %lt3A_1690 = vector.broadcast %lt3A_1689 : i32 to vector<16xi32>
      %lt3A_1691 = arith.cmpi slt, %rem3A_1685, %lt3A_1690 : vector<16xi32>
      %lt3A_1692 = arith.constant 0 : i32
      %lt3A_1693 = arith.cmpi slt, %select_n3A_1683, %lt3A_1692 : i32
      %ne3A_1694 = vector.broadcast %lt3A_1693 : i1 to vector<16xi1>
      %ne3A_1695 = vector.broadcast %ne3A_1694 : vector<16xi1> to vector<16xi1>
      %ne3A_1696 = arith.xori %lt3A_1691, %ne3A_1695 : vector<16xi1>
      %and3A_1697 = arith.andi %ne3A_1696, %ne3A_1688 : vector<16xi1>
      %add3A_1698 = vector.broadcast %select_n3A_1683 : i32 to vector<16xi32>
      %add3A_1699 = arith.addi %rem3A_1685, %add3A_1698 : vector<16xi32>
      %select_n3A_1700 = arith.select %and3A_1697, %add3A_1699, %rem3A_1685 : vector<16xi1>, vector<16xi32>
      %lt3A_1701 = arith.constant 0 : i32
      %lt3A_1702 = vector.broadcast %lt3A_1701 : i32 to vector<16xi32>
      %lt3A_1703 = arith.cmpi slt, %select_n3A_1700, %lt3A_1702 : vector<16xi32>
      %add3A_1704 = arith.constant 16 : i32
      %add3A_1705 = vector.broadcast %add3A_1704 : i32 to vector<16xi32>
      %add3A_1706 = arith.addi %select_n3A_1700, %add3A_1705 : vector<16xi32>
      %select_n3A_1707 = arith.select %lt3A_1703, %add3A_1706, %select_n3A_1700 : vector<16xi1>, vector<16xi32>
      %broadcast_in_dim3A_1708 = vector.shape_cast %select_n3A_1707 : vector<16xi32> to vector<16x1xi32>
      %gather3A_1709 = vector.shape_cast %broadcast_in_dim3A_1708 : vector<16x1xi32> to vector<16xi32>
      %gather3A_1710 = tpu.dynamic_gather %add3A_1675[%gather3A_1709] in [0] : vector<16xi32>, vector<16xi32> -> vector<16xi32>
      %add3A_1711 = arith.addi %add3A_1675, %gather3A_1710 : vector<16xi32>
      %add3A_1712 = arith.constant 4 : i32
      %add3A_1713 = vector.broadcast %add3A_1712 : i32 to vector<16xi32>
      %add3A_1714 = arith.addi %iota3A_1639, %add3A_1713 : vector<16xi32>
      %jit3A_1715 = arith.constant 16 : i32
      %eq3A_1716 = arith.constant 0 : i32
      %eq3A_1717 = arith.cmpi eq, %jit3A_1715, %eq3A_1716 : i32
      %jit3A_1718 = arith.constant 1 : i32
      %select_n3A_1719 = arith.select %eq3A_1717, %jit3A_1718, %jit3A_1715 : i32
      %rem3A_1720 = vector.broadcast %select_n3A_1719 : i32 to vector<16xi32>
      %rem3A_1721 = arith.remsi %add3A_1714, %rem3A_1720 : vector<16xi32>
      %ne3A_1722 = arith.constant 0 : i32
      %ne3A_1723 = vector.broadcast %ne3A_1722 : i32 to vector<16xi32>
      %ne3A_1724 = arith.cmpi ne, %rem3A_1721, %ne3A_1723 : vector<16xi32>
      %lt3A_1725 = arith.constant 0 : i32
      %lt3A_1726 = vector.broadcast %lt3A_1725 : i32 to vector<16xi32>
      %lt3A_1727 = arith.cmpi slt, %rem3A_1721, %lt3A_1726 : vector<16xi32>
      %lt3A_1728 = arith.constant 0 : i32
      %lt3A_1729 = arith.cmpi slt, %select_n3A_1719, %lt3A_1728 : i32
      %ne3A_1730 = vector.broadcast %lt3A_1729 : i1 to vector<16xi1>
      %ne3A_1731 = vector.broadcast %ne3A_1730 : vector<16xi1> to vector<16xi1>
      %ne3A_1732 = arith.xori %lt3A_1727, %ne3A_1731 : vector<16xi1>
      %and3A_1733 = arith.andi %ne3A_1732, %ne3A_1724 : vector<16xi1>
      %add3A_1734 = vector.broadcast %select_n3A_1719 : i32 to vector<16xi32>
      %add3A_1735 = arith.addi %rem3A_1721, %add3A_1734 : vector<16xi32>
      %select_n3A_1736 = arith.select %and3A_1733, %add3A_1735, %rem3A_1721 : vector<16xi1>, vector<16xi32>
      %lt3A_1737 = arith.constant 0 : i32
      %lt3A_1738 = vector.broadcast %lt3A_1737 : i32 to vector<16xi32>
      %lt3A_1739 = arith.cmpi slt, %select_n3A_1736, %lt3A_1738 : vector<16xi32>
      %add3A_1740 = arith.constant 16 : i32
      %add3A_1741 = vector.broadcast %add3A_1740 : i32 to vector<16xi32>
      %add3A_1742 = arith.addi %select_n3A_1736, %add3A_1741 : vector<16xi32>
      %select_n3A_1743 = arith.select %lt3A_1739, %add3A_1742, %select_n3A_1736 : vector<16xi1>, vector<16xi32>
      %broadcast_in_dim3A_1744 = vector.shape_cast %select_n3A_1743 : vector<16xi32> to vector<16x1xi32>
      %gather3A_1745 = vector.shape_cast %broadcast_in_dim3A_1744 : vector<16x1xi32> to vector<16xi32>
      %gather3A_1746 = tpu.dynamic_gather %add3A_1711[%gather3A_1745] in [0] : vector<16xi32>, vector<16xi32> -> vector<16xi32>
      %add3A_1747 = arith.addi %add3A_1711, %gather3A_1746 : vector<16xi32>
      %add3A_1748 = arith.constant 8 : i32
      %add3A_1749 = vector.broadcast %add3A_1748 : i32 to vector<16xi32>
      %add3A_1750 = arith.addi %iota3A_1639, %add3A_1749 : vector<16xi32>
      %jit3A_1751 = arith.constant 16 : i32
      %eq3A_1752 = arith.constant 0 : i32
      %eq3A_1753 = arith.cmpi eq, %jit3A_1751, %eq3A_1752 : i32
      %jit3A_1754 = arith.constant 1 : i32
      %select_n3A_1755 = arith.select %eq3A_1753, %jit3A_1754, %jit3A_1751 : i32
      %rem3A_1756 = vector.broadcast %select_n3A_1755 : i32 to vector<16xi32>
      %rem3A_1757 = arith.remsi %add3A_1750, %rem3A_1756 : vector<16xi32>
      %ne3A_1758 = arith.constant 0 : i32
      %ne3A_1759 = vector.broadcast %ne3A_1758 : i32 to vector<16xi32>
      %ne3A_1760 = arith.cmpi ne, %rem3A_1757, %ne3A_1759 : vector<16xi32>
      %lt3A_1761 = arith.constant 0 : i32
      %lt3A_1762 = vector.broadcast %lt3A_1761 : i32 to vector<16xi32>
      %lt3A_1763 = arith.cmpi slt, %rem3A_1757, %lt3A_1762 : vector<16xi32>
      %lt3A_1764 = arith.constant 0 : i32
      %lt3A_1765 = arith.cmpi slt, %select_n3A_1755, %lt3A_1764 : i32
      %ne3A_1766 = vector.broadcast %lt3A_1765 : i1 to vector<16xi1>
      %ne3A_1767 = vector.broadcast %ne3A_1766 : vector<16xi1> to vector<16xi1>
      %ne3A_1768 = arith.xori %lt3A_1763, %ne3A_1767 : vector<16xi1>
      %and3A_1769 = arith.andi %ne3A_1768, %ne3A_1760 : vector<16xi1>
      %add3A_1770 = vector.broadcast %select_n3A_1755 : i32 to vector<16xi32>
      %add3A_1771 = arith.addi %rem3A_1757, %add3A_1770 : vector<16xi32>
      %select_n3A_1772 = arith.select %and3A_1769, %add3A_1771, %rem3A_1757 : vector<16xi1>, vector<16xi32>
      %lt3A_1773 = arith.constant 0 : i32
      %lt3A_1774 = vector.broadcast %lt3A_1773 : i32 to vector<16xi32>
      %lt3A_1775 = arith.cmpi slt, %select_n3A_1772, %lt3A_1774 : vector<16xi32>
      %add3A_1776 = arith.constant 16 : i32
      %add3A_1777 = vector.broadcast %add3A_1776 : i32 to vector<16xi32>
      %add3A_1778 = arith.addi %select_n3A_1772, %add3A_1777 : vector<16xi32>
      %select_n3A_1779 = arith.select %lt3A_1775, %add3A_1778, %select_n3A_1772 : vector<16xi1>, vector<16xi32>
      %broadcast_in_dim3A_1780 = vector.shape_cast %select_n3A_1779 : vector<16xi32> to vector<16x1xi32>
      %gather3A_1781 = vector.shape_cast %broadcast_in_dim3A_1780 : vector<16x1xi32> to vector<16xi32>
      %gather3A_1782 = tpu.dynamic_gather %add3A_1747[%gather3A_1781] in [0] : vector<16xi32>, vector<16xi32> -> vector<16xi32>
      %add3A_1783 = arith.addi %add3A_1747, %gather3A_1782 : vector<16xi32>
      %slice3A_1784 = vector.extract_strided_slice %add3A_1783 {offsets = [0], sizes = [1], strides = [1]} : vector<16xi32> to vector<1xi32>
      %squeeze3A_1785 = vector.extract %slice3A_1784[0] : i32 from vector<1xi32>
      %lt3A_1786 = arith.constant 40 : i32
      %lt3A_1787 = arith.cmpi slt, %add3A_1623, %lt3A_1786 : i32
      %jit3A_1788 = arith.constant 0 : i32
      %select_n3A_1789 = arith.select %lt3A_1787, %squeeze3A_1785, %jit3A_1788 : i32
      %jit3A_1790 = arith.constant 8 : i32
      %div3A_1791 = arith.divsi %add3A_1619, %jit3A_1790 : i32
      %sign3A_1792 = arith.constant 0 : i32
      %sign3A_1793 = arith.cmpi sgt, %add3A_1619, %sign3A_1792 : i32
      %sign3A_1794 = arith.extui %sign3A_1793 : i1 to i32
      %sign3A_1795 = arith.constant 0 : i32
      %sign3A_1796 = arith.cmpi slt, %add3A_1619, %sign3A_1795 : i32
      %sign3A_1797 = arith.extui %sign3A_1796 : i1 to i32
      %sign3A_1798 = arith.subi %sign3A_1794, %sign3A_1797 : i32
      %sign3A_1799 = arith.constant 0 : i32
      %sign3A_1800 = arith.cmpi sgt, %jit3A_1790, %sign3A_1799 : i32
      %sign3A_1801 = arith.extui %sign3A_1800 : i1 to i32
      %sign3A_1802 = arith.constant 0 : i32
      %sign3A_1803 = arith.cmpi slt, %jit3A_1790, %sign3A_1802 : i32
      %sign3A_1804 = arith.extui %sign3A_1803 : i1 to i32
      %sign3A_1805 = arith.subi %sign3A_1801, %sign3A_1804 : i32
      %ne3A_1806 = arith.cmpi ne, %sign3A_1798, %sign3A_1805 : i32
      %rem3A_1807 = arith.remsi %add3A_1619, %jit3A_1790 : i32
      %ne3A_1808 = arith.constant 0 : i32
      %ne3A_1809 = arith.cmpi ne, %rem3A_1807, %ne3A_1808 : i32
      %and3A_1810 = arith.andi %ne3A_1806, %ne3A_1809 : i1
      %sub3A_1811 = arith.constant 1 : i32
      %sub3A_1812 = arith.subi %div3A_1791, %sub3A_1811 : i32
      %select_n3A_1813 = arith.select %and3A_1810, %sub3A_1812, %div3A_1791 : i32
      %mul3A_1814 = arith.constant 8 : i32
      %mul3A_1815 = arith.muli %select_n3A_1813, %mul3A_1814 : i32
      %min3A_1816 = arith.constant 319728 : i32
      %min3A_1817 = arith.minsi %mul3A_1815, %min3A_1816 : i32
      %multiple_of3A_1818 = tpu.assume_multiple %min3A_1817, 8 : i32
      %sub3A_1819 = arith.subi %add3A_1619, %multiple_of3A_1818 : i32
      %lt3A_1820 = arith.constant 40 : i32
      %lt3A_1821 = arith.cmpi slt, %add3A_1621, %lt3A_1820 : i32
      %gt3A_1822 = arith.constant 0 : i32
      %gt3A_1823 = arith.cmpi sgt, %select_n3A_1789, %gt3A_1822 : i32
      %and3A_1824 = arith.andi %lt3A_1821, %gt3A_1823 : i1
      %add3A_1825 = arith.addi %sub3A_1819, %select_n3A_1789 : i32
      %add3A_1826 = arith.constant 16 : i32
      %add3A_1827 = arith.addi %add3A_1825, %add3A_1826 : i32
      %sub3A_1828 = arith.constant 1 : i32
      %sub3A_1829 = arith.subi %add3A_1827, %sub3A_1828 : i32
      %jit3A_1830 = arith.constant 16 : i32
      %div3A_1831 = arith.divsi %sub3A_1829, %jit3A_1830 : i32
      %sign3A_1832 = arith.constant 0 : i32
      %sign3A_1833 = arith.cmpi sgt, %sub3A_1829, %sign3A_1832 : i32
      %sign3A_1834 = arith.extui %sign3A_1833 : i1 to i32
      %sign3A_1835 = arith.constant 0 : i32
      %sign3A_1836 = arith.cmpi slt, %sub3A_1829, %sign3A_1835 : i32
      %sign3A_1837 = arith.extui %sign3A_1836 : i1 to i32
      %sign3A_1838 = arith.subi %sign3A_1834, %sign3A_1837 : i32
      %sign3A_1839 = arith.constant 0 : i32
      %sign3A_1840 = arith.cmpi sgt, %jit3A_1830, %sign3A_1839 : i32
      %sign3A_1841 = arith.extui %sign3A_1840 : i1 to i32
      %sign3A_1842 = arith.constant 0 : i32
      %sign3A_1843 = arith.cmpi slt, %jit3A_1830, %sign3A_1842 : i32
      %sign3A_1844 = arith.extui %sign3A_1843 : i1 to i32
      %sign3A_1845 = arith.subi %sign3A_1841, %sign3A_1844 : i32
      %ne3A_1846 = arith.cmpi ne, %sign3A_1838, %sign3A_1845 : i32
      %rem3A_1847 = arith.remsi %sub3A_1829, %jit3A_1830 : i32
      %ne3A_1848 = arith.constant 0 : i32
      %ne3A_1849 = arith.cmpi ne, %rem3A_1847, %ne3A_1848 : i32
      %and3A_1850 = arith.andi %ne3A_1846, %ne3A_1849 : i1
      %sub3A_1851 = arith.constant 1 : i32
      %sub3A_1852 = arith.subi %div3A_1831, %sub3A_1851 : i32
      %select_n3A_1853 = arith.select %and3A_1850, %sub3A_1852, %div3A_1831 : i32
      %jit3A_1854 = arith.constant 0 : i32
      %select_n3A_1855 = arith.select %and3A_1824, %select_n3A_1853, %jit3A_1854 : i32
      %while3A_1856 = arith.constant 0 : i32
      %while3A_1857 = arith.constant 0 : i32
      %while3A_1858 = arith.subi %select_n3A_1855, %while3A_1856 : i32
      %while3A_1859 = arith.addi %while3A_1856, %while3A_1858 : i32
      %while3A_1860 = arith.constant 1 : i32
      %while3A_1861 = arith.divsi %while3A_1858, %while3A_1860 : i32
      %while3A_1862 = arith.muli %while3A_1861, %while3A_1860 : i32
      %while3A_1863 = arith.addi %while3A_1856, %while3A_1862 : i32
      %while3A_1864 = arith.constant 1 : i32
      %while3A_1865 = scf.for %while3A_2413 = %while3A_1856 to %while3A_1863 step %while3A_1864 iter_args(%while3A_2414 = %while3A_1857) -> (i32)  : i32 {
        %mul3A_2415 = arith.constant 16 : i32
        %mul3A_2416 = arith.muli %while3A_2413, %mul3A_2415 : i32
        %add3A_2417 = arith.addi %multiple_of3A_1818, %mul3A_2416 : i32
        %mul3A_2418 = arith.constant 16 : i32
        %mul3A_2419 = arith.muli %while3A_2413, %mul3A_2418 : i32
        %dma_start3A_2420 = arith.constant 0 : i32
        %dma_start3A_2421 = tpu.memref_slice %arg6[%mul3A_2419, %dma_start3A_2420] : memref<272x128xf32, #tpu.memory_space<vmem>> -> memref<16x128xf32, #tpu.memory_space<vmem>>
        %dma_start3A_2422 = arith.constant 0 : i32
        %dma_start3A_2423 = tpu.memref_slice %arg3[%add3A_2417, %dma_start3A_2422] : memref<320000x128xf32, #tpu.memory_space<hbm>> -> memref<16x128xf32, #tpu.memory_space<hbm>>
        %dma_start3A_2424 = arith.constant 0 : i32
        %dma_start3A_2425 = tpu.memref_slice %arg6[%mul3A_2419, %dma_start3A_2424] : memref<272x128xf32, #tpu.memory_space<vmem>> -> memref<16x128xf32, #tpu.memory_space<vmem>>
        %dma_start3A_2426 = arith.constant 0 : i32
        %dma_start3A_2427 = tpu.memref_slice %arg3[%add3A_2417, %dma_start3A_2426] : memref<320000x128xf32, #tpu.memory_space<hbm>> -> memref<16x128xf32, #tpu.memory_space<hbm>>
        tpu.enqueue_dma source(%dma_start3A_2427 : memref<16x128xf32, #tpu.memory_space<hbm>>) target(%dma_start3A_2425 : memref<16x128xf32, #tpu.memory_space<vmem>>) target_semaphore(%arg12 : memref<!tpu.dma_semaphore, #tpu.memory_space<semaphore_mem>>)
        %while3A_2428 = arith.constant 0 : i32
        scf.yield %while3A_2428 : i32
      }
      %while3A_1866 = arith.constant 1 : i32
      %while3A_1867 = scf.for %while3A_2413 = %while3A_1863 to %while3A_1859 step %while3A_1866 iter_args(%while3A_2414 = %while3A_1865) -> (i32)  : i32 {
        %mul3A_2415 = arith.constant 16 : i32
        %mul3A_2416 = arith.muli %while3A_2413, %mul3A_2415 : i32
        %add3A_2417 = arith.addi %multiple_of3A_1818, %mul3A_2416 : i32
        %mul3A_2418 = arith.constant 16 : i32
        %mul3A_2419 = arith.muli %while3A_2413, %mul3A_2418 : i32
        %dma_start3A_2420 = arith.constant 0 : i32
        %dma_start3A_2421 = tpu.memref_slice %arg6[%mul3A_2419, %dma_start3A_2420] : memref<272x128xf32, #tpu.memory_space<vmem>> -> memref<16x128xf32, #tpu.memory_space<vmem>>
        %dma_start3A_2422 = arith.constant 0 : i32
        %dma_start3A_2423 = tpu.memref_slice %arg3[%add3A_2417, %dma_start3A_2422] : memref<320000x128xf32, #tpu.memory_space<hbm>> -> memref<16x128xf32, #tpu.memory_space<hbm>>
        %dma_start3A_2424 = arith.constant 0 : i32
        %dma_start3A_2425 = tpu.memref_slice %arg6[%mul3A_2419, %dma_start3A_2424] : memref<272x128xf32, #tpu.memory_space<vmem>> -> memref<16x128xf32, #tpu.memory_space<vmem>>
        %dma_start3A_2426 = arith.constant 0 : i32
        %dma_start3A_2427 = tpu.memref_slice %arg3[%add3A_2417, %dma_start3A_2426] : memref<320000x128xf32, #tpu.memory_space<hbm>> -> memref<16x128xf32, #tpu.memory_space<hbm>>
        tpu.enqueue_dma source(%dma_start3A_2427 : memref<16x128xf32, #tpu.memory_space<hbm>>) target(%dma_start3A_2425 : memref<16x128xf32, #tpu.memory_space<vmem>>) target_semaphore(%arg12 : memref<!tpu.dma_semaphore, #tpu.memory_space<semaphore_mem>>)
        %while3A_2428 = arith.constant 0 : i32
        scf.yield %while3A_2428 : i32
      }
      %while3A_1868 = arith.constant 0 : i32
      %while3A_1869 = arith.constant 0 : i32
      %while3A_1870 = arith.subi %scan3A_964, %while3A_1868 : i32
      %while3A_1871 = arith.addi %while3A_1868, %while3A_1870 : i32
      %while3A_1872 = arith.constant 1 : i32
      %while3A_1873 = arith.divsi %while3A_1870, %while3A_1872 : i32
      %while3A_1874 = arith.muli %while3A_1873, %while3A_1872 : i32
      %while3A_1875 = arith.addi %while3A_1868, %while3A_1874 : i32
      %while3A_1876 = arith.constant 1 : i32
      %while3A_1877 = scf.for %while3A_2413 = %while3A_1868 to %while3A_1875 step %while3A_1876 iter_args(%while3A_2414 = %while3A_1869) -> (i32)  : i32 {
        %dma_wait3A_2415 = arith.constant 0 : i32
        %dma_wait3A_2416 = arith.constant 0 : i32
        %dma_wait3A_2417 = tpu.memref_slice %arg7[%dma_wait3A_2415, %dma_wait3A_2416] : memref<272x128xf32, #tpu.memory_space<vmem>> -> memref<16x128xf32, #tpu.memory_space<vmem>>
        %dma_wait3A_2418 = arith.constant 0 : i32
        %dma_wait3A_2419 = arith.constant 0 : i32
        %dma_wait3A_2420 = tpu.memref_slice %arg3[%dma_wait3A_2418, %dma_wait3A_2419] : memref<320000x128xf32, #tpu.memory_space<hbm>> -> memref<16x128xf32, #tpu.memory_space<hbm>>
        %dma_wait3A_2421 = arith.constant 0 : i32
        %dma_wait3A_2422 = arith.constant 0 : i32
        %dma_wait3A_2423 = tpu.memref_slice %arg7[%dma_wait3A_2421, %dma_wait3A_2422] : memref<272x128xf32, #tpu.memory_space<vmem>> -> memref<16x128xf32, #tpu.memory_space<vmem>>
        %dma_wait3A_2424 = arith.constant 0 : i32
        %dma_wait3A_2425 = arith.constant 0 : i32
        %dma_wait3A_2426 = tpu.memref_slice %arg3[%dma_wait3A_2424, %dma_wait3A_2425] : memref<320000x128xf32, #tpu.memory_space<hbm>> -> memref<16x128xf32, #tpu.memory_space<hbm>>
        tpu.wait_dma2 semaphore(%arg13 : memref<!tpu.dma_semaphore, #tpu.memory_space<semaphore_mem>>) src(%dma_wait3A_2426 : memref<16x128xf32, #tpu.memory_space<hbm>>) dst(%dma_wait3A_2423 : memref<16x128xf32, #tpu.memory_space<vmem>>)
        %while3A_2427 = arith.constant 0 : i32
        scf.yield %while3A_2427 : i32
      }
      %while3A_1878 = arith.constant 1 : i32
      %while3A_1879 = scf.for %while3A_2413 = %while3A_1875 to %while3A_1871 step %while3A_1878 iter_args(%while3A_2414 = %while3A_1877) -> (i32)  : i32 {
        %dma_wait3A_2415 = arith.constant 0 : i32
        %dma_wait3A_2416 = arith.constant 0 : i32
        %dma_wait3A_2417 = tpu.memref_slice %arg7[%dma_wait3A_2415, %dma_wait3A_2416] : memref<272x128xf32, #tpu.memory_space<vmem>> -> memref<16x128xf32, #tpu.memory_space<vmem>>
        %dma_wait3A_2418 = arith.constant 0 : i32
        %dma_wait3A_2419 = arith.constant 0 : i32
        %dma_wait3A_2420 = tpu.memref_slice %arg3[%dma_wait3A_2418, %dma_wait3A_2419] : memref<320000x128xf32, #tpu.memory_space<hbm>> -> memref<16x128xf32, #tpu.memory_space<hbm>>
        %dma_wait3A_2421 = arith.constant 0 : i32
        %dma_wait3A_2422 = arith.constant 0 : i32
        %dma_wait3A_2423 = tpu.memref_slice %arg7[%dma_wait3A_2421, %dma_wait3A_2422] : memref<272x128xf32, #tpu.memory_space<vmem>> -> memref<16x128xf32, #tpu.memory_space<vmem>>
        %dma_wait3A_2424 = arith.constant 0 : i32
        %dma_wait3A_2425 = arith.constant 0 : i32
        %dma_wait3A_2426 = tpu.memref_slice %arg3[%dma_wait3A_2424, %dma_wait3A_2425] : memref<320000x128xf32, #tpu.memory_space<hbm>> -> memref<16x128xf32, #tpu.memory_space<hbm>>
        tpu.wait_dma2 semaphore(%arg13 : memref<!tpu.dma_semaphore, #tpu.memory_space<semaphore_mem>>) src(%dma_wait3A_2426 : memref<16x128xf32, #tpu.memory_space<hbm>>) dst(%dma_wait3A_2423 : memref<16x128xf32, #tpu.memory_space<vmem>>)
        %while3A_2427 = arith.constant 0 : i32
        scf.yield %while3A_2427 : i32
      }
      %eq3A_1880 = arith.constant 0 : i32
      %eq3A_1881 = arith.cmpi eq, %scan3A_960, %eq3A_1880 : i32
      %jit3A_1882 = arith.constant 8 : i32
      %div3A_1883 = arith.divsi %scan3A_963, %jit3A_1882 : i32
      %sign3A_1884 = arith.constant 0 : i32
      %sign3A_1885 = arith.cmpi sgt, %scan3A_963, %sign3A_1884 : i32
      %sign3A_1886 = arith.extui %sign3A_1885 : i1 to i32
      %sign3A_1887 = arith.constant 0 : i32
      %sign3A_1888 = arith.cmpi slt, %scan3A_963, %sign3A_1887 : i32
      %sign3A_1889 = arith.extui %sign3A_1888 : i1 to i32
      %sign3A_1890 = arith.subi %sign3A_1886, %sign3A_1889 : i32
      %sign3A_1891 = arith.constant 0 : i32
      %sign3A_1892 = arith.cmpi sgt, %jit3A_1882, %sign3A_1891 : i32
      %sign3A_1893 = arith.extui %sign3A_1892 : i1 to i32
      %sign3A_1894 = arith.constant 0 : i32
      %sign3A_1895 = arith.cmpi slt, %jit3A_1882, %sign3A_1894 : i32
      %sign3A_1896 = arith.extui %sign3A_1895 : i1 to i32
      %sign3A_1897 = arith.subi %sign3A_1893, %sign3A_1896 : i32
      %ne3A_1898 = arith.cmpi ne, %sign3A_1890, %sign3A_1897 : i32
      %rem3A_1899 = arith.remsi %scan3A_963, %jit3A_1882 : i32
      %ne3A_1900 = arith.constant 0 : i32
      %ne3A_1901 = arith.cmpi ne, %rem3A_1899, %ne3A_1900 : i32
      %and3A_1902 = arith.andi %ne3A_1898, %ne3A_1901 : i1
      %sub3A_1903 = arith.constant 1 : i32
      %sub3A_1904 = arith.subi %div3A_1883, %sub3A_1903 : i32
      %select_n3A_1905 = arith.select %and3A_1902, %sub3A_1904, %div3A_1883 : i32
      %mul3A_1906 = arith.constant 8 : i32
      %mul3A_1907 = arith.muli %select_n3A_1905, %mul3A_1906 : i32
      %min3A_1908 = arith.constant 319728 : i32
      %min3A_1909 = arith.minsi %mul3A_1907, %min3A_1908 : i32
      %multiple_of3A_1910 = tpu.assume_multiple %min3A_1909, 8 : i32
      %sub3A_1911 = arith.subi %scan3A_963, %multiple_of3A_1910 : i32
      %not3A_1912 = arith.constant true
      %not3A_1913 = arith.xori %eq3A_1881, %not3A_1912 : i1
      %convert_element_type3A_1914 = arith.extui %not3A_1913 : i1 to i32
      %cond3A_1915 = arith.constant 0 : i32
      %cond3A_1916 = arith.cmpi ne, %convert_element_type3A_1914, %cond3A_1915 : i32
      scf.if %cond3A_1916 {
        %dma_wait3A_2413 = arith.constant 0 : i32
        %dma_wait3A_2414 = arith.constant 0 : i32
        %dma_wait3A_2415 = tpu.memref_slice %arg3[%dma_wait3A_2413, %dma_wait3A_2414] : memref<320000x128xf32, #tpu.memory_space<hbm>> -> memref<8x128xf32, #tpu.memory_space<hbm>>
        %dma_wait3A_2416 = arith.constant 0 : i32
        %dma_wait3A_2417 = arith.constant 0 : i32
        %dma_wait3A_2418 = tpu.memref_slice %arg3[%dma_wait3A_2416, %dma_wait3A_2417] : memref<320000x128xf32, #tpu.memory_space<hbm>> -> memref<8x128xf32, #tpu.memory_space<hbm>>
        tpu.wait_dma2 semaphore(%arg16 : memref<!tpu.dma_semaphore, #tpu.memory_space<semaphore_mem>>) src(%dma_wait3A_2418 : memref<8x128xf32, #tpu.memory_space<hbm>>) dst(%arg10 : memref<8x128xf32, #tpu.memory_space<vmem>>)
      } else {
      }
      %scan3A_1917 = arith.constant 0 : i32
      %scan3A_1918 = arith.constant 0 : i32
      %scan3A_1919 = arith.constant 8 : i32
      %scan3A_1920 = arith.addi %scan3A_1918, %scan3A_1919 : i32
      %scan3A_1921 = arith.constant 1 : i32
      %scan3A_1922 = scf.for %scan3A_2413 = %scan3A_1918 to %scan3A_1920 step %scan3A_1921 iter_args(%scan3A_2414 = %scan3A_1917) -> (i32)  : i32 {
        %mul3A_2415 = arith.constant 8 : i32
        %mul3A_2416 = arith.muli %add3A_1450, %mul3A_2415 : i32
        %add3A_2417 = arith.addi %mul3A_2, %mul3A_2416 : i32
        %add3A_2418 = arith.addi %add3A_2417, %scan3A_2413 : i32
        %get3A_2419 = arith.index_cast %add3A_2418 : i32 to index
        %get3A_2420 = tpu.vector_load %arg5[%get3A_2419] {strides = array<i32>} : memref<10256xi32, #tpu.memory_space<vmem>>, vector<16xi32>,
        %get3A_2421 = vector.shape_cast %get3A_2420 : vector<16xi32> to vector<16xi32>
        %slice3A_2422 = vector.extract_strided_slice %get3A_2421 {offsets = [0], sizes = [1], strides = [1]} : vector<16xi32> to vector<1xi32>
        %squeeze3A_2423 = vector.extract %slice3A_2422[0] : i32 from vector<1xi32>
        %add3A_2424 = arith.constant 1 : i32
        %add3A_2425 = arith.addi %squeeze3A_2423, %add3A_2424 : i32
        %broadcast_in_dim3A_2426 = arith.constant 0.000000e+00 : f32
        %broadcast_in_dim3A_2427 = vector.broadcast %broadcast_in_dim3A_2426 : f32 to vector<16xf32>
        %jit3A_2428 = arith.constant 2 : i32
        %div3A_2429 = arith.divsi %add3A_2425, %jit3A_2428 : i32
        %sign3A_2430 = arith.constant 0 : i32
        %sign3A_2431 = arith.cmpi sgt, %add3A_2425, %sign3A_2430 : i32
        %sign3A_2432 = arith.extui %sign3A_2431 : i1 to i32
        %sign3A_2433 = arith.constant 0 : i32
        %sign3A_2434 = arith.cmpi slt, %add3A_2425, %sign3A_2433 : i32
        %sign3A_2435 = arith.extui %sign3A_2434 : i1 to i32
        %sign3A_2436 = arith.subi %sign3A_2432, %sign3A_2435 : i32
        %sign3A_2437 = arith.constant 0 : i32
        %sign3A_2438 = arith.cmpi sgt, %jit3A_2428, %sign3A_2437 : i32
        %sign3A_2439 = arith.extui %sign3A_2438 : i1 to i32
        %sign3A_2440 = arith.constant 0 : i32
        %sign3A_2441 = arith.cmpi slt, %jit3A_2428, %sign3A_2440 : i32
        %sign3A_2442 = arith.extui %sign3A_2441 : i1 to i32
        %sign3A_2443 = arith.subi %sign3A_2439, %sign3A_2442 : i32
        %ne3A_2444 = arith.cmpi ne, %sign3A_2436, %sign3A_2443 : i32
        %rem3A_2445 = arith.remsi %add3A_2425, %jit3A_2428 : i32
        %ne3A_2446 = arith.constant 0 : i32
        %ne3A_2447 = arith.cmpi ne, %rem3A_2445, %ne3A_2446 : i32
        %and3A_2448 = arith.andi %ne3A_2444, %ne3A_2447 : i1
        %sub3A_2449 = arith.constant 1 : i32
        %sub3A_2450 = arith.subi %div3A_2429, %sub3A_2449 : i32
        %select_n3A_2451 = arith.select %and3A_2448, %sub3A_2450, %div3A_2429 : i32
        %while3A_2452 = arith.constant 0 : i32
        %while3A_2453 = arith.subi %select_n3A_2451, %while3A_2452 : i32
        %while3A_2454 = arith.addi %while3A_2452, %while3A_2453 : i32
        %while3A_2455 = arith.constant 1 : i32
        %while3A_2456 = arith.divsi %while3A_2453, %while3A_2455 : i32
        %while3A_2457 = arith.muli %while3A_2456, %while3A_2455 : i32
        %while3A_2458 = arith.addi %while3A_2452, %while3A_2457 : i32
        %while3A_2459 = arith.constant 1 : i32
        %while3A_2460:8 = scf.for %while3A_2588 = %while3A_2452 to %while3A_2458 step %while3A_2459 iter_args(%while3A_2589 = %broadcast_in_dim3A_2427, %while3A_2590 = %broadcast_in_dim3A_2427, %while3A_2591 = %broadcast_in_dim3A_2427, %while3A_2592 = %broadcast_in_dim3A_2427, %while3A_2593 = %broadcast_in_dim3A_2427, %while3A_2594 = %broadcast_in_dim3A_2427, %while3A_2595 = %broadcast_in_dim3A_2427, %while3A_2596 = %broadcast_in_dim3A_2427) -> (vector<16xf32>, vector<16xf32>, vector<16xf32>, vector<16xf32>, vector<16xf32>, vector<16xf32>, vector<16xf32>, vector<16xf32>)  : i32 {
          %add3A_2597 = arith.addi %sub3A_1911, %scan3A_2414 : i32
          %mul3A_2598 = arith.constant 2 : i32
          %mul3A_2599 = arith.muli %mul3A_2598, %while3A_2588 : i32
          %add3A_2600 = arith.addi %add3A_2597, %mul3A_2599 : i32
          %get3A_2601 = arith.index_cast %add3A_2600 : i32 to index
          %get3A_2602 = arith.constant 0 : index
          %get3A_2603 = tpu.vector_load %arg7[%get3A_2601, %get3A_2602] {strides = array<i32>} : memref<272x128xf32, #tpu.memory_space<vmem>>, vector<1x16xf32>,
          %get3A_2604 = vector.shape_cast %get3A_2603 : vector<1x16xf32> to vector<16xf32>
          %add3A_2605 = arith.addf %while3A_2589, %get3A_2604 : vector<16xf32>
          %get3A_2606 = arith.index_cast %add3A_2600 : i32 to index
          %get3A_2607 = arith.constant 16 : index
          %get3A_2608 = tpu.vector_load %arg7[%get3A_2606, %get3A_2607] {strides = array<i32>} : memref<272x128xf32, #tpu.memory_space<vmem>>, vector<1x16xf32>,
          %get3A_2609 = vector.shape_cast %get3A_2608 : vector<1x16xf32> to vector<16xf32>
          %add3A_2610 = arith.addf %while3A_2590, %get3A_2609 : vector<16xf32>
          %get3A_2611 = arith.index_cast %add3A_2600 : i32 to index
          %get3A_2612 = arith.constant 32 : index
          %get3A_2613 = tpu.vector_load %arg7[%get3A_2611, %get3A_2612] {strides = array<i32>} : memref<272x128xf32, #tpu.memory_space<vmem>>, vector<1x16xf32>,
          %get3A_2614 = vector.shape_cast %get3A_2613 : vector<1x16xf32> to vector<16xf32>
          %add3A_2615 = arith.addf %while3A_2591, %get3A_2614 : vector<16xf32>
          %get3A_2616 = arith.index_cast %add3A_2600 : i32 to index
          %get3A_2617 = arith.constant 48 : index
          %get3A_2618 = tpu.vector_load %arg7[%get3A_2616, %get3A_2617] {strides = array<i32>} : memref<272x128xf32, #tpu.memory_space<vmem>>, vector<1x16xf32>,
          %get3A_2619 = vector.shape_cast %get3A_2618 : vector<1x16xf32> to vector<16xf32>
          %add3A_2620 = arith.addf %while3A_2592, %get3A_2619 : vector<16xf32>
          %get3A_2621 = arith.index_cast %add3A_2600 : i32 to index
          %get3A_2622 = arith.constant 64 : index
          %get3A_2623 = tpu.vector_load %arg7[%get3A_2621, %get3A_2622] {strides = array<i32>} : memref<272x128xf32, #tpu.memory_space<vmem>>, vector<1x16xf32>,
          %get3A_2624 = vector.shape_cast %get3A_2623 : vector<1x16xf32> to vector<16xf32>
          %add3A_2625 = arith.addf %while3A_2593, %get3A_2624 : vector<16xf32>
          %get3A_2626 = arith.index_cast %add3A_2600 : i32 to index
          %get3A_2627 = arith.constant 80 : index
          %get3A_2628 = tpu.vector_load %arg7[%get3A_2626, %get3A_2627] {strides = array<i32>} : memref<272x128xf32, #tpu.memory_space<vmem>>, vector<1x16xf32>,
          %get3A_2629 = vector.shape_cast %get3A_2628 : vector<1x16xf32> to vector<16xf32>
          %add3A_2630 = arith.addf %while3A_2594, %get3A_2629 : vector<16xf32>
          %get3A_2631 = arith.index_cast %add3A_2600 : i32 to index
          %get3A_2632 = arith.constant 96 : index
          %get3A_2633 = tpu.vector_load %arg7[%get3A_2631, %get3A_2632] {strides = array<i32>} : memref<272x128xf32, #tpu.memory_space<vmem>>, vector<1x16xf32>,
          %get3A_2634 = vector.shape_cast %get3A_2633 : vector<1x16xf32> to vector<16xf32>
          %add3A_2635 = arith.addf %while3A_2595, %get3A_2634 : vector<16xf32>
          %get3A_2636 = arith.index_cast %add3A_2600 : i32 to index
          %get3A_2637 = arith.constant 112 : index
          %get3A_2638 = tpu.vector_load %arg7[%get3A_2636, %get3A_2637] {strides = array<i32>} : memref<272x128xf32, #tpu.memory_space<vmem>>, vector<1x16xf32>,
          %get3A_2639 = vector.shape_cast %get3A_2638 : vector<1x16xf32> to vector<16xf32>
          %add3A_2640 = arith.addf %while3A_2596, %get3A_2639 : vector<16xf32>
          %add3A_2641 = arith.constant 1 : i32
          %add3A_2642 = arith.addi %add3A_2600, %add3A_2641 : i32
          %get3A_2643 = arith.index_cast %add3A_2642 : i32 to index
          %get3A_2644 = arith.constant 0 : index
          %get3A_2645 = tpu.vector_load %arg7[%get3A_2643, %get3A_2644] {strides = array<i32>} : memref<272x128xf32, #tpu.memory_space<vmem>>, vector<1x16xf32>,
          %get3A_2646 = vector.shape_cast %get3A_2645 : vector<1x16xf32> to vector<16xf32>
          %add3A_2647 = arith.addf %add3A_2605, %get3A_2646 : vector<16xf32>
          %add3A_2648 = arith.constant 1 : i32
          %add3A_2649 = arith.addi %add3A_2600, %add3A_2648 : i32
          %get3A_2650 = arith.index_cast %add3A_2649 : i32 to index
          %get3A_2651 = arith.constant 16 : index
          %get3A_2652 = tpu.vector_load %arg7[%get3A_2650, %get3A_2651] {strides = array<i32>} : memref<272x128xf32, #tpu.memory_space<vmem>>, vector<1x16xf32>,
          %get3A_2653 = vector.shape_cast %get3A_2652 : vector<1x16xf32> to vector<16xf32>
          %add3A_2654 = arith.addf %add3A_2610, %get3A_2653 : vector<16xf32>
          %add3A_2655 = arith.constant 1 : i32
          %add3A_2656 = arith.addi %add3A_2600, %add3A_2655 : i32
          %get3A_2657 = arith.index_cast %add3A_2656 : i32 to index
          %get3A_2658 = arith.constant 32 : index
          %get3A_2659 = tpu.vector_load %arg7[%get3A_2657, %get3A_2658] {strides = array<i32>} : memref<272x128xf32, #tpu.memory_space<vmem>>, vector<1x16xf32>,
          %get3A_2660 = vector.shape_cast %get3A_2659 : vector<1x16xf32> to vector<16xf32>
          %add3A_2661 = arith.addf %add3A_2615, %get3A_2660 : vector<16xf32>
          %add3A_2662 = arith.constant 1 : i32
          %add3A_2663 = arith.addi %add3A_2600, %add3A_2662 : i32
          %get3A_2664 = arith.index_cast %add3A_2663 : i32 to index
          %get3A_2665 = arith.constant 48 : index
          %get3A_2666 = tpu.vector_load %arg7[%get3A_2664, %get3A_2665] {strides = array<i32>} : memref<272x128xf32, #tpu.memory_space<vmem>>, vector<1x16xf32>,
          %get3A_2667 = vector.shape_cast %get3A_2666 : vector<1x16xf32> to vector<16xf32>
          %add3A_2668 = arith.addf %add3A_2620, %get3A_2667 : vector<16xf32>
          %add3A_2669 = arith.constant 1 : i32
          %add3A_2670 = arith.addi %add3A_2600, %add3A_2669 : i32
          %get3A_2671 = arith.index_cast %add3A_2670 : i32 to index
          %get3A_2672 = arith.constant 64 : index
          %get3A_2673 = tpu.vector_load %arg7[%get3A_2671, %get3A_2672] {strides = array<i32>} : memref<272x128xf32, #tpu.memory_space<vmem>>, vector<1x16xf32>,
          %get3A_2674 = vector.shape_cast %get3A_2673 : vector<1x16xf32> to vector<16xf32>
          %add3A_2675 = arith.addf %add3A_2625, %get3A_2674 : vector<16xf32>
          %add3A_2676 = arith.constant 1 : i32
          %add3A_2677 = arith.addi %add3A_2600, %add3A_2676 : i32
          %get3A_2678 = arith.index_cast %add3A_2677 : i32 to index
          %get3A_2679 = arith.constant 80 : index
          %get3A_2680 = tpu.vector_load %arg7[%get3A_2678, %get3A_2679] {strides = array<i32>} : memref<272x128xf32, #tpu.memory_space<vmem>>, vector<1x16xf32>,
          %get3A_2681 = vector.shape_cast %get3A_2680 : vector<1x16xf32> to vector<16xf32>
          %add3A_2682 = arith.addf %add3A_2630, %get3A_2681 : vector<16xf32>
          %add3A_2683 = arith.constant 1 : i32
          %add3A_2684 = arith.addi %add3A_2600, %add3A_2683 : i32
          %get3A_2685 = arith.index_cast %add3A_2684 : i32 to index
          %get3A_2686 = arith.constant 96 : index
          %get3A_2687 = tpu.vector_load %arg7[%get3A_2685, %get3A_2686] {strides = array<i32>} : memref<272x128xf32, #tpu.memory_space<vmem>>, vector<1x16xf32>,
          %get3A_2688 = vector.shape_cast %get3A_2687 : vector<1x16xf32> to vector<16xf32>
          %add3A_2689 = arith.addf %add3A_2635, %get3A_2688 : vector<16xf32>
          %add3A_2690 = arith.constant 1 : i32
          %add3A_2691 = arith.addi %add3A_2600, %add3A_2690 : i32
          %get3A_2692 = arith.index_cast %add3A_2691 : i32 to index
          %get3A_2693 = arith.constant 112 : index
          %get3A_2694 = tpu.vector_load %arg7[%get3A_2692, %get3A_2693] {strides = array<i32>} : memref<272x128xf32, #tpu.memory_space<vmem>>, vector<1x16xf32>,
          %get3A_2695 = vector.shape_cast %get3A_2694 : vector<1x16xf32> to vector<16xf32>
          %add3A_2696 = arith.addf %add3A_2640, %get3A_2695 : vector<16xf32>
          scf.yield %add3A_2647, %add3A_2654, %add3A_2661, %add3A_2668, %add3A_2675, %add3A_2682, %add3A_2689, %add3A_2696 : vector<16xf32>, vector<16xf32>, vector<16xf32>, vector<16xf32>, vector<16xf32>, vector<16xf32>, vector<16xf32>, vector<16xf32>
        }
        %while3A_2461 = arith.constant 1 : i32
        %while3A_2462:8 = scf.for %while3A_2588 = %while3A_2458 to %while3A_2454 step %while3A_2461 iter_args(%while3A_2589 = %while3A_2460#0, %while3A_2590 = %while3A_2460#1, %while3A_2591 = %while3A_2460#2, %while3A_2592 = %while3A_2460#3, %while3A_2593 = %while3A_2460#4, %while3A_2594 = %while3A_2460#5, %while3A_2595 = %while3A_2460#6, %while3A_2596 = %while3A_2460#7) -> (vector<16xf32>, vector<16xf32>, vector<16xf32>, vector<16xf32>, vector<16xf32>, vector<16xf32>, vector<16xf32>, vector<16xf32>)  : i32 {
          %add3A_2597 = arith.addi %sub3A_1911, %scan3A_2414 : i32
          %mul3A_2598 = arith.constant 2 : i32
          %mul3A_2599 = arith.muli %mul3A_2598, %while3A_2588 : i32
          %add3A_2600 = arith.addi %add3A_2597, %mul3A_2599 : i32
          %get3A_2601 = arith.index_cast %add3A_2600 : i32 to index
          %get3A_2602 = arith.constant 0 : index
          %get3A_2603 = tpu.vector_load %arg7[%get3A_2601, %get3A_2602] {strides = array<i32>} : memref<272x128xf32, #tpu.memory_space<vmem>>, vector<1x16xf32>,
          %get3A_2604 = vector.shape_cast %get3A_2603 : vector<1x16xf32> to vector<16xf32>
          %add3A_2605 = arith.addf %while3A_2589, %get3A_2604 : vector<16xf32>
          %get3A_2606 = arith.index_cast %add3A_2600 : i32 to index
          %get3A_2607 = arith.constant 16 : index
          %get3A_2608 = tpu.vector_load %arg7[%get3A_2606, %get3A_2607] {strides = array<i32>} : memref<272x128xf32, #tpu.memory_space<vmem>>, vector<1x16xf32>,
          %get3A_2609 = vector.shape_cast %get3A_2608 : vector<1x16xf32> to vector<16xf32>
          %add3A_2610 = arith.addf %while3A_2590, %get3A_2609 : vector<16xf32>
          %get3A_2611 = arith.index_cast %add3A_2600 : i32 to index
          %get3A_2612 = arith.constant 32 : index
          %get3A_2613 = tpu.vector_load %arg7[%get3A_2611, %get3A_2612] {strides = array<i32>} : memref<272x128xf32, #tpu.memory_space<vmem>>, vector<1x16xf32>,
          %get3A_2614 = vector.shape_cast %get3A_2613 : vector<1x16xf32> to vector<16xf32>
          %add3A_2615 = arith.addf %while3A_2591, %get3A_2614 : vector<16xf32>
          %get3A_2616 = arith.index_cast %add3A_2600 : i32 to index
          %get3A_2617 = arith.constant 48 : index
          %get3A_2618 = tpu.vector_load %arg7[%get3A_2616, %get3A_2617] {strides = array<i32>} : memref<272x128xf32, #tpu.memory_space<vmem>>, vector<1x16xf32>,
          %get3A_2619 = vector.shape_cast %get3A_2618 : vector<1x16xf32> to vector<16xf32>
          %add3A_2620 = arith.addf %while3A_2592, %get3A_2619 : vector<16xf32>
          %get3A_2621 = arith.index_cast %add3A_2600 : i32 to index
          %get3A_2622 = arith.constant 64 : index
          %get3A_2623 = tpu.vector_load %arg7[%get3A_2621, %get3A_2622] {strides = array<i32>} : memref<272x128xf32, #tpu.memory_space<vmem>>, vector<1x16xf32>,
          %get3A_2624 = vector.shape_cast %get3A_2623 : vector<1x16xf32> to vector<16xf32>
          %add3A_2625 = arith.addf %while3A_2593, %get3A_2624 : vector<16xf32>
          %get3A_2626 = arith.index_cast %add3A_2600 : i32 to index
          %get3A_2627 = arith.constant 80 : index
          %get3A_2628 = tpu.vector_load %arg7[%get3A_2626, %get3A_2627] {strides = array<i32>} : memref<272x128xf32, #tpu.memory_space<vmem>>, vector<1x16xf32>,
          %get3A_2629 = vector.shape_cast %get3A_2628 : vector<1x16xf32> to vector<16xf32>
          %add3A_2630 = arith.addf %while3A_2594, %get3A_2629 : vector<16xf32>
          %get3A_2631 = arith.index_cast %add3A_2600 : i32 to index
          %get3A_2632 = arith.constant 96 : index
          %get3A_2633 = tpu.vector_load %arg7[%get3A_2631, %get3A_2632] {strides = array<i32>} : memref<272x128xf32, #tpu.memory_space<vmem>>, vector<1x16xf32>,
          %get3A_2634 = vector.shape_cast %get3A_2633 : vector<1x16xf32> to vector<16xf32>
          %add3A_2635 = arith.addf %while3A_2595, %get3A_2634 : vector<16xf32>
          %get3A_2636 = arith.index_cast %add3A_2600 : i32 to index
          %get3A_2637 = arith.constant 112 : index
          %get3A_2638 = tpu.vector_load %arg7[%get3A_2636, %get3A_2637] {strides = array<i32>} : memref<272x128xf32, #tpu.memory_space<vmem>>, vector<1x16xf32>,
          %get3A_2639 = vector.shape_cast %get3A_2638 : vector<1x16xf32> to vector<16xf32>
          %add3A_2640 = arith.addf %while3A_2596, %get3A_2639 : vector<16xf32>
          %add3A_2641 = arith.constant 1 : i32
          %add3A_2642 = arith.addi %add3A_2600, %add3A_2641 : i32
          %get3A_2643 = arith.index_cast %add3A_2642 : i32 to index
          %get3A_2644 = arith.constant 0 : index
          %get3A_2645 = tpu.vector_load %arg7[%get3A_2643, %get3A_2644] {strides = array<i32>} : memref<272x128xf32, #tpu.memory_space<vmem>>, vector<1x16xf32>,
          %get3A_2646 = vector.shape_cast %get3A_2645 : vector<1x16xf32> to vector<16xf32>
          %add3A_2647 = arith.addf %add3A_2605, %get3A_2646 : vector<16xf32>
          %add3A_2648 = arith.constant 1 : i32
          %add3A_2649 = arith.addi %add3A_2600, %add3A_2648 : i32
          %get3A_2650 = arith.index_cast %add3A_2649 : i32 to index
          %get3A_2651 = arith.constant 16 : index
          %get3A_2652 = tpu.vector_load %arg7[%get3A_2650, %get3A_2651] {strides = array<i32>} : memref<272x128xf32, #tpu.memory_space<vmem>>, vector<1x16xf32>,
          %get3A_2653 = vector.shape_cast %get3A_2652 : vector<1x16xf32> to vector<16xf32>
          %add3A_2654 = arith.addf %add3A_2610, %get3A_2653 : vector<16xf32>
          %add3A_2655 = arith.constant 1 : i32
          %add3A_2656 = arith.addi %add3A_2600, %add3A_2655 : i32
          %get3A_2657 = arith.index_cast %add3A_2656 : i32 to index
          %get3A_2658 = arith.constant 32 : index
          %get3A_2659 = tpu.vector_load %arg7[%get3A_2657, %get3A_2658] {strides = array<i32>} : memref<272x128xf32, #tpu.memory_space<vmem>>, vector<1x16xf32>,
          %get3A_2660 = vector.shape_cast %get3A_2659 : vector<1x16xf32> to vector<16xf32>
          %add3A_2661 = arith.addf %add3A_2615, %get3A_2660 : vector<16xf32>
          %add3A_2662 = arith.constant 1 : i32
          %add3A_2663 = arith.addi %add3A_2600, %add3A_2662 : i32
          %get3A_2664 = arith.index_cast %add3A_2663 : i32 to index
          %get3A_2665 = arith.constant 48 : index
          %get3A_2666 = tpu.vector_load %arg7[%get3A_2664, %get3A_2665] {strides = array<i32>} : memref<272x128xf32, #tpu.memory_space<vmem>>, vector<1x16xf32>,
          %get3A_2667 = vector.shape_cast %get3A_2666 : vector<1x16xf32> to vector<16xf32>
          %add3A_2668 = arith.addf %add3A_2620, %get3A_2667 : vector<16xf32>
          %add3A_2669 = arith.constant 1 : i32
          %add3A_2670 = arith.addi %add3A_2600, %add3A_2669 : i32
          %get3A_2671 = arith.index_cast %add3A_2670 : i32 to index
          %get3A_2672 = arith.constant 64 : index
          %get3A_2673 = tpu.vector_load %arg7[%get3A_2671, %get3A_2672] {strides = array<i32>} : memref<272x128xf32, #tpu.memory_space<vmem>>, vector<1x16xf32>,
          %get3A_2674 = vector.shape_cast %get3A_2673 : vector<1x16xf32> to vector<16xf32>
          %add3A_2675 = arith.addf %add3A_2625, %get3A_2674 : vector<16xf32>
          %add3A_2676 = arith.constant 1 : i32
          %add3A_2677 = arith.addi %add3A_2600, %add3A_2676 : i32
          %get3A_2678 = arith.index_cast %add3A_2677 : i32 to index
          %get3A_2679 = arith.constant 80 : index
          %get3A_2680 = tpu.vector_load %arg7[%get3A_2678, %get3A_2679] {strides = array<i32>} : memref<272x128xf32, #tpu.memory_space<vmem>>, vector<1x16xf32>,
          %get3A_2681 = vector.shape_cast %get3A_2680 : vector<1x16xf32> to vector<16xf32>
          %add3A_2682 = arith.addf %add3A_2630, %get3A_2681 : vector<16xf32>
          %add3A_2683 = arith.constant 1 : i32
          %add3A_2684 = arith.addi %add3A_2600, %add3A_2683 : i32
          %get3A_2685 = arith.index_cast %add3A_2684 : i32 to index
          %get3A_2686 = arith.constant 96 : index
          %get3A_2687 = tpu.vector_load %arg7[%get3A_2685, %get3A_2686] {strides = array<i32>} : memref<272x128xf32, #tpu.memory_space<vmem>>, vector<1x16xf32>,
          %get3A_2688 = vector.shape_cast %get3A_2687 : vector<1x16xf32> to vector<16xf32>
          %add3A_2689 = arith.addf %add3A_2635, %get3A_2688 : vector<16xf32>
          %add3A_2690 = arith.constant 1 : i32
          %add3A_2691 = arith.addi %add3A_2600, %add3A_2690 : i32
          %get3A_2692 = arith.index_cast %add3A_2691 : i32 to index
          %get3A_2693 = arith.constant 112 : index
          %get3A_2694 = tpu.vector_load %arg7[%get3A_2692, %get3A_2693] {strides = array<i32>} : memref<272x128xf32, #tpu.memory_space<vmem>>, vector<1x16xf32>,
          %get3A_2695 = vector.shape_cast %get3A_2694 : vector<1x16xf32> to vector<16xf32>
          %add3A_2696 = arith.addf %add3A_2640, %get3A_2695 : vector<16xf32>
          scf.yield %add3A_2647, %add3A_2654, %add3A_2661, %add3A_2668, %add3A_2675, %add3A_2682, %add3A_2689, %add3A_2696 : vector<16xf32>, vector<16xf32>, vector<16xf32>, vector<16xf32>, vector<16xf32>, vector<16xf32>, vector<16xf32>, vector<16xf32>
        }
        %add3A_2463 = arith.addi %sub3A_1911, %scan3A_2414 : i32
        %add3A_2464 = arith.addi %add3A_2463, %add3A_2425 : i32
        %sub3A_2465 = arith.constant 1 : i32
        %sub3A_2466 = arith.subi %add3A_2464, %sub3A_2465 : i32
        %max3A = arith.constant 0 : i32
        %max3A_2467 = arith.maxsi %sub3A_2466, %max3A : i32
        %jit3A_2468 = arith.constant 2 : i32
        %eq3A_2469 = arith.constant 0 : i32
        %eq3A_2470 = arith.cmpi eq, %jit3A_2468, %eq3A_2469 : i32
        %jit3A_2471 = arith.constant 1 : i32
        %select_n3A_2472 = arith.select %eq3A_2470, %jit3A_2471, %jit3A_2468 : i32
        %rem3A_2473 = arith.remsi %add3A_2425, %select_n3A_2472 : i32
        %ne3A_2474 = arith.constant 0 : i32
        %ne3A_2475 = arith.cmpi ne, %rem3A_2473, %ne3A_2474 : i32
        %lt3A_2476 = arith.constant 0 : i32
        %lt3A_2477 = arith.cmpi slt, %rem3A_2473, %lt3A_2476 : i32
        %lt3A_2478 = arith.constant 0 : i32
        %lt3A_2479 = arith.cmpi slt, %select_n3A_2472, %lt3A_2478 : i32
        %ne3A_2480 = arith.xori %lt3A_2477, %lt3A_2479 : i1
        %and3A_2481 = arith.andi %ne3A_2480, %ne3A_2475 : i1
        %add3A_2482 = arith.addi %rem3A_2473, %select_n3A_2472 : i32
        %select_n3A_2483 = arith.select %and3A_2481, %add3A_2482, %rem3A_2473 : i32
        %convert_element_type3A_2484 = arith.sitofp %select_n3A_2483 : i32 to f32
        %broadcast_in_dim3A_2485 = vector.broadcast %convert_element_type3A_2484 : f32 to vector<16xf32>
        %get3A_2486 = arith.index_cast %max3A_2467 : i32 to index
        %get3A_2487 = arith.constant 0 : index
        %get3A_2488 = tpu.vector_load %arg7[%get3A_2486, %get3A_2487] {strides = array<i32>} : memref<272x128xf32, #tpu.memory_space<vmem>>, vector<1x16xf32>,
        %get3A_2489 = vector.shape_cast %get3A_2488 : vector<1x16xf32> to vector<16xf32>
        %mul3A_2490 = arith.mulf %broadcast_in_dim3A_2485, %get3A_2489 : vector<16xf32>
        %add3A_2491 = arith.addf %while3A_2462#0, %mul3A_2490 : vector<16xf32>
        %get3A_2492 = arith.index_cast %max3A_2467 : i32 to index
        %get3A_2493 = arith.constant 16 : index
        %get3A_2494 = tpu.vector_load %arg7[%get3A_2492, %get3A_2493] {strides = array<i32>} : memref<272x128xf32, #tpu.memory_space<vmem>>, vector<1x16xf32>,
        %get3A_2495 = vector.shape_cast %get3A_2494 : vector<1x16xf32> to vector<16xf32>
        %mul3A_2496 = arith.mulf %broadcast_in_dim3A_2485, %get3A_2495 : vector<16xf32>
        %add3A_2497 = arith.addf %while3A_2462#1, %mul3A_2496 : vector<16xf32>
        %get3A_2498 = arith.index_cast %max3A_2467 : i32 to index
        %get3A_2499 = arith.constant 32 : index
        %get3A_2500 = tpu.vector_load %arg7[%get3A_2498, %get3A_2499] {strides = array<i32>} : memref<272x128xf32, #tpu.memory_space<vmem>>, vector<1x16xf32>,
        %get3A_2501 = vector.shape_cast %get3A_2500 : vector<1x16xf32> to vector<16xf32>
        %mul3A_2502 = arith.mulf %broadcast_in_dim3A_2485, %get3A_2501 : vector<16xf32>
        %add3A_2503 = arith.addf %while3A_2462#2, %mul3A_2502 : vector<16xf32>
        %get3A_2504 = arith.index_cast %max3A_2467 : i32 to index
        %get3A_2505 = arith.constant 48 : index
        %get3A_2506 = tpu.vector_load %arg7[%get3A_2504, %get3A_2505] {strides = array<i32>} : memref<272x128xf32, #tpu.memory_space<vmem>>, vector<1x16xf32>,
        %get3A_2507 = vector.shape_cast %get3A_2506 : vector<1x16xf32> to vector<16xf32>
        %mul3A_2508 = arith.mulf %broadcast_in_dim3A_2485, %get3A_2507 : vector<16xf32>
        %add3A_2509 = arith.addf %while3A_2462#3, %mul3A_2508 : vector<16xf32>
        %get3A_2510 = arith.index_cast %max3A_2467 : i32 to index
        %get3A_2511 = arith.constant 64 : index
        %get3A_2512 = tpu.vector_load %arg7[%get3A_2510, %get3A_2511] {strides = array<i32>} : memref<272x128xf32, #tpu.memory_space<vmem>>, vector<1x16xf32>,
        %get3A_2513 = vector.shape_cast %get3A_2512 : vector<1x16xf32> to vector<16xf32>
        %mul3A_2514 = arith.mulf %broadcast_in_dim3A_2485, %get3A_2513 : vector<16xf32>
        %add3A_2515 = arith.addf %while3A_2462#4, %mul3A_2514 : vector<16xf32>
        %get3A_2516 = arith.index_cast %max3A_2467 : i32 to index
        %get3A_2517 = arith.constant 80 : index
        %get3A_2518 = tpu.vector_load %arg7[%get3A_2516, %get3A_2517] {strides = array<i32>} : memref<272x128xf32, #tpu.memory_space<vmem>>, vector<1x16xf32>,
        %get3A_2519 = vector.shape_cast %get3A_2518 : vector<1x16xf32> to vector<16xf32>
        %mul3A_2520 = arith.mulf %broadcast_in_dim3A_2485, %get3A_2519 : vector<16xf32>
        %add3A_2521 = arith.addf %while3A_2462#5, %mul3A_2520 : vector<16xf32>
        %get3A_2522 = arith.index_cast %max3A_2467 : i32 to index
        %get3A_2523 = arith.constant 96 : index
        %get3A_2524 = tpu.vector_load %arg7[%get3A_2522, %get3A_2523] {strides = array<i32>} : memref<272x128xf32, #tpu.memory_space<vmem>>, vector<1x16xf32>,
        %get3A_2525 = vector.shape_cast %get3A_2524 : vector<1x16xf32> to vector<16xf32>
        %mul3A_2526 = arith.mulf %broadcast_in_dim3A_2485, %get3A_2525 : vector<16xf32>
        %add3A_2527 = arith.addf %while3A_2462#6, %mul3A_2526 : vector<16xf32>
        %get3A_2528 = arith.index_cast %max3A_2467 : i32 to index
        %get3A_2529 = arith.constant 112 : index
        %get3A_2530 = tpu.vector_load %arg7[%get3A_2528, %get3A_2529] {strides = array<i32>} : memref<272x128xf32, #tpu.memory_space<vmem>>, vector<1x16xf32>,
        %get3A_2531 = vector.shape_cast %get3A_2530 : vector<1x16xf32> to vector<16xf32>
        %mul3A_2532 = arith.mulf %broadcast_in_dim3A_2485, %get3A_2531 : vector<16xf32>
        %add3A_2533 = arith.addf %while3A_2462#7, %mul3A_2532 : vector<16xf32>
        %convert_element_type3A_2534 = arith.sitofp %add3A_2425 : i32 to f32
        %broadcast_in_dim3A_2535 = vector.broadcast %convert_element_type3A_2534 : f32 to vector<16xf32>
        %div3A_2536 = arith.constant 1.000000e+00 : f32
        %div3A_2537 = vector.broadcast %div3A_2536 : f32 to vector<16xf32>
        %div3A_2538 = arith.divf %div3A_2537, %broadcast_in_dim3A_2535 : vector<16xf32>
        %mul3A_2539 = arith.mulf %add3A_2491, %div3A_2538 : vector<16xf32>
        %swap3A_2540 = arith.index_cast %scan3A_2413 : i32 to index
        %swap3A_2541 = arith.constant 0 : index
        %swap3A_2542 = tpu.vector_load %arg10[%swap3A_2540, %swap3A_2541] {strides = array<i32>} : memref<8x128xf32, #tpu.memory_space<vmem>>, vector<1x16xf32>,
        %swap3A_2543 = vector.shape_cast %swap3A_2542 : vector<1x16xf32> to vector<16xf32>
        %swap3A_2544 = vector.shape_cast %mul3A_2539 : vector<16xf32> to vector<1x16xf32>
        tpu.vector_store %arg10[%swap3A_2540, %swap3A_2541], %swap3A_2544 {strides = array<i32>} : memref<8x128xf32, #tpu.memory_space<vmem>>, vector<1x16xf32>,
        %mul3A_2545 = arith.mulf %add3A_2497, %div3A_2538 : vector<16xf32>
        %swap3A_2546 = arith.index_cast %scan3A_2413 : i32 to index
        %swap3A_2547 = arith.constant 16 : index
        %swap3A_2548 = tpu.vector_load %arg10[%swap3A_2546, %swap3A_2547] {strides = array<i32>} : memref<8x128xf32, #tpu.memory_space<vmem>>, vector<1x16xf32>,
        %swap3A_2549 = vector.shape_cast %swap3A_2548 : vector<1x16xf32> to vector<16xf32>
        %swap3A_2550 = vector.shape_cast %mul3A_2545 : vector<16xf32> to vector<1x16xf32>
        tpu.vector_store %arg10[%swap3A_2546, %swap3A_2547], %swap3A_2550 {strides = array<i32>} : memref<8x128xf32, #tpu.memory_space<vmem>>, vector<1x16xf32>,
        %mul3A_2551 = arith.mulf %add3A_2503, %div3A_2538 : vector<16xf32>
        %swap3A_2552 = arith.index_cast %scan3A_2413 : i32 to index
        %swap3A_2553 = arith.constant 32 : index
        %swap3A_2554 = tpu.vector_load %arg10[%swap3A_2552, %swap3A_2553] {strides = array<i32>} : memref<8x128xf32, #tpu.memory_space<vmem>>, vector<1x16xf32>,
        %swap3A_2555 = vector.shape_cast %swap3A_2554 : vector<1x16xf32> to vector<16xf32>
        %swap3A_2556 = vector.shape_cast %mul3A_2551 : vector<16xf32> to vector<1x16xf32>
        tpu.vector_store %arg10[%swap3A_2552, %swap3A_2553], %swap3A_2556 {strides = array<i32>} : memref<8x128xf32, #tpu.memory_space<vmem>>, vector<1x16xf32>,
        %mul3A_2557 = arith.mulf %add3A_2509, %div3A_2538 : vector<16xf32>
        %swap3A_2558 = arith.index_cast %scan3A_2413 : i32 to index
        %swap3A_2559 = arith.constant 48 : index
        %swap3A_2560 = tpu.vector_load %arg10[%swap3A_2558, %swap3A_2559] {strides = array<i32>} : memref<8x128xf32, #tpu.memory_space<vmem>>, vector<1x16xf32>,
        %swap3A_2561 = vector.shape_cast %swap3A_2560 : vector<1x16xf32> to vector<16xf32>
        %swap3A_2562 = vector.shape_cast %mul3A_2557 : vector<16xf32> to vector<1x16xf32>
        tpu.vector_store %arg10[%swap3A_2558, %swap3A_2559], %swap3A_2562 {strides = array<i32>} : memref<8x128xf32, #tpu.memory_space<vmem>>, vector<1x16xf32>,
        %mul3A_2563 = arith.mulf %add3A_2515, %div3A_2538 : vector<16xf32>
        %swap3A_2564 = arith.index_cast %scan3A_2413 : i32 to index
        %swap3A_2565 = arith.constant 64 : index
        %swap3A_2566 = tpu.vector_load %arg10[%swap3A_2564, %swap3A_2565] {strides = array<i32>} : memref<8x128xf32, #tpu.memory_space<vmem>>, vector<1x16xf32>,
        %swap3A_2567 = vector.shape_cast %swap3A_2566 : vector<1x16xf32> to vector<16xf32>
        %swap3A_2568 = vector.shape_cast %mul3A_2563 : vector<16xf32> to vector<1x16xf32>
        tpu.vector_store %arg10[%swap3A_2564, %swap3A_2565], %swap3A_2568 {strides = array<i32>} : memref<8x128xf32, #tpu.memory_space<vmem>>, vector<1x16xf32>,
        %mul3A_2569 = arith.mulf %add3A_2521, %div3A_2538 : vector<16xf32>
        %swap3A_2570 = arith.index_cast %scan3A_2413 : i32 to index
        %swap3A_2571 = arith.constant 80 : index
        %swap3A_2572 = tpu.vector_load %arg10[%swap3A_2570, %swap3A_2571] {strides = array<i32>} : memref<8x128xf32, #tpu.memory_space<vmem>>, vector<1x16xf32>,
        %swap3A_2573 = vector.shape_cast %swap3A_2572 : vector<1x16xf32> to vector<16xf32>
        %swap3A_2574 = vector.shape_cast %mul3A_2569 : vector<16xf32> to vector<1x16xf32>
        tpu.vector_store %arg10[%swap3A_2570, %swap3A_2571], %swap3A_2574 {strides = array<i32>} : memref<8x128xf32, #tpu.memory_space<vmem>>, vector<1x16xf32>,
        %mul3A_2575 = arith.mulf %add3A_2527, %div3A_2538 : vector<16xf32>
        %swap3A_2576 = arith.index_cast %scan3A_2413 : i32 to index
        %swap3A_2577 = arith.constant 96 : index
        %swap3A_2578 = tpu.vector_load %arg10[%swap3A_2576, %swap3A_2577] {strides = array<i32>} : memref<8x128xf32, #tpu.memory_space<vmem>>, vector<1x16xf32>,
        %swap3A_2579 = vector.shape_cast %swap3A_2578 : vector<1x16xf32> to vector<16xf32>
        %swap3A_2580 = vector.shape_cast %mul3A_2575 : vector<16xf32> to vector<1x16xf32>
        tpu.vector_store %arg10[%swap3A_2576, %swap3A_2577], %swap3A_2580 {strides = array<i32>} : memref<8x128xf32, #tpu.memory_space<vmem>>, vector<1x16xf32>,
        %mul3A_2581 = arith.mulf %add3A_2533, %div3A_2538 : vector<16xf32>
        %swap3A_2582 = arith.index_cast %scan3A_2413 : i32 to index
        %swap3A_2583 = arith.constant 112 : index
        %swap3A_2584 = tpu.vector_load %arg10[%swap3A_2582, %swap3A_2583] {strides = array<i32>} : memref<8x128xf32, #tpu.memory_space<vmem>>, vector<1x16xf32>,
        %swap3A_2585 = vector.shape_cast %swap3A_2584 : vector<1x16xf32> to vector<16xf32>
        %swap3A_2586 = vector.shape_cast %mul3A_2581 : vector<16xf32> to vector<1x16xf32>
        tpu.vector_store %arg10[%swap3A_2582, %swap3A_2583], %swap3A_2586 {strides = array<i32>} : memref<8x128xf32, #tpu.memory_space<vmem>>, vector<1x16xf32>,
        %add3A_2587 = arith.addi %scan3A_2414, %add3A_2425 : i32
        scf.yield %add3A_2587 : i32
      }
      %scan3A_1923 = arith.constant 8 : i32
      %mul3A_1924 = arith.constant 8 : i32
      %mul3A_1925 = arith.muli %add3A_1450, %mul3A_1924 : i32
      %add3A_1926 = arith.addi %mul3A_2, %mul3A_1925 : i32
      %dma_start3A_1927 = arith.constant 0 : i32
      %dma_start3A_1928 = tpu.memref_slice %arg4[%add3A_1926, %dma_start3A_1927] : memref<10240x128xf32, #tpu.memory_space<hbm>> -> memref<8x128xf32, #tpu.memory_space<hbm>>
      %dma_start3A_1929 = arith.constant 0 : i32
      %dma_start3A_1930 = tpu.memref_slice %arg4[%add3A_1926, %dma_start3A_1929] : memref<10240x128xf32, #tpu.memory_space<hbm>> -> memref<8x128xf32, #tpu.memory_space<hbm>>
      tpu.enqueue_dma source(%arg10 : memref<8x128xf32, #tpu.memory_space<vmem>>) target(%dma_start3A_1930 : memref<8x128xf32, #tpu.memory_space<hbm>>) target_semaphore(%arg16 : memref<!tpu.dma_semaphore, #tpu.memory_space<semaphore_mem>>)
      %add3A_1931 = arith.constant 2 : i32
      %add3A_1932 = arith.addi %mul3A_966, %add3A_1931 : i32
      %add3A_1933 = arith.constant 1 : i32
      %add3A_1934 = arith.addi %add3A_1932, %add3A_1933 : i32
      %mul3A_1935 = arith.constant 8 : i32
      %mul3A_1936 = arith.muli %add3A_1934, %mul3A_1935 : i32
      %add3A_1937 = arith.addi %mul3A_2, %mul3A_1936 : i32
      %get3A_1938 = arith.index_cast %add3A_1937 : i32 to index
      %get3A_1939 = tpu.vector_load %arg5[%get3A_1938] {strides = array<i32>} : memref<10256xi32, #tpu.memory_space<vmem>>, vector<16xi32>,
      %get3A_1940 = vector.shape_cast %get3A_1939 : vector<16xi32> to vector<16xi32>
      %add3A_1941 = arith.constant 1 : i32
      %add3A_1942 = vector.broadcast %add3A_1941 : i32 to vector<16xi32>
      %add3A_1943 = arith.addi %get3A_1940, %add3A_1942 : vector<16xi32>
      %lt3A_1944 = arith.constant 8 : i32
      %lt3A_1945 = vector.broadcast %lt3A_1944 : i32 to vector<16xi32>
      %lt3A_1946 = arith.cmpi slt, %iota3A_237, %lt3A_1945 : vector<16xi32>
      %jit3A_1947 = arith.constant 0 : i32
      %broadcast_in_dim3A_1948 = vector.broadcast %jit3A_1947 : i32 to vector<16xi32>
      %select_n3A_1949 = arith.select %lt3A_1946, %add3A_1943, %broadcast_in_dim3A_1948 : vector<16xi1>, vector<16xi32>
      %iota3A_1950 = tpu.iota {dimensions = array<i32: 0>} : vector<16xi32>
      %add3A_1951 = arith.constant 1 : i32
      %add3A_1952 = vector.broadcast %add3A_1951 : i32 to vector<16xi32>
      %add3A_1953 = arith.addi %iota3A_1950, %add3A_1952 : vector<16xi32>
      %jit3A_1954 = arith.constant 16 : i32
      %eq3A_1955 = arith.constant 0 : i32
      %eq3A_1956 = arith.cmpi eq, %jit3A_1954, %eq3A_1955 : i32
      %jit3A_1957 = arith.constant 1 : i32
      %select_n3A_1958 = arith.select %eq3A_1956, %jit3A_1957, %jit3A_1954 : i32
      %rem3A_1959 = vector.broadcast %select_n3A_1958 : i32 to vector<16xi32>
      %rem3A_1960 = arith.remsi %add3A_1953, %rem3A_1959 : vector<16xi32>
      %ne3A_1961 = arith.constant 0 : i32
      %ne3A_1962 = vector.broadcast %ne3A_1961 : i32 to vector<16xi32>
      %ne3A_1963 = arith.cmpi ne, %rem3A_1960, %ne3A_1962 : vector<16xi32>
      %lt3A_1964 = arith.constant 0 : i32
      %lt3A_1965 = vector.broadcast %lt3A_1964 : i32 to vector<16xi32>
      %lt3A_1966 = arith.cmpi slt, %rem3A_1960, %lt3A_1965 : vector<16xi32>
      %lt3A_1967 = arith.constant 0 : i32
      %lt3A_1968 = arith.cmpi slt, %select_n3A_1958, %lt3A_1967 : i32
      %ne3A_1969 = vector.broadcast %lt3A_1968 : i1 to vector<16xi1>
      %ne3A_1970 = vector.broadcast %ne3A_1969 : vector<16xi1> to vector<16xi1>
      %ne3A_1971 = arith.xori %lt3A_1966, %ne3A_1970 : vector<16xi1>
      %and3A_1972 = arith.andi %ne3A_1971, %ne3A_1963 : vector<16xi1>
      %add3A_1973 = vector.broadcast %select_n3A_1958 : i32 to vector<16xi32>
      %add3A_1974 = arith.addi %rem3A_1960, %add3A_1973 : vector<16xi32>
      %select_n3A_1975 = arith.select %and3A_1972, %add3A_1974, %rem3A_1960 : vector<16xi1>, vector<16xi32>
      %lt3A_1976 = arith.constant 0 : i32
      %lt3A_1977 = vector.broadcast %lt3A_1976 : i32 to vector<16xi32>
      %lt3A_1978 = arith.cmpi slt, %select_n3A_1975, %lt3A_1977 : vector<16xi32>
      %add3A_1979 = arith.constant 16 : i32
      %add3A_1980 = vector.broadcast %add3A_1979 : i32 to vector<16xi32>
      %add3A_1981 = arith.addi %select_n3A_1975, %add3A_1980 : vector<16xi32>
      %select_n3A_1982 = arith.select %lt3A_1978, %add3A_1981, %select_n3A_1975 : vector<16xi1>, vector<16xi32>
      %broadcast_in_dim3A_1983 = vector.shape_cast %select_n3A_1982 : vector<16xi32> to vector<16x1xi32>
      %gather3A_1984 = vector.shape_cast %broadcast_in_dim3A_1983 : vector<16x1xi32> to vector<16xi32>
      %gather3A_1985 = tpu.dynamic_gather %select_n3A_1949[%gather3A_1984] in [0] : vector<16xi32>, vector<16xi32> -> vector<16xi32>
      %add3A_1986 = arith.addi %select_n3A_1949, %gather3A_1985 : vector<16xi32>
      %add3A_1987 = arith.constant 2 : i32
      %add3A_1988 = vector.broadcast %add3A_1987 : i32 to vector<16xi32>
      %add3A_1989 = arith.addi %iota3A_1950, %add3A_1988 : vector<16xi32>
      %jit3A_1990 = arith.constant 16 : i32
      %eq3A_1991 = arith.constant 0 : i32
      %eq3A_1992 = arith.cmpi eq, %jit3A_1990, %eq3A_1991 : i32
      %jit3A_1993 = arith.constant 1 : i32
      %select_n3A_1994 = arith.select %eq3A_1992, %jit3A_1993, %jit3A_1990 : i32
      %rem3A_1995 = vector.broadcast %select_n3A_1994 : i32 to vector<16xi32>
      %rem3A_1996 = arith.remsi %add3A_1989, %rem3A_1995 : vector<16xi32>
      %ne3A_1997 = arith.constant 0 : i32
      %ne3A_1998 = vector.broadcast %ne3A_1997 : i32 to vector<16xi32>
      %ne3A_1999 = arith.cmpi ne, %rem3A_1996, %ne3A_1998 : vector<16xi32>
      %lt3A_2000 = arith.constant 0 : i32
      %lt3A_2001 = vector.broadcast %lt3A_2000 : i32 to vector<16xi32>
      %lt3A_2002 = arith.cmpi slt, %rem3A_1996, %lt3A_2001 : vector<16xi32>
      %lt3A_2003 = arith.constant 0 : i32
      %lt3A_2004 = arith.cmpi slt, %select_n3A_1994, %lt3A_2003 : i32
      %ne3A_2005 = vector.broadcast %lt3A_2004 : i1 to vector<16xi1>
      %ne3A_2006 = vector.broadcast %ne3A_2005 : vector<16xi1> to vector<16xi1>
      %ne3A_2007 = arith.xori %lt3A_2002, %ne3A_2006 : vector<16xi1>
      %and3A_2008 = arith.andi %ne3A_2007, %ne3A_1999 : vector<16xi1>
      %add3A_2009 = vector.broadcast %select_n3A_1994 : i32 to vector<16xi32>
      %add3A_2010 = arith.addi %rem3A_1996, %add3A_2009 : vector<16xi32>
      %select_n3A_2011 = arith.select %and3A_2008, %add3A_2010, %rem3A_1996 : vector<16xi1>, vector<16xi32>
      %lt3A_2012 = arith.constant 0 : i32
      %lt3A_2013 = vector.broadcast %lt3A_2012 : i32 to vector<16xi32>
      %lt3A_2014 = arith.cmpi slt, %select_n3A_2011, %lt3A_2013 : vector<16xi32>
      %add3A_2015 = arith.constant 16 : i32
      %add3A_2016 = vector.broadcast %add3A_2015 : i32 to vector<16xi32>
      %add3A_2017 = arith.addi %select_n3A_2011, %add3A_2016 : vector<16xi32>
      %select_n3A_2018 = arith.select %lt3A_2014, %add3A_2017, %select_n3A_2011 : vector<16xi1>, vector<16xi32>
      %broadcast_in_dim3A_2019 = vector.shape_cast %select_n3A_2018 : vector<16xi32> to vector<16x1xi32>
      %gather3A_2020 = vector.shape_cast %broadcast_in_dim3A_2019 : vector<16x1xi32> to vector<16xi32>
      %gather3A_2021 = tpu.dynamic_gather %add3A_1986[%gather3A_2020] in [0] : vector<16xi32>, vector<16xi32> -> vector<16xi32>
      %add3A_2022 = arith.addi %add3A_1986, %gather3A_2021 : vector<16xi32>
      %add3A_2023 = arith.constant 4 : i32
      %add3A_2024 = vector.broadcast %add3A_2023 : i32 to vector<16xi32>
      %add3A_2025 = arith.addi %iota3A_1950, %add3A_2024 : vector<16xi32>
      %jit3A_2026 = arith.constant 16 : i32
      %eq3A_2027 = arith.constant 0 : i32
      %eq3A_2028 = arith.cmpi eq, %jit3A_2026, %eq3A_2027 : i32
      %jit3A_2029 = arith.constant 1 : i32
      %select_n3A_2030 = arith.select %eq3A_2028, %jit3A_2029, %jit3A_2026 : i32
      %rem3A_2031 = vector.broadcast %select_n3A_2030 : i32 to vector<16xi32>
      %rem3A_2032 = arith.remsi %add3A_2025, %rem3A_2031 : vector<16xi32>
      %ne3A_2033 = arith.constant 0 : i32
      %ne3A_2034 = vector.broadcast %ne3A_2033 : i32 to vector<16xi32>
      %ne3A_2035 = arith.cmpi ne, %rem3A_2032, %ne3A_2034 : vector<16xi32>
      %lt3A_2036 = arith.constant 0 : i32
      %lt3A_2037 = vector.broadcast %lt3A_2036 : i32 to vector<16xi32>
      %lt3A_2038 = arith.cmpi slt, %rem3A_2032, %lt3A_2037 : vector<16xi32>
      %lt3A_2039 = arith.constant 0 : i32
      %lt3A_2040 = arith.cmpi slt, %select_n3A_2030, %lt3A_2039 : i32
      %ne3A_2041 = vector.broadcast %lt3A_2040 : i1 to vector<16xi1>
      %ne3A_2042 = vector.broadcast %ne3A_2041 : vector<16xi1> to vector<16xi1>
      %ne3A_2043 = arith.xori %lt3A_2038, %ne3A_2042 : vector<16xi1>
      %and3A_2044 = arith.andi %ne3A_2043, %ne3A_2035 : vector<16xi1>
      %add3A_2045 = vector.broadcast %select_n3A_2030 : i32 to vector<16xi32>
      %add3A_2046 = arith.addi %rem3A_2032, %add3A_2045 : vector<16xi32>
      %select_n3A_2047 = arith.select %and3A_2044, %add3A_2046, %rem3A_2032 : vector<16xi1>, vector<16xi32>
      %lt3A_2048 = arith.constant 0 : i32
      %lt3A_2049 = vector.broadcast %lt3A_2048 : i32 to vector<16xi32>
      %lt3A_2050 = arith.cmpi slt, %select_n3A_2047, %lt3A_2049 : vector<16xi32>
      %add3A_2051 = arith.constant 16 : i32
      %add3A_2052 = vector.broadcast %add3A_2051 : i32 to vector<16xi32>
      %add3A_2053 = arith.addi %select_n3A_2047, %add3A_2052 : vector<16xi32>
      %select_n3A_2054 = arith.select %lt3A_2050, %add3A_2053, %select_n3A_2047 : vector<16xi1>, vector<16xi32>
      %broadcast_in_dim3A_2055 = vector.shape_cast %select_n3A_2054 : vector<16xi32> to vector<16x1xi32>
      %gather3A_2056 = vector.shape_cast %broadcast_in_dim3A_2055 : vector<16x1xi32> to vector<16xi32>
      %gather3A_2057 = tpu.dynamic_gather %add3A_2022[%gather3A_2056] in [0] : vector<16xi32>, vector<16xi32> -> vector<16xi32>
      %add3A_2058 = arith.addi %add3A_2022, %gather3A_2057 : vector<16xi32>
      %add3A_2059 = arith.constant 8 : i32
      %add3A_2060 = vector.broadcast %add3A_2059 : i32 to vector<16xi32>
      %add3A_2061 = arith.addi %iota3A_1950, %add3A_2060 : vector<16xi32>
      %jit3A_2062 = arith.constant 16 : i32
      %eq3A_2063 = arith.constant 0 : i32
      %eq3A_2064 = arith.cmpi eq, %jit3A_2062, %eq3A_2063 : i32
      %jit3A_2065 = arith.constant 1 : i32
      %select_n3A_2066 = arith.select %eq3A_2064, %jit3A_2065, %jit3A_2062 : i32
      %rem3A_2067 = vector.broadcast %select_n3A_2066 : i32 to vector<16xi32>
      %rem3A_2068 = arith.remsi %add3A_2061, %rem3A_2067 : vector<16xi32>
      %ne3A_2069 = arith.constant 0 : i32
      %ne3A_2070 = vector.broadcast %ne3A_2069 : i32 to vector<16xi32>
      %ne3A_2071 = arith.cmpi ne, %rem3A_2068, %ne3A_2070 : vector<16xi32>
      %lt3A_2072 = arith.constant 0 : i32
      %lt3A_2073 = vector.broadcast %lt3A_2072 : i32 to vector<16xi32>
      %lt3A_2074 = arith.cmpi slt, %rem3A_2068, %lt3A_2073 : vector<16xi32>
      %lt3A_2075 = arith.constant 0 : i32
      %lt3A_2076 = arith.cmpi slt, %select_n3A_2066, %lt3A_2075 : i32
      %ne3A_2077 = vector.broadcast %lt3A_2076 : i1 to vector<16xi1>
      %ne3A_2078 = vector.broadcast %ne3A_2077 : vector<16xi1> to vector<16xi1>
      %ne3A_2079 = arith.xori %lt3A_2074, %ne3A_2078 : vector<16xi1>
      %and3A_2080 = arith.andi %ne3A_2079, %ne3A_2071 : vector<16xi1>
      %add3A_2081 = vector.broadcast %select_n3A_2066 : i32 to vector<16xi32>
      %add3A_2082 = arith.addi %rem3A_2068, %add3A_2081 : vector<16xi32>
      %select_n3A_2083 = arith.select %and3A_2080, %add3A_2082, %rem3A_2068 : vector<16xi1>, vector<16xi32>
      %lt3A_2084 = arith.constant 0 : i32
      %lt3A_2085 = vector.broadcast %lt3A_2084 : i32 to vector<16xi32>
      %lt3A_2086 = arith.cmpi slt, %select_n3A_2083, %lt3A_2085 : vector<16xi32>
      %add3A_2087 = arith.constant 16 : i32
      %add3A_2088 = vector.broadcast %add3A_2087 : i32 to vector<16xi32>
      %add3A_2089 = arith.addi %select_n3A_2083, %add3A_2088 : vector<16xi32>
      %select_n3A_2090 = arith.select %lt3A_2086, %add3A_2089, %select_n3A_2083 : vector<16xi1>, vector<16xi32>
      %broadcast_in_dim3A_2091 = vector.shape_cast %select_n3A_2090 : vector<16xi32> to vector<16x1xi32>
      %gather3A_2092 = vector.shape_cast %broadcast_in_dim3A_2091 : vector<16x1xi32> to vector<16xi32>
      %gather3A_2093 = tpu.dynamic_gather %add3A_2058[%gather3A_2092] in [0] : vector<16xi32>, vector<16xi32> -> vector<16xi32>
      %add3A_2094 = arith.addi %add3A_2058, %gather3A_2093 : vector<16xi32>
      %slice3A_2095 = vector.extract_strided_slice %add3A_2094 {offsets = [0], sizes = [1], strides = [1]} : vector<16xi32> to vector<1xi32>
      %squeeze3A_2096 = vector.extract %slice3A_2095[0] : i32 from vector<1xi32>
      %lt3A_2097 = arith.constant 40 : i32
      %lt3A_2098 = arith.cmpi slt, %add3A_1934, %lt3A_2097 : i32
      %jit3A_2099 = arith.constant 0 : i32
      %select_n3A_2100 = arith.select %lt3A_2098, %squeeze3A_2096, %jit3A_2099 : i32
      %add3A_2101 = arith.addi %add3A_1619, %select_n3A_2100 : i32
      %add3A_2102 = arith.constant 2 : i32
      %add3A_2103 = arith.addi %add3A_1932, %add3A_2102 : i32
      %add3A_2104 = arith.constant 2 : i32
      %add3A_2105 = arith.addi %add3A_1932, %add3A_2104 : i32
      %mul3A_2106 = arith.constant 8 : i32
      %mul3A_2107 = arith.muli %add3A_2105, %mul3A_2106 : i32
      %add3A_2108 = arith.addi %mul3A_2, %mul3A_2107 : i32
      %get3A_2109 = arith.index_cast %add3A_2108 : i32 to index
      %get3A_2110 = tpu.vector_load %arg5[%get3A_2109] {strides = array<i32>} : memref<10256xi32, #tpu.memory_space<vmem>>, vector<16xi32>,
      %get3A_2111 = vector.shape_cast %get3A_2110 : vector<16xi32> to vector<16xi32>
      %add3A_2112 = arith.constant 1 : i32
      %add3A_2113 = vector.broadcast %add3A_2112 : i32 to vector<16xi32>
      %add3A_2114 = arith.addi %get3A_2111, %add3A_2113 : vector<16xi32>
      %lt3A_2115 = arith.constant 8 : i32
      %lt3A_2116 = vector.broadcast %lt3A_2115 : i32 to vector<16xi32>
      %lt3A_2117 = arith.cmpi slt, %iota3A_237, %lt3A_2116 : vector<16xi32>
      %jit3A_2118 = arith.constant 0 : i32
      %broadcast_in_dim3A_2119 = vector.broadcast %jit3A_2118 : i32 to vector<16xi32>
      %select_n3A_2120 = arith.select %lt3A_2117, %add3A_2114, %broadcast_in_dim3A_2119 : vector<16xi1>, vector<16xi32>
      %iota3A_2121 = tpu.iota {dimensions = array<i32: 0>} : vector<16xi32>
      %add3A_2122 = arith.constant 1 : i32
      %add3A_2123 = vector.broadcast %add3A_2122 : i32 to vector<16xi32>
      %add3A_2124 = arith.addi %iota3A_2121, %add3A_2123 : vector<16xi32>
      %jit3A_2125 = arith.constant 16 : i32
      %eq3A_2126 = arith.constant 0 : i32
      %eq3A_2127 = arith.cmpi eq, %jit3A_2125, %eq3A_2126 : i32
      %jit3A_2128 = arith.constant 1 : i32
      %select_n3A_2129 = arith.select %eq3A_2127, %jit3A_2128, %jit3A_2125 : i32
      %rem3A_2130 = vector.broadcast %select_n3A_2129 : i32 to vector<16xi32>
      %rem3A_2131 = arith.remsi %add3A_2124, %rem3A_2130 : vector<16xi32>
      %ne3A_2132 = arith.constant 0 : i32
      %ne3A_2133 = vector.broadcast %ne3A_2132 : i32 to vector<16xi32>
      %ne3A_2134 = arith.cmpi ne, %rem3A_2131, %ne3A_2133 : vector<16xi32>
      %lt3A_2135 = arith.constant 0 : i32
      %lt3A_2136 = vector.broadcast %lt3A_2135 : i32 to vector<16xi32>
      %lt3A_2137 = arith.cmpi slt, %rem3A_2131, %lt3A_2136 : vector<16xi32>
      %lt3A_2138 = arith.constant 0 : i32
      %lt3A_2139 = arith.cmpi slt, %select_n3A_2129, %lt3A_2138 : i32
      %ne3A_2140 = vector.broadcast %lt3A_2139 : i1 to vector<16xi1>
      %ne3A_2141 = vector.broadcast %ne3A_2140 : vector<16xi1> to vector<16xi1>
      %ne3A_2142 = arith.xori %lt3A_2137, %ne3A_2141 : vector<16xi1>
      %and3A_2143 = arith.andi %ne3A_2142, %ne3A_2134 : vector<16xi1>
      %add3A_2144 = vector.broadcast %select_n3A_2129 : i32 to vector<16xi32>
      %add3A_2145 = arith.addi %rem3A_2131, %add3A_2144 : vector<16xi32>
      %select_n3A_2146 = arith.select %and3A_2143, %add3A_2145, %rem3A_2131 : vector<16xi1>, vector<16xi32>
      %lt3A_2147 = arith.constant 0 : i32
      %lt3A_2148 = vector.broadcast %lt3A_2147 : i32 to vector<16xi32>
      %lt3A_2149 = arith.cmpi slt, %select_n3A_2146, %lt3A_2148 : vector<16xi32>
      %add3A_2150 = arith.constant 16 : i32
      %add3A_2151 = vector.broadcast %add3A_2150 : i32 to vector<16xi32>
      %add3A_2152 = arith.addi %select_n3A_2146, %add3A_2151 : vector<16xi32>
      %select_n3A_2153 = arith.select %lt3A_2149, %add3A_2152, %select_n3A_2146 : vector<16xi1>, vector<16xi32>
      %broadcast_in_dim3A_2154 = vector.shape_cast %select_n3A_2153 : vector<16xi32> to vector<16x1xi32>
      %gather3A_2155 = vector.shape_cast %broadcast_in_dim3A_2154 : vector<16x1xi32> to vector<16xi32>
      %gather3A_2156 = tpu.dynamic_gather %select_n3A_2120[%gather3A_2155] in [0] : vector<16xi32>, vector<16xi32> -> vector<16xi32>
      %add3A_2157 = arith.addi %select_n3A_2120, %gather3A_2156 : vector<16xi32>
      %add3A_2158 = arith.constant 2 : i32
      %add3A_2159 = vector.broadcast %add3A_2158 : i32 to vector<16xi32>
      %add3A_2160 = arith.addi %iota3A_2121, %add3A_2159 : vector<16xi32>
      %jit3A_2161 = arith.constant 16 : i32
      %eq3A_2162 = arith.constant 0 : i32
      %eq3A_2163 = arith.cmpi eq, %jit3A_2161, %eq3A_2162 : i32
      %jit3A_2164 = arith.constant 1 : i32
      %select_n3A_2165 = arith.select %eq3A_2163, %jit3A_2164, %jit3A_2161 : i32
      %rem3A_2166 = vector.broadcast %select_n3A_2165 : i32 to vector<16xi32>
      %rem3A_2167 = arith.remsi %add3A_2160, %rem3A_2166 : vector<16xi32>
      %ne3A_2168 = arith.constant 0 : i32
      %ne3A_2169 = vector.broadcast %ne3A_2168 : i32 to vector<16xi32>
      %ne3A_2170 = arith.cmpi ne, %rem3A_2167, %ne3A_2169 : vector<16xi32>
      %lt3A_2171 = arith.constant 0 : i32
      %lt3A_2172 = vector.broadcast %lt3A_2171 : i32 to vector<16xi32>
      %lt3A_2173 = arith.cmpi slt, %rem3A_2167, %lt3A_2172 : vector<16xi32>
      %lt3A_2174 = arith.constant 0 : i32
      %lt3A_2175 = arith.cmpi slt, %select_n3A_2165, %lt3A_2174 : i32
      %ne3A_2176 = vector.broadcast %lt3A_2175 : i1 to vector<16xi1>
      %ne3A_2177 = vector.broadcast %ne3A_2176 : vector<16xi1> to vector<16xi1>
      %ne3A_2178 = arith.xori %lt3A_2173, %ne3A_2177 : vector<16xi1>
      %and3A_2179 = arith.andi %ne3A_2178, %ne3A_2170 : vector<16xi1>
      %add3A_2180 = vector.broadcast %select_n3A_2165 : i32 to vector<16xi32>
      %add3A_2181 = arith.addi %rem3A_2167, %add3A_2180 : vector<16xi32>
      %select_n3A_2182 = arith.select %and3A_2179, %add3A_2181, %rem3A_2167 : vector<16xi1>, vector<16xi32>
      %lt3A_2183 = arith.constant 0 : i32
      %lt3A_2184 = vector.broadcast %lt3A_2183 : i32 to vector<16xi32>
      %lt3A_2185 = arith.cmpi slt, %select_n3A_2182, %lt3A_2184 : vector<16xi32>
      %add3A_2186 = arith.constant 16 : i32
      %add3A_2187 = vector.broadcast %add3A_2186 : i32 to vector<16xi32>
      %add3A_2188 = arith.addi %select_n3A_2182, %add3A_2187 : vector<16xi32>
      %select_n3A_2189 = arith.select %lt3A_2185, %add3A_2188, %select_n3A_2182 : vector<16xi1>, vector<16xi32>
      %broadcast_in_dim3A_2190 = vector.shape_cast %select_n3A_2189 : vector<16xi32> to vector<16x1xi32>
      %gather3A_2191 = vector.shape_cast %broadcast_in_dim3A_2190 : vector<16x1xi32> to vector<16xi32>
      %gather3A_2192 = tpu.dynamic_gather %add3A_2157[%gather3A_2191] in [0] : vector<16xi32>, vector<16xi32> -> vector<16xi32>
      %add3A_2193 = arith.addi %add3A_2157, %gather3A_2192 : vector<16xi32>
      %add3A_2194 = arith.constant 4 : i32
      %add3A_2195 = vector.broadcast %add3A_2194 : i32 to vector<16xi32>
      %add3A_2196 = arith.addi %iota3A_2121, %add3A_2195 : vector<16xi32>
      %jit3A_2197 = arith.constant 16 : i32
      %eq3A_2198 = arith.constant 0 : i32
      %eq3A_2199 = arith.cmpi eq, %jit3A_2197, %eq3A_2198 : i32
      %jit3A_2200 = arith.constant 1 : i32
      %select_n3A_2201 = arith.select %eq3A_2199, %jit3A_2200, %jit3A_2197 : i32
      %rem3A_2202 = vector.broadcast %select_n3A_2201 : i32 to vector<16xi32>
      %rem3A_2203 = arith.remsi %add3A_2196, %rem3A_2202 : vector<16xi32>
      %ne3A_2204 = arith.constant 0 : i32
      %ne3A_2205 = vector.broadcast %ne3A_2204 : i32 to vector<16xi32>
      %ne3A_2206 = arith.cmpi ne, %rem3A_2203, %ne3A_2205 : vector<16xi32>
      %lt3A_2207 = arith.constant 0 : i32
      %lt3A_2208 = vector.broadcast %lt3A_2207 : i32 to vector<16xi32>
      %lt3A_2209 = arith.cmpi slt, %rem3A_2203, %lt3A_2208 : vector<16xi32>
      %lt3A_2210 = arith.constant 0 : i32
      %lt3A_2211 = arith.cmpi slt, %select_n3A_2201, %lt3A_2210 : i32
      %ne3A_2212 = vector.broadcast %lt3A_2211 : i1 to vector<16xi1>
      %ne3A_2213 = vector.broadcast %ne3A_2212 : vector<16xi1> to vector<16xi1>
      %ne3A_2214 = arith.xori %lt3A_2209, %ne3A_2213 : vector<16xi1>
      %and3A_2215 = arith.andi %ne3A_2214, %ne3A_2206 : vector<16xi1>
      %add3A_2216 = vector.broadcast %select_n3A_2201 : i32 to vector<16xi32>
      %add3A_2217 = arith.addi %rem3A_2203, %add3A_2216 : vector<16xi32>
      %select_n3A_2218 = arith.select %and3A_2215, %add3A_2217, %rem3A_2203 : vector<16xi1>, vector<16xi32>
      %lt3A_2219 = arith.constant 0 : i32
      %lt3A_2220 = vector.broadcast %lt3A_2219 : i32 to vector<16xi32>
      %lt3A_2221 = arith.cmpi slt, %select_n3A_2218, %lt3A_2220 : vector<16xi32>
      %add3A_2222 = arith.constant 16 : i32
      %add3A_2223 = vector.broadcast %add3A_2222 : i32 to vector<16xi32>
      %add3A_2224 = arith.addi %select_n3A_2218, %add3A_2223 : vector<16xi32>
      %select_n3A_2225 = arith.select %lt3A_2221, %add3A_2224, %select_n3A_2218 : vector<16xi1>, vector<16xi32>
      %broadcast_in_dim3A_2226 = vector.shape_cast %select_n3A_2225 : vector<16xi32> to vector<16x1xi32>
      %gather3A_2227 = vector.shape_cast %broadcast_in_dim3A_2226 : vector<16x1xi32> to vector<16xi32>
      %gather3A_2228 = tpu.dynamic_gather %add3A_2193[%gather3A_2227] in [0] : vector<16xi32>, vector<16xi32> -> vector<16xi32>
      %add3A_2229 = arith.addi %add3A_2193, %gather3A_2228 : vector<16xi32>
      %add3A_2230 = arith.constant 8 : i32
      %add3A_2231 = vector.broadcast %add3A_2230 : i32 to vector<16xi32>
      %add3A_2232 = arith.addi %iota3A_2121, %add3A_2231 : vector<16xi32>
      %jit3A_2233 = arith.constant 16 : i32
      %eq3A_2234 = arith.constant 0 : i32
      %eq3A_2235 = arith.cmpi eq, %jit3A_2233, %eq3A_2234 : i32
      %jit3A_2236 = arith.constant 1 : i32
      %select_n3A_2237 = arith.select %eq3A_2235, %jit3A_2236, %jit3A_2233 : i32
      %rem3A_2238 = vector.broadcast %select_n3A_2237 : i32 to vector<16xi32>
      %rem3A_2239 = arith.remsi %add3A_2232, %rem3A_2238 : vector<16xi32>
      %ne3A_2240 = arith.constant 0 : i32
      %ne3A_2241 = vector.broadcast %ne3A_2240 : i32 to vector<16xi32>
      %ne3A_2242 = arith.cmpi ne, %rem3A_2239, %ne3A_2241 : vector<16xi32>
      %lt3A_2243 = arith.constant 0 : i32
      %lt3A_2244 = vector.broadcast %lt3A_2243 : i32 to vector<16xi32>
      %lt3A_2245 = arith.cmpi slt, %rem3A_2239, %lt3A_2244 : vector<16xi32>
      %lt3A_2246 = arith.constant 0 : i32
      %lt3A_2247 = arith.cmpi slt, %select_n3A_2237, %lt3A_2246 : i32
      %ne3A_2248 = vector.broadcast %lt3A_2247 : i1 to vector<16xi1>
      %ne3A_2249 = vector.broadcast %ne3A_2248 : vector<16xi1> to vector<16xi1>
      %ne3A_2250 = arith.xori %lt3A_2245, %ne3A_2249 : vector<16xi1>
      %and3A_2251 = arith.andi %ne3A_2250, %ne3A_2242 : vector<16xi1>
      %add3A_2252 = vector.broadcast %select_n3A_2237 : i32 to vector<16xi32>
      %add3A_2253 = arith.addi %rem3A_2239, %add3A_2252 : vector<16xi32>
      %select_n3A_2254 = arith.select %and3A_2251, %add3A_2253, %rem3A_2239 : vector<16xi1>, vector<16xi32>
      %lt3A_2255 = arith.constant 0 : i32
      %lt3A_2256 = vector.broadcast %lt3A_2255 : i32 to vector<16xi32>
      %lt3A_2257 = arith.cmpi slt, %select_n3A_2254, %lt3A_2256 : vector<16xi32>
      %add3A_2258 = arith.constant 16 : i32
      %add3A_2259 = vector.broadcast %add3A_2258 : i32 to vector<16xi32>
      %add3A_2260 = arith.addi %select_n3A_2254, %add3A_2259 : vector<16xi32>
      %select_n3A_2261 = arith.select %lt3A_2257, %add3A_2260, %select_n3A_2254 : vector<16xi1>, vector<16xi32>
      %broadcast_in_dim3A_2262 = vector.shape_cast %select_n3A_2261 : vector<16xi32> to vector<16x1xi32>
      %gather3A_2263 = vector.shape_cast %broadcast_in_dim3A_2262 : vector<16x1xi32> to vector<16xi32>
      %gather3A_2264 = tpu.dynamic_gather %add3A_2229[%gather3A_2263] in [0] : vector<16xi32>, vector<16xi32> -> vector<16xi32>
      %add3A_2265 = arith.addi %add3A_2229, %gather3A_2264 : vector<16xi32>
      %slice3A_2266 = vector.extract_strided_slice %add3A_2265 {offsets = [0], sizes = [1], strides = [1]} : vector<16xi32> to vector<1xi32>
      %squeeze3A_2267 = vector.extract %slice3A_2266[0] : i32 from vector<1xi32>
      %lt3A_2268 = arith.constant 40 : i32
      %lt3A_2269 = arith.cmpi slt, %add3A_2105, %lt3A_2268 : i32
      %jit3A_2270 = arith.constant 0 : i32
      %select_n3A_2271 = arith.select %lt3A_2269, %squeeze3A_2267, %jit3A_2270 : i32
      %jit3A_2272 = arith.constant 8 : i32
      %div3A_2273 = arith.divsi %add3A_2101, %jit3A_2272 : i32
      %sign3A_2274 = arith.constant 0 : i32
      %sign3A_2275 = arith.cmpi sgt, %add3A_2101, %sign3A_2274 : i32
      %sign3A_2276 = arith.extui %sign3A_2275 : i1 to i32
      %sign3A_2277 = arith.constant 0 : i32
      %sign3A_2278 = arith.cmpi slt, %add3A_2101, %sign3A_2277 : i32
      %sign3A_2279 = arith.extui %sign3A_2278 : i1 to i32
      %sign3A_2280 = arith.subi %sign3A_2276, %sign3A_2279 : i32
      %sign3A_2281 = arith.constant 0 : i32
      %sign3A_2282 = arith.cmpi sgt, %jit3A_2272, %sign3A_2281 : i32
      %sign3A_2283 = arith.extui %sign3A_2282 : i1 to i32
      %sign3A_2284 = arith.constant 0 : i32
      %sign3A_2285 = arith.cmpi slt, %jit3A_2272, %sign3A_2284 : i32
      %sign3A_2286 = arith.extui %sign3A_2285 : i1 to i32
      %sign3A_2287 = arith.subi %sign3A_2283, %sign3A_2286 : i32
      %ne3A_2288 = arith.cmpi ne, %sign3A_2280, %sign3A_2287 : i32
      %rem3A_2289 = arith.remsi %add3A_2101, %jit3A_2272 : i32
      %ne3A_2290 = arith.constant 0 : i32
      %ne3A_2291 = arith.cmpi ne, %rem3A_2289, %ne3A_2290 : i32
      %and3A_2292 = arith.andi %ne3A_2288, %ne3A_2291 : i1
      %sub3A_2293 = arith.constant 1 : i32
      %sub3A_2294 = arith.subi %div3A_2273, %sub3A_2293 : i32
      %select_n3A_2295 = arith.select %and3A_2292, %sub3A_2294, %div3A_2273 : i32
      %mul3A_2296 = arith.constant 8 : i32
      %mul3A_2297 = arith.muli %select_n3A_2295, %mul3A_2296 : i32
      %min3A_2298 = arith.constant 319728 : i32
      %min3A_2299 = arith.minsi %mul3A_2297, %min3A_2298 : i32
      %multiple_of3A_2300 = tpu.assume_multiple %min3A_2299, 8 : i32
      %sub3A_2301 = arith.subi %add3A_2101, %multiple_of3A_2300 : i32
      %lt3A_2302 = arith.constant 40 : i32
      %lt3A_2303 = arith.cmpi slt, %add3A_2103, %lt3A_2302 : i32
      %gt3A_2304 = arith.constant 0 : i32
      %gt3A_2305 = arith.cmpi sgt, %select_n3A_2271, %gt3A_2304 : i32
      %and3A_2306 = arith.andi %lt3A_2303, %gt3A_2305 : i1
      %add3A_2307 = arith.addi %sub3A_2301, %select_n3A_2271 : i32
      %add3A_2308 = arith.constant 16 : i32
      %add3A_2309 = arith.addi %add3A_2307, %add3A_2308 : i32
      %sub3A_2310 = arith.constant 1 : i32
      %sub3A_2311 = arith.subi %add3A_2309, %sub3A_2310 : i32
      %jit3A_2312 = arith.constant 16 : i32
      %div3A_2313 = arith.divsi %sub3A_2311, %jit3A_2312 : i32
      %sign3A_2314 = arith.constant 0 : i32
      %sign3A_2315 = arith.cmpi sgt, %sub3A_2311, %sign3A_2314 : i32
      %sign3A_2316 = arith.extui %sign3A_2315 : i1 to i32
      %sign3A_2317 = arith.constant 0 : i32
      %sign3A_2318 = arith.cmpi slt, %sub3A_2311, %sign3A_2317 : i32
      %sign3A_2319 = arith.extui %sign3A_2318 : i1 to i32
      %sign3A_2320 = arith.subi %sign3A_2316, %sign3A_2319 : i32
      %sign3A_2321 = arith.constant 0 : i32
      %sign3A_2322 = arith.cmpi sgt, %jit3A_2312, %sign3A_2321 : i32
      %sign3A_2323 = arith.extui %sign3A_2322 : i1 to i32
      %sign3A_2324 = arith.constant 0 : i32
      %sign3A_2325 = arith.cmpi slt, %jit3A_2312, %sign3A_2324 : i32
      %sign3A_2326 = arith.extui %sign3A_2325 : i1 to i32
      %sign3A_2327 = arith.subi %sign3A_2323, %sign3A_2326 : i32
      %ne3A_2328 = arith.cmpi ne, %sign3A_2320, %sign3A_2327 : i32
      %rem3A_2329 = arith.remsi %sub3A_2311, %jit3A_2312 : i32
      %ne3A_2330 = arith.constant 0 : i32
      %ne3A_2331 = arith.cmpi ne, %rem3A_2329, %ne3A_2330 : i32
      %and3A_2332 = arith.andi %ne3A_2328, %ne3A_2331 : i1
      %sub3A_2333 = arith.constant 1 : i32
      %sub3A_2334 = arith.subi %div3A_2313, %sub3A_2333 : i32
      %select_n3A_2335 = arith.select %and3A_2332, %sub3A_2334, %div3A_2313 : i32
      %jit3A_2336 = arith.constant 0 : i32
      %select_n3A_2337 = arith.select %and3A_2306, %select_n3A_2335, %jit3A_2336 : i32
      %while3A_2338 = arith.constant 0 : i32
      %while3A_2339 = arith.constant 0 : i32
      %while3A_2340 = arith.subi %select_n3A_2337, %while3A_2338 : i32
      %while3A_2341 = arith.addi %while3A_2338, %while3A_2340 : i32
      %while3A_2342 = arith.constant 1 : i32
      %while3A_2343 = arith.divsi %while3A_2340, %while3A_2342 : i32
      %while3A_2344 = arith.muli %while3A_2343, %while3A_2342 : i32
      %while3A_2345 = arith.addi %while3A_2338, %while3A_2344 : i32
      %while3A_2346 = arith.constant 1 : i32
      %while3A_2347 = scf.for %while3A_2413 = %while3A_2338 to %while3A_2345 step %while3A_2346 iter_args(%while3A_2414 = %while3A_2339) -> (i32)  : i32 {
        %mul3A_2415 = arith.constant 16 : i32
        %mul3A_2416 = arith.muli %while3A_2413, %mul3A_2415 : i32
        %add3A_2417 = arith.addi %multiple_of3A_2300, %mul3A_2416 : i32
        %mul3A_2418 = arith.constant 16 : i32
        %mul3A_2419 = arith.muli %while3A_2413, %mul3A_2418 : i32
        %dma_start3A_2420 = arith.constant 0 : i32
        %dma_start3A_2421 = tpu.memref_slice %arg7[%mul3A_2419, %dma_start3A_2420] : memref<272x128xf32, #tpu.memory_space<vmem>> -> memref<16x128xf32, #tpu.memory_space<vmem>>
        %dma_start3A_2422 = arith.constant 0 : i32
        %dma_start3A_2423 = tpu.memref_slice %arg3[%add3A_2417, %dma_start3A_2422] : memref<320000x128xf32, #tpu.memory_space<hbm>> -> memref<16x128xf32, #tpu.memory_space<hbm>>
        %dma_start3A_2424 = arith.constant 0 : i32
        %dma_start3A_2425 = tpu.memref_slice %arg7[%mul3A_2419, %dma_start3A_2424] : memref<272x128xf32, #tpu.memory_space<vmem>> -> memref<16x128xf32, #tpu.memory_space<vmem>>
        %dma_start3A_2426 = arith.constant 0 : i32
        %dma_start3A_2427 = tpu.memref_slice %arg3[%add3A_2417, %dma_start3A_2426] : memref<320000x128xf32, #tpu.memory_space<hbm>> -> memref<16x128xf32, #tpu.memory_space<hbm>>
        tpu.enqueue_dma source(%dma_start3A_2427 : memref<16x128xf32, #tpu.memory_space<hbm>>) target(%dma_start3A_2425 : memref<16x128xf32, #tpu.memory_space<vmem>>) target_semaphore(%arg13 : memref<!tpu.dma_semaphore, #tpu.memory_space<semaphore_mem>>)
        %while3A_2428 = arith.constant 0 : i32
        scf.yield %while3A_2428 : i32
      }
      %while3A_2348 = arith.constant 1 : i32
      %while3A_2349 = scf.for %while3A_2413 = %while3A_2345 to %while3A_2341 step %while3A_2348 iter_args(%while3A_2414 = %while3A_2347) -> (i32)  : i32 {
        %mul3A_2415 = arith.constant 16 : i32
        %mul3A_2416 = arith.muli %while3A_2413, %mul3A_2415 : i32
        %add3A_2417 = arith.addi %multiple_of3A_2300, %mul3A_2416 : i32
        %mul3A_2418 = arith.constant 16 : i32
        %mul3A_2419 = arith.muli %while3A_2413, %mul3A_2418 : i32
        %dma_start3A_2420 = arith.constant 0 : i32
        %dma_start3A_2421 = tpu.memref_slice %arg7[%mul3A_2419, %dma_start3A_2420] : memref<272x128xf32, #tpu.memory_space<vmem>> -> memref<16x128xf32, #tpu.memory_space<vmem>>
        %dma_start3A_2422 = arith.constant 0 : i32
        %dma_start3A_2423 = tpu.memref_slice %arg3[%add3A_2417, %dma_start3A_2422] : memref<320000x128xf32, #tpu.memory_space<hbm>> -> memref<16x128xf32, #tpu.memory_space<hbm>>
        %dma_start3A_2424 = arith.constant 0 : i32
        %dma_start3A_2425 = tpu.memref_slice %arg7[%mul3A_2419, %dma_start3A_2424] : memref<272x128xf32, #tpu.memory_space<vmem>> -> memref<16x128xf32, #tpu.memory_space<vmem>>
        %dma_start3A_2426 = arith.constant 0 : i32
        %dma_start3A_2427 = tpu.memref_slice %arg3[%add3A_2417, %dma_start3A_2426] : memref<320000x128xf32, #tpu.memory_space<hbm>> -> memref<16x128xf32, #tpu.memory_space<hbm>>
        tpu.enqueue_dma source(%dma_start3A_2427 : memref<16x128xf32, #tpu.memory_space<hbm>>) target(%dma_start3A_2425 : memref<16x128xf32, #tpu.memory_space<vmem>>) target_semaphore(%arg13 : memref<!tpu.dma_semaphore, #tpu.memory_space<semaphore_mem>>)
        %while3A_2428 = arith.constant 0 : i32
        scf.yield %while3A_2428 : i32
      }
      %while3A_2350 = arith.constant 0 : i32
      %while3A_2351 = arith.constant 0 : i32
      %while3A_2352 = arith.subi %select_n3A_1373, %while3A_2350 : i32
      %while3A_2353 = arith.addi %while3A_2350, %while3A_2352 : i32
      %while3A_2354 = arith.constant 1 : i32
      %while3A_2355 = arith.divsi %while3A_2352, %while3A_2354 : i32
      %while3A_2356 = arith.muli %while3A_2355, %while3A_2354 : i32
      %while3A_2357 = arith.addi %while3A_2350, %while3A_2356 : i32
      %while3A_2358 = arith.constant 1 : i32
      %while3A_2359 = scf.for %while3A_2413 = %while3A_2350 to %while3A_2357 step %while3A_2358 iter_args(%while3A_2414 = %while3A_2351) -> (i32)  : i32 {
        %dma_wait3A_2415 = arith.constant 0 : i32
        %dma_wait3A_2416 = arith.constant 0 : i32
        %dma_wait3A_2417 = tpu.memref_slice %arg8[%dma_wait3A_2415, %dma_wait3A_2416] : memref<272x128xf32, #tpu.memory_space<vmem>> -> memref<16x128xf32, #tpu.memory_space<vmem>>
        %dma_wait3A_2418 = arith.constant 0 : i32
        %dma_wait3A_2419 = arith.constant 0 : i32
        %dma_wait3A_2420 = tpu.memref_slice %arg3[%dma_wait3A_2418, %dma_wait3A_2419] : memref<320000x128xf32, #tpu.memory_space<hbm>> -> memref<16x128xf32, #tpu.memory_space<hbm>>
        %dma_wait3A_2421 = arith.constant 0 : i32
        %dma_wait3A_2422 = arith.constant 0 : i32
        %dma_wait3A_2423 = tpu.memref_slice %arg8[%dma_wait3A_2421, %dma_wait3A_2422] : memref<272x128xf32, #tpu.memory_space<vmem>> -> memref<16x128xf32, #tpu.memory_space<vmem>>
        %dma_wait3A_2424 = arith.constant 0 : i32
        %dma_wait3A_2425 = arith.constant 0 : i32
        %dma_wait3A_2426 = tpu.memref_slice %arg3[%dma_wait3A_2424, %dma_wait3A_2425] : memref<320000x128xf32, #tpu.memory_space<hbm>> -> memref<16x128xf32, #tpu.memory_space<hbm>>
        tpu.wait_dma2 semaphore(%arg14 : memref<!tpu.dma_semaphore, #tpu.memory_space<semaphore_mem>>) src(%dma_wait3A_2426 : memref<16x128xf32, #tpu.memory_space<hbm>>) dst(%dma_wait3A_2423 : memref<16x128xf32, #tpu.memory_space<vmem>>)
        %while3A_2427 = arith.constant 0 : i32
        scf.yield %while3A_2427 : i32
      }
      %while3A_2360 = arith.constant 1 : i32
      %while3A_2361 = scf.for %while3A_2413 = %while3A_2357 to %while3A_2353 step %while3A_2360 iter_args(%while3A_2414 = %while3A_2359) -> (i32)  : i32 {
        %dma_wait3A_2415 = arith.constant 0 : i32
        %dma_wait3A_2416 = arith.constant 0 : i32
        %dma_wait3A_2417 = tpu.memref_slice %arg8[%dma_wait3A_2415, %dma_wait3A_2416] : memref<272x128xf32, #tpu.memory_space<vmem>> -> memref<16x128xf32, #tpu.memory_space<vmem>>
        %dma_wait3A_2418 = arith.constant 0 : i32
        %dma_wait3A_2419 = arith.constant 0 : i32
        %dma_wait3A_2420 = tpu.memref_slice %arg3[%dma_wait3A_2418, %dma_wait3A_2419] : memref<320000x128xf32, #tpu.memory_space<hbm>> -> memref<16x128xf32, #tpu.memory_space<hbm>>
        %dma_wait3A_2421 = arith.constant 0 : i32
        %dma_wait3A_2422 = arith.constant 0 : i32
        %dma_wait3A_2423 = tpu.memref_slice %arg8[%dma_wait3A_2421, %dma_wait3A_2422] : memref<272x128xf32, #tpu.memory_space<vmem>> -> memref<16x128xf32, #tpu.memory_space<vmem>>
        %dma_wait3A_2424 = arith.constant 0 : i32
        %dma_wait3A_2425 = arith.constant 0 : i32
        %dma_wait3A_2426 = tpu.memref_slice %arg3[%dma_wait3A_2424, %dma_wait3A_2425] : memref<320000x128xf32, #tpu.memory_space<hbm>> -> memref<16x128xf32, #tpu.memory_space<hbm>>
        tpu.wait_dma2 semaphore(%arg14 : memref<!tpu.dma_semaphore, #tpu.memory_space<semaphore_mem>>) src(%dma_wait3A_2426 : memref<16x128xf32, #tpu.memory_space<hbm>>) dst(%dma_wait3A_2423 : memref<16x128xf32, #tpu.memory_space<vmem>>)
        %while3A_2427 = arith.constant 0 : i32
        scf.yield %while3A_2427 : i32
      }
      %eq3A_2362 = arith.constant 0 : i32
      %eq3A_2363 = arith.cmpi eq, %scan3A_960, %eq3A_2362 : i32
      %jit3A_2364 = arith.constant 8 : i32
      %div3A_2365 = arith.divsi %add3A_1137, %jit3A_2364 : i32
      %sign3A_2366 = arith.constant 0 : i32
      %sign3A_2367 = arith.cmpi sgt, %add3A_1137, %sign3A_2366 : i32
      %sign3A_2368 = arith.extui %sign3A_2367 : i1 to i32
      %sign3A_2369 = arith.constant 0 : i32
      %sign3A_2370 = arith.cmpi slt, %add3A_1137, %sign3A_2369 : i32
      %sign3A_2371 = arith.extui %sign3A_2370 : i1 to i32
      %sign3A_2372 = arith.subi %sign3A_2368, %sign3A_2371 : i32
      %sign3A_2373 = arith.constant 0 : i32
      %sign3A_2374 = arith.cmpi sgt, %jit3A_2364, %sign3A_2373 : i32
      %sign3A_2375 = arith.extui %sign3A_2374 : i1 to i32
      %sign3A_2376 = arith.constant 0 : i32
      %sign3A_2377 = arith.cmpi slt, %jit3A_2364, %sign3A_2376 : i32
      %sign3A_2378 = arith.extui %sign3A_2377 : i1 to i32
      %sign3A_2379 = arith.subi %sign3A_2375, %sign3A_2378 : i32
      %ne3A_2380 = arith.cmpi ne, %sign3A_2372, %sign3A_2379 : i32
      %rem3A_2381 = arith.remsi %add3A_1137, %jit3A_2364 : i32
      %ne3A_2382 = arith.constant 0 : i32
      %ne3A_2383 = arith.cmpi ne, %rem3A_2381, %ne3A_2382 : i32
      %and3A_2384 = arith.andi %ne3A_2380, %ne3A_2383 : i1
      %sub3A_2385 = arith.constant 1 : i32
      %sub3A_2386 = arith.subi %div3A_2365, %sub3A_2385 : i32
      %select_n3A_2387 = arith.select %and3A_2384, %sub3A_2386, %div3A_2365 : i32
      %mul3A_2388 = arith.constant 8 : i32
      %mul3A_2389 = arith.muli %select_n3A_2387, %mul3A_2388 : i32
      %min3A_2390 = arith.constant 319728 : i32
      %min3A_2391 = arith.minsi %mul3A_2389, %min3A_2390 : i32
      %multiple_of3A_2392 = tpu.assume_multiple %min3A_2391, 8 : i32
      %sub3A_2393 = arith.subi %add3A_1137, %multiple_of3A_2392 : i32
      %not3A_2394 = arith.constant true
      %not3A_2395 = arith.xori %eq3A_2363, %not3A_2394 : i1
      %convert_element_type3A_2396 = arith.extui %not3A_2395 : i1 to i32
      %cond3A_2397 = arith.constant 0 : i32
      %cond3A_2398 = arith.cmpi ne, %convert_element_type3A_2396, %cond3A_2397 : i32
      scf.if %cond3A_2398 {
        %dma_wait3A_2413 = arith.constant 0 : i32
        %dma_wait3A_2414 = arith.constant 0 : i32
        %dma_wait3A_2415 = tpu.memref_slice %arg3[%dma_wait3A_2413, %dma_wait3A_2414] : memref<320000x128xf32, #tpu.memory_space<hbm>> -> memref<8x128xf32, #tpu.memory_space<hbm>>
        %dma_wait3A_2416 = arith.constant 0 : i32
        %dma_wait3A_2417 = arith.constant 0 : i32
        %dma_wait3A_2418 = tpu.memref_slice %arg3[%dma_wait3A_2416, %dma_wait3A_2417] : memref<320000x128xf32, #tpu.memory_space<hbm>> -> memref<8x128xf32, #tpu.memory_space<hbm>>
        tpu.wait_dma2 semaphore(%arg17 : memref<!tpu.dma_semaphore, #tpu.memory_space<semaphore_mem>>) src(%dma_wait3A_2418 : memref<8x128xf32, #tpu.memory_space<hbm>>) dst(%arg11 : memref<8x128xf32, #tpu.memory_space<vmem>>)
      } else {
      }
      %scan3A_2399 = arith.constant 0 : i32
      %scan3A_2400 = arith.constant 0 : i32
      %scan3A_2401 = arith.constant 8 : i32
      %scan3A_2402 = arith.addi %scan3A_2400, %scan3A_2401 : i32
      %scan3A_2403 = arith.constant 1 : i32
      %scan3A_2404 = scf.for %scan3A_2413 = %scan3A_2400 to %scan3A_2402 step %scan3A_2403 iter_args(%scan3A_2414 = %scan3A_2399) -> (i32)  : i32 {
        %mul3A_2415 = arith.constant 8 : i32
        %mul3A_2416 = arith.muli %add3A_1932, %mul3A_2415 : i32
        %add3A_2417 = arith.addi %mul3A_2, %mul3A_2416 : i32
        %add3A_2418 = arith.addi %add3A_2417, %scan3A_2413 : i32
        %get3A_2419 = arith.index_cast %add3A_2418 : i32 to index
        %get3A_2420 = tpu.vector_load %arg5[%get3A_2419] {strides = array<i32>} : memref<10256xi32, #tpu.memory_space<vmem>>, vector<16xi32>,
        %get3A_2421 = vector.shape_cast %get3A_2420 : vector<16xi32> to vector<16xi32>
        %slice3A_2422 = vector.extract_strided_slice %get3A_2421 {offsets = [0], sizes = [1], strides = [1]} : vector<16xi32> to vector<1xi32>
        %squeeze3A_2423 = vector.extract %slice3A_2422[0] : i32 from vector<1xi32>
        %add3A_2424 = arith.constant 1 : i32
        %add3A_2425 = arith.addi %squeeze3A_2423, %add3A_2424 : i32
        %broadcast_in_dim3A_2426 = arith.constant 0.000000e+00 : f32
        %broadcast_in_dim3A_2427 = vector.broadcast %broadcast_in_dim3A_2426 : f32 to vector<16xf32>
        %jit3A_2428 = arith.constant 2 : i32
        %div3A_2429 = arith.divsi %add3A_2425, %jit3A_2428 : i32
        %sign3A_2430 = arith.constant 0 : i32
        %sign3A_2431 = arith.cmpi sgt, %add3A_2425, %sign3A_2430 : i32
        %sign3A_2432 = arith.extui %sign3A_2431 : i1 to i32
        %sign3A_2433 = arith.constant 0 : i32
        %sign3A_2434 = arith.cmpi slt, %add3A_2425, %sign3A_2433 : i32
        %sign3A_2435 = arith.extui %sign3A_2434 : i1 to i32
        %sign3A_2436 = arith.subi %sign3A_2432, %sign3A_2435 : i32
        %sign3A_2437 = arith.constant 0 : i32
        %sign3A_2438 = arith.cmpi sgt, %jit3A_2428, %sign3A_2437 : i32
        %sign3A_2439 = arith.extui %sign3A_2438 : i1 to i32
        %sign3A_2440 = arith.constant 0 : i32
        %sign3A_2441 = arith.cmpi slt, %jit3A_2428, %sign3A_2440 : i32
        %sign3A_2442 = arith.extui %sign3A_2441 : i1 to i32
        %sign3A_2443 = arith.subi %sign3A_2439, %sign3A_2442 : i32
        %ne3A_2444 = arith.cmpi ne, %sign3A_2436, %sign3A_2443 : i32
        %rem3A_2445 = arith.remsi %add3A_2425, %jit3A_2428 : i32
        %ne3A_2446 = arith.constant 0 : i32
        %ne3A_2447 = arith.cmpi ne, %rem3A_2445, %ne3A_2446 : i32
        %and3A_2448 = arith.andi %ne3A_2444, %ne3A_2447 : i1
        %sub3A_2449 = arith.constant 1 : i32
        %sub3A_2450 = arith.subi %div3A_2429, %sub3A_2449 : i32
        %select_n3A_2451 = arith.select %and3A_2448, %sub3A_2450, %div3A_2429 : i32
        %while3A_2452 = arith.constant 0 : i32
        %while3A_2453 = arith.subi %select_n3A_2451, %while3A_2452 : i32
        %while3A_2454 = arith.addi %while3A_2452, %while3A_2453 : i32
        %while3A_2455 = arith.constant 1 : i32
        %while3A_2456 = arith.divsi %while3A_2453, %while3A_2455 : i32
        %while3A_2457 = arith.muli %while3A_2456, %while3A_2455 : i32
        %while3A_2458 = arith.addi %while3A_2452, %while3A_2457 : i32
        %while3A_2459 = arith.constant 1 : i32
        %while3A_2460:8 = scf.for %while3A_2588 = %while3A_2452 to %while3A_2458 step %while3A_2459 iter_args(%while3A_2589 = %broadcast_in_dim3A_2427, %while3A_2590 = %broadcast_in_dim3A_2427, %while3A_2591 = %broadcast_in_dim3A_2427, %while3A_2592 = %broadcast_in_dim3A_2427, %while3A_2593 = %broadcast_in_dim3A_2427, %while3A_2594 = %broadcast_in_dim3A_2427, %while3A_2595 = %broadcast_in_dim3A_2427, %while3A_2596 = %broadcast_in_dim3A_2427) -> (vector<16xf32>, vector<16xf32>, vector<16xf32>, vector<16xf32>, vector<16xf32>, vector<16xf32>, vector<16xf32>, vector<16xf32>)  : i32 {
          %add3A_2597 = arith.addi %sub3A_2393, %scan3A_2414 : i32
          %mul3A_2598 = arith.constant 2 : i32
          %mul3A_2599 = arith.muli %mul3A_2598, %while3A_2588 : i32
          %add3A_2600 = arith.addi %add3A_2597, %mul3A_2599 : i32
          %get3A_2601 = arith.index_cast %add3A_2600 : i32 to index
          %get3A_2602 = arith.constant 0 : index
          %get3A_2603 = tpu.vector_load %arg8[%get3A_2601, %get3A_2602] {strides = array<i32>} : memref<272x128xf32, #tpu.memory_space<vmem>>, vector<1x16xf32>,
          %get3A_2604 = vector.shape_cast %get3A_2603 : vector<1x16xf32> to vector<16xf32>
          %add3A_2605 = arith.addf %while3A_2589, %get3A_2604 : vector<16xf32>
          %get3A_2606 = arith.index_cast %add3A_2600 : i32 to index
          %get3A_2607 = arith.constant 16 : index
          %get3A_2608 = tpu.vector_load %arg8[%get3A_2606, %get3A_2607] {strides = array<i32>} : memref<272x128xf32, #tpu.memory_space<vmem>>, vector<1x16xf32>,
          %get3A_2609 = vector.shape_cast %get3A_2608 : vector<1x16xf32> to vector<16xf32>
          %add3A_2610 = arith.addf %while3A_2590, %get3A_2609 : vector<16xf32>
          %get3A_2611 = arith.index_cast %add3A_2600 : i32 to index
          %get3A_2612 = arith.constant 32 : index
          %get3A_2613 = tpu.vector_load %arg8[%get3A_2611, %get3A_2612] {strides = array<i32>} : memref<272x128xf32, #tpu.memory_space<vmem>>, vector<1x16xf32>,
          %get3A_2614 = vector.shape_cast %get3A_2613 : vector<1x16xf32> to vector<16xf32>
          %add3A_2615 = arith.addf %while3A_2591, %get3A_2614 : vector<16xf32>
          %get3A_2616 = arith.index_cast %add3A_2600 : i32 to index
          %get3A_2617 = arith.constant 48 : index
          %get3A_2618 = tpu.vector_load %arg8[%get3A_2616, %get3A_2617] {strides = array<i32>} : memref<272x128xf32, #tpu.memory_space<vmem>>, vector<1x16xf32>,
          %get3A_2619 = vector.shape_cast %get3A_2618 : vector<1x16xf32> to vector<16xf32>
          %add3A_2620 = arith.addf %while3A_2592, %get3A_2619 : vector<16xf32>
          %get3A_2621 = arith.index_cast %add3A_2600 : i32 to index
          %get3A_2622 = arith.constant 64 : index
          %get3A_2623 = tpu.vector_load %arg8[%get3A_2621, %get3A_2622] {strides = array<i32>} : memref<272x128xf32, #tpu.memory_space<vmem>>, vector<1x16xf32>,
          %get3A_2624 = vector.shape_cast %get3A_2623 : vector<1x16xf32> to vector<16xf32>
          %add3A_2625 = arith.addf %while3A_2593, %get3A_2624 : vector<16xf32>
          %get3A_2626 = arith.index_cast %add3A_2600 : i32 to index
          %get3A_2627 = arith.constant 80 : index
          %get3A_2628 = tpu.vector_load %arg8[%get3A_2626, %get3A_2627] {strides = array<i32>} : memref<272x128xf32, #tpu.memory_space<vmem>>, vector<1x16xf32>,
          %get3A_2629 = vector.shape_cast %get3A_2628 : vector<1x16xf32> to vector<16xf32>
          %add3A_2630 = arith.addf %while3A_2594, %get3A_2629 : vector<16xf32>
          %get3A_2631 = arith.index_cast %add3A_2600 : i32 to index
          %get3A_2632 = arith.constant 96 : index
          %get3A_2633 = tpu.vector_load %arg8[%get3A_2631, %get3A_2632] {strides = array<i32>} : memref<272x128xf32, #tpu.memory_space<vmem>>, vector<1x16xf32>,
          %get3A_2634 = vector.shape_cast %get3A_2633 : vector<1x16xf32> to vector<16xf32>
          %add3A_2635 = arith.addf %while3A_2595, %get3A_2634 : vector<16xf32>
          %get3A_2636 = arith.index_cast %add3A_2600 : i32 to index
          %get3A_2637 = arith.constant 112 : index
          %get3A_2638 = tpu.vector_load %arg8[%get3A_2636, %get3A_2637] {strides = array<i32>} : memref<272x128xf32, #tpu.memory_space<vmem>>, vector<1x16xf32>,
          %get3A_2639 = vector.shape_cast %get3A_2638 : vector<1x16xf32> to vector<16xf32>
          %add3A_2640 = arith.addf %while3A_2596, %get3A_2639 : vector<16xf32>
          %add3A_2641 = arith.constant 1 : i32
          %add3A_2642 = arith.addi %add3A_2600, %add3A_2641 : i32
          %get3A_2643 = arith.index_cast %add3A_2642 : i32 to index
          %get3A_2644 = arith.constant 0 : index
          %get3A_2645 = tpu.vector_load %arg8[%get3A_2643, %get3A_2644] {strides = array<i32>} : memref<272x128xf32, #tpu.memory_space<vmem>>, vector<1x16xf32>,
          %get3A_2646 = vector.shape_cast %get3A_2645 : vector<1x16xf32> to vector<16xf32>
          %add3A_2647 = arith.addf %add3A_2605, %get3A_2646 : vector<16xf32>
          %add3A_2648 = arith.constant 1 : i32
          %add3A_2649 = arith.addi %add3A_2600, %add3A_2648 : i32
          %get3A_2650 = arith.index_cast %add3A_2649 : i32 to index
          %get3A_2651 = arith.constant 16 : index
          %get3A_2652 = tpu.vector_load %arg8[%get3A_2650, %get3A_2651] {strides = array<i32>} : memref<272x128xf32, #tpu.memory_space<vmem>>, vector<1x16xf32>,
          %get3A_2653 = vector.shape_cast %get3A_2652 : vector<1x16xf32> to vector<16xf32>
          %add3A_2654 = arith.addf %add3A_2610, %get3A_2653 : vector<16xf32>
          %add3A_2655 = arith.constant 1 : i32
          %add3A_2656 = arith.addi %add3A_2600, %add3A_2655 : i32
          %get3A_2657 = arith.index_cast %add3A_2656 : i32 to index
          %get3A_2658 = arith.constant 32 : index
          %get3A_2659 = tpu.vector_load %arg8[%get3A_2657, %get3A_2658] {strides = array<i32>} : memref<272x128xf32, #tpu.memory_space<vmem>>, vector<1x16xf32>,
          %get3A_2660 = vector.shape_cast %get3A_2659 : vector<1x16xf32> to vector<16xf32>
          %add3A_2661 = arith.addf %add3A_2615, %get3A_2660 : vector<16xf32>
          %add3A_2662 = arith.constant 1 : i32
          %add3A_2663 = arith.addi %add3A_2600, %add3A_2662 : i32
          %get3A_2664 = arith.index_cast %add3A_2663 : i32 to index
          %get3A_2665 = arith.constant 48 : index
          %get3A_2666 = tpu.vector_load %arg8[%get3A_2664, %get3A_2665] {strides = array<i32>} : memref<272x128xf32, #tpu.memory_space<vmem>>, vector<1x16xf32>,
          %get3A_2667 = vector.shape_cast %get3A_2666 : vector<1x16xf32> to vector<16xf32>
          %add3A_2668 = arith.addf %add3A_2620, %get3A_2667 : vector<16xf32>
          %add3A_2669 = arith.constant 1 : i32
          %add3A_2670 = arith.addi %add3A_2600, %add3A_2669 : i32
          %get3A_2671 = arith.index_cast %add3A_2670 : i32 to index
          %get3A_2672 = arith.constant 64 : index
          %get3A_2673 = tpu.vector_load %arg8[%get3A_2671, %get3A_2672] {strides = array<i32>} : memref<272x128xf32, #tpu.memory_space<vmem>>, vector<1x16xf32>,
          %get3A_2674 = vector.shape_cast %get3A_2673 : vector<1x16xf32> to vector<16xf32>
          %add3A_2675 = arith.addf %add3A_2625, %get3A_2674 : vector<16xf32>
          %add3A_2676 = arith.constant 1 : i32
          %add3A_2677 = arith.addi %add3A_2600, %add3A_2676 : i32
          %get3A_2678 = arith.index_cast %add3A_2677 : i32 to index
          %get3A_2679 = arith.constant 80 : index
          %get3A_2680 = tpu.vector_load %arg8[%get3A_2678, %get3A_2679] {strides = array<i32>} : memref<272x128xf32, #tpu.memory_space<vmem>>, vector<1x16xf32>,
          %get3A_2681 = vector.shape_cast %get3A_2680 : vector<1x16xf32> to vector<16xf32>
          %add3A_2682 = arith.addf %add3A_2630, %get3A_2681 : vector<16xf32>
          %add3A_2683 = arith.constant 1 : i32
          %add3A_2684 = arith.addi %add3A_2600, %add3A_2683 : i32
          %get3A_2685 = arith.index_cast %add3A_2684 : i32 to index
          %get3A_2686 = arith.constant 96 : index
          %get3A_2687 = tpu.vector_load %arg8[%get3A_2685, %get3A_2686] {strides = array<i32>} : memref<272x128xf32, #tpu.memory_space<vmem>>, vector<1x16xf32>,
          %get3A_2688 = vector.shape_cast %get3A_2687 : vector<1x16xf32> to vector<16xf32>
          %add3A_2689 = arith.addf %add3A_2635, %get3A_2688 : vector<16xf32>
          %add3A_2690 = arith.constant 1 : i32
          %add3A_2691 = arith.addi %add3A_2600, %add3A_2690 : i32
          %get3A_2692 = arith.index_cast %add3A_2691 : i32 to index
          %get3A_2693 = arith.constant 112 : index
          %get3A_2694 = tpu.vector_load %arg8[%get3A_2692, %get3A_2693] {strides = array<i32>} : memref<272x128xf32, #tpu.memory_space<vmem>>, vector<1x16xf32>,
          %get3A_2695 = vector.shape_cast %get3A_2694 : vector<1x16xf32> to vector<16xf32>
          %add3A_2696 = arith.addf %add3A_2640, %get3A_2695 : vector<16xf32>
          scf.yield %add3A_2647, %add3A_2654, %add3A_2661, %add3A_2668, %add3A_2675, %add3A_2682, %add3A_2689, %add3A_2696 : vector<16xf32>, vector<16xf32>, vector<16xf32>, vector<16xf32>, vector<16xf32>, vector<16xf32>, vector<16xf32>, vector<16xf32>
        }
        %while3A_2461 = arith.constant 1 : i32
        %while3A_2462:8 = scf.for %while3A_2588 = %while3A_2458 to %while3A_2454 step %while3A_2461 iter_args(%while3A_2589 = %while3A_2460#0, %while3A_2590 = %while3A_2460#1, %while3A_2591 = %while3A_2460#2, %while3A_2592 = %while3A_2460#3, %while3A_2593 = %while3A_2460#4, %while3A_2594 = %while3A_2460#5, %while3A_2595 = %while3A_2460#6, %while3A_2596 = %while3A_2460#7) -> (vector<16xf32>, vector<16xf32>, vector<16xf32>, vector<16xf32>, vector<16xf32>, vector<16xf32>, vector<16xf32>, vector<16xf32>)  : i32 {
          %add3A_2597 = arith.addi %sub3A_2393, %scan3A_2414 : i32
          %mul3A_2598 = arith.constant 2 : i32
          %mul3A_2599 = arith.muli %mul3A_2598, %while3A_2588 : i32
          %add3A_2600 = arith.addi %add3A_2597, %mul3A_2599 : i32
          %get3A_2601 = arith.index_cast %add3A_2600 : i32 to index
          %get3A_2602 = arith.constant 0 : index
          %get3A_2603 = tpu.vector_load %arg8[%get3A_2601, %get3A_2602] {strides = array<i32>} : memref<272x128xf32, #tpu.memory_space<vmem>>, vector<1x16xf32>,
          %get3A_2604 = vector.shape_cast %get3A_2603 : vector<1x16xf32> to vector<16xf32>
          %add3A_2605 = arith.addf %while3A_2589, %get3A_2604 : vector<16xf32>
          %get3A_2606 = arith.index_cast %add3A_2600 : i32 to index
          %get3A_2607 = arith.constant 16 : index
          %get3A_2608 = tpu.vector_load %arg8[%get3A_2606, %get3A_2607] {strides = array<i32>} : memref<272x128xf32, #tpu.memory_space<vmem>>, vector<1x16xf32>,
          %get3A_2609 = vector.shape_cast %get3A_2608 : vector<1x16xf32> to vector<16xf32>
          %add3A_2610 = arith.addf %while3A_2590, %get3A_2609 : vector<16xf32>
          %get3A_2611 = arith.index_cast %add3A_2600 : i32 to index
          %get3A_2612 = arith.constant 32 : index
          %get3A_2613 = tpu.vector_load %arg8[%get3A_2611, %get3A_2612] {strides = array<i32>} : memref<272x128xf32, #tpu.memory_space<vmem>>, vector<1x16xf32>,
          %get3A_2614 = vector.shape_cast %get3A_2613 : vector<1x16xf32> to vector<16xf32>
          %add3A_2615 = arith.addf %while3A_2591, %get3A_2614 : vector<16xf32>
          %get3A_2616 = arith.index_cast %add3A_2600 : i32 to index
          %get3A_2617 = arith.constant 48 : index
          %get3A_2618 = tpu.vector_load %arg8[%get3A_2616, %get3A_2617] {strides = array<i32>} : memref<272x128xf32, #tpu.memory_space<vmem>>, vector<1x16xf32>,
          %get3A_2619 = vector.shape_cast %get3A_2618 : vector<1x16xf32> to vector<16xf32>
          %add3A_2620 = arith.addf %while3A_2592, %get3A_2619 : vector<16xf32>
          %get3A_2621 = arith.index_cast %add3A_2600 : i32 to index
          %get3A_2622 = arith.constant 64 : index
          %get3A_2623 = tpu.vector_load %arg8[%get3A_2621, %get3A_2622] {strides = array<i32>} : memref<272x128xf32, #tpu.memory_space<vmem>>, vector<1x16xf32>,
          %get3A_2624 = vector.shape_cast %get3A_2623 : vector<1x16xf32> to vector<16xf32>
          %add3A_2625 = arith.addf %while3A_2593, %get3A_2624 : vector<16xf32>
          %get3A_2626 = arith.index_cast %add3A_2600 : i32 to index
          %get3A_2627 = arith.constant 80 : index
          %get3A_2628 = tpu.vector_load %arg8[%get3A_2626, %get3A_2627] {strides = array<i32>} : memref<272x128xf32, #tpu.memory_space<vmem>>, vector<1x16xf32>,
          %get3A_2629 = vector.shape_cast %get3A_2628 : vector<1x16xf32> to vector<16xf32>
          %add3A_2630 = arith.addf %while3A_2594, %get3A_2629 : vector<16xf32>
          %get3A_2631 = arith.index_cast %add3A_2600 : i32 to index
          %get3A_2632 = arith.constant 96 : index
          %get3A_2633 = tpu.vector_load %arg8[%get3A_2631, %get3A_2632] {strides = array<i32>} : memref<272x128xf32, #tpu.memory_space<vmem>>, vector<1x16xf32>,
          %get3A_2634 = vector.shape_cast %get3A_2633 : vector<1x16xf32> to vector<16xf32>
          %add3A_2635 = arith.addf %while3A_2595, %get3A_2634 : vector<16xf32>
          %get3A_2636 = arith.index_cast %add3A_2600 : i32 to index
          %get3A_2637 = arith.constant 112 : index
          %get3A_2638 = tpu.vector_load %arg8[%get3A_2636, %get3A_2637] {strides = array<i32>} : memref<272x128xf32, #tpu.memory_space<vmem>>, vector<1x16xf32>,
          %get3A_2639 = vector.shape_cast %get3A_2638 : vector<1x16xf32> to vector<16xf32>
          %add3A_2640 = arith.addf %while3A_2596, %get3A_2639 : vector<16xf32>
          %add3A_2641 = arith.constant 1 : i32
          %add3A_2642 = arith.addi %add3A_2600, %add3A_2641 : i32
          %get3A_2643 = arith.index_cast %add3A_2642 : i32 to index
          %get3A_2644 = arith.constant 0 : index
          %get3A_2645 = tpu.vector_load %arg8[%get3A_2643, %get3A_2644] {strides = array<i32>} : memref<272x128xf32, #tpu.memory_space<vmem>>, vector<1x16xf32>,
          %get3A_2646 = vector.shape_cast %get3A_2645 : vector<1x16xf32> to vector<16xf32>
          %add3A_2647 = arith.addf %add3A_2605, %get3A_2646 : vector<16xf32>
          %add3A_2648 = arith.constant 1 : i32
          %add3A_2649 = arith.addi %add3A_2600, %add3A_2648 : i32
          %get3A_2650 = arith.index_cast %add3A_2649 : i32 to index
          %get3A_2651 = arith.constant 16 : index
          %get3A_2652 = tpu.vector_load %arg8[%get3A_2650, %get3A_2651] {strides = array<i32>} : memref<272x128xf32, #tpu.memory_space<vmem>>, vector<1x16xf32>,
          %get3A_2653 = vector.shape_cast %get3A_2652 : vector<1x16xf32> to vector<16xf32>
          %add3A_2654 = arith.addf %add3A_2610, %get3A_2653 : vector<16xf32>
          %add3A_2655 = arith.constant 1 : i32
          %add3A_2656 = arith.addi %add3A_2600, %add3A_2655 : i32
          %get3A_2657 = arith.index_cast %add3A_2656 : i32 to index
          %get3A_2658 = arith.constant 32 : index
          %get3A_2659 = tpu.vector_load %arg8[%get3A_2657, %get3A_2658] {strides = array<i32>} : memref<272x128xf32, #tpu.memory_space<vmem>>, vector<1x16xf32>,
          %get3A_2660 = vector.shape_cast %get3A_2659 : vector<1x16xf32> to vector<16xf32>
          %add3A_2661 = arith.addf %add3A_2615, %get3A_2660 : vector<16xf32>
          %add3A_2662 = arith.constant 1 : i32
          %add3A_2663 = arith.addi %add3A_2600, %add3A_2662 : i32
          %get3A_2664 = arith.index_cast %add3A_2663 : i32 to index
          %get3A_2665 = arith.constant 48 : index
          %get3A_2666 = tpu.vector_load %arg8[%get3A_2664, %get3A_2665] {strides = array<i32>} : memref<272x128xf32, #tpu.memory_space<vmem>>, vector<1x16xf32>,
          %get3A_2667 = vector.shape_cast %get3A_2666 : vector<1x16xf32> to vector<16xf32>
          %add3A_2668 = arith.addf %add3A_2620, %get3A_2667 : vector<16xf32>
          %add3A_2669 = arith.constant 1 : i32
          %add3A_2670 = arith.addi %add3A_2600, %add3A_2669 : i32
          %get3A_2671 = arith.index_cast %add3A_2670 : i32 to index
          %get3A_2672 = arith.constant 64 : index
          %get3A_2673 = tpu.vector_load %arg8[%get3A_2671, %get3A_2672] {strides = array<i32>} : memref<272x128xf32, #tpu.memory_space<vmem>>, vector<1x16xf32>,
          %get3A_2674 = vector.shape_cast %get3A_2673 : vector<1x16xf32> to vector<16xf32>
          %add3A_2675 = arith.addf %add3A_2625, %get3A_2674 : vector<16xf32>
          %add3A_2676 = arith.constant 1 : i32
          %add3A_2677 = arith.addi %add3A_2600, %add3A_2676 : i32
          %get3A_2678 = arith.index_cast %add3A_2677 : i32 to index
          %get3A_2679 = arith.constant 80 : index
          %get3A_2680 = tpu.vector_load %arg8[%get3A_2678, %get3A_2679] {strides = array<i32>} : memref<272x128xf32, #tpu.memory_space<vmem>>, vector<1x16xf32>,
          %get3A_2681 = vector.shape_cast %get3A_2680 : vector<1x16xf32> to vector<16xf32>
          %add3A_2682 = arith.addf %add3A_2630, %get3A_2681 : vector<16xf32>
          %add3A_2683 = arith.constant 1 : i32
          %add3A_2684 = arith.addi %add3A_2600, %add3A_2683 : i32
          %get3A_2685 = arith.index_cast %add3A_2684 : i32 to index
          %get3A_2686 = arith.constant 96 : index
          %get3A_2687 = tpu.vector_load %arg8[%get3A_2685, %get3A_2686] {strides = array<i32>} : memref<272x128xf32, #tpu.memory_space<vmem>>, vector<1x16xf32>,
          %get3A_2688 = vector.shape_cast %get3A_2687 : vector<1x16xf32> to vector<16xf32>
          %add3A_2689 = arith.addf %add3A_2635, %get3A_2688 : vector<16xf32>
          %add3A_2690 = arith.constant 1 : i32
          %add3A_2691 = arith.addi %add3A_2600, %add3A_2690 : i32
          %get3A_2692 = arith.index_cast %add3A_2691 : i32 to index
          %get3A_2693 = arith.constant 112 : index
          %get3A_2694 = tpu.vector_load %arg8[%get3A_2692, %get3A_2693] {strides = array<i32>} : memref<272x128xf32, #tpu.memory_space<vmem>>, vector<1x16xf32>,
          %get3A_2695 = vector.shape_cast %get3A_2694 : vector<1x16xf32> to vector<16xf32>
          %add3A_2696 = arith.addf %add3A_2640, %get3A_2695 : vector<16xf32>
          scf.yield %add3A_2647, %add3A_2654, %add3A_2661, %add3A_2668, %add3A_2675, %add3A_2682, %add3A_2689, %add3A_2696 : vector<16xf32>, vector<16xf32>, vector<16xf32>, vector<16xf32>, vector<16xf32>, vector<16xf32>, vector<16xf32>, vector<16xf32>
        }
        %add3A_2463 = arith.addi %sub3A_2393, %scan3A_2414 : i32
        %add3A_2464 = arith.addi %add3A_2463, %add3A_2425 : i32
        %sub3A_2465 = arith.constant 1 : i32
        %sub3A_2466 = arith.subi %add3A_2464, %sub3A_2465 : i32
        %max3A = arith.constant 0 : i32
        %max3A_2467 = arith.maxsi %sub3A_2466, %max3A : i32
        %jit3A_2468 = arith.constant 2 : i32
        %eq3A_2469 = arith.constant 0 : i32
        %eq3A_2470 = arith.cmpi eq, %jit3A_2468, %eq3A_2469 : i32
        %jit3A_2471 = arith.constant 1 : i32
        %select_n3A_2472 = arith.select %eq3A_2470, %jit3A_2471, %jit3A_2468 : i32
        %rem3A_2473 = arith.remsi %add3A_2425, %select_n3A_2472 : i32
        %ne3A_2474 = arith.constant 0 : i32
        %ne3A_2475 = arith.cmpi ne, %rem3A_2473, %ne3A_2474 : i32
        %lt3A_2476 = arith.constant 0 : i32
        %lt3A_2477 = arith.cmpi slt, %rem3A_2473, %lt3A_2476 : i32
        %lt3A_2478 = arith.constant 0 : i32
        %lt3A_2479 = arith.cmpi slt, %select_n3A_2472, %lt3A_2478 : i32
        %ne3A_2480 = arith.xori %lt3A_2477, %lt3A_2479 : i1
        %and3A_2481 = arith.andi %ne3A_2480, %ne3A_2475 : i1
        %add3A_2482 = arith.addi %rem3A_2473, %select_n3A_2472 : i32
        %select_n3A_2483 = arith.select %and3A_2481, %add3A_2482, %rem3A_2473 : i32
        %convert_element_type3A_2484 = arith.sitofp %select_n3A_2483 : i32 to f32
        %broadcast_in_dim3A_2485 = vector.broadcast %convert_element_type3A_2484 : f32 to vector<16xf32>
        %get3A_2486 = arith.index_cast %max3A_2467 : i32 to index
        %get3A_2487 = arith.constant 0 : index
        %get3A_2488 = tpu.vector_load %arg8[%get3A_2486, %get3A_2487] {strides = array<i32>} : memref<272x128xf32, #tpu.memory_space<vmem>>, vector<1x16xf32>,
        %get3A_2489 = vector.shape_cast %get3A_2488 : vector<1x16xf32> to vector<16xf32>
        %mul3A_2490 = arith.mulf %broadcast_in_dim3A_2485, %get3A_2489 : vector<16xf32>
        %add3A_2491 = arith.addf %while3A_2462#0, %mul3A_2490 : vector<16xf32>
        %get3A_2492 = arith.index_cast %max3A_2467 : i32 to index
        %get3A_2493 = arith.constant 16 : index
        %get3A_2494 = tpu.vector_load %arg8[%get3A_2492, %get3A_2493] {strides = array<i32>} : memref<272x128xf32, #tpu.memory_space<vmem>>, vector<1x16xf32>,
        %get3A_2495 = vector.shape_cast %get3A_2494 : vector<1x16xf32> to vector<16xf32>
        %mul3A_2496 = arith.mulf %broadcast_in_dim3A_2485, %get3A_2495 : vector<16xf32>
        %add3A_2497 = arith.addf %while3A_2462#1, %mul3A_2496 : vector<16xf32>
        %get3A_2498 = arith.index_cast %max3A_2467 : i32 to index
        %get3A_2499 = arith.constant 32 : index
        %get3A_2500 = tpu.vector_load %arg8[%get3A_2498, %get3A_2499] {strides = array<i32>} : memref<272x128xf32, #tpu.memory_space<vmem>>, vector<1x16xf32>,
        %get3A_2501 = vector.shape_cast %get3A_2500 : vector<1x16xf32> to vector<16xf32>
        %mul3A_2502 = arith.mulf %broadcast_in_dim3A_2485, %get3A_2501 : vector<16xf32>
        %add3A_2503 = arith.addf %while3A_2462#2, %mul3A_2502 : vector<16xf32>
        %get3A_2504 = arith.index_cast %max3A_2467 : i32 to index
        %get3A_2505 = arith.constant 48 : index
        %get3A_2506 = tpu.vector_load %arg8[%get3A_2504, %get3A_2505] {strides = array<i32>} : memref<272x128xf32, #tpu.memory_space<vmem>>, vector<1x16xf32>,
        %get3A_2507 = vector.shape_cast %get3A_2506 : vector<1x16xf32> to vector<16xf32>
        %mul3A_2508 = arith.mulf %broadcast_in_dim3A_2485, %get3A_2507 : vector<16xf32>
        %add3A_2509 = arith.addf %while3A_2462#3, %mul3A_2508 : vector<16xf32>
        %get3A_2510 = arith.index_cast %max3A_2467 : i32 to index
        %get3A_2511 = arith.constant 64 : index
        %get3A_2512 = tpu.vector_load %arg8[%get3A_2510, %get3A_2511] {strides = array<i32>} : memref<272x128xf32, #tpu.memory_space<vmem>>, vector<1x16xf32>,
        %get3A_2513 = vector.shape_cast %get3A_2512 : vector<1x16xf32> to vector<16xf32>
        %mul3A_2514 = arith.mulf %broadcast_in_dim3A_2485, %get3A_2513 : vector<16xf32>
        %add3A_2515 = arith.addf %while3A_2462#4, %mul3A_2514 : vector<16xf32>
        %get3A_2516 = arith.index_cast %max3A_2467 : i32 to index
        %get3A_2517 = arith.constant 80 : index
        %get3A_2518 = tpu.vector_load %arg8[%get3A_2516, %get3A_2517] {strides = array<i32>} : memref<272x128xf32, #tpu.memory_space<vmem>>, vector<1x16xf32>,
        %get3A_2519 = vector.shape_cast %get3A_2518 : vector<1x16xf32> to vector<16xf32>
        %mul3A_2520 = arith.mulf %broadcast_in_dim3A_2485, %get3A_2519 : vector<16xf32>
        %add3A_2521 = arith.addf %while3A_2462#5, %mul3A_2520 : vector<16xf32>
        %get3A_2522 = arith.index_cast %max3A_2467 : i32 to index
        %get3A_2523 = arith.constant 96 : index
        %get3A_2524 = tpu.vector_load %arg8[%get3A_2522, %get3A_2523] {strides = array<i32>} : memref<272x128xf32, #tpu.memory_space<vmem>>, vector<1x16xf32>,
        %get3A_2525 = vector.shape_cast %get3A_2524 : vector<1x16xf32> to vector<16xf32>
        %mul3A_2526 = arith.mulf %broadcast_in_dim3A_2485, %get3A_2525 : vector<16xf32>
        %add3A_2527 = arith.addf %while3A_2462#6, %mul3A_2526 : vector<16xf32>
        %get3A_2528 = arith.index_cast %max3A_2467 : i32 to index
        %get3A_2529 = arith.constant 112 : index
        %get3A_2530 = tpu.vector_load %arg8[%get3A_2528, %get3A_2529] {strides = array<i32>} : memref<272x128xf32, #tpu.memory_space<vmem>>, vector<1x16xf32>,
        %get3A_2531 = vector.shape_cast %get3A_2530 : vector<1x16xf32> to vector<16xf32>
        %mul3A_2532 = arith.mulf %broadcast_in_dim3A_2485, %get3A_2531 : vector<16xf32>
        %add3A_2533 = arith.addf %while3A_2462#7, %mul3A_2532 : vector<16xf32>
        %convert_element_type3A_2534 = arith.sitofp %add3A_2425 : i32 to f32
        %broadcast_in_dim3A_2535 = vector.broadcast %convert_element_type3A_2534 : f32 to vector<16xf32>
        %div3A_2536 = arith.constant 1.000000e+00 : f32
        %div3A_2537 = vector.broadcast %div3A_2536 : f32 to vector<16xf32>
        %div3A_2538 = arith.divf %div3A_2537, %broadcast_in_dim3A_2535 : vector<16xf32>
        %mul3A_2539 = arith.mulf %add3A_2491, %div3A_2538 : vector<16xf32>
        %swap3A_2540 = arith.index_cast %scan3A_2413 : i32 to index
        %swap3A_2541 = arith.constant 0 : index
        %swap3A_2542 = tpu.vector_load %arg11[%swap3A_2540, %swap3A_2541] {strides = array<i32>} : memref<8x128xf32, #tpu.memory_space<vmem>>, vector<1x16xf32>,
        %swap3A_2543 = vector.shape_cast %swap3A_2542 : vector<1x16xf32> to vector<16xf32>
        %swap3A_2544 = vector.shape_cast %mul3A_2539 : vector<16xf32> to vector<1x16xf32>
        tpu.vector_store %arg11[%swap3A_2540, %swap3A_2541], %swap3A_2544 {strides = array<i32>} : memref<8x128xf32, #tpu.memory_space<vmem>>, vector<1x16xf32>,
        %mul3A_2545 = arith.mulf %add3A_2497, %div3A_2538 : vector<16xf32>
        %swap3A_2546 = arith.index_cast %scan3A_2413 : i32 to index
        %swap3A_2547 = arith.constant 16 : index
        %swap3A_2548 = tpu.vector_load %arg11[%swap3A_2546, %swap3A_2547] {strides = array<i32>} : memref<8x128xf32, #tpu.memory_space<vmem>>, vector<1x16xf32>,
        %swap3A_2549 = vector.shape_cast %swap3A_2548 : vector<1x16xf32> to vector<16xf32>
        %swap3A_2550 = vector.shape_cast %mul3A_2545 : vector<16xf32> to vector<1x16xf32>
        tpu.vector_store %arg11[%swap3A_2546, %swap3A_2547], %swap3A_2550 {strides = array<i32>} : memref<8x128xf32, #tpu.memory_space<vmem>>, vector<1x16xf32>,
        %mul3A_2551 = arith.mulf %add3A_2503, %div3A_2538 : vector<16xf32>
        %swap3A_2552 = arith.index_cast %scan3A_2413 : i32 to index
        %swap3A_2553 = arith.constant 32 : index
        %swap3A_2554 = tpu.vector_load %arg11[%swap3A_2552, %swap3A_2553] {strides = array<i32>} : memref<8x128xf32, #tpu.memory_space<vmem>>, vector<1x16xf32>,
        %swap3A_2555 = vector.shape_cast %swap3A_2554 : vector<1x16xf32> to vector<16xf32>
        %swap3A_2556 = vector.shape_cast %mul3A_2551 : vector<16xf32> to vector<1x16xf32>
        tpu.vector_store %arg11[%swap3A_2552, %swap3A_2553], %swap3A_2556 {strides = array<i32>} : memref<8x128xf32, #tpu.memory_space<vmem>>, vector<1x16xf32>,
        %mul3A_2557 = arith.mulf %add3A_2509, %div3A_2538 : vector<16xf32>
        %swap3A_2558 = arith.index_cast %scan3A_2413 : i32 to index
        %swap3A_2559 = arith.constant 48 : index
        %swap3A_2560 = tpu.vector_load %arg11[%swap3A_2558, %swap3A_2559] {strides = array<i32>} : memref<8x128xf32, #tpu.memory_space<vmem>>, vector<1x16xf32>,
        %swap3A_2561 = vector.shape_cast %swap3A_2560 : vector<1x16xf32> to vector<16xf32>
        %swap3A_2562 = vector.shape_cast %mul3A_2557 : vector<16xf32> to vector<1x16xf32>
        tpu.vector_store %arg11[%swap3A_2558, %swap3A_2559], %swap3A_2562 {strides = array<i32>} : memref<8x128xf32, #tpu.memory_space<vmem>>, vector<1x16xf32>,
        %mul3A_2563 = arith.mulf %add3A_2515, %div3A_2538 : vector<16xf32>
        %swap3A_2564 = arith.index_cast %scan3A_2413 : i32 to index
        %swap3A_2565 = arith.constant 64 : index
        %swap3A_2566 = tpu.vector_load %arg11[%swap3A_2564, %swap3A_2565] {strides = array<i32>} : memref<8x128xf32, #tpu.memory_space<vmem>>, vector<1x16xf32>,
        %swap3A_2567 = vector.shape_cast %swap3A_2566 : vector<1x16xf32> to vector<16xf32>
        %swap3A_2568 = vector.shape_cast %mul3A_2563 : vector<16xf32> to vector<1x16xf32>
        tpu.vector_store %arg11[%swap3A_2564, %swap3A_2565], %swap3A_2568 {strides = array<i32>} : memref<8x128xf32, #tpu.memory_space<vmem>>, vector<1x16xf32>,
        %mul3A_2569 = arith.mulf %add3A_2521, %div3A_2538 : vector<16xf32>
        %swap3A_2570 = arith.index_cast %scan3A_2413 : i32 to index
        %swap3A_2571 = arith.constant 80 : index
        %swap3A_2572 = tpu.vector_load %arg11[%swap3A_2570, %swap3A_2571] {strides = array<i32>} : memref<8x128xf32, #tpu.memory_space<vmem>>, vector<1x16xf32>,
        %swap3A_2573 = vector.shape_cast %swap3A_2572 : vector<1x16xf32> to vector<16xf32>
        %swap3A_2574 = vector.shape_cast %mul3A_2569 : vector<16xf32> to vector<1x16xf32>
        tpu.vector_store %arg11[%swap3A_2570, %swap3A_2571], %swap3A_2574 {strides = array<i32>} : memref<8x128xf32, #tpu.memory_space<vmem>>, vector<1x16xf32>,
        %mul3A_2575 = arith.mulf %add3A_2527, %div3A_2538 : vector<16xf32>
        %swap3A_2576 = arith.index_cast %scan3A_2413 : i32 to index
        %swap3A_2577 = arith.constant 96 : index
        %swap3A_2578 = tpu.vector_load %arg11[%swap3A_2576, %swap3A_2577] {strides = array<i32>} : memref<8x128xf32, #tpu.memory_space<vmem>>, vector<1x16xf32>,
        %swap3A_2579 = vector.shape_cast %swap3A_2578 : vector<1x16xf32> to vector<16xf32>
        %swap3A_2580 = vector.shape_cast %mul3A_2575 : vector<16xf32> to vector<1x16xf32>
        tpu.vector_store %arg11[%swap3A_2576, %swap3A_2577], %swap3A_2580 {strides = array<i32>} : memref<8x128xf32, #tpu.memory_space<vmem>>, vector<1x16xf32>,
        %mul3A_2581 = arith.mulf %add3A_2533, %div3A_2538 : vector<16xf32>
        %swap3A_2582 = arith.index_cast %scan3A_2413 : i32 to index
        %swap3A_2583 = arith.constant 112 : index
        %swap3A_2584 = tpu.vector_load %arg11[%swap3A_2582, %swap3A_2583] {strides = array<i32>} : memref<8x128xf32, #tpu.memory_space<vmem>>, vector<1x16xf32>,
        %swap3A_2585 = vector.shape_cast %swap3A_2584 : vector<1x16xf32> to vector<16xf32>
        %swap3A_2586 = vector.shape_cast %mul3A_2581 : vector<16xf32> to vector<1x16xf32>
        tpu.vector_store %arg11[%swap3A_2582, %swap3A_2583], %swap3A_2586 {strides = array<i32>} : memref<8x128xf32, #tpu.memory_space<vmem>>, vector<1x16xf32>,
        %add3A_2587 = arith.addi %scan3A_2414, %add3A_2425 : i32
        scf.yield %add3A_2587 : i32
      }
      %scan3A_2405 = arith.constant 8 : i32
      %mul3A_2406 = arith.constant 8 : i32
      %mul3A_2407 = arith.muli %add3A_1932, %mul3A_2406 : i32
      %add3A_2408 = arith.addi %mul3A_2, %mul3A_2407 : i32
      %dma_start3A_2409 = arith.constant 0 : i32
      %dma_start3A_2410 = tpu.memref_slice %arg4[%add3A_2408, %dma_start3A_2409] : memref<10240x128xf32, #tpu.memory_space<hbm>> -> memref<8x128xf32, #tpu.memory_space<hbm>>
      %dma_start3A_2411 = arith.constant 0 : i32
      %dma_start3A_2412 = tpu.memref_slice %arg4[%add3A_2408, %dma_start3A_2411] : memref<10240x128xf32, #tpu.memory_space<hbm>> -> memref<8x128xf32, #tpu.memory_space<hbm>>
      tpu.enqueue_dma source(%arg11 : memref<8x128xf32, #tpu.memory_space<vmem>>) target(%dma_start3A_2412 : memref<8x128xf32, #tpu.memory_space<hbm>>) target_semaphore(%arg17 : memref<!tpu.dma_semaphore, #tpu.memory_space<semaphore_mem>>)
      scf.yield %add3A_1619, %select_n3A_1855, %add3A_2101, %select_n3A_2337 : i32, i32, i32, i32
    }
    %scan3A_885 = arith.constant 13 : i32
    %while3A_886 = arith.constant 0 : i32
    %while3A_887 = arith.constant 0 : i32
    %while3A_888 = arith.subi %scan3A_884#1, %while3A_886 : i32
    %while3A_889 = arith.addi %while3A_886, %while3A_888 : i32
    %while3A_890 = arith.constant 1 : i32
    %while3A_891 = arith.divsi %while3A_888, %while3A_890 : i32
    %while3A_892 = arith.muli %while3A_891, %while3A_890 : i32
    %while3A_893 = arith.addi %while3A_886, %while3A_892 : i32
    %while3A_894 = arith.constant 1 : i32
    %while3A_895 = scf.for %while3A_960 = %while3A_886 to %while3A_893 step %while3A_894 iter_args(%while3A_961 = %while3A_887) -> (i32)  : i32 {
      %dma_wait3A_962 = arith.constant 0 : i32
      %dma_wait3A_963 = arith.constant 0 : i32
      %dma_wait3A_964 = tpu.memref_slice %arg6[%dma_wait3A_962, %dma_wait3A_963] : memref<272x128xf32, #tpu.memory_space<vmem>> -> memref<16x128xf32, #tpu.memory_space<vmem>>
      %dma_wait3A_965 = arith.constant 0 : i32
      %dma_wait3A_966 = arith.constant 0 : i32
      %dma_wait3A_967 = tpu.memref_slice %arg3[%dma_wait3A_965, %dma_wait3A_966] : memref<320000x128xf32, #tpu.memory_space<hbm>> -> memref<16x128xf32, #tpu.memory_space<hbm>>
      %dma_wait3A_968 = arith.constant 0 : i32
      %dma_wait3A_969 = arith.constant 0 : i32
      %dma_wait3A_970 = tpu.memref_slice %arg6[%dma_wait3A_968, %dma_wait3A_969] : memref<272x128xf32, #tpu.memory_space<vmem>> -> memref<16x128xf32, #tpu.memory_space<vmem>>
      %dma_wait3A_971 = arith.constant 0 : i32
      %dma_wait3A_972 = arith.constant 0 : i32
      %dma_wait3A_973 = tpu.memref_slice %arg3[%dma_wait3A_971, %dma_wait3A_972] : memref<320000x128xf32, #tpu.memory_space<hbm>> -> memref<16x128xf32, #tpu.memory_space<hbm>>
      tpu.wait_dma2 semaphore(%arg12 : memref<!tpu.dma_semaphore, #tpu.memory_space<semaphore_mem>>) src(%dma_wait3A_973 : memref<16x128xf32, #tpu.memory_space<hbm>>) dst(%dma_wait3A_970 : memref<16x128xf32, #tpu.memory_space<vmem>>)
      %while3A_974 = arith.constant 0 : i32
      scf.yield %while3A_974 : i32
    }
    %while3A_896 = arith.constant 1 : i32
    %while3A_897 = scf.for %while3A_960 = %while3A_893 to %while3A_889 step %while3A_896 iter_args(%while3A_961 = %while3A_895) -> (i32)  : i32 {
      %dma_wait3A_962 = arith.constant 0 : i32
      %dma_wait3A_963 = arith.constant 0 : i32
      %dma_wait3A_964 = tpu.memref_slice %arg6[%dma_wait3A_962, %dma_wait3A_963] : memref<272x128xf32, #tpu.memory_space<vmem>> -> memref<16x128xf32, #tpu.memory_space<vmem>>
      %dma_wait3A_965 = arith.constant 0 : i32
      %dma_wait3A_966 = arith.constant 0 : i32
      %dma_wait3A_967 = tpu.memref_slice %arg3[%dma_wait3A_965, %dma_wait3A_966] : memref<320000x128xf32, #tpu.memory_space<hbm>> -> memref<16x128xf32, #tpu.memory_space<hbm>>
      %dma_wait3A_968 = arith.constant 0 : i32
      %dma_wait3A_969 = arith.constant 0 : i32
      %dma_wait3A_970 = tpu.memref_slice %arg6[%dma_wait3A_968, %dma_wait3A_969] : memref<272x128xf32, #tpu.memory_space<vmem>> -> memref<16x128xf32, #tpu.memory_space<vmem>>
      %dma_wait3A_971 = arith.constant 0 : i32
      %dma_wait3A_972 = arith.constant 0 : i32
      %dma_wait3A_973 = tpu.memref_slice %arg3[%dma_wait3A_971, %dma_wait3A_972] : memref<320000x128xf32, #tpu.memory_space<hbm>> -> memref<16x128xf32, #tpu.memory_space<hbm>>
      tpu.wait_dma2 semaphore(%arg12 : memref<!tpu.dma_semaphore, #tpu.memory_space<semaphore_mem>>) src(%dma_wait3A_973 : memref<16x128xf32, #tpu.memory_space<hbm>>) dst(%dma_wait3A_970 : memref<16x128xf32, #tpu.memory_space<vmem>>)
      %while3A_974 = arith.constant 0 : i32
      scf.yield %while3A_974 : i32
    }
    %jit3A_898 = arith.constant 8 : i32
    %div3A_899 = arith.divsi %scan3A_884#0, %jit3A_898 : i32
    %sign3A_900 = arith.constant 0 : i32
    %sign3A_901 = arith.cmpi sgt, %scan3A_884#0, %sign3A_900 : i32
    %sign3A_902 = arith.extui %sign3A_901 : i1 to i32
    %sign3A_903 = arith.constant 0 : i32
    %sign3A_904 = arith.cmpi slt, %scan3A_884#0, %sign3A_903 : i32
    %sign3A_905 = arith.extui %sign3A_904 : i1 to i32
    %sign3A_906 = arith.subi %sign3A_902, %sign3A_905 : i32
    %sign3A_907 = arith.constant 0 : i32
    %sign3A_908 = arith.cmpi sgt, %jit3A_898, %sign3A_907 : i32
    %sign3A_909 = arith.extui %sign3A_908 : i1 to i32
    %sign3A_910 = arith.constant 0 : i32
    %sign3A_911 = arith.cmpi slt, %jit3A_898, %sign3A_910 : i32
    %sign3A_912 = arith.extui %sign3A_911 : i1 to i32
    %sign3A_913 = arith.subi %sign3A_909, %sign3A_912 : i32
    %ne3A_914 = arith.cmpi ne, %sign3A_906, %sign3A_913 : i32
    %rem3A_915 = arith.remsi %scan3A_884#0, %jit3A_898 : i32
    %ne3A_916 = arith.constant 0 : i32
    %ne3A_917 = arith.cmpi ne, %rem3A_915, %ne3A_916 : i32
    %and3A_918 = arith.andi %ne3A_914, %ne3A_917 : i1
    %sub3A_919 = arith.constant 1 : i32
    %sub3A_920 = arith.subi %div3A_899, %sub3A_919 : i32
    %select_n3A_921 = arith.select %and3A_918, %sub3A_920, %div3A_899 : i32
    %mul3A_922 = arith.constant 8 : i32
    %mul3A_923 = arith.muli %select_n3A_921, %mul3A_922 : i32
    %min3A_924 = arith.constant 319728 : i32
    %min3A_925 = arith.minsi %mul3A_923, %min3A_924 : i32
    %multiple_of3A_926 = tpu.assume_multiple %min3A_925, 8 : i32
    %sub3A_927 = arith.subi %scan3A_884#0, %multiple_of3A_926 : i32
    %not3A = arith.constant false
    %not3A_928 = arith.constant true
    %not3A_929 = arith.xori %not3A, %not3A_928 : i1
    %convert_element_type3A = arith.extui %not3A_929 : i1 to i32
    %cond3A = arith.constant 0 : i32
    %cond3A_930 = arith.cmpi ne, %convert_element_type3A, %cond3A : i32
    scf.if %cond3A_930 {
      %dma_wait3A_960 = arith.constant 0 : i32
      %dma_wait3A_961 = arith.constant 0 : i32
      %dma_wait3A_962 = tpu.memref_slice %arg3[%dma_wait3A_960, %dma_wait3A_961] : memref<320000x128xf32, #tpu.memory_space<hbm>> -> memref<8x128xf32, #tpu.memory_space<hbm>>
      %dma_wait3A_963 = arith.constant 0 : i32
      %dma_wait3A_964 = arith.constant 0 : i32
      %dma_wait3A_965 = tpu.memref_slice %arg3[%dma_wait3A_963, %dma_wait3A_964] : memref<320000x128xf32, #tpu.memory_space<hbm>> -> memref<8x128xf32, #tpu.memory_space<hbm>>
      tpu.wait_dma2 semaphore(%arg15 : memref<!tpu.dma_semaphore, #tpu.memory_space<semaphore_mem>>) src(%dma_wait3A_965 : memref<8x128xf32, #tpu.memory_space<hbm>>) dst(%arg9 : memref<8x128xf32, #tpu.memory_space<vmem>>)
    } else {
    }
    %scan3A_931 = arith.constant 0 : i32
    %scan3A_932 = arith.constant 0 : i32
    %scan3A_933 = arith.constant 8 : i32
    %scan3A_934 = arith.addi %scan3A_932, %scan3A_933 : i32
    %scan3A_935 = arith.constant 1 : i32
    %scan3A_936 = scf.for %scan3A_960 = %scan3A_932 to %scan3A_934 step %scan3A_935 iter_args(%scan3A_961 = %scan3A_931) -> (i32)  : i32 {
      %add3A_962 = arith.constant 312 : i32
      %add3A_963 = arith.addi %mul3A_2, %add3A_962 : i32
      %add3A_964 = arith.addi %add3A_963, %scan3A_960 : i32
      %get3A_965 = arith.index_cast %add3A_964 : i32 to index
      %get3A_966 = tpu.vector_load %arg5[%get3A_965] {strides = array<i32>} : memref<10256xi32, #tpu.memory_space<vmem>>, vector<16xi32>,
      %get3A_967 = vector.shape_cast %get3A_966 : vector<16xi32> to vector<16xi32>
      %slice3A_968 = vector.extract_strided_slice %get3A_967 {offsets = [0], sizes = [1], strides = [1]} : vector<16xi32> to vector<1xi32>
      %squeeze3A_969 = vector.extract %slice3A_968[0] : i32 from vector<1xi32>
      %add3A_970 = arith.constant 1 : i32
      %add3A_971 = arith.addi %squeeze3A_969, %add3A_970 : i32
      %broadcast_in_dim3A_972 = arith.constant 0.000000e+00 : f32
      %broadcast_in_dim3A_973 = vector.broadcast %broadcast_in_dim3A_972 : f32 to vector<16xf32>
      %jit3A_974 = arith.constant 2 : i32
      %div3A_975 = arith.divsi %add3A_971, %jit3A_974 : i32
      %sign3A_976 = arith.constant 0 : i32
      %sign3A_977 = arith.cmpi sgt, %add3A_971, %sign3A_976 : i32
      %sign3A_978 = arith.extui %sign3A_977 : i1 to i32
      %sign3A_979 = arith.constant 0 : i32
      %sign3A_980 = arith.cmpi slt, %add3A_971, %sign3A_979 : i32
      %sign3A_981 = arith.extui %sign3A_980 : i1 to i32
      %sign3A_982 = arith.subi %sign3A_978, %sign3A_981 : i32
      %sign3A_983 = arith.constant 0 : i32
      %sign3A_984 = arith.cmpi sgt, %jit3A_974, %sign3A_983 : i32
      %sign3A_985 = arith.extui %sign3A_984 : i1 to i32
      %sign3A_986 = arith.constant 0 : i32
      %sign3A_987 = arith.cmpi slt, %jit3A_974, %sign3A_986 : i32
      %sign3A_988 = arith.extui %sign3A_987 : i1 to i32
      %sign3A_989 = arith.subi %sign3A_985, %sign3A_988 : i32
      %ne3A_990 = arith.cmpi ne, %sign3A_982, %sign3A_989 : i32
      %rem3A_991 = arith.remsi %add3A_971, %jit3A_974 : i32
      %ne3A_992 = arith.constant 0 : i32
      %ne3A_993 = arith.cmpi ne, %rem3A_991, %ne3A_992 : i32
      %and3A_994 = arith.andi %ne3A_990, %ne3A_993 : i1
      %sub3A_995 = arith.constant 1 : i32
      %sub3A_996 = arith.subi %div3A_975, %sub3A_995 : i32
      %select_n3A_997 = arith.select %and3A_994, %sub3A_996, %div3A_975 : i32
      %while3A_998 = arith.constant 0 : i32
      %while3A_999 = arith.subi %select_n3A_997, %while3A_998 : i32
      %while3A_1000 = arith.addi %while3A_998, %while3A_999 : i32
      %while3A_1001 = arith.constant 1 : i32
      %while3A_1002 = arith.divsi %while3A_999, %while3A_1001 : i32
      %while3A_1003 = arith.muli %while3A_1002, %while3A_1001 : i32
      %while3A_1004 = arith.addi %while3A_998, %while3A_1003 : i32
      %while3A_1005 = arith.constant 1 : i32
      %while3A_1006:8 = scf.for %while3A_1134 = %while3A_998 to %while3A_1004 step %while3A_1005 iter_args(%while3A_1135 = %broadcast_in_dim3A_973, %while3A_1136 = %broadcast_in_dim3A_973, %while3A_1137 = %broadcast_in_dim3A_973, %while3A_1138 = %broadcast_in_dim3A_973, %while3A_1139 = %broadcast_in_dim3A_973, %while3A_1140 = %broadcast_in_dim3A_973, %while3A_1141 = %broadcast_in_dim3A_973, %while3A_1142 = %broadcast_in_dim3A_973) -> (vector<16xf32>, vector<16xf32>, vector<16xf32>, vector<16xf32>, vector<16xf32>, vector<16xf32>, vector<16xf32>, vector<16xf32>)  : i32 {
        %add3A_1143 = arith.addi %sub3A_927, %scan3A_961 : i32
        %mul3A_1144 = arith.constant 2 : i32
        %mul3A_1145 = arith.muli %mul3A_1144, %while3A_1134 : i32
        %add3A_1146 = arith.addi %add3A_1143, %mul3A_1145 : i32
        %get3A_1147 = arith.index_cast %add3A_1146 : i32 to index
        %get3A_1148 = arith.constant 0 : index
        %get3A_1149 = tpu.vector_load %arg6[%get3A_1147, %get3A_1148] {strides = array<i32>} : memref<272x128xf32, #tpu.memory_space<vmem>>, vector<1x16xf32>,
        %get3A_1150 = vector.shape_cast %get3A_1149 : vector<1x16xf32> to vector<16xf32>
        %add3A_1151 = arith.addf %while3A_1135, %get3A_1150 : vector<16xf32>
        %get3A_1152 = arith.index_cast %add3A_1146 : i32 to index
        %get3A_1153 = arith.constant 16 : index
        %get3A_1154 = tpu.vector_load %arg6[%get3A_1152, %get3A_1153] {strides = array<i32>} : memref<272x128xf32, #tpu.memory_space<vmem>>, vector<1x16xf32>,
        %get3A_1155 = vector.shape_cast %get3A_1154 : vector<1x16xf32> to vector<16xf32>
        %add3A_1156 = arith.addf %while3A_1136, %get3A_1155 : vector<16xf32>
        %get3A_1157 = arith.index_cast %add3A_1146 : i32 to index
        %get3A_1158 = arith.constant 32 : index
        %get3A_1159 = tpu.vector_load %arg6[%get3A_1157, %get3A_1158] {strides = array<i32>} : memref<272x128xf32, #tpu.memory_space<vmem>>, vector<1x16xf32>,
        %get3A_1160 = vector.shape_cast %get3A_1159 : vector<1x16xf32> to vector<16xf32>
        %add3A_1161 = arith.addf %while3A_1137, %get3A_1160 : vector<16xf32>
        %get3A_1162 = arith.index_cast %add3A_1146 : i32 to index
        %get3A_1163 = arith.constant 48 : index
        %get3A_1164 = tpu.vector_load %arg6[%get3A_1162, %get3A_1163] {strides = array<i32>} : memref<272x128xf32, #tpu.memory_space<vmem>>, vector<1x16xf32>,
        %get3A_1165 = vector.shape_cast %get3A_1164 : vector<1x16xf32> to vector<16xf32>
        %add3A_1166 = arith.addf %while3A_1138, %get3A_1165 : vector<16xf32>
        %get3A_1167 = arith.index_cast %add3A_1146 : i32 to index
        %get3A_1168 = arith.constant 64 : index
        %get3A_1169 = tpu.vector_load %arg6[%get3A_1167, %get3A_1168] {strides = array<i32>} : memref<272x128xf32, #tpu.memory_space<vmem>>, vector<1x16xf32>,
        %get3A_1170 = vector.shape_cast %get3A_1169 : vector<1x16xf32> to vector<16xf32>
        %add3A_1171 = arith.addf %while3A_1139, %get3A_1170 : vector<16xf32>
        %get3A_1172 = arith.index_cast %add3A_1146 : i32 to index
        %get3A_1173 = arith.constant 80 : index
        %get3A_1174 = tpu.vector_load %arg6[%get3A_1172, %get3A_1173] {strides = array<i32>} : memref<272x128xf32, #tpu.memory_space<vmem>>, vector<1x16xf32>,
        %get3A_1175 = vector.shape_cast %get3A_1174 : vector<1x16xf32> to vector<16xf32>
        %add3A_1176 = arith.addf %while3A_1140, %get3A_1175 : vector<16xf32>
        %get3A_1177 = arith.index_cast %add3A_1146 : i32 to index
        %get3A_1178 = arith.constant 96 : index
        %get3A_1179 = tpu.vector_load %arg6[%get3A_1177, %get3A_1178] {strides = array<i32>} : memref<272x128xf32, #tpu.memory_space<vmem>>, vector<1x16xf32>,
        %get3A_1180 = vector.shape_cast %get3A_1179 : vector<1x16xf32> to vector<16xf32>
        %add3A_1181 = arith.addf %while3A_1141, %get3A_1180 : vector<16xf32>
        %get3A_1182 = arith.index_cast %add3A_1146 : i32 to index
        %get3A_1183 = arith.constant 112 : index
        %get3A_1184 = tpu.vector_load %arg6[%get3A_1182, %get3A_1183] {strides = array<i32>} : memref<272x128xf32, #tpu.memory_space<vmem>>, vector<1x16xf32>,
        %get3A_1185 = vector.shape_cast %get3A_1184 : vector<1x16xf32> to vector<16xf32>
        %add3A_1186 = arith.addf %while3A_1142, %get3A_1185 : vector<16xf32>
        %add3A_1187 = arith.constant 1 : i32
        %add3A_1188 = arith.addi %add3A_1146, %add3A_1187 : i32
        %get3A_1189 = arith.index_cast %add3A_1188 : i32 to index
        %get3A_1190 = arith.constant 0 : index
        %get3A_1191 = tpu.vector_load %arg6[%get3A_1189, %get3A_1190] {strides = array<i32>} : memref<272x128xf32, #tpu.memory_space<vmem>>, vector<1x16xf32>,
        %get3A_1192 = vector.shape_cast %get3A_1191 : vector<1x16xf32> to vector<16xf32>
        %add3A_1193 = arith.addf %add3A_1151, %get3A_1192 : vector<16xf32>
        %add3A_1194 = arith.constant 1 : i32
        %add3A_1195 = arith.addi %add3A_1146, %add3A_1194 : i32
        %get3A_1196 = arith.index_cast %add3A_1195 : i32 to index
        %get3A_1197 = arith.constant 16 : index
        %get3A_1198 = tpu.vector_load %arg6[%get3A_1196, %get3A_1197] {strides = array<i32>} : memref<272x128xf32, #tpu.memory_space<vmem>>, vector<1x16xf32>,
        %get3A_1199 = vector.shape_cast %get3A_1198 : vector<1x16xf32> to vector<16xf32>
        %add3A_1200 = arith.addf %add3A_1156, %get3A_1199 : vector<16xf32>
        %add3A_1201 = arith.constant 1 : i32
        %add3A_1202 = arith.addi %add3A_1146, %add3A_1201 : i32
        %get3A_1203 = arith.index_cast %add3A_1202 : i32 to index
        %get3A_1204 = arith.constant 32 : index
        %get3A_1205 = tpu.vector_load %arg6[%get3A_1203, %get3A_1204] {strides = array<i32>} : memref<272x128xf32, #tpu.memory_space<vmem>>, vector<1x16xf32>,
        %get3A_1206 = vector.shape_cast %get3A_1205 : vector<1x16xf32> to vector<16xf32>
        %add3A_1207 = arith.addf %add3A_1161, %get3A_1206 : vector<16xf32>
        %add3A_1208 = arith.constant 1 : i32
        %add3A_1209 = arith.addi %add3A_1146, %add3A_1208 : i32
        %get3A_1210 = arith.index_cast %add3A_1209 : i32 to index
        %get3A_1211 = arith.constant 48 : index
        %get3A_1212 = tpu.vector_load %arg6[%get3A_1210, %get3A_1211] {strides = array<i32>} : memref<272x128xf32, #tpu.memory_space<vmem>>, vector<1x16xf32>,
        %get3A_1213 = vector.shape_cast %get3A_1212 : vector<1x16xf32> to vector<16xf32>
        %add3A_1214 = arith.addf %add3A_1166, %get3A_1213 : vector<16xf32>
        %add3A_1215 = arith.constant 1 : i32
        %add3A_1216 = arith.addi %add3A_1146, %add3A_1215 : i32
        %get3A_1217 = arith.index_cast %add3A_1216 : i32 to index
        %get3A_1218 = arith.constant 64 : index
        %get3A_1219 = tpu.vector_load %arg6[%get3A_1217, %get3A_1218] {strides = array<i32>} : memref<272x128xf32, #tpu.memory_space<vmem>>, vector<1x16xf32>,
        %get3A_1220 = vector.shape_cast %get3A_1219 : vector<1x16xf32> to vector<16xf32>
        %add3A_1221 = arith.addf %add3A_1171, %get3A_1220 : vector<16xf32>
        %add3A_1222 = arith.constant 1 : i32
        %add3A_1223 = arith.addi %add3A_1146, %add3A_1222 : i32
        %get3A_1224 = arith.index_cast %add3A_1223 : i32 to index
        %get3A_1225 = arith.constant 80 : index
        %get3A_1226 = tpu.vector_load %arg6[%get3A_1224, %get3A_1225] {strides = array<i32>} : memref<272x128xf32, #tpu.memory_space<vmem>>, vector<1x16xf32>,
        %get3A_1227 = vector.shape_cast %get3A_1226 : vector<1x16xf32> to vector<16xf32>
        %add3A_1228 = arith.addf %add3A_1176, %get3A_1227 : vector<16xf32>
        %add3A_1229 = arith.constant 1 : i32
        %add3A_1230 = arith.addi %add3A_1146, %add3A_1229 : i32
        %get3A_1231 = arith.index_cast %add3A_1230 : i32 to index
        %get3A_1232 = arith.constant 96 : index
        %get3A_1233 = tpu.vector_load %arg6[%get3A_1231, %get3A_1232] {strides = array<i32>} : memref<272x128xf32, #tpu.memory_space<vmem>>, vector<1x16xf32>,
        %get3A_1234 = vector.shape_cast %get3A_1233 : vector<1x16xf32> to vector<16xf32>
        %add3A_1235 = arith.addf %add3A_1181, %get3A_1234 : vector<16xf32>
        %add3A_1236 = arith.constant 1 : i32
        %add3A_1237 = arith.addi %add3A_1146, %add3A_1236 : i32
        %get3A_1238 = arith.index_cast %add3A_1237 : i32 to index
        %get3A_1239 = arith.constant 112 : index
        %get3A_1240 = tpu.vector_load %arg6[%get3A_1238, %get3A_1239] {strides = array<i32>} : memref<272x128xf32, #tpu.memory_space<vmem>>, vector<1x16xf32>,
        %get3A_1241 = vector.shape_cast %get3A_1240 : vector<1x16xf32> to vector<16xf32>
        %add3A_1242 = arith.addf %add3A_1186, %get3A_1241 : vector<16xf32>
        scf.yield %add3A_1193, %add3A_1200, %add3A_1207, %add3A_1214, %add3A_1221, %add3A_1228, %add3A_1235, %add3A_1242 : vector<16xf32>, vector<16xf32>, vector<16xf32>, vector<16xf32>, vector<16xf32>, vector<16xf32>, vector<16xf32>, vector<16xf32>
      }
      %while3A_1007 = arith.constant 1 : i32
      %while3A_1008:8 = scf.for %while3A_1134 = %while3A_1004 to %while3A_1000 step %while3A_1007 iter_args(%while3A_1135 = %while3A_1006#0, %while3A_1136 = %while3A_1006#1, %while3A_1137 = %while3A_1006#2, %while3A_1138 = %while3A_1006#3, %while3A_1139 = %while3A_1006#4, %while3A_1140 = %while3A_1006#5, %while3A_1141 = %while3A_1006#6, %while3A_1142 = %while3A_1006#7) -> (vector<16xf32>, vector<16xf32>, vector<16xf32>, vector<16xf32>, vector<16xf32>, vector<16xf32>, vector<16xf32>, vector<16xf32>)  : i32 {
        %add3A_1143 = arith.addi %sub3A_927, %scan3A_961 : i32
        %mul3A_1144 = arith.constant 2 : i32
        %mul3A_1145 = arith.muli %mul3A_1144, %while3A_1134 : i32
        %add3A_1146 = arith.addi %add3A_1143, %mul3A_1145 : i32
        %get3A_1147 = arith.index_cast %add3A_1146 : i32 to index
        %get3A_1148 = arith.constant 0 : index
        %get3A_1149 = tpu.vector_load %arg6[%get3A_1147, %get3A_1148] {strides = array<i32>} : memref<272x128xf32, #tpu.memory_space<vmem>>, vector<1x16xf32>,
        %get3A_1150 = vector.shape_cast %get3A_1149 : vector<1x16xf32> to vector<16xf32>
        %add3A_1151 = arith.addf %while3A_1135, %get3A_1150 : vector<16xf32>
        %get3A_1152 = arith.index_cast %add3A_1146 : i32 to index
        %get3A_1153 = arith.constant 16 : index
        %get3A_1154 = tpu.vector_load %arg6[%get3A_1152, %get3A_1153] {strides = array<i32>} : memref<272x128xf32, #tpu.memory_space<vmem>>, vector<1x16xf32>,
        %get3A_1155 = vector.shape_cast %get3A_1154 : vector<1x16xf32> to vector<16xf32>
        %add3A_1156 = arith.addf %while3A_1136, %get3A_1155 : vector<16xf32>
        %get3A_1157 = arith.index_cast %add3A_1146 : i32 to index
        %get3A_1158 = arith.constant 32 : index
        %get3A_1159 = tpu.vector_load %arg6[%get3A_1157, %get3A_1158] {strides = array<i32>} : memref<272x128xf32, #tpu.memory_space<vmem>>, vector<1x16xf32>,
        %get3A_1160 = vector.shape_cast %get3A_1159 : vector<1x16xf32> to vector<16xf32>
        %add3A_1161 = arith.addf %while3A_1137, %get3A_1160 : vector<16xf32>
        %get3A_1162 = arith.index_cast %add3A_1146 : i32 to index
        %get3A_1163 = arith.constant 48 : index
        %get3A_1164 = tpu.vector_load %arg6[%get3A_1162, %get3A_1163] {strides = array<i32>} : memref<272x128xf32, #tpu.memory_space<vmem>>, vector<1x16xf32>,
        %get3A_1165 = vector.shape_cast %get3A_1164 : vector<1x16xf32> to vector<16xf32>
        %add3A_1166 = arith.addf %while3A_1138, %get3A_1165 : vector<16xf32>
        %get3A_1167 = arith.index_cast %add3A_1146 : i32 to index
        %get3A_1168 = arith.constant 64 : index
        %get3A_1169 = tpu.vector_load %arg6[%get3A_1167, %get3A_1168] {strides = array<i32>} : memref<272x128xf32, #tpu.memory_space<vmem>>, vector<1x16xf32>,
        %get3A_1170 = vector.shape_cast %get3A_1169 : vector<1x16xf32> to vector<16xf32>
        %add3A_1171 = arith.addf %while3A_1139, %get3A_1170 : vector<16xf32>
        %get3A_1172 = arith.index_cast %add3A_1146 : i32 to index
        %get3A_1173 = arith.constant 80 : index
        %get3A_1174 = tpu.vector_load %arg6[%get3A_1172, %get3A_1173] {strides = array<i32>} : memref<272x128xf32, #tpu.memory_space<vmem>>, vector<1x16xf32>,
        %get3A_1175 = vector.shape_cast %get3A_1174 : vector<1x16xf32> to vector<16xf32>
        %add3A_1176 = arith.addf %while3A_1140, %get3A_1175 : vector<16xf32>
        %get3A_1177 = arith.index_cast %add3A_1146 : i32 to index
        %get3A_1178 = arith.constant 96 : index
        %get3A_1179 = tpu.vector_load %arg6[%get3A_1177, %get3A_1178] {strides = array<i32>} : memref<272x128xf32, #tpu.memory_space<vmem>>, vector<1x16xf32>,
        %get3A_1180 = vector.shape_cast %get3A_1179 : vector<1x16xf32> to vector<16xf32>
        %add3A_1181 = arith.addf %while3A_1141, %get3A_1180 : vector<16xf32>
        %get3A_1182 = arith.index_cast %add3A_1146 : i32 to index
        %get3A_1183 = arith.constant 112 : index
        %get3A_1184 = tpu.vector_load %arg6[%get3A_1182, %get3A_1183] {strides = array<i32>} : memref<272x128xf32, #tpu.memory_space<vmem>>, vector<1x16xf32>,
        %get3A_1185 = vector.shape_cast %get3A_1184 : vector<1x16xf32> to vector<16xf32>
        %add3A_1186 = arith.addf %while3A_1142, %get3A_1185 : vector<16xf32>
        %add3A_1187 = arith.constant 1 : i32
        %add3A_1188 = arith.addi %add3A_1146, %add3A_1187 : i32
        %get3A_1189 = arith.index_cast %add3A_1188 : i32 to index
        %get3A_1190 = arith.constant 0 : index
        %get3A_1191 = tpu.vector_load %arg6[%get3A_1189, %get3A_1190] {strides = array<i32>} : memref<272x128xf32, #tpu.memory_space<vmem>>, vector<1x16xf32>,
        %get3A_1192 = vector.shape_cast %get3A_1191 : vector<1x16xf32> to vector<16xf32>
        %add3A_1193 = arith.addf %add3A_1151, %get3A_1192 : vector<16xf32>
        %add3A_1194 = arith.constant 1 : i32
        %add3A_1195 = arith.addi %add3A_1146, %add3A_1194 : i32
        %get3A_1196 = arith.index_cast %add3A_1195 : i32 to index
        %get3A_1197 = arith.constant 16 : index
        %get3A_1198 = tpu.vector_load %arg6[%get3A_1196, %get3A_1197] {strides = array<i32>} : memref<272x128xf32, #tpu.memory_space<vmem>>, vector<1x16xf32>,
        %get3A_1199 = vector.shape_cast %get3A_1198 : vector<1x16xf32> to vector<16xf32>
        %add3A_1200 = arith.addf %add3A_1156, %get3A_1199 : vector<16xf32>
        %add3A_1201 = arith.constant 1 : i32
        %add3A_1202 = arith.addi %add3A_1146, %add3A_1201 : i32
        %get3A_1203 = arith.index_cast %add3A_1202 : i32 to index
        %get3A_1204 = arith.constant 32 : index
        %get3A_1205 = tpu.vector_load %arg6[%get3A_1203, %get3A_1204] {strides = array<i32>} : memref<272x128xf32, #tpu.memory_space<vmem>>, vector<1x16xf32>,
        %get3A_1206 = vector.shape_cast %get3A_1205 : vector<1x16xf32> to vector<16xf32>
        %add3A_1207 = arith.addf %add3A_1161, %get3A_1206 : vector<16xf32>
        %add3A_1208 = arith.constant 1 : i32
        %add3A_1209 = arith.addi %add3A_1146, %add3A_1208 : i32
        %get3A_1210 = arith.index_cast %add3A_1209 : i32 to index
        %get3A_1211 = arith.constant 48 : index
        %get3A_1212 = tpu.vector_load %arg6[%get3A_1210, %get3A_1211] {strides = array<i32>} : memref<272x128xf32, #tpu.memory_space<vmem>>, vector<1x16xf32>,
        %get3A_1213 = vector.shape_cast %get3A_1212 : vector<1x16xf32> to vector<16xf32>
        %add3A_1214 = arith.addf %add3A_1166, %get3A_1213 : vector<16xf32>
        %add3A_1215 = arith.constant 1 : i32
        %add3A_1216 = arith.addi %add3A_1146, %add3A_1215 : i32
        %get3A_1217 = arith.index_cast %add3A_1216 : i32 to index
        %get3A_1218 = arith.constant 64 : index
        %get3A_1219 = tpu.vector_load %arg6[%get3A_1217, %get3A_1218] {strides = array<i32>} : memref<272x128xf32, #tpu.memory_space<vmem>>, vector<1x16xf32>,
        %get3A_1220 = vector.shape_cast %get3A_1219 : vector<1x16xf32> to vector<16xf32>
        %add3A_1221 = arith.addf %add3A_1171, %get3A_1220 : vector<16xf32>
        %add3A_1222 = arith.constant 1 : i32
        %add3A_1223 = arith.addi %add3A_1146, %add3A_1222 : i32
        %get3A_1224 = arith.index_cast %add3A_1223 : i32 to index
        %get3A_1225 = arith.constant 80 : index
        %get3A_1226 = tpu.vector_load %arg6[%get3A_1224, %get3A_1225] {strides = array<i32>} : memref<272x128xf32, #tpu.memory_space<vmem>>, vector<1x16xf32>,
        %get3A_1227 = vector.shape_cast %get3A_1226 : vector<1x16xf32> to vector<16xf32>
        %add3A_1228 = arith.addf %add3A_1176, %get3A_1227 : vector<16xf32>
        %add3A_1229 = arith.constant 1 : i32
        %add3A_1230 = arith.addi %add3A_1146, %add3A_1229 : i32
        %get3A_1231 = arith.index_cast %add3A_1230 : i32 to index
        %get3A_1232 = arith.constant 96 : index
        %get3A_1233 = tpu.vector_load %arg6[%get3A_1231, %get3A_1232] {strides = array<i32>} : memref<272x128xf32, #tpu.memory_space<vmem>>, vector<1x16xf32>,
        %get3A_1234 = vector.shape_cast %get3A_1233 : vector<1x16xf32> to vector<16xf32>
        %add3A_1235 = arith.addf %add3A_1181, %get3A_1234 : vector<16xf32>
        %add3A_1236 = arith.constant 1 : i32
        %add3A_1237 = arith.addi %add3A_1146, %add3A_1236 : i32
        %get3A_1238 = arith.index_cast %add3A_1237 : i32 to index
        %get3A_1239 = arith.constant 112 : index
        %get3A_1240 = tpu.vector_load %arg6[%get3A_1238, %get3A_1239] {strides = array<i32>} : memref<272x128xf32, #tpu.memory_space<vmem>>, vector<1x16xf32>,
        %get3A_1241 = vector.shape_cast %get3A_1240 : vector<1x16xf32> to vector<16xf32>
        %add3A_1242 = arith.addf %add3A_1186, %get3A_1241 : vector<16xf32>
        scf.yield %add3A_1193, %add3A_1200, %add3A_1207, %add3A_1214, %add3A_1221, %add3A_1228, %add3A_1235, %add3A_1242 : vector<16xf32>, vector<16xf32>, vector<16xf32>, vector<16xf32>, vector<16xf32>, vector<16xf32>, vector<16xf32>, vector<16xf32>
      }
      %add3A_1009 = arith.addi %sub3A_927, %scan3A_961 : i32
      %add3A_1010 = arith.addi %add3A_1009, %add3A_971 : i32
      %sub3A_1011 = arith.constant 1 : i32
      %sub3A_1012 = arith.subi %add3A_1010, %sub3A_1011 : i32
      %max3A = arith.constant 0 : i32
      %max3A_1013 = arith.maxsi %sub3A_1012, %max3A : i32
      %jit3A_1014 = arith.constant 2 : i32
      %eq3A_1015 = arith.constant 0 : i32
      %eq3A_1016 = arith.cmpi eq, %jit3A_1014, %eq3A_1015 : i32
      %jit3A_1017 = arith.constant 1 : i32
      %select_n3A_1018 = arith.select %eq3A_1016, %jit3A_1017, %jit3A_1014 : i32
      %rem3A_1019 = arith.remsi %add3A_971, %select_n3A_1018 : i32
      %ne3A_1020 = arith.constant 0 : i32
      %ne3A_1021 = arith.cmpi ne, %rem3A_1019, %ne3A_1020 : i32
      %lt3A_1022 = arith.constant 0 : i32
      %lt3A_1023 = arith.cmpi slt, %rem3A_1019, %lt3A_1022 : i32
      %lt3A_1024 = arith.constant 0 : i32
      %lt3A_1025 = arith.cmpi slt, %select_n3A_1018, %lt3A_1024 : i32
      %ne3A_1026 = arith.xori %lt3A_1023, %lt3A_1025 : i1
      %and3A_1027 = arith.andi %ne3A_1026, %ne3A_1021 : i1
      %add3A_1028 = arith.addi %rem3A_1019, %select_n3A_1018 : i32
      %select_n3A_1029 = arith.select %and3A_1027, %add3A_1028, %rem3A_1019 : i32
      %convert_element_type3A_1030 = arith.sitofp %select_n3A_1029 : i32 to f32
      %broadcast_in_dim3A_1031 = vector.broadcast %convert_element_type3A_1030 : f32 to vector<16xf32>
      %get3A_1032 = arith.index_cast %max3A_1013 : i32 to index
      %get3A_1033 = arith.constant 0 : index
      %get3A_1034 = tpu.vector_load %arg6[%get3A_1032, %get3A_1033] {strides = array<i32>} : memref<272x128xf32, #tpu.memory_space<vmem>>, vector<1x16xf32>,
      %get3A_1035 = vector.shape_cast %get3A_1034 : vector<1x16xf32> to vector<16xf32>
      %mul3A_1036 = arith.mulf %broadcast_in_dim3A_1031, %get3A_1035 : vector<16xf32>
      %add3A_1037 = arith.addf %while3A_1008#0, %mul3A_1036 : vector<16xf32>
      %get3A_1038 = arith.index_cast %max3A_1013 : i32 to index
      %get3A_1039 = arith.constant 16 : index
      %get3A_1040 = tpu.vector_load %arg6[%get3A_1038, %get3A_1039] {strides = array<i32>} : memref<272x128xf32, #tpu.memory_space<vmem>>, vector<1x16xf32>,
      %get3A_1041 = vector.shape_cast %get3A_1040 : vector<1x16xf32> to vector<16xf32>
      %mul3A_1042 = arith.mulf %broadcast_in_dim3A_1031, %get3A_1041 : vector<16xf32>
      %add3A_1043 = arith.addf %while3A_1008#1, %mul3A_1042 : vector<16xf32>
      %get3A_1044 = arith.index_cast %max3A_1013 : i32 to index
      %get3A_1045 = arith.constant 32 : index
      %get3A_1046 = tpu.vector_load %arg6[%get3A_1044, %get3A_1045] {strides = array<i32>} : memref<272x128xf32, #tpu.memory_space<vmem>>, vector<1x16xf32>,
      %get3A_1047 = vector.shape_cast %get3A_1046 : vector<1x16xf32> to vector<16xf32>
      %mul3A_1048 = arith.mulf %broadcast_in_dim3A_1031, %get3A_1047 : vector<16xf32>
      %add3A_1049 = arith.addf %while3A_1008#2, %mul3A_1048 : vector<16xf32>
      %get3A_1050 = arith.index_cast %max3A_1013 : i32 to index
      %get3A_1051 = arith.constant 48 : index
      %get3A_1052 = tpu.vector_load %arg6[%get3A_1050, %get3A_1051] {strides = array<i32>} : memref<272x128xf32, #tpu.memory_space<vmem>>, vector<1x16xf32>,
      %get3A_1053 = vector.shape_cast %get3A_1052 : vector<1x16xf32> to vector<16xf32>
      %mul3A_1054 = arith.mulf %broadcast_in_dim3A_1031, %get3A_1053 : vector<16xf32>
      %add3A_1055 = arith.addf %while3A_1008#3, %mul3A_1054 : vector<16xf32>
      %get3A_1056 = arith.index_cast %max3A_1013 : i32 to index
      %get3A_1057 = arith.constant 64 : index
      %get3A_1058 = tpu.vector_load %arg6[%get3A_1056, %get3A_1057] {strides = array<i32>} : memref<272x128xf32, #tpu.memory_space<vmem>>, vector<1x16xf32>,
      %get3A_1059 = vector.shape_cast %get3A_1058 : vector<1x16xf32> to vector<16xf32>
      %mul3A_1060 = arith.mulf %broadcast_in_dim3A_1031, %get3A_1059 : vector<16xf32>
      %add3A_1061 = arith.addf %while3A_1008#4, %mul3A_1060 : vector<16xf32>
      %get3A_1062 = arith.index_cast %max3A_1013 : i32 to index
      %get3A_1063 = arith.constant 80 : index
      %get3A_1064 = tpu.vector_load %arg6[%get3A_1062, %get3A_1063] {strides = array<i32>} : memref<272x128xf32, #tpu.memory_space<vmem>>, vector<1x16xf32>,
      %get3A_1065 = vector.shape_cast %get3A_1064 : vector<1x16xf32> to vector<16xf32>
      %mul3A_1066 = arith.mulf %broadcast_in_dim3A_1031, %get3A_1065 : vector<16xf32>
      %add3A_1067 = arith.addf %while3A_1008#5, %mul3A_1066 : vector<16xf32>
      %get3A_1068 = arith.index_cast %max3A_1013 : i32 to index
      %get3A_1069 = arith.constant 96 : index
      %get3A_1070 = tpu.vector_load %arg6[%get3A_1068, %get3A_1069] {strides = array<i32>} : memref<272x128xf32, #tpu.memory_space<vmem>>, vector<1x16xf32>,
      %get3A_1071 = vector.shape_cast %get3A_1070 : vector<1x16xf32> to vector<16xf32>
      %mul3A_1072 = arith.mulf %broadcast_in_dim3A_1031, %get3A_1071 : vector<16xf32>
      %add3A_1073 = arith.addf %while3A_1008#6, %mul3A_1072 : vector<16xf32>
      %get3A_1074 = arith.index_cast %max3A_1013 : i32 to index
      %get3A_1075 = arith.constant 112 : index
      %get3A_1076 = tpu.vector_load %arg6[%get3A_1074, %get3A_1075] {strides = array<i32>} : memref<272x128xf32, #tpu.memory_space<vmem>>, vector<1x16xf32>,
      %get3A_1077 = vector.shape_cast %get3A_1076 : vector<1x16xf32> to vector<16xf32>
      %mul3A_1078 = arith.mulf %broadcast_in_dim3A_1031, %get3A_1077 : vector<16xf32>
      %add3A_1079 = arith.addf %while3A_1008#7, %mul3A_1078 : vector<16xf32>
      %convert_element_type3A_1080 = arith.sitofp %add3A_971 : i32 to f32
      %broadcast_in_dim3A_1081 = vector.broadcast %convert_element_type3A_1080 : f32 to vector<16xf32>
      %div3A_1082 = arith.constant 1.000000e+00 : f32
      %div3A_1083 = vector.broadcast %div3A_1082 : f32 to vector<16xf32>
      %div3A_1084 = arith.divf %div3A_1083, %broadcast_in_dim3A_1081 : vector<16xf32>
      %mul3A_1085 = arith.mulf %add3A_1037, %div3A_1084 : vector<16xf32>
      %swap3A_1086 = arith.index_cast %scan3A_960 : i32 to index
      %swap3A_1087 = arith.constant 0 : index
      %swap3A_1088 = tpu.vector_load %arg9[%swap3A_1086, %swap3A_1087] {strides = array<i32>} : memref<8x128xf32, #tpu.memory_space<vmem>>, vector<1x16xf32>,
      %swap3A_1089 = vector.shape_cast %swap3A_1088 : vector<1x16xf32> to vector<16xf32>
      %swap3A_1090 = vector.shape_cast %mul3A_1085 : vector<16xf32> to vector<1x16xf32>
      tpu.vector_store %arg9[%swap3A_1086, %swap3A_1087], %swap3A_1090 {strides = array<i32>} : memref<8x128xf32, #tpu.memory_space<vmem>>, vector<1x16xf32>,
      %mul3A_1091 = arith.mulf %add3A_1043, %div3A_1084 : vector<16xf32>
      %swap3A_1092 = arith.index_cast %scan3A_960 : i32 to index
      %swap3A_1093 = arith.constant 16 : index
      %swap3A_1094 = tpu.vector_load %arg9[%swap3A_1092, %swap3A_1093] {strides = array<i32>} : memref<8x128xf32, #tpu.memory_space<vmem>>, vector<1x16xf32>,
      %swap3A_1095 = vector.shape_cast %swap3A_1094 : vector<1x16xf32> to vector<16xf32>
      %swap3A_1096 = vector.shape_cast %mul3A_1091 : vector<16xf32> to vector<1x16xf32>
      tpu.vector_store %arg9[%swap3A_1092, %swap3A_1093], %swap3A_1096 {strides = array<i32>} : memref<8x128xf32, #tpu.memory_space<vmem>>, vector<1x16xf32>,
      %mul3A_1097 = arith.mulf %add3A_1049, %div3A_1084 : vector<16xf32>
      %swap3A_1098 = arith.index_cast %scan3A_960 : i32 to index
      %swap3A_1099 = arith.constant 32 : index
      %swap3A_1100 = tpu.vector_load %arg9[%swap3A_1098, %swap3A_1099] {strides = array<i32>} : memref<8x128xf32, #tpu.memory_space<vmem>>, vector<1x16xf32>,
      %swap3A_1101 = vector.shape_cast %swap3A_1100 : vector<1x16xf32> to vector<16xf32>
      %swap3A_1102 = vector.shape_cast %mul3A_1097 : vector<16xf32> to vector<1x16xf32>
      tpu.vector_store %arg9[%swap3A_1098, %swap3A_1099], %swap3A_1102 {strides = array<i32>} : memref<8x128xf32, #tpu.memory_space<vmem>>, vector<1x16xf32>,
      %mul3A_1103 = arith.mulf %add3A_1055, %div3A_1084 : vector<16xf32>
      %swap3A_1104 = arith.index_cast %scan3A_960 : i32 to index
      %swap3A_1105 = arith.constant 48 : index
      %swap3A_1106 = tpu.vector_load %arg9[%swap3A_1104, %swap3A_1105] {strides = array<i32>} : memref<8x128xf32, #tpu.memory_space<vmem>>, vector<1x16xf32>,
      %swap3A_1107 = vector.shape_cast %swap3A_1106 : vector<1x16xf32> to vector<16xf32>
      %swap3A_1108 = vector.shape_cast %mul3A_1103 : vector<16xf32> to vector<1x16xf32>
      tpu.vector_store %arg9[%swap3A_1104, %swap3A_1105], %swap3A_1108 {strides = array<i32>} : memref<8x128xf32, #tpu.memory_space<vmem>>, vector<1x16xf32>,
      %mul3A_1109 = arith.mulf %add3A_1061, %div3A_1084 : vector<16xf32>
      %swap3A_1110 = arith.index_cast %scan3A_960 : i32 to index
      %swap3A_1111 = arith.constant 64 : index
      %swap3A_1112 = tpu.vector_load %arg9[%swap3A_1110, %swap3A_1111] {strides = array<i32>} : memref<8x128xf32, #tpu.memory_space<vmem>>, vector<1x16xf32>,
      %swap3A_1113 = vector.shape_cast %swap3A_1112 : vector<1x16xf32> to vector<16xf32>
      %swap3A_1114 = vector.shape_cast %mul3A_1109 : vector<16xf32> to vector<1x16xf32>
      tpu.vector_store %arg9[%swap3A_1110, %swap3A_1111], %swap3A_1114 {strides = array<i32>} : memref<8x128xf32, #tpu.memory_space<vmem>>, vector<1x16xf32>,
      %mul3A_1115 = arith.mulf %add3A_1067, %div3A_1084 : vector<16xf32>
      %swap3A_1116 = arith.index_cast %scan3A_960 : i32 to index
      %swap3A_1117 = arith.constant 80 : index
      %swap3A_1118 = tpu.vector_load %arg9[%swap3A_1116, %swap3A_1117] {strides = array<i32>} : memref<8x128xf32, #tpu.memory_space<vmem>>, vector<1x16xf32>,
      %swap3A_1119 = vector.shape_cast %swap3A_1118 : vector<1x16xf32> to vector<16xf32>
      %swap3A_1120 = vector.shape_cast %mul3A_1115 : vector<16xf32> to vector<1x16xf32>
      tpu.vector_store %arg9[%swap3A_1116, %swap3A_1117], %swap3A_1120 {strides = array<i32>} : memref<8x128xf32, #tpu.memory_space<vmem>>, vector<1x16xf32>,
      %mul3A_1121 = arith.mulf %add3A_1073, %div3A_1084 : vector<16xf32>
      %swap3A_1122 = arith.index_cast %scan3A_960 : i32 to index
      %swap3A_1123 = arith.constant 96 : index
      %swap3A_1124 = tpu.vector_load %arg9[%swap3A_1122, %swap3A_1123] {strides = array<i32>} : memref<8x128xf32, #tpu.memory_space<vmem>>, vector<1x16xf32>,
      %swap3A_1125 = vector.shape_cast %swap3A_1124 : vector<1x16xf32> to vector<16xf32>
      %swap3A_1126 = vector.shape_cast %mul3A_1121 : vector<16xf32> to vector<1x16xf32>
      tpu.vector_store %arg9[%swap3A_1122, %swap3A_1123], %swap3A_1126 {strides = array<i32>} : memref<8x128xf32, #tpu.memory_space<vmem>>, vector<1x16xf32>,
      %mul3A_1127 = arith.mulf %add3A_1079, %div3A_1084 : vector<16xf32>
      %swap3A_1128 = arith.index_cast %scan3A_960 : i32 to index
      %swap3A_1129 = arith.constant 112 : index
      %swap3A_1130 = tpu.vector_load %arg9[%swap3A_1128, %swap3A_1129] {strides = array<i32>} : memref<8x128xf32, #tpu.memory_space<vmem>>, vector<1x16xf32>,
      %swap3A_1131 = vector.shape_cast %swap3A_1130 : vector<1x16xf32> to vector<16xf32>
      %swap3A_1132 = vector.shape_cast %mul3A_1127 : vector<16xf32> to vector<1x16xf32>
      tpu.vector_store %arg9[%swap3A_1128, %swap3A_1129], %swap3A_1132 {strides = array<i32>} : memref<8x128xf32, #tpu.memory_space<vmem>>, vector<1x16xf32>,
      %add3A_1133 = arith.addi %scan3A_961, %add3A_971 : i32
      scf.yield %add3A_1133 : i32
    }
    %scan3A_937 = arith.constant 8 : i32
    %add3A_938 = arith.constant 312 : i32
    %add3A_939 = arith.addi %mul3A_2, %add3A_938 : i32
    %dma_start3A = arith.constant 0 : i32
    %dma_start3A_940 = tpu.memref_slice %arg4[%add3A_939, %dma_start3A] : memref<10240x128xf32, #tpu.memory_space<hbm>> -> memref<8x128xf32, #tpu.memory_space<hbm>>
    %dma_start3A_941 = arith.constant 0 : i32
    %dma_start3A_942 = tpu.memref_slice %arg4[%add3A_939, %dma_start3A_941] : memref<10240x128xf32, #tpu.memory_space<hbm>> -> memref<8x128xf32, #tpu.memory_space<hbm>>
    tpu.enqueue_dma source(%arg9 : memref<8x128xf32, #tpu.memory_space<vmem>>) target(%dma_start3A_942 : memref<8x128xf32, #tpu.memory_space<hbm>>) target_semaphore(%arg15 : memref<!tpu.dma_semaphore, #tpu.memory_space<semaphore_mem>>)
    %dma_wait3A = arith.constant 0 : i32
    %dma_wait3A_943 = arith.constant 0 : i32
    %dma_wait3A_944 = tpu.memref_slice %arg3[%dma_wait3A, %dma_wait3A_943] : memref<320000x128xf32, #tpu.memory_space<hbm>> -> memref<8x128xf32, #tpu.memory_space<hbm>>
    %dma_wait3A_945 = arith.constant 0 : i32
    %dma_wait3A_946 = arith.constant 0 : i32
    %dma_wait3A_947 = tpu.memref_slice %arg3[%dma_wait3A_945, %dma_wait3A_946] : memref<320000x128xf32, #tpu.memory_space<hbm>> -> memref<8x128xf32, #tpu.memory_space<hbm>>
    tpu.wait_dma2 semaphore(%arg15 : memref<!tpu.dma_semaphore, #tpu.memory_space<semaphore_mem>>) src(%dma_wait3A_947 : memref<8x128xf32, #tpu.memory_space<hbm>>) dst(%arg9 : memref<8x128xf32, #tpu.memory_space<vmem>>)
    %dma_wait3A_948 = arith.constant 0 : i32
    %dma_wait3A_949 = arith.constant 0 : i32
    %dma_wait3A_950 = tpu.memref_slice %arg3[%dma_wait3A_948, %dma_wait3A_949] : memref<320000x128xf32, #tpu.memory_space<hbm>> -> memref<8x128xf32, #tpu.memory_space<hbm>>
    %dma_wait3A_951 = arith.constant 0 : i32
    %dma_wait3A_952 = arith.constant 0 : i32
    %dma_wait3A_953 = tpu.memref_slice %arg3[%dma_wait3A_951, %dma_wait3A_952] : memref<320000x128xf32, #tpu.memory_space<hbm>> -> memref<8x128xf32, #tpu.memory_space<hbm>>
    tpu.wait_dma2 semaphore(%arg16 : memref<!tpu.dma_semaphore, #tpu.memory_space<semaphore_mem>>) src(%dma_wait3A_953 : memref<8x128xf32, #tpu.memory_space<hbm>>) dst(%arg10 : memref<8x128xf32, #tpu.memory_space<vmem>>)
    %dma_wait3A_954 = arith.constant 0 : i32
    %dma_wait3A_955 = arith.constant 0 : i32
    %dma_wait3A_956 = tpu.memref_slice %arg3[%dma_wait3A_954, %dma_wait3A_955] : memref<320000x128xf32, #tpu.memory_space<hbm>> -> memref<8x128xf32, #tpu.memory_space<hbm>>
    %dma_wait3A_957 = arith.constant 0 : i32
    %dma_wait3A_958 = arith.constant 0 : i32
    %dma_wait3A_959 = tpu.memref_slice %arg3[%dma_wait3A_957, %dma_wait3A_958] : memref<320000x128xf32, #tpu.memory_space<hbm>> -> memref<8x128xf32, #tpu.memory_space<hbm>>
    tpu.wait_dma2 semaphore(%arg17 : memref<!tpu.dma_semaphore, #tpu.memory_space<semaphore_mem>>) src(%dma_wait3A_959 : memref<8x128xf32, #tpu.memory_space<hbm>>) dst(%arg11 : memref<8x128xf32, #tpu.memory_space<vmem>>)
    return
  }
}

module attributes {stable_mosaic.version = 14 : i64} {
  func.func @body(%arg0: i32, %arg1: memref<5000x128xf32, #tpu.memory_space<vmem>>, %arg2: memref<5000x128xf32, #tpu.memory_space<vmem>>, %arg3: memref<128x128xf32, #tpu.memory_space<vmem>>, %arg4: memref<128x128xf32, #tpu.memory_space<vmem>>, %arg5: memref<5000x128xf32, #tpu.memory_space<vmem>>) attributes {dimension_semantics = [#tpu.dimension_semantics<arbitrary>], iteration_bounds = array<i64: 2>, scalar_prefetch = 0 : i64, scratch_operands = 0 : i64, tpu.core_type = #tpu.core_type<tc>, window_params = [{transform_indices = @transform_0, window_bounds = array<i64: 5000, 128>}, {transform_indices = @transform_1, window_bounds = array<i64: 5000, 128>}, {pipeline_mode = #tpu.pipeline_mode<synchronous>, transform_indices = @transform_2, window_bounds = array<i64: 128, 128>}, {pipeline_mode = #tpu.pipeline_mode<synchronous>, transform_indices = @transform_3, window_bounds = array<i64: 128, 128>}, {transform_indices = @transform_4, window_bounds = array<i64: 5000, 128>}]} {
    %get3A = arith.constant 0 : index
    %get3A_0 = arith.constant 0 : index
    %get3A_1 = vector.load %arg1[%get3A, %get3A_0] : memref<5000x128xf32, #tpu.memory_space<vmem>>, vector<5000x128xf32>
    %get3A_2 = arith.constant 0 : index
    %get3A_3 = arith.constant 0 : index
    %get3A_4 = vector.load %arg3[%get3A_2, %get3A_3] : memref<128x128xf32, #tpu.memory_space<vmem>>, vector<128x128xf32>
    %dot_general3A = arith.constant dense<0.000000e+00> : vector<5000x128xf32>
    %dot_general3A_5 = tpu.matmul %get3A_1, %get3A_4, %dot_general3A {dimension_numbers = #tpu.dot_dimension_numbers<[1], [0], [0], [1], [0, 0, 1, 1], [], []>, transpose_lhs_hint = false} : vector<5000x128xf32>, vector<128x128xf32>, vector<5000x128xf32> -> vector<5000x128xf32>
    %get3A_6 = arith.constant 0 : index
    %get3A_7 = arith.constant 0 : index
    %get3A_8 = vector.load %arg2[%get3A_6, %get3A_7] : memref<5000x128xf32, #tpu.memory_space<vmem>>, vector<5000x128xf32>
    %get3A_9 = arith.constant 0 : index
    %get3A_10 = arith.constant 0 : index
    %get3A_11 = vector.load %arg4[%get3A_9, %get3A_10] : memref<128x128xf32, #tpu.memory_space<vmem>>, vector<128x128xf32>
    %dot_general3A_12 = arith.constant dense<0.000000e+00> : vector<5000x128xf32>
    %dot_general3A_13 = tpu.matmul %get3A_8, %get3A_11, %dot_general3A_12 {dimension_numbers = #tpu.dot_dimension_numbers<[1], [0], [0], [1], [0, 0, 1, 1], [], []>, transpose_lhs_hint = false} : vector<5000x128xf32>, vector<128x128xf32>, vector<5000x128xf32> -> vector<5000x128xf32>
    %add3A = arith.addf %dot_general3A_5, %dot_general3A_13 : vector<5000x128xf32>
    %max3A = arith.constant 0.000000e+00 : f32
    %max3A_14 = vector.broadcast %max3A : f32 to vector<5000x128xf32>
    %max3A_15 = arith.maximumf %add3A, %max3A_14 : vector<5000x128xf32>
    %swap3A = arith.constant 0 : index
    %swap3A_16 = arith.constant 0 : index
    %swap3A_17 = vector.load %arg5[%swap3A, %swap3A_16] : memref<5000x128xf32, #tpu.memory_space<vmem>>, vector<5000x128xf32>
    tpu.vector_store %arg5[%swap3A, %swap3A_16], %max3A_15 {strides = array<i32>} : memref<5000x128xf32, #tpu.memory_space<vmem>>, vector<5000x128xf32>,
    return
  }
  func.func @transform_0(%arg0: i32) -> (i32, i32) {
    %c0_i32 = arith.constant 0 : i32
    %c0_i32_0 = arith.constant 0 : i32
    return %arg0, %c0_i32 : i32, i32
  }
  func.func @transform_1(%arg0: i32) -> (i32, i32) {
    %c0_i32 = arith.constant 0 : i32
    %c0_i32_0 = arith.constant 0 : i32
    return %arg0, %c0_i32 : i32, i32
  }
  func.func @transform_2(%arg0: i32) -> (i32, i32) {
    %c0_i32 = arith.constant 0 : i32
    %c0_i32_0 = arith.constant 0 : i32
    %c0_i32_1 = arith.constant 0 : i32
    return %c0_i32, %c0_i32_0 : i32, i32
  }
  func.func @transform_3(%arg0: i32) -> (i32, i32) {
    %c0_i32 = arith.constant 0 : i32
    %c0_i32_0 = arith.constant 0 : i32
    %c0_i32_1 = arith.constant 0 : i32
    return %c0_i32, %c0_i32_0 : i32, i32
  }
  func.func @transform_4(%arg0: i32) -> (i32, i32) {
    %c0_i32 = arith.constant 0 : i32
    %c0_i32_0 = arith.constant 0 : i32
    return %arg0, %c0_i32 : i32, i32
  }
}

</mosaic_0001>

<sc_bundles>
// kernel: kernel.4.cloned.1.call-start
scs
__scs_entry_jumppad:
0x0: {  	(pc) =	sbr.rel $0x88, $3  }
0x1: {  	(tag) =	ssettag $0x0;
	lr =	simm.s32 $0x1  }
0x2: {  	[smem:$0x3F9C] =	sst lr;
	_ =	strace $0xD0000000  }
0x3: {  	_ = 	snop  }
0x4: {  	_ = 	snop  }
0x5: {  	_ = 	snop  }
0x6: {  	_ = 	snop  }
0x7: {  	_ = 	snop  }
__scs_overlays_trampoline_lowered:
0x8: {  	[smem:$0x3FAB] =	sst s0  }
0x9: {  	[smem:$0x3FAC] =	sst s1  }
0xa: {  	[smem:$0x3FAD] =	sst s2  }
0xb: {  	[smem:$0x3FAE] =	sst s3  }
0xc: {  	[smem:$0x3FAF] =	sst s4  }
0xd: {  	[smem:$0x3FB0] =	sst s5  }
0xe: {  	[smem:$0x3FB1] =	sst s6  }
0xf: {  	[smem:$0x3FB2] =	sst s7  }
0x10: {  	[smem:$0x3FB3] =	sst s8  }
0x11: {  	[smem:$0x3FB4] =	sst s9;
	s0 =	simm.s32 @!p0 $0x0  }
0x12: {  	s1 =	sld [smem:$0x3F9A];
	s0 =	simm.s32 @p0 $0x1  }
0x13: {  	[smem:$0x3FB5] =	sst s0;
	s0 =	simm.s32 @!p1 $0x0  }
0x14: {  	s2 =	sld [smem:$0x3F99];
	s0 =	simm.s32 @p1 $0x1  }
0x15: {  	[smem:$0x3FB6] =	sst s0;
	s0 =	simm.s32 @!p2 $0x0  }
0x16: {  	s3 =	sld [smem:$0x3FDB];
	s0 =	simm.s32 @p2 $0x1  }
0x17: {  	s4 =	simm.s32 $0x1BF5;
	[smem:$0x3FB8] =	sst s0  }
0x18: {  	s0 =	sld [smem:$0x3F9B];
	_ =	swait.ge [sflag:s4], $0x0  }
0x19: {  	s7 =	sld [smem:$0x3F9C]  }
0x1a: {  	s8 =	sadd.s32 $0xFFFFE003, lr  }
0x1b: {  	s9 =	sadd.s32 $0xFFFFFEF7, lr;
	s5 =	simm.s32 $0xFFFFFFFF;
	p2 =	slt.u32 s8, $0xFFFFF086  }
0x1c: {  	p1 =	slt.u32 s9, $0xF7A;
	s5 =	simm.s32 @!p2 $0x0  }
0x1d: {  	s5 =	simm.s32 @p1 $0x1;
	p0 =	seq.s32 s7, s2  }
0x1e: {  	s7 =	smul.u32 @!p0 $0xF7A, s2;
	p2 =	seq.s32 @!p0 s5, $0x0  }
0x1f: {  	s9 =	smul.u32 $0xF7A, s1;
	s8 =	simm.s32 @!p0 $0x1BF5;
	p2 =	por !p2, p0  }
0x20: {  	[sflag:s8] =	ssyncset.s32 @!p0 $0xFFFFF086;
	s6 =	sadd.s32 @!p0 s3, s7;
	s7 =	simm.s32 @!p0 $0x108  }
0x21: {  	s3 =	sadd.s32 s3, s9;
	s6 =	sadd.s32 @!p0 $0x88, s6;
	s7 =	simm.s32 @p2 $0x1082  }
0x22: {  	[simem:s7], [sflag:s8] =	dma.local @!p0 [hbm:s6], $0xF7A  }
0x23: {  	s9 =	sor.u32 $0xD0000000, s2;
	s6 =	simm.s32 $0x108;
	_ =	swait.ge @!p0 [sflag:s8], $0x0  }
0x24: {  	s3 =	sadd.s32 $0x88, s3;
	s6 =	simm.s32 @!p1 $0x1082;
	[sflag:s4] =	ssyncset.s32 $0xFFFFF086  }
0x25: {  	[simem:s6], [sflag:s4] =	dma.local [hbm:s3], $0xF7A  }
0x26: {  	[smem:$0x3F9C] =	sst s1;
	(tag) =	ssettag s2;
	_ =	strace s9  }
0x27: {  	s1 =	sld [smem:$0x3FAC]  }
0x28: {  	s2 =	sld [smem:$0x3FAD]  }
0x29: {  	s4 =	sld [smem:$0x3FAF]  }
0x2a: {  	p0 =	seq.s32 s5, $0x0;
	s5 =	sld [smem:$0x3FB0]  }
0x2b: {  	s6 =	sld [smem:$0x3FB1]  }
0x2c: {  	s7 =	sld [smem:$0x3FB2]  }
0x2d: {  	s3 =	simm.s32 $0x108;
	s8 =	sld [smem:$0x3FB3]  }
0x2e: {  	s3 =	simm.s32 @!p0 $0x1082;
	s9 =	sld [smem:$0x3FB4]  }
0x2f: {  	lr =	sadd.s32 s0, s3;
	s0 =	sld [smem:$0x3FAB]  }
0x30: {  	s3 =	sld [smem:$0x3FAE]  }
0x31: {  	[smem:$0x3FB7] =	sst s10  }
0x32: {  	s10 =	sld [smem:$0x3FB5];
	_ =	sdelay $0x3  }
0x33: {  	p0 =	seq.s32 s10, $0x1;
	s10 =	sld [smem:$0x3FB7];
	_ =	sdelay $0x3  }
0x34: {  	[smem:$0x3FB7] =	sst s10  }
0x35: {  	s10 =	sld [smem:$0x3FB6];
	_ =	sdelay $0x3  }
0x36: {  	p1 =	seq.s32 s10, $0x1;
	s10 =	sld [smem:$0x3FB7];
	_ =	sdelay $0x3  }
0x37: {  	[smem:$0x3FB7] =	sst s10  }
0x38: {  	s10 =	sld [smem:$0x3FB8]  }
0x39: {  	_ = 	snop;
	(pc) =	sbr.ind lr, $3  }
0x3a: {  	_ = 	snop  }
0x3b: {  	_ = 	snop  }
0x3c: {  	p2 =	seq.s32 s10, $0x1;
	s10 =	sld [smem:$0x3FB7]  }
0x3d: {  	_ =	shalt  }
0x3e: {  	_ =	shalt  }
0x3f: {  	_ =	shalt  }
0x40: {  	_ =	shalt  }
0x41: {  	_ =	shalt  }
0x42: {  	_ =	shalt  }
0x43: {  	_ =	shalt  }
0x44: {  	_ =	shalt  }
0x45: {  	_ =	shalt  }
0x46: {  	_ =	shalt  }
0x47: {  	_ =	shalt  }
0x48: {  	_ =	shalt  }
0x49: {  	_ =	shalt  }
0x4a: {  	_ =	shalt  }
0x4b: {  	_ =	shalt  }
0x4c: {  	_ =	shalt  }
0x4d: {  	_ =	shalt  }
0x4e: {  	_ =	shalt  }
0x4f: {  	_ =	shalt  }
0x50: {  	_ =	shalt  }
0x51: {  	_ =	shalt  }
0x52: {  	_ =	shalt  }
0x53: {  	_ =	shalt  }
0x54: {  	_ =	shalt  }
0x55: {  	_ =	shalt  }
0x56: {  	_ =	shalt  }
0x57: {  	_ =	shalt  }
0x58: {  	_ =	shalt  }
0x59: {  	_ =	shalt  }
0x5a: {  	_ =	shalt  }
0x5b: {  	_ =	shalt  }
0x5c: {  	_ =	shalt  }
0x5d: {  	_ =	shalt  }
0x5e: {  	_ =	shalt  }
0x5f: {  	_ =	shalt  }
0x60: {  	_ =	shalt  }
0x61: {  	_ =	shalt  }
0x62: {  	_ =	shalt  }
0x63: {  	_ =	shalt  }
0x64: {  	_ =	shalt  }
0x65: {  	_ =	shalt  }
0x66: {  	_ =	shalt  }
0x67: {  	_ =	shalt  }
0x68: {  	_ =	shalt  }
0x69: {  	_ =	shalt  }
0x6a: {  	_ =	shalt  }
0x6b: {  	_ =	shalt  }
0x6c: {  	_ =	shalt  }
0x6d: {  	_ =	shalt  }
0x6e: {  	_ =	shalt  }
0x6f: {  	_ =	shalt  }
0x70: {  	_ =	shalt  }
0x71: {  	_ =	shalt  }
0x72: {  	_ =	shalt  }
0x73: {  	_ =	shalt  }
0x74: {  	_ =	shalt  }
0x75: {  	_ =	shalt  }
0x76: {  	_ =	shalt  }
0x77: {  	_ =	shalt  }
0x78: {  	_ =	shalt  }
0x79: {  	_ =	shalt  }
0x7a: {  	_ =	shalt  }
0x7b: {  	_ =	shalt  }
0x7c: {  	_ =	shalt  }
0x7d: {  	_ =	shalt  }
0x7e: {  	_ =	shalt  }
0x7f: {  	_ =	shalt  }
0x80: {  	_ =	shalt  }
0x81: {  	_ =	shalt  }
0x82: {  	_ =	shalt  }
0x83: {  	_ =	shalt  }
0x84: {  	_ =	shalt  }
0x85: {  	_ =	shalt  }
0x86: {  	_ =	shalt  }
0x87: {  	_ =	shalt  }
.Lfunc_end0:
.L_simem_size_0:
called_computation_lowered:
.L_overlay_start_0:
0x88: {  	s2 =	sld [smem:$0x3FD9]  }
0x89: {  	s3 =	sld [smem:$0x3FFE];
	_ =	sdelay $0x1  }
0x8a: {  	s1 =	srdreg.scid  }
0x8b: {  	s0 =	sand.u32 $0x1, s1  }
0x8c: {  	s17 =	sshll.u32 s0, $0xA;
	s2 =	sadd.s32 s3, s2  }
0x8d: {  	s2 =	sadd.s32 s2, s17  }
0x8e: {  	[smem:$0x3FC3] =	sst s2  }
0x8f: {  	_ = 	snop  }
0x90: {  	s2 =	sld [smem:$0x3FC9]  }
0x91: {  	s18 =	sld [smem:$0x3FC7];
	(tm) =	ssettm $0x1  }
0x92: {  	s4 =	sld [smem:$0x3FFB];
	_ =	sdelay $0x3  }
0x93: {  	_ =	strace s4  }
0x94: {  	s4 =	sld [smem:$0x3FFC];
	_ =	sdelay $0x3  }
0x95: {  	_ =	strace s4  }
0x96: {  	s4 =	sld [smem:$0x3FFD];
	_ =	sdelay $0x3  }
0x97: {  	_ =	strace s4  }
0x98: {  	_ =	strace $0x8FFFFFFF  }
0x99: {  	s19 =	sld [smem:$0x3FDB];
	_ =	sdelay $0x1  }
0x9a: {  	s5 =	simm.s32 $_scs_section_size  }
0x9b: {  	s6 =	simm.s32 $_size__tile_overlayer_lowered;
	s7 =	simm.s32 $_tile_overlayer_lowered  }
0x9c: {  	s22 =	simm.s32 $0x1BFF;
	s21 =	sshll.u32 s7, $0x1;
	s4 =	sadd.s32 s5, s19  }
0x9d: {  	s8 =	simm.s32 $0x0;
	s20 =	sshll.u32 s6, $0x1;
	s6 =	sadd.s32 s21, s4  }
0x9e: {  	[timem:s8], [sflag:s22] =	dma.local [hbm:s6], s20  }
0x9f: {  	_ =	swait.ge [sflag:s22], s20  }
0xa0: {  	s5 =	ssub.s32 $0x0, s20;
	[sflag:s22] =	ssyncset.done $0x0  }
0xa1: {  	[sflag:s22] =	ssyncadd.s32 s5;
	_ =	sdelay $0x1  }
0xa2: {  	s23 =	simm.s32 $0x1B8B  }
0xa3: {  	_ =	swait.ge [sflag:s23], $0x1  }
0xa4: {  	[sflag:s23] =	ssyncset.done $0x0  }
0xa5: {  	s25 =	simm.s32 $0x1B8E;
	s24 =	sld [smem:$0x3FFE];
	[sflag:s23] =	ssyncadd.s32 $0xFFFFFFFF  }
0xa6: {  	s26 =	simm.s32 $execute0_lowered;
	[smem:$0x3FD2] =	sst s25  }
0xa7: {  	s6 =	sshll.u32 s26, $0x1;
	_ =	strace $0x80000046;
	[dreg:$0x1] =	wrdreg $0xFFFFFFFF  }
0xa8: {  	s28 =	simm.s32 $_size_execute0_lowered;
	s4 =	sadd.s32 s4, s6;
	[dreg:$0x0] =	wrdreg $0x0  }
0xa9: {  	s6 =	sshll.u32 s28, $0x1;
	[dreg:$0x2] =	wrdreg s4  }
0xaa: {  	[dreg:$0x3] =	wrdreg s6  }
0xab: {  	[dreg:$0x4] =	wrdreg $0xC0  }
0xac: {  	_ =	task [dreg:s8], $0x5FFFF  }
0xad: {  	[dreg:$0x1] =	wrdreg $0xFFFFFFFF  }
0xae: {  	[dreg:$0x0] =	wrdreg $0x60  }
0xaf: {  	[dreg:$0x2] =	wrdreg s2  }
0xb0: {  	[dreg:$0x3] =	wrdreg s18  }
0xb1: {  	[dreg:$0x4] =	wrdreg s24  }
0xb2: {  	[dreg:$0x5] =	wrdreg $0x9  }
0xb3: {  	_ =	task.clear_ibuf [dreg:s8], $0x6FFFF;
	_ =	strace $0x90000046  }
0xb4: {  	s29 =	simm.s32 $0x9;
	_ =	strace $0x80000048  }
0xb5: {  	_ =	swait.ge [sflag:s29], $0x1  }
0xb6: {  	[sflag:s29] =	ssyncadd.s32 $0xFFFFFFFF  }
0xb7: {  	_ =	strace $0x90000048  }
0xb8: {  	_ =	sfence  }
0xb9: {  	s30 =	sld [smem:$0x0];
	_ =	sdelay $0x2  }
0xba: {  	s31 =	sshll.u32 s1, $0xD;
	s1 =	sshrl.u32 s1, $0x2  }
0xbb: {  	s3 =	sand.u32 $0x4000, s31;
	s1 =	sadd.s32 s1, s30  }
0xbc: {  	s0 =	sor.u32 s3, s0;
	s1 =	sshll.u32 s1, $0x11  }
0xbd: {  	s0 =	sor.u32 s1, s0  }
0xbe: {  	s0 =	sadd.s32 $0x8F2B, s0  }
0xbf: {  	[sflag:s0] =	ssyncadd.remote.s32 $0x1  }
0xc0: {  	_ =	sfence.sel $0xFFFF  }
0xc1: {  	[dreg:$0x0] =	wrdreg $0xFFFFFFFF;
	(pc) =	sbr.abs _section_cstart, $3  }
0xc2: {  	[dreg:$0x1] =	wrdreg $0xFFFFFFFF  }
0xc3: {  	_ =	task.clear_ibuf [dreg:s8], $0x2FFFF;
	_ =	strace $0x9FFFFFFF  }
0xc4: {  	(tm) =	ssettm $0x7FFFFFFF  }
0xc5: {  	_ =	shalt  }
tec
execute0_lowered:
.L_overlay_start_1:
0x0: {  	(tag) =	ssettag $0x1  }
0x1: {  	s0 =	srdreg.scid;
	s2 =	rddreg [dreg:$0x1]  }
0x2: {  	s6 =	stileid.u32;
	v0 =	vimm.s32 $0xFEDCBA9;
	s3 =	rddreg [dreg:$0x2];
	v1 =	vimm.s32 $0x87654321;
	v2 =	vimm.s32 $0x10FEDCBA;
	s4 =	simm.s32 $0x0  }
0x3: {  	v3 =	vimm.s32 $0x98765432;
	v4 =	vimm.s32 $0x3210FEDC;
	s13 =	simm.s32 $0x1;
	s14 =	simm.s32 $0x1C080;
	s15 =	simm.s32 $0x2  }
0x4: {  	v5 =	vimm.s32 $0xBA987654;
	v6 =	vimm.s32 $0xFEDCBA98;
	s16 =	simm.s32 $0x1C480;
	s17 =	simm.s32 $0x3;
	s18 =	simm.s32 $0x1C880  }
0x5: {  	v7 =	vimm.s32 $0x76543210;
	vm0 =	vmmov $0xff;
	s0 =	sand.u32 $0x1, s0;
	s1 =	sshll.u32 s6, $0x1;
	v0 =	vunpack.c.l.s4.s8 v0;
	s8 =	smul.u32 $0x280, s6  }
0x6: {  	v1 =	vunpack.c.l.s4.s8 v1;
	v2 =	vunpack.c.l.s4.s8 v2;
	v3 =	vunpack.c.l.s4.s8 v3;
	s1 =	sor.u32 s0, s1;
	s7 =	ssub.s32 $0x2, s0;
	s0 =	smul.u32 $0x140, s0  }
0x7: {  	[smem:$0x7FF] =	sst s4;
	s6 =	sadd.s32 $0xC00, s3;
	v4 =	vunpack.c.l.s4.s8 v4;
	v5 =	vunpack.c.l.s4.s8 v5;
	s5 =	smul.u32 $0x140, s1;
	v0 =	vunpack.c.0.s8.s32 v0  }
0x8: {  	_ =	strace $0x80000047;
	v1 =	vunpack.c.0.s8.s32 v1;
	v2 =	vunpack.c.0.s8.s32 v2;
	s31 =	sshrl.u32 s7, $0x1;
	s9 =	smul.u32 $0xA000, s1;
	v3 =	vunpack.c.0.s8.s32 v3  }
0x9: {  	v6 =	vunpack.c.l.s4.s8 v6;
	v4 =	vunpack.c.0.s8.s32 v4;
	v5 =	vunpack.c.0.s8.s32 v5;
	s3 =	ssub.s32 s7, s31;
	s0 =	sadd.s32 s0, s8;
	s7 =	sor.u32 $0x8, s5  }
.Ltmp0:
0xa: {  	v7 =	vunpack.c.l.s4.s8 v7;
	s9 =	sshrl.u32 s9, $0x3;
	s0 =	sshrl.u32 s0, $0x4;
	v1 =	vcombine.low v1, v0;
	v2 =	vcombine.low v3, v2;
	(pc) =	sbr.rel .LBB2_1-.Ltmp0, $4  }
0xb: {  	s10 =	sadd.s32 $0x138, s5;
	s3 =	smax.u32 s3, $0x1;
	v3 =	vunpack.c.0.s8.s32 v6;
	v0 =	vimm.s32 $0xFFFFFFFF;
	v4 =	vcombine.low v5, v4;
	s9 =	sadd.s32 s6, s9  }
0xc: {  	v5 =	vunpack.c.0.s8.s32 v7;
	s0 =	smax.u32 s0, $0x1;
	[dreg:$0x5] =	wrdreg s3;
	v7 =	vmov s10;
	s9 =	sadd.s32 $0x1380, s9;
	v1 =	vand.u32 $0xF, v1  }
0xd: {  	s8 =	sor.u32 $0x10, s5;
	s0 =	sshll.u32 s0, $0x6;
	v2 =	vand.u32 $0xF, v2;
	v6 =	vand.u32 $0xF, v3;
	v3 =	vand.u32 $0xF, v4;
	[dreg:$0x4] =	wrdreg s9  }
0xe: {  	s22 =	simm.s32 $0x0;
	p0 =	seq.s32 s1, $0x0;
	[dreg:$0x6] =	wrdreg s0;
	v4 =	vcombine.low v6, v5;
	v5 =	vmov s7;
	v6 =	vmov s8  }
.LBB2_66:
0xf: {  	s0 =	rddreg [dreg:$0x4]  }
0x10: {  	[hbm4b:s0+s4] =	stream.linear.scatter [tilespmem:s14], [sflag:$0x4], $0x400, $0x38;
	[tilespmem:$0x1CC80] =	vst v63  }
0x11: {  	_ =	swait.ge [sflag:s20], $0x400  }
0x12: {  	[sflag:s20] =	ssyncset.done $0x0  }
0x13: {  	s30 =	simm.s32 $0x5;
	[sflag:s20] =	ssyncadd.s32 $0xFFFFFC00  }
0x14: {  	_ =	swait.ge [sflag:s30], $0x400  }
0x15: {  	[sflag:s30] =	ssyncset.done $0x0  }
0x16: {  	s1 =	simm.s32 $0x6;
	[sflag:s30] =	ssyncadd.s32 $0xFFFFFC00  }
0x17: {  	_ =	swait.ge [sflag:s1], $0x400  }
0x18: {  	s22 =	sadd.s32 $0x1, s22;
	s31 =	rddreg [dreg:$0x5]  }
0x19: {  	p1 =	sne.s32 s22, s31  }
.Ltmp1:
0x1a: {  	_ = 	snop;
	(pc) =	sbr.rel @!p1 .LBB2_67-.Ltmp1, $3  }
0x1b: {  	_ =	sdelay $0x1  }
0x1c: {  	[sflag:s1] =	ssyncset.done $0x0  }
0x1d: {  	[sflag:s1] =	ssyncadd.s32 $0xFFFFFC00  }
.LBB2_1:
0x1e: {  	s0 =	rddreg [dreg:$0x0];
	s31 =	simm.s32 $0x7  }
0x1f: {  	[tilespmem:s4], [sflag:$0x7] =	stream.linear.gather [hbm4b:s0+s4], $0x2710, $0x38;
	[tilespmem:$0x1CC80] =	vst v63  }
0x20: {  	_ =	swait.ge [sflag:s31], $0x2710  }
0x21: {  	[sflag:s31] =	ssyncset.done $0x0  }
0x22: {  	[sflag:s31] =	ssyncadd.s32 $0xFFFFD8F0  }
0x23: {  	[tilespmem:$0x2710] =	vst v0  }
0x24: {  	[tilespmem:$0x2720] =	vst v0  }
0x25: {  	[tilespmem:$0x2730] =	vst v0  }
0x26: {  	[tilespmem:$0x2740] =	vst v0  }
0x27: {  	[tilespmem:$0x2750] =	vst v0  }
0x28: {  	[tilespmem:$0x2760] =	vst v0  }
0x29: {  	[tilespmem:$0x2770] =	vst v0  }
0x2a: {  	[tilespmem:$0x2780] =	vst v0  }
0x2b: {  	[tilespmem:$0x2790] =	vst v0  }
0x2c: {  	[tilespmem:$0x27A0] =	vst v0  }
0x2d: {  	[tilespmem:$0x27B0] =	vst v0  }
.Ltmp2:
0x2e: {  	[tilespmem:$0x27C0] =	vst v0;
	(pc) =	sbr.rel @p0 .LBB2_5-.Ltmp2, $4  }
0x2f: {  	[tilespmem:$0x27D0] =	vst v0  }
0x30: {  	[tilespmem:$0x27E0] =	vst v0  }
0x31: {  	[tilespmem:$0x27F0] =	vst v0  }
0x32: {  	v8 =	vimm.s32 $0x0;
	[tilespmem:$0x2800] =	vst v0  }
0x33: {  	s0 =	rddreg [dreg:$0x6]  }
0x34: {  	p1 =	sne.s32 s0, $0x40  }
.Ltmp3:
0x35: {  	_ = 	snop;
	(pc) =	sbr.rel @!p1 .LBB2_4-.Ltmp3, $2  }
0x36: {  	_ =	sdelay $0x2  }
0x37: {  	v9 =	vld [tilespmem:s4+$0x0];
	s1 =	simm.s32 $0x0;
	s0 =	sadd.s32 $0xFFFFFFC0, s0  }
.LBB2_3:
0x38: {  	p1 =	sne.s32 s0, $0x40  }
.Ltmp4:
0x39: {  	_ = 	snop;
	(pc) =	sbr.rel @p1 .LBB2_3-.Ltmp4, $3  }
0x3a: {  	_ =	sdelay $0x1  }
0x3b: {  	s0 =	sadd.s32 $0xFFFFFFC0, s0;
	s1 =	sadd.s32 $0x10, s1;
	v8 =	vadd.s32 v8, v9  }
0x3c: {  	v9 =	vld [tilespmem:s1+$0x0]  }
.LBB2_4:
0x3d: {  	_ =	sdelay $0x3  }
0x3e: {  	v8 =	vadd.s32 v8, v9  }
.LBB2_5:
0x3f: {  	v9 =	vperm.xlane v8, v1  }
0x40: {  	v10 =	vld [tilespmem:s5+$0x0]  }
0x41: {  	v8 =	vadd.s32 v8, v9  }
0x42: {  	v9 =	vperm.xlane v8, v2;
	_ =	sdelay $0x1  }
0x43: {  	v8 =	vadd.s32 v9, v8  }
0x44: {  	v10 =	vadd.s32 $0x1, v10;
	v9 =	vperm.xlane v8, v3  }
0x45: {  	v10 =	vnsel vm0, $0x0, v10  }
0x46: {  	v63 =	vperm.xlane v10, v1;
	v8 =	vadd.s32 v9, v8  }
0x47: {  	v11 =	vperm.xlane v8, v4  }
0x48: {  	v9 =	vadd.s32 v63, v10  }
0x49: {  	v10 =	vperm.xlane v9, v2;
	v8 =	vadd.s32 v11, v8  }
0x4a: {  	(v2sf) =	vpush v8, $0x0  }
0x4b: {  	v8 =	vadd.s32 v10, v9  }
0x4c: {  	v9 =	vperm.xlane v8, v3;
	_ =	sdelay $0x1  }
0x4d: {  	v8 =	vadd.s32 v9, v8  }
0x4e: {  	v9 =	vperm.xlane v8, v4;
	_ =	sdelay $0x1  }
0x4f: {  	v8 =	vadd.s32 v9, v8  }
0x50: {  	(v2sf) =	vpush v8, $0x0;
	_ =	sdelay $0x6  }
0x51: {  	s0 =	spop (v2sf)  }
0x52: {  	s24 =	sadd.s32 s5, s0;
	s0 =	sand.u32 $0x7, s0  }
0x53: {  	s1 =	sshra.s32 s24, $0x1F;
	p1 =	slt.s32 s24, $0x1;
	p2 =	sne.s32 s0, $0x0  }
0x54: {  	s28 =	sshrl.u32 s1, $0x1D;
	p1 =	por !p1, !p2  }
0x55: {  	s1 =	simm.s32 $0x1;
	s0 =	sadd.s32 s28, s24;
	p1 =	por !p1, !p1  }
0x56: {  	s0 =	sshrl.u32 s0, $0x3;
	s1 =	simm.s32 @!p1 $0x0  }
0x57: {  	s0 =	ssub.s32 s0, s1  }
0x58: {  	s0 =	sshll.u32 s0, $0x3  }
0x59: {  	s30 =	spop (v2sf);
	p1 =	slt.s32 s0, $0x4E0F0  }
0x5a: {  	s3 =	sadd.s32 s30, s24;
	s0 =	simm.s32 @!p1 $0x4E0F0  }
0x5b: {  	s3 =	ssub.s32 s3, s0  }
0x5c: {  	s3 =	sadd.s32 $0xF, s3  }
0x5d: {  	s9 =	sand.u32 $0xF, s3  }
0x5e: {  	s31 =	sshra.s32 s3, $0x1F;
	p6 =	slt.s32 s3, $0x1;
	p5 =	sne.s32 s9, $0x0  }
0x5f: {  	s9 =	sshrl.u32 s31, $0x1C;
	p1 =	por !p6, !p5  }
0x60: {  	s3 =	sadd.s32 s9, s3;
	s9 =	simm.s32 $0x1;
	p1 =	por !p1, !p1  }
0x61: {  	s3 =	sshra.s32 s3, $0x4;
	s9 =	simm.s32 @!p1 $0x0  }
0x62: {  	p1 =	sgt.s32 s30, $0x0;
	s29 =	ssub.s32 s3, s9  }
0x63: {  	s29 =	simm.s32 @!p1 $0x0  }
0x64: {  	p1 =	slt.s32 s29, $0x1  }
.Ltmp5:
0x65: {  	_ = 	snop;
	(pc) =	sbr.rel @p1 .LBB2_8-.Ltmp5, $1  }
0x66: {  	_ =	sdelay $0x3  }
0x67: {  	p1 =	sne.s32 s29, $0x1  }
.Ltmp6:
0x68: {  	s3 =	sshll.u32 s0, $0x7;
	(pc) =	sbr.rel @!p1 .LBB2_8-.Ltmp6, $4  }
0x69: {  	s1 =	sshrl.u32 s3, $0x3  }
0x6a: {  	s0 =	simm.s32 $0x2880;
	s1 =	sadd.s32 s2, s1  }
0x6b: {  	[tilespmem:s0], [sflag:$0x1] =	stream.linear.gather [hbm4b:s1+s4], $0x800, $0x38;
	[tilespmem:$0x1CC80] =	vst v63  }
0x6c: {  	s3 =	sadd.s32 $0x800, s3;
	s1 =	sadd.s32 $0xFFFFFFFF, s29  }
.LBB2_7:
0x6d: {  	s9 =	sshrl.u32 s3, $0x3;
	p1 =	sne.s32 s1, $0x1;
	s1 =	sadd.s32 $0xFFFFFFFF, s1  }
.Ltmp7:
0x6e: {  	s0 =	sadd.s32 $0x800, s0;
	s9 =	sadd.s32 s2, s9;
	(pc) =	sbr.rel @p1 .LBB2_7-.Ltmp7, $3  }
0x6f: {  	[tilespmem:s0], [sflag:$0x1] =	stream.linear.gather [hbm4b:s9+s4], $0x800, $0x38;
	[tilespmem:$0x1CC80] =	vst v63  }
0x70: {  	_ =	sdelay $0x1  }
0x71: {  	s3 =	sadd.s32 $0x800, s3  }
.LBB2_8:
0x72: {  	v8 =	vld [tilespmem:s5+$0x0];
	_ =	sdelay $0x4  }
0x73: {  	v8 =	vadd.s32 $0x1, v8  }
0x74: {  	v8 =	vnsel vm0, $0x0, v8  }
0x75: {  	v9 =	vperm.xlane v8, v1;
	_ =	sdelay $0x1  }
0x76: {  	v63 =	vld [tilespmem:s5+$0x8];
	v8 =	vadd.s32 v9, v8  }
0x77: {  	v10 =	vperm.xlane v8, v2;
	_ =	sdelay $0x1  }
0x78: {  	v8 =	vadd.s32 v10, v8  }
0x79: {  	v10 =	vperm.xlane v8, v3  }
0x7a: {  	v9 =	vadd.s32 $0x1, v63  }
0x7b: {  	v9 =	vnsel vm0, $0x0, v9;
	v8 =	vadd.s32 v10, v8  }
0x7c: {  	v11 =	vperm.xlane v9, v1;
	v10 =	vperm.xlane v8, v4;
	_ =	sdelay $0x1  }
0x7d: {  	v9 =	vadd.s32 v11, v9;
	v8 =	vadd.s32 v10, v8  }
0x7e: {  	(v2sf) =	vpush v8, $0x0;
	v8 =	vperm.xlane v9, v2;
	_ =	sdelay $0x1  }
0x7f: {  	v8 =	vadd.s32 v8, v9  }
0x80: {  	v9 =	vperm.xlane v8, v3;
	_ =	sdelay $0x1  }
0x81: {  	v8 =	vadd.s32 v9, v8  }
0x82: {  	v9 =	vperm.xlane v8, v4;
	_ =	sdelay $0x1  }
0x83: {  	v8 =	vadd.s32 v9, v8  }
0x84: {  	(v2sf) =	vpush v8, $0x0;
	_ =	sdelay $0x5  }
0x85: {  	s0 =	spop (v2sf)  }
0x86: {  	s28 =	sadd.s32 s24, s0  }
0x87: {  	s0 =	sand.u32 $0x7, s28  }
0x88: {  	s1 =	sshra.s32 s28, $0x1F;
	p1 =	slt.s32 s28, $0x1;
	p2 =	sne.s32 s0, $0x0  }
0x89: {  	s25 =	sshrl.u32 s1, $0x1D;
	p1 =	por !p1, !p2  }
0x8a: {  	s1 =	simm.s32 $0x1;
	s0 =	sadd.s32 s25, s28;
	p1 =	por !p1, !p1  }
0x8b: {  	s0 =	sshrl.u32 s0, $0x3;
	s1 =	simm.s32 @!p1 $0x0  }
0x8c: {  	s0 =	ssub.s32 s0, s1  }
0x8d: {  	s0 =	sshll.u32 s0, $0x3  }
0x8e: {  	s26 =	spop (v2sf);
	p1 =	slt.s32 s0, $0x4E0F0  }
0x8f: {  	s0 =	simm.s32 @!p1 $0x4E0F0;
	s3 =	sadd.s32 s26, s28  }
0x90: {  	s3 =	ssub.s32 s3, s0  }
0x91: {  	s3 =	sadd.s32 $0xF, s3  }
0x92: {  	s9 =	sand.u32 $0xF, s3  }
0x93: {  	s31 =	sshra.s32 s3, $0x1F;
	p6 =	slt.s32 s3, $0x1;
	p5 =	sne.s32 s9, $0x0  }
0x94: {  	s9 =	sshrl.u32 s31, $0x1C;
	p1 =	por !p6, !p5  }
0x95: {  	s3 =	sadd.s32 s9, s3;
	s9 =	simm.s32 $0x1;
	p1 =	por !p1, !p1  }
0x96: {  	s3 =	sshra.s32 s3, $0x4;
	s9 =	simm.s32 @!p1 $0x0  }
0x97: {  	p1 =	sgt.s32 s26, $0x0;
	s30 =	ssub.s32 s3, s9  }
0x98: {  	s30 =	simm.s32 @!p1 $0x0  }
0x99: {  	p1 =	sgt.s32 s30, $0x0  }
.Ltmp8:
0x9a: {  	_ = 	snop;
	(pc) =	sbr.rel @!p1 .LBB2_9-.Ltmp8, $1  }
0x9b: {  	_ =	sdelay $0x3  }
0x9c: {  	p1 =	seq.s32 s30, $0x1  }
.Ltmp9:
0x9d: {  	s3 =	sshll.u32 s0, $0x7;
	(pc) =	sbr.rel @p1 .LBB2_9-.Ltmp9, $4  }
0x9e: {  	s1 =	sshrl.u32 s3, $0x3  }
0x9f: {  	s0 =	simm.s32 $0xB080;
	s1 =	sadd.s32 s2, s1  }
0xa0: {  	[tilespmem:s0], [sflag:$0x2] =	stream.linear.gather [hbm4b:s1+s4], $0x800, $0x38;
	[tilespmem:$0x1CC80] =	vst v63  }
0xa1: {  	s3 =	sadd.s32 $0x800, s3;
	s1 =	sadd.s32 $0xFFFFFFFF, s30  }
.LBB2_21:
0xa2: {  	s9 =	sshrl.u32 s3, $0x3;
	p1 =	seq.s32 s1, $0x1;
	s1 =	sadd.s32 $0xFFFFFFFF, s1  }
.Ltmp10:
0xa3: {  	s0 =	sadd.s32 $0x800, s0;
	s9 =	sadd.s32 s2, s9;
	(pc) =	sbr.rel @!p1 .LBB2_21-.Ltmp10, $3  }
0xa4: {  	[tilespmem:s0], [sflag:$0x2] =	stream.linear.gather [hbm4b:s9+s4], $0x800, $0x38;
	[tilespmem:$0x1CC80] =	vst v63  }
0xa5: {  	_ =	sdelay $0x1  }
0xa6: {  	s3 =	sadd.s32 $0x800, s3  }
.LBB2_9:
.Ltmp11:
0xa7: {  	(pc) =	sbr.rel .LBB2_10-.Ltmp11, $2  }
0xa8: {  	_ =	sdelay $0x2  }
0xa9: {  	s23 =	simm.s32 $0x0  }
.LBB2_54:
0xaa: {  	s23 =	sadd.s32 $0x1, s23  }
0xab: {  	p1 =	seq.s32 s23, $0xD  }
.Ltmp12:
0xac: {  	_ = 	snop;
	(pc) =	sbr.rel @p1 .LBB2_55-.Ltmp12, $4  }
0xad: {  	_ = 	snop  }
0xae: {  	s0 =	sshll.u32 s26, $0x4  }
0xaf: {  	s0 =	sadd.s32 s6, s0  }
0xb0: {  	[hbm4b:s0+s4] =	stream.linear.scatter [tilespmem:s18], [sflag:$0x6], $0x400, $0x38;
	[tilespmem:$0x1CC80] =	vst v63  }
.LBB2_10:
0xb1: {  	_ =	sdelay $0x1  }
0xb2: {  	s9 =	smul.u32 $0x18, s23;
	_ =	sdelay $0x1  }
0xb3: {  	v8 =	vld.idx.msk [tilespmem:v5+s9+$0x0 ss:$0x1], $0xffff;
	_ =	sdelay $0x4  }
0xb4: {  	v8 =	vadd.s32 $0x1, v8  }
0xb5: {  	v8 =	vnsel vm0, $0x0, v8  }
0xb6: {  	v9 =	vperm.xlane v8, v1;
	_ =	sdelay $0x1  }
0xb7: {  	v8 =	vadd.s32 v9, v8  }
0xb8: {  	v9 =	vperm.xlane v8, v2  }
0xb9: {  	v10 =	vld.idx.msk [tilespmem:v6+s9+$0x0 ss:$0x1], $0xffff  }
0xba: {  	v8 =	vadd.s32 v9, v8  }
0xbb: {  	v9 =	vperm.xlane v8, v3;
	_ =	sdelay $0x1  }
0xbc: {  	v8 =	vadd.s32 v9, v8  }
0xbd: {  	v10 =	vadd.s32 $0x1, v10;
	v9 =	vperm.xlane v8, v4  }
0xbe: {  	v10 =	vnsel vm0, $0x0, v10  }
0xbf: {  	v63 =	vperm.xlane v10, v1;
	v8 =	vadd.s32 v9, v8  }
0xc0: {  	(v2sf) =	vpush v8, $0x0  }
0xc1: {  	v8 =	vadd.s32 v63, v10  }
0xc2: {  	v9 =	vperm.xlane v8, v2;
	_ =	sdelay $0x1  }
0xc3: {  	v8 =	vadd.s32 v9, v8  }
0xc4: {  	v9 =	vperm.xlane v8, v3;
	_ =	sdelay $0x1  }
0xc5: {  	v8 =	vadd.s32 v9, v8  }
0xc6: {  	v9 =	vperm.xlane v8, v4;
	_ =	sdelay $0x1  }
0xc7: {  	v8 =	vadd.s32 v9, v8  }
0xc8: {  	(v2sf) =	vpush v8, $0x0;
	_ =	sdelay $0x3  }
0xc9: {  	s0 =	spop (v2sf)  }
0xca: {  	s3 =	sadd.s32 s28, s0  }
0xcb: {  	s0 =	sand.u32 $0x7, s3  }
0xcc: {  	s1 =	sshra.s32 s3, $0x1F;
	p1 =	slt.s32 s3, $0x1;
	p2 =	sne.s32 s0, $0x0  }
0xcd: {  	s20 =	sshrl.u32 s1, $0x1D;
	p1 =	por !p1, !p2  }
0xce: {  	s1 =	simm.s32 $0x1;
	s0 =	sadd.s32 s20, s3;
	p1 =	por !p1, !p1  }
0xcf: {  	s0 =	sshrl.u32 s0, $0x3;
	s1 =	simm.s32 @!p1 $0x0  }
0xd0: {  	s0 =	ssub.s32 s0, s1  }
0xd1: {  	s1 =	sshll.u32 s0, $0x3  }
0xd2: {  	p1 =	slt.s32 s1, $0x4E0F0  }
0xd3: {  	s1 =	simm.s32 @!p1 $0x4E0F0  }
0xd4: {  	s21 =	spop (v2sf);
	s25 =	ssub.s32 s3, s1  }
0xd5: {  	s10 =	sadd.s32 s25, s21  }
0xd6: {  	s10 =	sadd.s32 $0xF, s10  }
0xd7: {  	s11 =	sand.u32 $0xF, s10  }
0xd8: {  	s12 =	sshra.s32 s10, $0x1F;
	p5 =	slt.s32 s10, $0x1;
	p6 =	sne.s32 s11, $0x0  }
0xd9: {  	s26 =	sshrl.u32 s12, $0x1C;
	p1 =	por !p5, !p6  }
0xda: {  	s11 =	simm.s32 $0x1;
	s10 =	sadd.s32 s26, s10;
	p1 =	por !p1, !p1  }
0xdb: {  	s10 =	sshra.s32 s10, $0x4;
	s11 =	simm.s32 @!p1 $0x0  }
0xdc: {  	p1 =	sgt.s32 s21, $0x0;
	s31 =	ssub.s32 s10, s11  }
0xdd: {  	s31 =	simm.s32 @!p1 $0x0  }
0xde: {  	p1 =	slt.s32 s31, $0x1  }
.Ltmp13:
0xdf: {  	_ = 	snop;
	(pc) =	sbr.rel @p1 .LBB2_13-.Ltmp13, $2  }
0xe0: {  	_ =	sdelay $0x2  }
0xe1: {  	s0 =	sadd.s32 s9, s7;
	s26 =	sadd.s32 s9, s8  }
0xe2: {  	p1 =	seq.s32 s31, $0x1  }
.Ltmp14:
0xe3: {  	s11 =	sshll.u32 s1, $0x7;
	(pc) =	sbr.rel @p1 .LBB2_13-.Ltmp14, $4  }
0xe4: {  	s10 =	sshrl.u32 s11, $0x3  }
0xe5: {  	s1 =	simm.s32 $0x13880;
	s10 =	sadd.s32 s2, s10  }
0xe6: {  	[tilespmem:s1], [sflag:$0x3] =	stream.linear.gather [hbm4b:s10+s4], $0x800, $0x38;
	[tilespmem:$0x1CC80] =	vst v63  }
0xe7: {  	s11 =	sadd.s32 $0x800, s11;
	s10 =	sadd.s32 $0xFFFFFFFF, s31  }
.LBB2_12:
0xe8: {  	s12 =	sshrl.u32 s11, $0x3;
	p1 =	seq.s32 s10, $0x1;
	s10 =	sadd.s32 $0xFFFFFFFF, s10  }
.Ltmp15:
0xe9: {  	s1 =	sadd.s32 $0x800, s1;
	s12 =	sadd.s32 s2, s12;
	(pc) =	sbr.rel @!p1 .LBB2_12-.Ltmp15, $3  }
0xea: {  	[tilespmem:s1], [sflag:$0x3] =	stream.linear.gather [hbm4b:s12+s4], $0x800, $0x38;
	[tilespmem:$0x1CC80] =	vst v63  }
0xeb: {  	_ =	sdelay $0x1  }
0xec: {  	s11 =	sadd.s32 $0x800, s11  }
.LBB2_13:
0xed: {  	p1 =	sgt.s32 s29, $0x0  }
.Ltmp16:
0xee: {  	_ = 	snop;
	(pc) =	sbr.rel @!p1 .LBB2_17-.Ltmp16, $1  }
0xef: {  	_ =	sdelay $0x3  }
0xf0: {  	p1 =	sne.s32 s29, $0x1  }
.Ltmp17:
0xf1: {  	_ = 	snop;
	(pc) =	sbr.rel @!p1 .LBB2_16-.Ltmp17, $3  }
0xf2: {  	_ =	sdelay $0x1  }
0xf3: {  	_ =	swait.ge [sflag:s13], $0x800  }
0xf4: {  	s1 =	sadd.s32 $0xFFFFFFFF, s29;
	[sflag:s13] =	ssyncset.done $0x0  }
.LBB2_15:
0xf5: {  	p1 =	sne.s32 s1, $0x1;
	s1 =	sadd.s32 $0xFFFFFFFF, s1;
	[sflag:s13] =	ssyncadd.s32 $0xFFFFF800  }
.Ltmp18:
0xf6: {  	(pc) =	sbr.rel @p1 .LBB2_15-.Ltmp18, $3  }
0xf7: {  	_ =	sdelay $0x1  }
0xf8: {  	_ =	swait.ge [sflag:s13], $0x800  }
0xf9: {  	[sflag:s13] =	ssyncset.done $0x0  }
.LBB2_16:
0xfa: {  	[sflag:s13] =	ssyncadd.s32 $0xFFFFF800  }
.LBB2_17:
0xfb: {  	s1 =	sand.u32 $0x7, s24  }
0xfc: {  	s10 =	sshra.s32 s24, $0x1F;
	p1 =	slt.s32 s24, $0x1;
	p2 =	sne.s32 s1, $0x0  }
0xfd: {  	s20 =	sshrl.u32 s10, $0x1D;
	p1 =	por !p1, !p2  }
0xfe: {  	s10 =	simm.s32 $0x1;
	s1 =	sadd.s32 s20, s24;
	p1 =	por !p1, !p1  }
0xff: {  	s1 =	sshrl.u32 s1, $0x3;
	s10 =	simm.s32 @!p1 $0x0  }
0x100: {  	s21 =	smul.u32 $0x60, s23;
	s1 =	ssub.s32 s1, s10  }
.Ltmp19:
0x101: {  	p1 =	seq.s32 s23, $0x0;
	s1 =	sshll.u32 s1, $0x3;
	(pc) =	sbr.rel .LBB2_18-.Ltmp19, $4  }
0x102: {  	s11 =	simm.s32 @!p1 $0x4;
	p2 =	slt.s32 s1, $0x4E0F0  }
0x103: {  	s10 =	sshra.s32 s21, $0x2;
	_ =	swait.ge @!p1 [sflag:s11], $0x400;
	s1 =	simm.s32 @!p2 $0x4E0F0  }
0x104: {  	[sflag:s11] =	ssyncset.done @!p1 $0x0;
	s24 =	ssub.s32 s24, s1;
	s1 =	sadd.s32 s10, s5  }
0x105: {  	s29 =	simm.s32 $0x0;
	[sflag:s11] =	ssyncadd.s32 @!p1 $0xFFFFFC00;
	s10 =	simm.s32 $0x0;
	v8 =	vmov s1  }
.LBB2_19:
0x106: {  	v20 =	vimm.f32 $0.0e+00;
	v13 =	vimm.f32 $0.0e+00  }
0x107: {  	v16 =	vimm.f32 $0.0e+00;
	v11 =	vimm.f32 $0.0e+00;
	v14 =	vimm.f32 $0.0e+00  }
0x108: {  	v12 =	vimm.f32 $0.0e+00;
	v10 =	vimm.f32 $0.0e+00;
	v9 =	vimm.f32 $0.0e+00  }
.LBB2_25:
0x109: {  	s12 =	sadd.s32 s12, s20  }
0x10a: {  	s19 =	scvt.s32.f32 s11;
	p2 =	sgt.s32 s12, $0x0  }
0x10b: {  	s12 =	simm.s32 @!p2 $0x0  }
0x10c: {  	v15 =	vmov s19;
	s12 =	sshll.u32 s12, $0x9  }
0x10d: {  	(erf) = vrcp.f32 v15;
	s12 =	sshra.s32 s12, $0x2  }
0x10e: {  	v56 =	vld [tilespmem:s12+$0x2880]  }
0x10f: {  	v17 =	vld [tilespmem:s12+$0x2890]  }
0x110: {  	s20 =	sand.u32 $0x1, s11;
	v18 =	vld [tilespmem:s12+$0x28A0]  }
0x111: {  	s19 =	scvt.s32.f32 s20;
	v19 =	vld [tilespmem:s12+$0x28B0]  }
0x112: {  	v21 =	vld [tilespmem:s12+$0x28C0]  }
0x113: {  	v23 =	vld [tilespmem:s12+$0x28E0];
	v15 =	vmul.f32 s19, v56  }
0x114: {  	v57 =	vld [tilespmem:s12+$0x28F0];
	v17 =	vmul.f32 s19, v17  }
0x115: {  	v22 =	vld [tilespmem:s12+$0x28D0];
	v18 =	vmul.f32 s19, v18;
	v15 =	vadd.f32 v15, v20  }
0x116: {  	v58 =	vmul.f32 s19, v19;
	v13 =	vadd.f32 v17, v13;
	v59 =	vpop (erf)  }
0x117: {  	s21 =	sshll.u32 s10, $0x7;
	v60 =	vmul.f32 s19, v21;
	v16 =	vadd.f32 v18, v16;
	v15 =	vmul.f32 v15, v59  }
0x118: {  	s12 =	sand.u32 $0x3FFFFF80, s21;
	v62 =	vmul.f32 s19, v23;
	v11 =	vadd.f32 v58, v11;
	v13 =	vmul.f32 v13, v59  }
0x119: {  	v63 =	vmul.f32 s19, v57;
	v14 =	vadd.f32 v60, v14;
	v16 =	vmul.f32 v16, v59;
	[tilespmem:s12+$0x1C080] =	vst v15  }
0x11a: {  	s10 =	sadd.s32 $0x1, s10;
	v61 =	vmul.f32 s19, v22;
	v10 =	vadd.f32 v62, v10;
	v11 =	vmul.f32 v11, v59;
	[tilespmem:s12+$0x1C090] =	vst v13  }
0x11b: {  	p2 =	sne.s32 s10, $0x8;
	v9 =	vadd.f32 v63, v9;
	v14 =	vmul.f32 v14, v59;
	[tilespmem:s12+$0x1C0A0] =	vst v16  }
.Ltmp20:
0x11c: {  	v12 =	vadd.f32 v61, v12;
	v10 =	vmul.f32 v10, v59;
	[tilespmem:s12+$0x1C0B0] =	vst v11;
	(pc) =	sbr.rel @!p2 .LBB2_26-.Ltmp20, $4  }
0x11d: {  	v9 =	vmul.f32 v9, v59;
	[tilespmem:s12+$0x1C0C0] =	vst v14  }
0x11e: {  	v11 =	vmul.f32 v12, v59;
	[tilespmem:s12+$0x1C0E0] =	vst v10  }
0x11f: {  	[tilespmem:s12+$0x1C0F0] =	vst v9  }
0x120: {  	s29 =	sadd.s32 s29, s11;
	[tilespmem:s12+$0x1C0D0] =	vst v11  }
.LBB2_18:
0x121: {  	_ =	sdelay $0x3  }
0x122: {  	v9 =	vld.idx.msk [tilespmem:v8+s10+$0x0 ss:$0x1], $0xffff;
	_ =	sdelay $0x4  }
0x123: {  	(v2sf) =	vpush v9, $0x0;
	_ =	sdelay $0xe  }
0x124: {  	s12 =	spop (v2sf)  }
0x125: {  	s11 =	sadd.s32 $0x1, s12  }
0x126: {  	s20 =	simm.s32 $0x1;
	p2 =	slt.u32 s12, $0x7FFFFFFF;
	s19 =	sshrl.u32 s11, $0x1F  }
0x127: {  	s20 =	simm.s32 @!p2 $0x0;
	s21 =	sshra.s32 s11, $0x1F;
	s19 =	sadd.s32 s19, s11  }
0x128: {  	s20 =	sadd.s32 s20, s21;
	s21 =	sand.u32 $0xFFFFFFFE, s19  }
0x129: {  	p6 =	sne.s32 s20, $0x1;
	p3 =	sne.s32 s11, s21  }
0x12a: {  	p2 =	por !p3, !p6  }
0x12b: {  	s20 =	simm.s32 $0x1;
	p2 =	por !p2, !p2  }
0x12c: {  	s19 =	sshra.s32 s19, $0x1;
	s20 =	simm.s32 @!p2 $0x0  }
0x12d: {  	s19 =	ssub.s32 s19, s20  }
0x12e: {  	p2 =	slt.s32 s19, $0x1  }
.Ltmp21:
0x12f: {  	_ = 	snop;
	(pc) =	sbr.rel @p2 .LBB2_19-.Ltmp21, $2  }
0x130: {  	_ =	sdelay $0x2  }
0x131: {  	s20 =	sadd.s32 s24, s29  }
0x132: {  	s21 =	sshll.u32 s20, $0x9  }
0x133: {  	s21 =	sshra.s32 s21, $0x2  }
0x134: {  	s21 =	sadd.s32 $0x2900, s21  }
0x135: {  	v11 =	vld [tilespmem:s21+$0x0]  }
0x136: {  	v13 =	vld [tilespmem:s21+$0x10]  }
0x137: {  	v12 =	vld [tilespmem:s21+$0x20]  }
0x138: {  	v14 =	vld [tilespmem:s21+$0x30]  }
0x139: {  	v9 =	vld [tilespmem:s21+$0x40]  }
0x13a: {  	v10 =	vld [tilespmem:s21+$0x50]  }
0x13b: {  	v15 =	vld [tilespmem:s21+$0xFFFFFF80]  }
0x13c: {  	v17 =	vld [tilespmem:s21+$0xFFFFFF90]  }
0x13d: {  	p2 =	sne.s32 s19, $0x1;
	v25 =	vld [tilespmem:s21+$0xFFFFFFA0]  }
.Ltmp22:
0x13e: {  	v26 =	vld [tilespmem:s21+$0xFFFFFFB0];
	(pc) =	sbr.rel @!p2 .LBB2_24-.Ltmp22, $4  }
0x13f: {  	v21 =	vld [tilespmem:s21+$0xFFFFFFC0]  }
0x140: {  	v16 =	vimm.f32 $0.0e+00;
	v20 =	vimm.f32 $0.0e+00;
	v22 =	vld [tilespmem:s21+$0xFFFFFFD0]  }
0x141: {  	v18 =	vimm.f32 $0.0e+00;
	v19 =	vimm.f32 $0.0e+00;
	v23 =	vld [tilespmem:s21+$0xFFFFFFE0];
	v27 =	vadd.f32 v15, v16  }
0x142: {  	s19 =	sadd.s32 $0xFFFFFFFF, s19;
	v24 =	vld [tilespmem:s21+$0xFFFFFFF0];
	v28 =	vadd.f32 v17, v16;
	v15 =	vimm.f32 $0.0e+00;
	v17 =	vimm.f32 $0.0e+00  }
.LBB2_23:
0x143: {  	p2 =	sne.s32 s19, $0x1;
	v16 =	vadd.f32 v25, v16;
	v20 =	vadd.f32 v26, v20;
	v25 =	vld [tilespmem:s21+$0x60]  }
0x144: {  	v27 =	vadd.f32 v11, v27;
	v28 =	vadd.f32 v13, v28;
	v26 =	vld [tilespmem:s21+$0x70];
	s21 =	sadd.s32 $0x100, s21  }
0x145: {  	v11 =	vld [tilespmem:s21+$0x0];
	v16 =	vadd.f32 v12, v16;
	v20 =	vadd.f32 v14, v20  }
0x146: {  	v15 =	vadd.f32 v21, v15;
	v17 =	vadd.f32 v22, v17;
	v13 =	vld [tilespmem:s21+$0x10]  }
0x147: {  	v18 =	vadd.f32 v23, v18;
	v12 =	vld [tilespmem:s21+$0x20];
	v19 =	vadd.f32 v24, v19  }
0x148: {  	v15 =	vadd.f32 v9, v15;
	v17 =	vadd.f32 v10, v17;
	v14 =	vld [tilespmem:s21+$0x30]  }
0x149: {  	v18 =	vadd.f32 v25, v18;
	v9 =	vld [tilespmem:s21+$0x40];
	v19 =	vadd.f32 v26, v19  }
0x14a: {  	v10 =	vld [tilespmem:s21+$0x50]  }
0x14b: {  	v24 =	vld [tilespmem:s21+$0xFFFFFF80]  }
0x14c: {  	v29 =	vld [tilespmem:s21+$0xFFFFFF90]  }
0x14d: {  	v25 =	vld [tilespmem:s21+$0xFFFFFFA0]  }
.Ltmp23:
0x14e: {  	v26 =	vld [tilespmem:s21+$0xFFFFFFB0];
	(pc) =	sbr.rel @p2 .LBB2_23-.Ltmp23, $4  }
0x14f: {  	v21 =	vld [tilespmem:s21+$0xFFFFFFC0]  }
0x150: {  	v22 =	vld [tilespmem:s21+$0xFFFFFFD0]  }
0x151: {  	v23 =	vld [tilespmem:s21+$0xFFFFFFE0]  }
0x152: {  	s19 =	sadd.s32 $0xFFFFFFFF, s19;
	v27 =	vadd.f32 v24, v27;
	v28 =	vadd.f32 v29, v28;
	v24 =	vld [tilespmem:s21+$0xFFFFFFF0]  }
.LBB2_24:
0x153: {  	v16 =	vadd.f32 v25, v16;
	v61 =	vadd.f32 v26, v20;
	v62 =	vld [tilespmem:s21+$0x60]  }
0x154: {  	v63 =	vld [tilespmem:s21+$0x70];
	v20 =	vadd.f32 v11, v27;
	v13 =	vadd.f32 v13, v28  }
.Ltmp24:
0x155: {  	v16 =	vadd.f32 v12, v16;
	v11 =	vadd.f32 v14, v61;
	(pc) =	sbr.rel .LBB2_25-.Ltmp24, $4  }
0x156: {  	v12 =	vadd.f32 v21, v15;
	v15 =	vadd.f32 v22, v17  }
0x157: {  	v17 =	vadd.f32 v23, v18;
	v18 =	vadd.f32 v24, v19  }
0x158: {  	v14 =	vadd.f32 v9, v12;
	v12 =	vadd.f32 v10, v15  }
0x159: {  	v10 =	vadd.f32 v62, v17;
	v9 =	vadd.f32 v63, v18  }
.LBB2_26:
0x15a: {  	s9 =	sadd.s32 s5, s9  }
0x15b: {  	s9 =	sshll.u32 s9, $0x4  }
0x15c: {  	s9 =	sadd.s32 s6, s9  }
0x15d: {  	[hbm4b:s9+s4] =	stream.linear.scatter [tilespmem:s14], [sflag:$0x4], $0x400, $0x38;
	[tilespmem:$0x1CC80] =	vst v63  }
0x15e: {  	v8 =	vld [tilespmem:s26+$0x0];
	_ =	sdelay $0x4  }
0x15f: {  	v8 =	vadd.s32 $0x1, v8  }
0x160: {  	v8 =	vnsel vm0, $0x0, v8  }
0x161: {  	v9 =	vperm.xlane v8, v1;
	_ =	sdelay $0x1  }
0x162: {  	v63 =	vld [tilespmem:s1+$0x18];
	v8 =	vadd.s32 v9, v8  }
0x163: {  	v10 =	vperm.xlane v8, v2;
	_ =	sdelay $0x1  }
0x164: {  	v8 =	vadd.s32 v10, v8  }
0x165: {  	v10 =	vperm.xlane v8, v3  }
0x166: {  	v9 =	vadd.s32 $0x1, v63  }
0x167: {  	v9 =	vnsel vm0, $0x0, v9;
	v8 =	vadd.s32 v10, v8  }
0x168: {  	v11 =	vperm.xlane v9, v1;
	v10 =	vperm.xlane v8, v4;
	_ =	sdelay $0x1  }
0x169: {  	v9 =	vadd.s32 v11, v9;
	v8 =	vadd.s32 v10, v8  }
0x16a: {  	(v2sf) =	vpush v8, $0x0;
	v8 =	vperm.xlane v9, v2;
	_ =	sdelay $0x1  }
0x16b: {  	v8 =	vadd.s32 v8, v9  }
0x16c: {  	v9 =	vperm.xlane v8, v3;
	_ =	sdelay $0x1  }
0x16d: {  	v8 =	vadd.s32 v9, v8  }
0x16e: {  	v9 =	vperm.xlane v8, v4;
	_ =	sdelay $0x1  }
0x16f: {  	v8 =	vadd.s32 v9, v8  }
0x170: {  	(v2sf) =	vpush v8, $0x0;
	_ =	sdelay $0x5  }
0x171: {  	s12 =	spop (v2sf)  }
0x172: {  	s24 =	sadd.s32 s3, s12  }
0x173: {  	s3 =	sand.u32 $0x7, s24  }
0x174: {  	s9 =	sshra.s32 s24, $0x1F;
	p2 =	slt.s32 s24, $0x1;
	p3 =	sne.s32 s3, $0x0  }
0x175: {  	s19 =	sshrl.u32 s9, $0x1D;
	p2 =	por !p2, !p3  }
0x176: {  	s9 =	simm.s32 $0x1;
	s3 =	sadd.s32 s19, s24;
	p2 =	por !p2, !p2  }
0x177: {  	s3 =	sshrl.u32 s3, $0x3;
	s9 =	simm.s32 @!p2 $0x0  }
0x178: {  	s3 =	ssub.s32 s3, s9  }
0x179: {  	s3 =	sshll.u32 s3, $0x3  }
0x17a: {  	s20 =	spop (v2sf);
	p2 =	slt.s32 s3, $0x4E0F0  }
0x17b: {  	s3 =	simm.s32 @!p2 $0x4E0F0;
	s10 =	sadd.s32 s20, s24  }
0x17c: {  	s10 =	ssub.s32 s10, s3  }
0x17d: {  	s10 =	sadd.s32 $0xF, s10  }
0x17e: {  	s11 =	sand.u32 $0xF, s10  }
0x17f: {  	s21 =	sshra.s32 s10, $0x1F;
	p6 =	slt.s32 s10, $0x1;
	p5 =	sne.s32 s11, $0x0  }
0x180: {  	s11 =	sshrl.u32 s21, $0x1C;
	p2 =	por !p6, !p5  }
0x181: {  	s10 =	sadd.s32 s11, s10;
	s11 =	simm.s32 $0x1;
	p2 =	por !p2, !p2  }
0x182: {  	s10 =	sshra.s32 s10, $0x4;
	s11 =	simm.s32 @!p2 $0x0  }
0x183: {  	p2 =	sgt.s32 s20, $0x0;
	s29 =	ssub.s32 s10, s11  }
0x184: {  	s29 =	simm.s32 @!p2 $0x0  }
0x185: {  	p2 =	slt.s32 s29, $0x1  }
.Ltmp25:
0x186: {  	_ = 	snop;
	(pc) =	sbr.rel @p2 .LBB2_29-.Ltmp25, $1  }
0x187: {  	_ =	sdelay $0x3  }
0x188: {  	p2 =	seq.s32 s29, $0x1  }
.Ltmp26:
0x189: {  	s11 =	sshll.u32 s3, $0x7;
	(pc) =	sbr.rel @p2 .LBB2_29-.Ltmp26, $4  }
0x18a: {  	s10 =	sshrl.u32 s11, $0x3  }
0x18b: {  	s9 =	simm.s32 $0x2880;
	s10 =	sadd.s32 s2, s10  }
0x18c: {  	[tilespmem:s9], [sflag:$0x1] =	stream.linear.gather [hbm4b:s10+s4], $0x800, $0x38;
	[tilespmem:$0x1CC80] =	vst v63  }
0x18d: {  	s11 =	sadd.s32 $0x800, s11;
	s10 =	sadd.s32 $0xFFFFFFFF, s29  }
.LBB2_28:
0x18e: {  	s12 =	sshrl.u32 s11, $0x3;
	p2 =	seq.s32 s10, $0x1;
	s10 =	sadd.s32 $0xFFFFFFFF, s10  }
.Ltmp27:
0x18f: {  	s9 =	sadd.s32 $0x800, s9;
	s12 =	sadd.s32 s2, s12;
	(pc) =	sbr.rel @!p2 .LBB2_28-.Ltmp27, $3  }
0x190: {  	[tilespmem:s9], [sflag:$0x1] =	stream.linear.gather [hbm4b:s12+s4], $0x800, $0x38;
	[tilespmem:$0x1CC80] =	vst v63  }
0x191: {  	_ =	sdelay $0x1  }
0x192: {  	s11 =	sadd.s32 $0x800, s11  }
.LBB2_29:
0x193: {  	p2 =	sgt.s32 s30, $0x0  }
.Ltmp28:
0x194: {  	_ = 	snop;
	(pc) =	sbr.rel @!p2 .LBB2_33-.Ltmp28, $1  }
0x195: {  	_ =	sdelay $0x3  }
0x196: {  	p2 =	sne.s32 s30, $0x1  }
.Ltmp29:
0x197: {  	_ = 	snop;
	(pc) =	sbr.rel @!p2 .LBB2_32-.Ltmp29, $3  }
0x198: {  	_ =	sdelay $0x1  }
0x199: {  	_ =	swait.ge [sflag:s15], $0x800  }
0x19a: {  	s9 =	sadd.s32 $0xFFFFFFFF, s30;
	[sflag:s15] =	ssyncset.done $0x0  }
.LBB2_31:
0x19b: {  	p2 =	sne.s32 s9, $0x1;
	s9 =	sadd.s32 $0xFFFFFFFF, s9;
	[sflag:s15] =	ssyncadd.s32 $0xFFFFF800  }
.Ltmp30:
0x19c: {  	(pc) =	sbr.rel @p2 .LBB2_31-.Ltmp30, $3  }
0x19d: {  	_ =	sdelay $0x1  }
0x19e: {  	_ =	swait.ge [sflag:s15], $0x800  }
0x19f: {  	[sflag:s15] =	ssyncset.done $0x0  }
.LBB2_32:
0x1a0: {  	[sflag:s15] =	ssyncadd.s32 $0xFFFFF800  }
.LBB2_33:
0x1a1: {  	s9 =	sand.u32 $0x7, s28  }
0x1a2: {  	s10 =	sshra.s32 s28, $0x1F;
	p2 =	slt.s32 s28, $0x1;
	p3 =	sne.s32 s9, $0x0  }
0x1a3: {  	s30 =	sshrl.u32 s10, $0x1D;
	p2 =	por !p2, !p3  }
0x1a4: {  	s10 =	simm.s32 $0x1;
	s9 =	sadd.s32 s30, s28;
	p2 =	por !p2, !p2  }
0x1a5: {  	s9 =	sshrl.u32 s9, $0x3;
	s10 =	simm.s32 @!p2 $0x0  }
.Ltmp31:
0x1a6: {  	s9 =	ssub.s32 s9, s10;
	s10 =	simm.s32 @!p1 $0x5;
	(pc) =	sbr.rel .LBB2_34-.Ltmp31, $4  }
0x1a7: {  	s9 =	sshll.u32 s9, $0x3;
	_ =	swait.ge @!p1 [sflag:s10], $0x400  }
0x1a8: {  	p2 =	slt.s32 s9, $0x4E0F0;
	[sflag:s10] =	ssyncset.done @!p1 $0x0  }
0x1a9: {  	s9 =	simm.s32 @!p2 $0x4E0F0;
	[sflag:s10] =	ssyncadd.s32 @!p1 $0xFFFFFC00  }
0x1aa: {  	v8 =	vmov s0;
	s10 =	simm.s32 $0x0;
	s9 =	ssub.s32 s28, s9;
	s28 =	simm.s32 $0x0  }
.LBB2_35:
0x1ab: {  	v20 =	vimm.f32 $0.0e+00;
	v13 =	vimm.f32 $0.0e+00  }
0x1ac: {  	v16 =	vimm.f32 $0.0e+00;
	v11 =	vimm.f32 $0.0e+00;
	v14 =	vimm.f32 $0.0e+00  }
0x1ad: {  	v12 =	vimm.f32 $0.0e+00;
	v10 =	vimm.f32 $0.0e+00;
	v9 =	vimm.f32 $0.0e+00  }
.LBB2_39:
0x1ae: {  	s12 =	sadd.s32 s12, s20  }
0x1af: {  	s19 =	scvt.s32.f32 s11;
	p2 =	sgt.s32 s12, $0x0  }
0x1b0: {  	s12 =	simm.s32 @!p2 $0x0  }
0x1b1: {  	v15 =	vmov s19;
	s12 =	sshll.u32 s12, $0x9  }
0x1b2: {  	(erf) = vrcp.f32 v15;
	s12 =	sshra.s32 s12, $0x2  }
0x1b3: {  	v56 =	vld [tilespmem:s12+$0xB080]  }
0x1b4: {  	v17 =	vld [tilespmem:s12+$0xB090]  }
0x1b5: {  	s21 =	sand.u32 $0x1, s11;
	v18 =	vld [tilespmem:s12+$0xB0A0]  }
0x1b6: {  	s19 =	scvt.s32.f32 s21;
	v19 =	vld [tilespmem:s12+$0xB0B0]  }
0x1b7: {  	v21 =	vld [tilespmem:s12+$0xB0C0]  }
0x1b8: {  	v23 =	vld [tilespmem:s12+$0xB0E0];
	v15 =	vmul.f32 s19, v56  }
0x1b9: {  	v57 =	vld [tilespmem:s12+$0xB0F0];
	v17 =	vmul.f32 s19, v17  }
0x1ba: {  	v22 =	vld [tilespmem:s12+$0xB0D0];
	v18 =	vmul.f32 s19, v18;
	v15 =	vadd.f32 v15, v20  }
0x1bb: {  	v58 =	vmul.f32 s19, v19;
	v13 =	vadd.f32 v17, v13;
	v59 =	vpop (erf)  }
0x1bc: {  	s30 =	sshll.u32 s10, $0x7;
	v60 =	vmul.f32 s19, v21;
	v16 =	vadd.f32 v18, v16;
	v15 =	vmul.f32 v15, v59  }
0x1bd: {  	s12 =	sand.u32 $0x3FFFFF80, s30;
	v62 =	vmul.f32 s19, v23;
	v11 =	vadd.f32 v58, v11;
	v13 =	vmul.f32 v13, v59  }
0x1be: {  	v63 =	vmul.f32 s19, v57;
	v14 =	vadd.f32 v60, v14;
	v16 =	vmul.f32 v16, v59;
	[tilespmem:s12+$0x1C480] =	vst v15  }
0x1bf: {  	s10 =	sadd.s32 $0x1, s10;
	v61 =	vmul.f32 s19, v22;
	v10 =	vadd.f32 v62, v10;
	v11 =	vmul.f32 v11, v59;
	[tilespmem:s12+$0x1C490] =	vst v13  }
0x1c0: {  	p2 =	sne.s32 s10, $0x8;
	v9 =	vadd.f32 v63, v9;
	v14 =	vmul.f32 v14, v59;
	[tilespmem:s12+$0x1C4A0] =	vst v16  }
.Ltmp32:
0x1c1: {  	v12 =	vadd.f32 v61, v12;
	v10 =	vmul.f32 v10, v59;
	[tilespmem:s12+$0x1C4B0] =	vst v11;
	(pc) =	sbr.rel @!p2 .LBB2_40-.Ltmp32, $4  }
0x1c2: {  	v9 =	vmul.f32 v9, v59;
	[tilespmem:s12+$0x1C4C0] =	vst v14  }
0x1c3: {  	v11 =	vmul.f32 v12, v59;
	[tilespmem:s12+$0x1C4E0] =	vst v10  }
0x1c4: {  	[tilespmem:s12+$0x1C4F0] =	vst v9  }
0x1c5: {  	s28 =	sadd.s32 s28, s11;
	[tilespmem:s12+$0x1C4D0] =	vst v11  }
.LBB2_34:
0x1c6: {  	_ =	sdelay $0x3  }
0x1c7: {  	v9 =	vld.idx.msk [tilespmem:v8+s10+$0x0 ss:$0x1], $0xffff;
	_ =	sdelay $0x4  }
0x1c8: {  	(v2sf) =	vpush v9, $0x0;
	_ =	sdelay $0xe  }
0x1c9: {  	s12 =	spop (v2sf)  }
0x1ca: {  	s11 =	sadd.s32 $0x1, s12  }
0x1cb: {  	s20 =	simm.s32 $0x1;
	p2 =	slt.u32 s12, $0x7FFFFFFF;
	s19 =	sshrl.u32 s11, $0x1F  }
0x1cc: {  	s20 =	simm.s32 @!p2 $0x0;
	s21 =	sshra.s32 s11, $0x1F;
	s19 =	sadd.s32 s19, s11  }
0x1cd: {  	s20 =	sadd.s32 s20, s21;
	s30 =	sand.u32 $0xFFFFFFFE, s19  }
0x1ce: {  	p6 =	sne.s32 s20, $0x1;
	p3 =	sne.s32 s11, s30  }
0x1cf: {  	p2 =	por !p3, !p6  }
0x1d0: {  	s20 =	simm.s32 $0x1;
	p2 =	por !p2, !p2  }
0x1d1: {  	s19 =	sshra.s32 s19, $0x1;
	s20 =	simm.s32 @!p2 $0x0  }
0x1d2: {  	s19 =	ssub.s32 s19, s20  }
0x1d3: {  	p2 =	slt.s32 s19, $0x1  }
.Ltmp33:
0x1d4: {  	_ = 	snop;
	(pc) =	sbr.rel @p2 .LBB2_35-.Ltmp33, $2  }
0x1d5: {  	_ =	sdelay $0x2  }
0x1d6: {  	s20 =	sadd.s32 s9, s28  }
0x1d7: {  	s21 =	sshll.u32 s20, $0x9  }
0x1d8: {  	s21 =	sshra.s32 s21, $0x2  }
0x1d9: {  	s21 =	sadd.s32 $0xB100, s21  }
0x1da: {  	v11 =	vld [tilespmem:s21+$0x0]  }
0x1db: {  	v13 =	vld [tilespmem:s21+$0x10]  }
0x1dc: {  	v12 =	vld [tilespmem:s21+$0x20]  }
0x1dd: {  	v14 =	vld [tilespmem:s21+$0x30]  }
0x1de: {  	v9 =	vld [tilespmem:s21+$0x40]  }
0x1df: {  	v10 =	vld [tilespmem:s21+$0x50]  }
0x1e0: {  	v15 =	vld [tilespmem:s21+$0xFFFFFF80]  }
0x1e1: {  	v17 =	vld [tilespmem:s21+$0xFFFFFF90]  }
0x1e2: {  	p2 =	sne.s32 s19, $0x1;
	v25 =	vld [tilespmem:s21+$0xFFFFFFA0]  }
.Ltmp34:
0x1e3: {  	v26 =	vld [tilespmem:s21+$0xFFFFFFB0];
	(pc) =	sbr.rel @!p2 .LBB2_38-.Ltmp34, $4  }
0x1e4: {  	v21 =	vld [tilespmem:s21+$0xFFFFFFC0]  }
0x1e5: {  	v16 =	vimm.f32 $0.0e+00;
	v20 =	vimm.f32 $0.0e+00;
	v22 =	vld [tilespmem:s21+$0xFFFFFFD0]  }
0x1e6: {  	v18 =	vimm.f32 $0.0e+00;
	v19 =	vimm.f32 $0.0e+00;
	v23 =	vld [tilespmem:s21+$0xFFFFFFE0];
	v27 =	vadd.f32 v15, v16  }
0x1e7: {  	s19 =	sadd.s32 $0xFFFFFFFF, s19;
	v24 =	vld [tilespmem:s21+$0xFFFFFFF0];
	v28 =	vadd.f32 v17, v16;
	v15 =	vimm.f32 $0.0e+00;
	v17 =	vimm.f32 $0.0e+00  }
.LBB2_37:
0x1e8: {  	p2 =	sne.s32 s19, $0x1;
	v16 =	vadd.f32 v25, v16;
	v20 =	vadd.f32 v26, v20;
	v25 =	vld [tilespmem:s21+$0x60]  }
0x1e9: {  	v27 =	vadd.f32 v11, v27;
	v28 =	vadd.f32 v13, v28;
	v26 =	vld [tilespmem:s21+$0x70];
	s21 =	sadd.s32 $0x100, s21  }
0x1ea: {  	v11 =	vld [tilespmem:s21+$0x0];
	v16 =	vadd.f32 v12, v16;
	v20 =	vadd.f32 v14, v20  }
0x1eb: {  	v15 =	vadd.f32 v21, v15;
	v17 =	vadd.f32 v22, v17;
	v13 =	vld [tilespmem:s21+$0x10]  }
0x1ec: {  	v18 =	vadd.f32 v23, v18;
	v12 =	vld [tilespmem:s21+$0x20];
	v19 =	vadd.f32 v24, v19  }
0x1ed: {  	v15 =	vadd.f32 v9, v15;
	v17 =	vadd.f32 v10, v17;
	v14 =	vld [tilespmem:s21+$0x30]  }
0x1ee: {  	v18 =	vadd.f32 v25, v18;
	v9 =	vld [tilespmem:s21+$0x40];
	v19 =	vadd.f32 v26, v19  }
0x1ef: {  	v10 =	vld [tilespmem:s21+$0x50]  }
0x1f0: {  	v24 =	vld [tilespmem:s21+$0xFFFFFF80]  }
0x1f1: {  	v29 =	vld [tilespmem:s21+$0xFFFFFF90]  }
0x1f2: {  	v25 =	vld [tilespmem:s21+$0xFFFFFFA0]  }
.Ltmp35:
0x1f3: {  	v26 =	vld [tilespmem:s21+$0xFFFFFFB0];
	(pc) =	sbr.rel @p2 .LBB2_37-.Ltmp35, $4  }
0x1f4: {  	v21 =	vld [tilespmem:s21+$0xFFFFFFC0]  }
0x1f5: {  	v22 =	vld [tilespmem:s21+$0xFFFFFFD0]  }
0x1f6: {  	v23 =	vld [tilespmem:s21+$0xFFFFFFE0]  }
0x1f7: {  	s19 =	sadd.s32 $0xFFFFFFFF, s19;
	v27 =	vadd.f32 v24, v27;
	v28 =	vadd.f32 v29, v28;
	v24 =	vld [tilespmem:s21+$0xFFFFFFF0]  }
.LBB2_38:
0x1f8: {  	v16 =	vadd.f32 v25, v16;
	v61 =	vadd.f32 v26, v20;
	v62 =	vld [tilespmem:s21+$0x60]  }
0x1f9: {  	v63 =	vld [tilespmem:s21+$0x70];
	v20 =	vadd.f32 v11, v27;
	v13 =	vadd.f32 v13, v28  }
.Ltmp36:
0x1fa: {  	v16 =	vadd.f32 v12, v16;
	v11 =	vadd.f32 v14, v61;
	(pc) =	sbr.rel .LBB2_39-.Ltmp36, $4  }
0x1fb: {  	v12 =	vadd.f32 v21, v15;
	v15 =	vadd.f32 v22, v17  }
0x1fc: {  	v17 =	vadd.f32 v23, v18;
	v18 =	vadd.f32 v24, v19  }
0x1fd: {  	v14 =	vadd.f32 v9, v12;
	v12 =	vadd.f32 v10, v15  }
0x1fe: {  	v10 =	vadd.f32 v62, v17;
	v9 =	vadd.f32 v63, v18  }
.LBB2_40:
0x1ff: {  	s0 =	sshll.u32 s0, $0x4  }
0x200: {  	s0 =	sadd.s32 s6, s0  }
0x201: {  	[hbm4b:s0+s4] =	stream.linear.scatter [tilespmem:s16], [sflag:$0x5], $0x400, $0x38;
	[tilespmem:$0x1CC80] =	vst v63  }
0x202: {  	v8 =	vld [tilespmem:s1+$0x18];
	_ =	sdelay $0x4  }
0x203: {  	v8 =	vadd.s32 $0x1, v8  }
0x204: {  	v8 =	vnsel vm0, $0x0, v8  }
0x205: {  	v9 =	vperm.xlane v8, v1  }
0x206: {  	v10 =	vld [tilespmem:s1+$0x20]  }
0x207: {  	v8 =	vadd.s32 v9, v8  }
0x208: {  	v9 =	vperm.xlane v8, v2;
	_ =	sdelay $0x1  }
0x209: {  	v8 =	vadd.s32 v9, v8  }
0x20a: {  	v10 =	vadd.s32 $0x1, v10;
	v9 =	vperm.xlane v8, v3  }
0x20b: {  	v10 =	vnsel vm0, $0x0, v10  }
0x20c: {  	v63 =	vperm.xlane v10, v1;
	v8 =	vadd.s32 v9, v8  }
0x20d: {  	v11 =	vperm.xlane v8, v4  }
0x20e: {  	v9 =	vadd.s32 v63, v10  }
0x20f: {  	v10 =	vperm.xlane v9, v2;
	v8 =	vadd.s32 v11, v8  }
0x210: {  	(v2sf) =	vpush v8, $0x0  }
0x211: {  	v8 =	vadd.s32 v10, v9  }
0x212: {  	v9 =	vperm.xlane v8, v3;
	_ =	sdelay $0x1  }
0x213: {  	v8 =	vadd.s32 v9, v8  }
0x214: {  	v9 =	vperm.xlane v8, v4;
	_ =	sdelay $0x1  }
0x215: {  	v8 =	vadd.s32 v9, v8  }
0x216: {  	(v2sf) =	vpush v8, $0x0;
	_ =	sdelay $0x6  }
0x217: {  	s12 =	spop (v2sf)  }
0x218: {  	s28 =	sadd.s32 s24, s12  }
0x219: {  	s0 =	sand.u32 $0x7, s28  }
0x21a: {  	s19 =	sshra.s32 s28, $0x1F;
	p2 =	slt.s32 s28, $0x1;
	p3 =	sne.s32 s0, $0x0  }
0x21b: {  	s20 =	sshrl.u32 s19, $0x1D;
	p2 =	por !p2, !p3  }
0x21c: {  	s1 =	simm.s32 $0x1;
	s0 =	sadd.s32 s20, s28;
	p2 =	por !p2, !p2  }
0x21d: {  	s0 =	sshrl.u32 s0, $0x3;
	s1 =	simm.s32 @!p2 $0x0  }
0x21e: {  	s0 =	ssub.s32 s0, s1  }
0x21f: {  	p2 =	seq.s32 s23, $0xC;
	s1 =	spop (v2sf);
	s0 =	sshll.u32 s0, $0x3  }
0x220: {  	s1 =	simm.s32 @p2 $0x0;
	p2 =	slt.s32 s0, $0x4E0F0  }
0x221: {  	s9 =	sadd.s32 s1, s28;
	s0 =	simm.s32 @!p2 $0x4E0F0  }
0x222: {  	s9 =	ssub.s32 s9, s0  }
0x223: {  	s9 =	sadd.s32 $0xF, s9  }
0x224: {  	s10 =	sand.u32 $0xF, s9  }
0x225: {  	s21 =	sshra.s32 s9, $0x1F;
	p6 =	slt.s32 s9, $0x1;
	p5 =	sne.s32 s10, $0x0  }
0x226: {  	s10 =	sshrl.u32 s21, $0x1C;
	p2 =	por !p6, !p5  }
0x227: {  	s9 =	sadd.s32 s10, s9;
	s10 =	simm.s32 $0x1;
	p2 =	por !p2, !p2  }
0x228: {  	s9 =	sshra.s32 s9, $0x4;
	s10 =	simm.s32 @!p2 $0x0  }
0x229: {  	p2 =	sgt.s32 s1, $0x0;
	s30 =	ssub.s32 s9, s10  }
0x22a: {  	s30 =	simm.s32 @!p2 $0x0  }
0x22b: {  	p2 =	slt.s32 s30, $0x1  }
.Ltmp37:
0x22c: {  	_ = 	snop;
	(pc) =	sbr.rel @p2 .LBB2_43-.Ltmp37, $1  }
0x22d: {  	_ =	sdelay $0x3  }
0x22e: {  	p2 =	seq.s32 s30, $0x1  }
.Ltmp38:
0x22f: {  	s9 =	sshll.u32 s0, $0x7;
	(pc) =	sbr.rel @p2 .LBB2_43-.Ltmp38, $4  }
0x230: {  	s1 =	sshrl.u32 s9, $0x3  }
0x231: {  	s0 =	simm.s32 $0xB080;
	s1 =	sadd.s32 s2, s1  }
0x232: {  	[tilespmem:s0], [sflag:$0x2] =	stream.linear.gather [hbm4b:s1+s4], $0x800, $0x38;
	[tilespmem:$0x1CC80] =	vst v63  }
0x233: {  	s9 =	sadd.s32 $0x800, s9;
	s1 =	sadd.s32 $0xFFFFFFFF, s30  }
.LBB2_42:
0x234: {  	s10 =	sshrl.u32 s9, $0x3;
	p2 =	seq.s32 s1, $0x1;
	s1 =	sadd.s32 $0xFFFFFFFF, s1  }
.Ltmp39:
0x235: {  	s0 =	sadd.s32 $0x800, s0;
	s10 =	sadd.s32 s2, s10;
	(pc) =	sbr.rel @!p2 .LBB2_42-.Ltmp39, $3  }
0x236: {  	[tilespmem:s0], [sflag:$0x2] =	stream.linear.gather [hbm4b:s10+s4], $0x800, $0x38;
	[tilespmem:$0x1CC80] =	vst v63  }
0x237: {  	_ =	sdelay $0x1  }
0x238: {  	s9 =	sadd.s32 $0x800, s9  }
.LBB2_43:
0x239: {  	p2 =	sgt.s32 s31, $0x0  }
.Ltmp40:
0x23a: {  	_ = 	snop;
	(pc) =	sbr.rel @!p2 .LBB2_47-.Ltmp40, $1  }
0x23b: {  	_ =	sdelay $0x3  }
0x23c: {  	p2 =	sne.s32 s31, $0x1  }
.Ltmp41:
0x23d: {  	_ = 	snop;
	(pc) =	sbr.rel @!p2 .LBB2_46-.Ltmp41, $3  }
0x23e: {  	_ =	sdelay $0x1  }
0x23f: {  	_ =	swait.ge [sflag:s17], $0x800  }
0x240: {  	s0 =	sadd.s32 $0xFFFFFFFF, s31;
	[sflag:s17] =	ssyncset.done $0x0  }
.LBB2_45:
0x241: {  	p2 =	sne.s32 s0, $0x1;
	s0 =	sadd.s32 $0xFFFFFFFF, s0;
	[sflag:s17] =	ssyncadd.s32 $0xFFFFF800  }
.Ltmp42:
0x242: {  	(pc) =	sbr.rel @p2 .LBB2_45-.Ltmp42, $3  }
0x243: {  	_ =	sdelay $0x1  }
0x244: {  	_ =	swait.ge [sflag:s17], $0x800  }
0x245: {  	[sflag:s17] =	ssyncset.done $0x0  }
.LBB2_46:
0x246: {  	[sflag:s17] =	ssyncadd.s32 $0xFFFFF800  }
.LBB2_47:
.Ltmp43:
0x247: {  	(pc) =	sbr.rel .LBB2_48-.Ltmp43, $4  }
0x248: {  	s0 =	simm.s32 @!p1 $0x6  }
0x249: {  	_ =	swait.ge @!p1 [sflag:s0], $0x400  }
0x24a: {  	[sflag:s0] =	ssyncset.done @!p1 $0x0  }
0x24b: {  	v8 =	vmov s26;
	s1 =	simm.s32 $0x0;
	[sflag:s0] =	ssyncadd.s32 @!p1 $0xFFFFFC00;
	s0 =	simm.s32 $0x0  }
.LBB2_49:
0x24c: {  	v20 =	vimm.f32 $0.0e+00;
	v13 =	vimm.f32 $0.0e+00  }
0x24d: {  	v16 =	vimm.f32 $0.0e+00;
	v11 =	vimm.f32 $0.0e+00;
	v14 =	vimm.f32 $0.0e+00  }
0x24e: {  	v12 =	vimm.f32 $0.0e+00;
	v10 =	vimm.f32 $0.0e+00;
	v9 =	vimm.f32 $0.0e+00  }
.LBB2_53:
0x24f: {  	s10 =	sadd.s32 s10, s11  }
0x250: {  	s20 =	scvt.s32.f32 s9;
	p1 =	sgt.s32 s10, $0x0  }
0x251: {  	s10 =	simm.s32 @!p1 $0x0  }
0x252: {  	v15 =	vmov s20;
	s10 =	sshll.u32 s10, $0x9  }
0x253: {  	(erf) = vrcp.f32 v15;
	s10 =	sshra.s32 s10, $0x2  }
0x254: {  	v56 =	vld [tilespmem:s10+$0x13880]  }
0x255: {  	v17 =	vld [tilespmem:s10+$0x13890]  }
0x256: {  	s21 =	sand.u32 $0x1, s9;
	v18 =	vld [tilespmem:s10+$0x138A0]  }
0x257: {  	s11 =	scvt.s32.f32 s21;
	v19 =	vld [tilespmem:s10+$0x138B0]  }
0x258: {  	v21 =	vld [tilespmem:s10+$0x138C0]  }
0x259: {  	v23 =	vld [tilespmem:s10+$0x138E0];
	v15 =	vmul.f32 s11, v56  }
0x25a: {  	v57 =	vld [tilespmem:s10+$0x138F0];
	v17 =	vmul.f32 s11, v17  }
0x25b: {  	v22 =	vld [tilespmem:s10+$0x138D0];
	v18 =	vmul.f32 s11, v18;
	v15 =	vadd.f32 v15, v20  }
0x25c: {  	v58 =	vmul.f32 s11, v19;
	v13 =	vadd.f32 v17, v13;
	v59 =	vpop (erf)  }
0x25d: {  	s31 =	sshll.u32 s1, $0x7;
	v60 =	vmul.f32 s11, v21;
	v16 =	vadd.f32 v18, v16;
	v15 =	vmul.f32 v15, v59  }
0x25e: {  	s10 =	sand.u32 $0x3FFFFF80, s31;
	v62 =	vmul.f32 s11, v23;
	v11 =	vadd.f32 v58, v11;
	v13 =	vmul.f32 v13, v59  }
0x25f: {  	v63 =	vmul.f32 s11, v57;
	v14 =	vadd.f32 v60, v14;
	v16 =	vmul.f32 v16, v59;
	[tilespmem:s10+$0x1C880] =	vst v15  }
0x260: {  	s1 =	sadd.s32 $0x1, s1;
	v61 =	vmul.f32 s11, v22;
	v10 =	vadd.f32 v62, v10;
	v11 =	vmul.f32 v11, v59;
	[tilespmem:s10+$0x1C890] =	vst v13  }
0x261: {  	p1 =	sne.s32 s1, $0x8;
	v9 =	vadd.f32 v63, v9;
	v14 =	vmul.f32 v14, v59;
	[tilespmem:s10+$0x1C8A0] =	vst v16  }
.Ltmp44:
0x262: {  	v12 =	vadd.f32 v61, v12;
	v10 =	vmul.f32 v10, v59;
	[tilespmem:s10+$0x1C8B0] =	vst v11;
	(pc) =	sbr.rel @!p1 .LBB2_54-.Ltmp44, $4  }
0x263: {  	v9 =	vmul.f32 v9, v59;
	[tilespmem:s10+$0x1C8C0] =	vst v14  }
0x264: {  	v11 =	vmul.f32 v12, v59;
	[tilespmem:s10+$0x1C8E0] =	vst v10  }
0x265: {  	[tilespmem:s10+$0x1C8F0] =	vst v9  }
0x266: {  	s0 =	sadd.s32 s0, s9;
	[tilespmem:s10+$0x1C8D0] =	vst v11  }
.LBB2_48:
0x267: {  	_ =	sdelay $0x3  }
0x268: {  	v9 =	vld.idx.msk [tilespmem:v8+s1+$0x0 ss:$0x1], $0xffff;
	_ =	sdelay $0x4  }
0x269: {  	(v2sf) =	vpush v9, $0x0;
	_ =	sdelay $0xe  }
0x26a: {  	s10 =	spop (v2sf)  }
0x26b: {  	s9 =	sadd.s32 $0x1, s10  }
0x26c: {  	s12 =	simm.s32 $0x1;
	p1 =	slt.u32 s10, $0x7FFFFFFF;
	s11 =	sshrl.u32 s9, $0x1F  }
0x26d: {  	s12 =	simm.s32 @!p1 $0x0;
	s19 =	sshra.s32 s9, $0x1F;
	s11 =	sadd.s32 s11, s9  }
0x26e: {  	s12 =	sadd.s32 s12, s19;
	s31 =	sand.u32 $0xFFFFFFFE, s11  }
0x26f: {  	p6 =	sne.s32 s12, $0x1;
	p2 =	sne.s32 s9, s31  }
0x270: {  	p1 =	por !p2, !p6  }
0x271: {  	s12 =	simm.s32 $0x1;
	p1 =	por !p1, !p1  }
0x272: {  	s11 =	sshra.s32 s11, $0x1;
	s12 =	simm.s32 @!p1 $0x0  }
0x273: {  	s19 =	ssub.s32 s11, s12  }
0x274: {  	p1 =	slt.s32 s19, $0x1  }
.Ltmp45:
0x275: {  	_ = 	snop;
	(pc) =	sbr.rel @p1 .LBB2_49-.Ltmp45, $2  }
0x276: {  	_ =	sdelay $0x2  }
0x277: {  	s11 =	sadd.s32 s25, s0  }
0x278: {  	s12 =	sshll.u32 s11, $0x9  }
0x279: {  	s12 =	sshra.s32 s12, $0x2  }
0x27a: {  	s12 =	sadd.s32 $0x13900, s12  }
0x27b: {  	v11 =	vld [tilespmem:s12+$0x0]  }
0x27c: {  	v13 =	vld [tilespmem:s12+$0x10]  }
0x27d: {  	v12 =	vld [tilespmem:s12+$0x20]  }
0x27e: {  	v14 =	vld [tilespmem:s12+$0x30]  }
0x27f: {  	v9 =	vld [tilespmem:s12+$0x40]  }
0x280: {  	v10 =	vld [tilespmem:s12+$0x50]  }
0x281: {  	v15 =	vld [tilespmem:s12+$0xFFFFFF80]  }
0x282: {  	v17 =	vld [tilespmem:s12+$0xFFFFFF90]  }
0x283: {  	p1 =	sne.s32 s19, $0x1;
	v25 =	vld [tilespmem:s12+$0xFFFFFFA0]  }
.Ltmp46:
0x284: {  	v26 =	vld [tilespmem:s12+$0xFFFFFFB0];
	(pc) =	sbr.rel @!p1 .LBB2_52-.Ltmp46, $4  }
0x285: {  	v21 =	vld [tilespmem:s12+$0xFFFFFFC0]  }
0x286: {  	v16 =	vimm.f32 $0.0e+00;
	v20 =	vimm.f32 $0.0e+00;
	v22 =	vld [tilespmem:s12+$0xFFFFFFD0]  }
0x287: {  	v18 =	vimm.f32 $0.0e+00;
	v19 =	vimm.f32 $0.0e+00;
	v23 =	vld [tilespmem:s12+$0xFFFFFFE0];
	v27 =	vadd.f32 v15, v16  }
0x288: {  	s19 =	sadd.s32 $0xFFFFFFFF, s19;
	v24 =	vld [tilespmem:s12+$0xFFFFFFF0];
	v28 =	vadd.f32 v17, v16;
	v15 =	vimm.f32 $0.0e+00;
	v17 =	vimm.f32 $0.0e+00  }
.LBB2_51:
0x289: {  	p1 =	sne.s32 s19, $0x1;
	v16 =	vadd.f32 v25, v16;
	v20 =	vadd.f32 v26, v20;
	v25 =	vld [tilespmem:s12+$0x60]  }
0x28a: {  	v27 =	vadd.f32 v11, v27;
	v28 =	vadd.f32 v13, v28;
	v26 =	vld [tilespmem:s12+$0x70];
	s12 =	sadd.s32 $0x100, s12  }
0x28b: {  	v11 =	vld [tilespmem:s12+$0x0];
	v16 =	vadd.f32 v12, v16;
	v20 =	vadd.f32 v14, v20  }
0x28c: {  	v15 =	vadd.f32 v21, v15;
	v17 =	vadd.f32 v22, v17;
	v13 =	vld [tilespmem:s12+$0x10]  }
0x28d: {  	v18 =	vadd.f32 v23, v18;
	v12 =	vld [tilespmem:s12+$0x20];
	v19 =	vadd.f32 v24, v19  }
0x28e: {  	v15 =	vadd.f32 v9, v15;
	v17 =	vadd.f32 v10, v17;
	v14 =	vld [tilespmem:s12+$0x30]  }
0x28f: {  	v18 =	vadd.f32 v25, v18;
	v9 =	vld [tilespmem:s12+$0x40];
	v19 =	vadd.f32 v26, v19  }
0x290: {  	v10 =	vld [tilespmem:s12+$0x50]  }
0x291: {  	v24 =	vld [tilespmem:s12+$0xFFFFFF80]  }
0x292: {  	v29 =	vld [tilespmem:s12+$0xFFFFFF90]  }
0x293: {  	v25 =	vld [tilespmem:s12+$0xFFFFFFA0]  }
.Ltmp47:
0x294: {  	v26 =	vld [tilespmem:s12+$0xFFFFFFB0];
	(pc) =	sbr.rel @p1 .LBB2_51-.Ltmp47, $4  }
0x295: {  	v21 =	vld [tilespmem:s12+$0xFFFFFFC0]  }
0x296: {  	v22 =	vld [tilespmem:s12+$0xFFFFFFD0]  }
0x297: {  	v23 =	vld [tilespmem:s12+$0xFFFFFFE0]  }
0x298: {  	s19 =	sadd.s32 $0xFFFFFFFF, s19;
	v27 =	vadd.f32 v24, v27;
	v28 =	vadd.f32 v29, v28;
	v24 =	vld [tilespmem:s12+$0xFFFFFFF0]  }
.LBB2_52:
0x299: {  	v16 =	vadd.f32 v25, v16;
	v61 =	vadd.f32 v26, v20;
	v62 =	vld [tilespmem:s12+$0x60]  }
0x29a: {  	v63 =	vld [tilespmem:s12+$0x70];
	v20 =	vadd.f32 v11, v27;
	v13 =	vadd.f32 v13, v28  }
.Ltmp48:
0x29b: {  	v16 =	vadd.f32 v12, v16;
	v11 =	vadd.f32 v14, v61;
	(pc) =	sbr.rel .LBB2_53-.Ltmp48, $4  }
0x29c: {  	v12 =	vadd.f32 v21, v15;
	v15 =	vadd.f32 v22, v17  }
0x29d: {  	v17 =	vadd.f32 v23, v18;
	v18 =	vadd.f32 v24, v19  }
0x29e: {  	v14 =	vadd.f32 v9, v12;
	v12 =	vadd.f32 v10, v15  }
0x29f: {  	v10 =	vadd.f32 v62, v17;
	v9 =	vadd.f32 v63, v18  }
.LBB2_55:
0x2a0: {  	p1 =	sgt.s32 s29, $0x0  }
.Ltmp49:
0x2a1: {  	_ = 	snop;
	(pc) =	sbr.rel @!p1 .LBB2_59-.Ltmp49, $1  }
0x2a2: {  	_ =	sdelay $0x3  }
0x2a3: {  	p1 =	sne.s32 s29, $0x1  }
.Ltmp50:
0x2a4: {  	_ = 	snop;
	(pc) =	sbr.rel @!p1 .LBB2_58-.Ltmp50, $3  }
0x2a5: {  	_ =	sdelay $0x1  }
0x2a6: {  	_ =	swait.ge [sflag:s13], $0x800  }
0x2a7: {  	s0 =	sadd.s32 $0xFFFFFFFF, s29;
	[sflag:s13] =	ssyncset.done $0x0  }
.LBB2_57:
0x2a8: {  	p1 =	sne.s32 s0, $0x1;
	s0 =	sadd.s32 $0xFFFFFFFF, s0;
	[sflag:s13] =	ssyncadd.s32 $0xFFFFF800  }
.Ltmp51:
0x2a9: {  	(pc) =	sbr.rel @p1 .LBB2_57-.Ltmp51, $3  }
0x2aa: {  	_ =	sdelay $0x1  }
0x2ab: {  	_ =	swait.ge [sflag:s13], $0x800  }
0x2ac: {  	[sflag:s13] =	ssyncset.done $0x0  }
.LBB2_58:
0x2ad: {  	[sflag:s13] =	ssyncadd.s32 $0xFFFFF800  }
.LBB2_59:
.Ltmp52:
0x2ae: {  	(pc) =	sbr.rel .LBB2_60-.Ltmp52, $4  }
0x2af: {  	s20 =	simm.s32 $0x4  }
0x2b0: {  	_ =	swait.ge [sflag:s20], $0x400  }
0x2b1: {  	s0 =	ssub.s32 s24, s3;
	[sflag:s20] =	ssyncset.done $0x0  }
0x2b2: {  	s1 =	simm.s32 $0x0;
	s3 =	simm.s32 $0x0;
	[sflag:s20] =	ssyncadd.s32 $0xFFFFFC00  }
.LBB2_61:
0x2b3: {  	v19 =	vimm.f32 $0.0e+00;
	v12 =	vimm.f32 $0.0e+00  }
0x2b4: {  	v15 =	vimm.f32 $0.0e+00;
	v10 =	vimm.f32 $0.0e+00;
	v13 =	vimm.f32 $0.0e+00  }
0x2b5: {  	v11 =	vimm.f32 $0.0e+00;
	v9 =	vimm.f32 $0.0e+00;
	v8 =	vimm.f32 $0.0e+00  }
.LBB2_65:
0x2b6: {  	s10 =	sadd.s32 s10, s11  }
0x2b7: {  	s29 =	scvt.s32.f32 s9;
	p1 =	sgt.s32 s10, $0x0  }
0x2b8: {  	s10 =	simm.s32 @!p1 $0x0  }
0x2b9: {  	v14 =	vmov s29;
	s10 =	sshll.u32 s10, $0x9  }
0x2ba: {  	(erf) = vrcp.f32 v14;
	s10 =	sshra.s32 s10, $0x2  }
0x2bb: {  	v55 =	vld [tilespmem:s10+$0x2880]  }
0x2bc: {  	v16 =	vld [tilespmem:s10+$0x2890]  }
0x2bd: {  	s30 =	sand.u32 $0x1, s9;
	v17 =	vld [tilespmem:s10+$0x28A0]  }
0x2be: {  	s11 =	scvt.s32.f32 s30;
	v18 =	vld [tilespmem:s10+$0x28B0]  }
0x2bf: {  	v20 =	vld [tilespmem:s10+$0x28C0]  }
0x2c0: {  	v21 =	vld [tilespmem:s10+$0x28D0];
	v14 =	vmul.f32 s11, v55  }
0x2c1: {  	v22 =	vld [tilespmem:s10+$0x28E0];
	v16 =	vmul.f32 s11, v16  }
0x2c2: {  	v56 =	vld [tilespmem:s10+$0x28F0];
	v17 =	vmul.f32 s11, v17;
	v14 =	vadd.f32 v14, v19  }
0x2c3: {  	v57 =	vmul.f32 s11, v18;
	v12 =	vadd.f32 v16, v12;
	v58 =	vpop (erf)  }
0x2c4: {  	s31 =	sshll.u32 s3, $0x7;
	v59 =	vmul.f32 s11, v20;
	v15 =	vadd.f32 v17, v15;
	v14 =	vmul.f32 v14, v58  }
0x2c5: {  	s10 =	sand.u32 $0x3FFFFF80, s31;
	v60 =	vmul.f32 s11, v21;
	v10 =	vadd.f32 v57, v10;
	v12 =	vmul.f32 v12, v58  }
0x2c6: {  	v61 =	vmul.f32 s11, v22;
	v13 =	vadd.f32 v59, v13;
	v15 =	vmul.f32 v15, v58;
	[tilespmem:s10+$0x1C080] =	vst v14  }
0x2c7: {  	s3 =	sadd.s32 $0x1, s3;
	v62 =	vmul.f32 s11, v56;
	v11 =	vadd.f32 v60, v11;
	v10 =	vmul.f32 v10, v58;
	[tilespmem:s10+$0x1C090] =	vst v12  }
0x2c8: {  	p1 =	sne.s32 s3, $0x8;
	v9 =	vadd.f32 v61, v9;
	v13 =	vmul.f32 v13, v58;
	[tilespmem:s10+$0x1C0A0] =	vst v15  }
.Ltmp53:
0x2c9: {  	v8 =	vadd.f32 v62, v8;
	v63 =	vmul.f32 v11, v58;
	[tilespmem:s10+$0x1C0B0] =	vst v10;
	(pc) =	sbr.rel @!p1 .LBB2_66-.Ltmp53, $4  }
0x2ca: {  	v9 =	vmul.f32 v9, v58;
	[tilespmem:s10+$0x1C0C0] =	vst v13  }
0x2cb: {  	v8 =	vmul.f32 v8, v58;
	[tilespmem:s10+$0x1C0D0] =	vst v63  }
0x2cc: {  	[tilespmem:s10+$0x1C0E0] =	vst v9  }
0x2cd: {  	s1 =	sadd.s32 s1, s9;
	[tilespmem:s10+$0x1C0F0] =	vst v8  }
.LBB2_60:
0x2ce: {  	_ =	sdelay $0x3  }
0x2cf: {  	v8 =	vld.idx.msk [tilespmem:v7+s3+$0x0 ss:$0x1], $0xffff;
	_ =	sdelay $0x4  }
0x2d0: {  	(v2sf) =	vpush v8, $0x0;
	_ =	sdelay $0xe  }
0x2d1: {  	s10 =	spop (v2sf)  }
0x2d2: {  	s9 =	sadd.s32 $0x1, s10  }
0x2d3: {  	s12 =	simm.s32 $0x1;
	p1 =	slt.u32 s10, $0x7FFFFFFF;
	s11 =	sshrl.u32 s9, $0x1F  }
0x2d4: {  	s12 =	simm.s32 @!p1 $0x0;
	s19 =	sshra.s32 s9, $0x1F;
	s11 =	sadd.s32 s11, s9  }
0x2d5: {  	s12 =	sadd.s32 s12, s19;
	s31 =	sand.u32 $0xFFFFFFFE, s11  }
0x2d6: {  	p6 =	sne.s32 s12, $0x1;
	p2 =	sne.s32 s9, s31  }
0x2d7: {  	p1 =	por !p2, !p6  }
0x2d8: {  	s12 =	simm.s32 $0x1;
	p1 =	por !p1, !p1  }
0x2d9: {  	s11 =	sshra.s32 s11, $0x1;
	s12 =	simm.s32 @!p1 $0x0  }
0x2da: {  	s19 =	ssub.s32 s11, s12  }
0x2db: {  	p1 =	slt.s32 s19, $0x1  }
.Ltmp54:
0x2dc: {  	_ = 	snop;
	(pc) =	sbr.rel @p1 .LBB2_61-.Ltmp54, $2  }
0x2dd: {  	_ =	sdelay $0x2  }
0x2de: {  	s11 =	sadd.s32 s0, s1  }
0x2df: {  	s12 =	sshll.u32 s11, $0x9  }
0x2e0: {  	s12 =	sshra.s32 s12, $0x2  }
0x2e1: {  	s12 =	sadd.s32 $0x2900, s12  }
0x2e2: {  	v10 =	vld [tilespmem:s12+$0x0]  }
0x2e3: {  	v12 =	vld [tilespmem:s12+$0x10]  }
0x2e4: {  	v11 =	vld [tilespmem:s12+$0x20]  }
0x2e5: {  	v13 =	vld [tilespmem:s12+$0x30]  }
0x2e6: {  	v8 =	vld [tilespmem:s12+$0x40]  }
0x2e7: {  	v9 =	vld [tilespmem:s12+$0x50]  }
0x2e8: {  	v14 =	vld [tilespmem:s12+$0xFFFFFF80]  }
0x2e9: {  	v16 =	vld [tilespmem:s12+$0xFFFFFF90]  }
0x2ea: {  	p1 =	sne.s32 s19, $0x1;
	v24 =	vld [tilespmem:s12+$0xFFFFFFA0]  }
.Ltmp55:
0x2eb: {  	v25 =	vld [tilespmem:s12+$0xFFFFFFB0];
	(pc) =	sbr.rel @!p1 .LBB2_64-.Ltmp55, $4  }
0x2ec: {  	v20 =	vld [tilespmem:s12+$0xFFFFFFC0]  }
0x2ed: {  	v15 =	vimm.f32 $0.0e+00;
	v19 =	vimm.f32 $0.0e+00;
	v21 =	vld [tilespmem:s12+$0xFFFFFFD0]  }
0x2ee: {  	v17 =	vimm.f32 $0.0e+00;
	v18 =	vimm.f32 $0.0e+00;
	v22 =	vld [tilespmem:s12+$0xFFFFFFE0];
	v26 =	vadd.f32 v14, v15  }
0x2ef: {  	s19 =	sadd.s32 $0xFFFFFFFF, s19;
	v23 =	vld [tilespmem:s12+$0xFFFFFFF0];
	v27 =	vadd.f32 v16, v15;
	v14 =	vimm.f32 $0.0e+00;
	v16 =	vimm.f32 $0.0e+00  }
.LBB2_63:
0x2f0: {  	p1 =	sne.s32 s19, $0x1;
	v15 =	vadd.f32 v24, v15;
	v19 =	vadd.f32 v25, v19;
	v24 =	vld [tilespmem:s12+$0x60]  }
0x2f1: {  	v26 =	vadd.f32 v10, v26;
	v27 =	vadd.f32 v12, v27;
	v25 =	vld [tilespmem:s12+$0x70];
	s12 =	sadd.s32 $0x100, s12  }
0x2f2: {  	v10 =	vld [tilespmem:s12+$0x0];
	v15 =	vadd.f32 v11, v15;
	v19 =	vadd.f32 v13, v19  }
0x2f3: {  	v14 =	vadd.f32 v20, v14;
	v16 =	vadd.f32 v21, v16;
	v12 =	vld [tilespmem:s12+$0x10]  }
0x2f4: {  	v17 =	vadd.f32 v22, v17;
	v11 =	vld [tilespmem:s12+$0x20];
	v18 =	vadd.f32 v23, v18  }
0x2f5: {  	v14 =	vadd.f32 v8, v14;
	v16 =	vadd.f32 v9, v16;
	v13 =	vld [tilespmem:s12+$0x30]  }
0x2f6: {  	v17 =	vadd.f32 v24, v17;
	v8 =	vld [tilespmem:s12+$0x40];
	v18 =	vadd.f32 v25, v18  }
0x2f7: {  	v9 =	vld [tilespmem:s12+$0x50]  }
0x2f8: {  	v23 =	vld [tilespmem:s12+$0xFFFFFF80]  }
0x2f9: {  	v28 =	vld [tilespmem:s12+$0xFFFFFF90]  }
0x2fa: {  	v24 =	vld [tilespmem:s12+$0xFFFFFFA0]  }
.Ltmp56:
0x2fb: {  	v25 =	vld [tilespmem:s12+$0xFFFFFFB0];
	(pc) =	sbr.rel @p1 .LBB2_63-.Ltmp56, $4  }
0x2fc: {  	v20 =	vld [tilespmem:s12+$0xFFFFFFC0]  }
0x2fd: {  	v21 =	vld [tilespmem:s12+$0xFFFFFFD0]  }
0x2fe: {  	v22 =	vld [tilespmem:s12+$0xFFFFFFE0]  }
0x2ff: {  	s19 =	sadd.s32 $0xFFFFFFFF, s19;
	v26 =	vadd.f32 v23, v26;
	v27 =	vadd.f32 v28, v27;
	v23 =	vld [tilespmem:s12+$0xFFFFFFF0]  }
.LBB2_64:
0x300: {  	v15 =	vadd.f32 v24, v15;
	v61 =	vadd.f32 v25, v19;
	v62 =	vld [tilespmem:s12+$0x60]  }
0x301: {  	v63 =	vld [tilespmem:s12+$0x70];
	v19 =	vadd.f32 v10, v26;
	v12 =	vadd.f32 v12, v27  }
.Ltmp57:
0x302: {  	v15 =	vadd.f32 v11, v15;
	v10 =	vadd.f32 v13, v61;
	(pc) =	sbr.rel .LBB2_65-.Ltmp57, $4  }
0x303: {  	v11 =	vadd.f32 v20, v14;
	v14 =	vadd.f32 v21, v16  }
0x304: {  	v16 =	vadd.f32 v22, v17;
	v17 =	vadd.f32 v23, v18  }
0x305: {  	v13 =	vadd.f32 v8, v11;
	v11 =	vadd.f32 v9, v14  }
0x306: {  	v9 =	vadd.f32 v62, v16;
	v8 =	vadd.f32 v63, v17  }
.LBB2_67:
0x307: {  	_ =	sfence.sel $0x180000  }
0x308: {  	[bflag:$0x0] =	sbarrier.arrive $0xFFFF  }
0x309: {  	_ =	strace $0x90000047  }
0x30a: {  	s0 =	stileid.u32;
	[bflag:$0x2] =	sbarrier.arrive $0xFFFF  }
0x30b: {  	p0 =	sne.s32 s0, $0x0;
	s0 =	rddreg [dreg:$0x3]  }
0x30c: {  	s0 =	sadd.s32 @!p0 $0x100000, s0  }
0x30d: {  	[sflag:s0] =	ssyncadd.tile.s32 @!p0 $0x1;
	_ =	shalt  }
.Lfunc_end2:
_tile_overlayer_lowered:
.L_overlay_start_2:
0x30e: {  	(tag) =	ssettag $0x2  }
0x30f: {  	s0 =	rddreg [dreg:$0x0];
	s2 =	stileid.u32  }
0x310: {  	s1 =	rddreg [dreg:$0x1];
	p0 =	sne.s32 s2, $0x0  }
0x311: {  	s3 =	rddreg [dreg:$0x2];
	[bflag:$0x3] =	sbarrier.arrive $0xFFFF;
	s2 =	simm.s32 @!p0 $0x1C07  }
0x312: {  	[timem:s3], [sflag:s2] =	dma.local @!p0 [hbm:s0], s1  }
0x313: {  	s0 =	simm.s32 @!p0 $0x7  }
0x314: {  	_ =	swait.ge @!p0 [sflag:s0], s1  }
0x315: {  	s1 =	ssub.s32 @!p0 $0x0, s1;
	[sflag:s0] =	ssyncset.done @!p0 $0x0  }
0x316: {  	[sflag:s0] =	ssyncadd.s32 @!p0 s1  }
0x317: {  	[bflag:$0x3] =	sbarrier.arrive $0xFFFF  }
0x318: {  	_ =	shalt  }

</sc_bundles>
